<compile_context>
chip_gen: v7x
topology: tpu7x:2x2x1
jax: 0.10.2.dev20260603
libtpu: 0.0.44.dev20260713+nightly
codegen_flags: <defaults>
</compile_context>

<pallas_src>
import functools

import jax
import jax.numpy as jnp
from jax import lax
from jax.experimental import pallas as pl
from jax.experimental.pallas import tpu as pltpu
from jax.experimental.pallas import tpu_sc as plsc

BATCH = 8
TOTAL = 22500
PRE = 6000
POST = 300
THR = 0.7

NPAD = 22512
NB = NPAD // 16
DIG = 1024
MAXK = 0x7FFFFFFF
KBIAS = 0x3F800000


def _gat(ref, idx):
    return plsc.load_gather(ref, [idx])


def _sca(ref, idx, x):
    plsc.store_scatter(ref, [idx], x)


CH = 1200
NCH = PRE // CH


def _sc_sort_body(labels_hbm, deltas_hbm, anchors_hbm, out_hbm,
                  ka, kb, va, vb, cnt, sem, *rest):
    idxf = rest[:8]
    stg = rest[8:]
    wid = lax.axis_index("s") * 2 + lax.axis_index("c")

    @pl.when(wid < BATCH)
    def _():
        lanes = lax.iota(jnp.int32, 16)
        pltpu.sync_copy(labels_hbm.at[wid], ka)

        def zero_counts():
            def zbody(j, _):
                cnt[pl.ds(j * 16, 16)] = jnp.zeros((16,), jnp.int32)
                return 0
            lax.fori_loop(0, DIG * 16 // 16, zbody, 0)

        def key_from_f32(kf):
            bits = plsc.bitcast(kf, jnp.int32)
            k = KBIAS - bits
            return jnp.where(bits < 0, MAXK, k)

        def offsets_pass():
            def obody(j, run):
                v = cnt[pl.ds(j * 16, 16)]
                cs = plsc.cumsum(v)
                cnt[pl.ds(j * 16, 16)] = cs - v + run
                return run + jnp.sum(v)
            lax.fori_loop(0, DIG * 16 // 16, obody, jnp.int32(0))

        zero_counts()

        def c1(t, _):
            idx16 = lanes * NB + t
            k = key_from_f32(_gat(ka, idx16))
            ci = ((k & (DIG - 1)) * 16) + lanes
            _sca(cnt, ci, _gat(cnt, ci) + 1)
            return 0
        lax.fori_loop(0, NB, c1, 0)
        offsets_pass()

        def s1(t, _):
            idx16 = lanes * NB + t
            k = key_from_f32(_gat(ka, idx16))
            ci = ((k & (DIG - 1)) * 16) + lanes
            pos = _gat(cnt, ci)
            _sca(cnt, ci, pos + 1)
            _sca(kb, pos, k)
            _sca(vb, pos, idx16)
            return 0
        lax.fori_loop(0, NB, s1, 0)

        def load_i32(ref, idx):
            x = _gat(ref, idx)
            return plsc.bitcast(x, jnp.int32) if x.dtype != jnp.int32 else x

        def store_i32(ref, idx, x):
            if ref.dtype != jnp.int32:
                x = plsc.bitcast(x, ref.dtype)
            _sca(ref, idx, x)

        def radix_pass(sh, srck, srcv, dstk, dstv):
            zero_counts()

            def cN(t, _):
                idx16 = lanes * NB + t
                k = load_i32(srck, idx16)
                ci = (((k >> sh) & (DIG - 1)) * 16) + lanes
                _sca(cnt, ci, _gat(cnt, ci) + 1)
                return 0
            lax.fori_loop(0, NB, cN, 0)
            offsets_pass()

            def sN(t, _):
                idx16 = lanes * NB + t
                k = load_i32(srck, idx16)
                v = _gat(srcv, idx16)
                ci = (((k >> sh) & (DIG - 1)) * 16) + lanes
                pos = _gat(cnt, ci)
                _sca(cnt, ci, pos + 1)
                store_i32(dstk, pos, k)
                _sca(dstv, pos, v)
                return 0
            lax.fori_loop(0, NB, sN, 0)

        radix_pass(10, kb, vb, ka, va)
        radix_pass(20, ka, va, kb, vb)

        for j in range(9):
            padv = jnp.full((16,), DEAD if j == 0 else 0.0, jnp.float32)
            for t in range((PREPAD - PRE) // 16):
                stg[j][pl.ds(t * 16, 16)] = padv
        for j in range(9):
            pltpu.sync_copy(stg[j].at[pl.ds(0, PREPAD - PRE)],
                            out_hbm.at[pl.ds(wid * 9 * PREPAD + j * PREPAD + PRE, PREPAD - PRE)])

        for c in range(NCH):
            c0 = c * CH

            def ib(t, _):
                v = vb[pl.ds(c0 + t * 16, 16)]
                sl = pl.ds(t * 16, 16)
                db = (v + wid * TOTAL) * 4
                ab = v * 4
                for j in range(4):
                    idxf[j][sl] = db + j
                    idxf[4 + j][sl] = ab + j
                k = kb[pl.ds(c0 + t * 16, 16)]
                stg[0][sl] = plsc.bitcast(KBIAS - k, jnp.float32)
                return 0
            lax.fori_loop(0, CH // 16, ib, 0)
            copies = [
                pltpu.async_copy(deltas_hbm.at[idxf[j]], stg[1 + j], sem)
                for j in range(4)
            ] + [
                pltpu.async_copy(anchors_hbm.at[idxf[4 + j]], stg[5 + j], sem)
                for j in range(4)
            ]
            for d in copies:
                d.wait()
            for j in range(9):
                pltpu.sync_copy(stg[j], out_hbm.at[pl.ds(wid * 9 * PREPAD + j * PREPAD + c0, CH)])


def _sc_sort(labels_pad, deltas2, anchors):
    anchors = anchors.reshape(TOTAL * 4)
    mesh = plsc.VectorSubcoreMesh(core_axis_name="c", subcore_axis_name="s")
    f = functools.partial(
        pl.kernel,
        out_type=jax.ShapeDtypeStruct((BATCH * 9 * PREPAD,), jnp.float32),
        mesh=mesh,
        compiler_params=pltpu.CompilerParams(needs_layout_passes=False),
        scratch_types=[
            pltpu.VMEM((NPAD,), jnp.float32),
            pltpu.VMEM((NPAD,), jnp.int32),
            pltpu.VMEM((NPAD,), jnp.int32),
            pltpu.VMEM((NPAD,), jnp.int32),
            pltpu.VMEM((DIG * 16,), jnp.int32),
            pltpu.SemaphoreType.DMA,
        ] + [pltpu.VMEM((CH,), jnp.int32)] * 8
          + [pltpu.VMEM((CH,), jnp.float32)] * 9,
    )(_sc_sort_body)
    return f(labels_pad, deltas2, anchors)


W = 512
PREPAD = 6144
NEG = -1e9
DEAD = -1e10


def _nms_body(all_ref, oy1, ox1, oy2, ox2, y1_ref, x1_ref, y2_ref, x2_ref):
    def row(j):
        return all_ref[:, pl.ds(j * PREPAD, PREPAD)]

    ay1 = row(5)
    ax1 = row(6)
    ay2 = row(7)
    ax2 = row(8)
    anc_h = ay2 - ay1
    anc_w = ax2 - ax1
    anc_cy = ay1 + 0.5 * anc_h
    anc_cx = ax1 + 0.5 * anc_w
    bb_h = jnp.exp(row(3)) * anc_h
    bb_w = jnp.exp(row(4)) * anc_w
    bb_cy = row(1) * anc_h + anc_cy
    bb_cx = row(2) * anc_w + anc_cx
    y1_ref[...] = bb_cy - 0.5 * bb_h
    x1_ref[...] = bb_cx - 0.5 * bb_w
    y2_ref[...] = bb_cy + 0.5 * bb_h
    x2_ref[...] = bb_cx + 0.5 * bb_w

    wiota = lax.broadcasted_iota(jnp.int32, (BATCH, W), 1)
    oiota = lax.broadcasted_iota(jnp.int32, (BATCH, POST), 1)
    z = jnp.zeros((BATCH, POST), jnp.float32)
    kept0 = jnp.zeros((BATCH, 1), jnp.int32)

    def process_window(w, carry, first=False):
        kept, ky1, kx1, ky2, kx2 = carry
        start = pl.multiple_of(w * W, W)
        y1w = y1_ref[:, pl.ds(start, W)]
        x1w = x1_ref[:, pl.ds(start, W)]
        y2w = y2_ref[:, pl.ds(start, W)]
        x2w = x2_ref[:, pl.ds(start, W)]
        sw0 = all_ref[:, pl.ds(start, W)]
        areas = (y2w - y1w) * (x2w - x1w)

        def entry(sw):
            def ebody(k, sw):
                selk = oiota == k
                bky1 = jnp.sum(jnp.where(selk, ky1, 0.0), axis=1, keepdims=True)
                bkx1 = jnp.sum(jnp.where(selk, kx1, 0.0), axis=1, keepdims=True)
                bky2 = jnp.sum(jnp.where(selk, ky2, 0.0), axis=1, keepdims=True)
                bkx2 = jnp.sum(jnp.where(selk, kx2, 0.0), axis=1, keepdims=True)
                bkar = (bky2 - bky1) * (bkx2 - bkx1)
                kvld = k < kept
                yy1 = jnp.maximum(bky1, y1w)
                xx1 = jnp.maximum(bkx1, x1w)
                yy2 = jnp.minimum(bky2, y2w)
                xx2 = jnp.minimum(bkx2, x2w)
                inter = jnp.maximum(yy2 - yy1, 0.0) * jnp.maximum(xx2 - xx1, 0.0)
                iou = inter / (bkar + areas - inter + 1e-8)
                return jnp.where(kvld & (iou >= THR), DEAD, sw)
            return lax.fori_loop(0, POST, ebody, sw)

        sw0 = sw0 if first else lax.cond(
            jnp.any(kept > 0), entry, lambda s: s, sw0)
        go0 = jnp.any((jnp.max(sw0, axis=1, keepdims=True) > NEG) & (kept < POST))

        def cond(c):
            return c[0]

        def body(c):
            _, sw, kept, ky1, kx1, ky2, kx2 = c
            idxv = jnp.min(jnp.where(sw > NEG, wiota, W), axis=1, keepdims=True)
            act = (idxv < W) & (kept < POST)
            sel = (wiota == idxv) & act
            by1 = jnp.sum(jnp.where(sel, y1w, 0.0), axis=1, keepdims=True)
            bx1 = jnp.sum(jnp.where(sel, x1w, 0.0), axis=1, keepdims=True)
            by2 = jnp.sum(jnp.where(sel, y2w, 0.0), axis=1, keepdims=True)
            bx2 = jnp.sum(jnp.where(sel, x2w, 0.0), axis=1, keepdims=True)
            bar = (by2 - by1) * (bx2 - bx1)
            yy1 = jnp.maximum(by1, y1w)
            xx1 = jnp.maximum(bx1, x1w)
            yy2 = jnp.minimum(by2, y2w)
            xx2 = jnp.minimum(bx2, x2w)
            inter = jnp.maximum(yy2 - yy1, 0.0) * jnp.maximum(xx2 - xx1, 0.0)
            iou = inter / (bar + areas - inter + 1e-8)
            supp = act & (iou >= THR)
            sw = jnp.where(supp | sel, DEAD, sw)
            slot = (oiota == kept) & act
            ky1 = jnp.where(slot, by1, ky1)
            kx1 = jnp.where(slot, bx1, kx1)
            ky2 = jnp.where(slot, by2, ky2)
            kx2 = jnp.where(slot, bx2, kx2)
            kept = kept + act.astype(jnp.int32)
            go = jnp.any((jnp.max(sw, axis=1, keepdims=True) > NEG)
                         & (kept < POST))
            return (go, sw, kept, ky1, kx1, ky2, kx2)

        if first:
            def fbody(_, c):
                return body(c)
            c = lax.fori_loop(
                0, POST, fbody,
                (go0, sw0, kept, ky1, kx1, ky2, kx2))
        else:
            c = lax.while_loop(
                cond, body,
                (go0, sw0, kept, ky1, kx1, ky2, kx2))
        return c[2:]

    def window_step(w, carry):
        return lax.cond(
            jnp.any(carry[0] < POST),
            lambda c: process_window(w, c),
            lambda c: c,
            carry)

    carry = (kept0, z, z, z, z)
    carry = process_window(0, carry, first=True)
    carry = lax.fori_loop(1, PREPAD // W, window_step, carry)
    _, ky1, kx1, ky2, kx2 = carry
    oy1[...] = jnp.clip(ky1, 0.0, 1.0)
    ox1[...] = jnp.clip(kx1, 0.0, 1.0)
    oy2[...] = jnp.clip(ky2, 0.0, 1.0)
    ox2[...] = jnp.clip(kx2, 0.0, 1.0)


def kernel(rpn_bbox_deltas, rpn_labels, anchors):
    deltas2 = rpn_bbox_deltas.reshape(BATCH * TOTAL * 4)
    labels = rpn_labels.reshape(BATCH, TOTAL)
    labels_pad = jnp.concatenate(
        [labels, jnp.full((BATCH, NPAD - TOTAL), -1.0, jnp.float32)], axis=1)

    allarr = _sc_sort(labels_pad, deltas2, anchors).reshape(BATCH, 9 * PREPAD)
    outs = pl.pallas_call(
        _nms_body,
        out_shape=[jax.ShapeDtypeStruct((BATCH, POST), jnp.float32)] * 4,
        scratch_shapes=[pltpu.VMEM((BATCH, PREPAD), jnp.float32)] * 4,
    )(allarr)
    return jnp.stack(outs, axis=-1)

# --- scband reference (transcript-rebuilt; emitter-appended) ---
"""Pipeline reference for scband-ro-ibbox-20057497272710 (READ-ONLY COPY).

The authoritative reference and input builder live on the scoring server;
editing this copy changes nothing except your own understanding.
"""

import jax, jax.numpy as jnp
import numpy as np

FEAT = 50
ANCHOR_COUNT = 9
BATCH = 8
PRE_NMS_TOPN = 6000
POST_NMS_TOPN = 300
NMS_IOU_THRESHOLD = 0.7


def _generate_anchors():
    stride = 1.0 / FEAT
    grid = (np.arange(FEAT, dtype=np.float32) + 0.5) * stride
    cy, cx = np.meshgrid(grid, grid, indexing='ij')
    scales = [0.08, 0.16, 0.32]
    ratios = [0.5, 1.0, 2.0]
    base = np.array([[s * np.sqrt(r), s / np.sqrt(r)] for s in scales for r in ratios], dtype=np.float32)
    cy = cy[:, :, None]
    cx = cx[:, :, None]
    h = base[None, None, :, 0]
    w = base[None, None, :, 1]
    anchors = np.stack([cy - h / 2.0, cx - w / 2.0, cy + h / 2.0, cx + w / 2.0], axis=-1)
    return np.clip(anchors.reshape(-1, 4).astype(np.float32), 0.0, 1.0)


def setup_inputs(seed: int = 0):
    key = jax.random.key(seed)
    k1, k2 = jax.random.split(key)
    rpn_bbox_deltas = jax.random.normal(k1, (BATCH, FEAT, FEAT, ANCHOR_COUNT * 4), dtype=jnp.float32)
    rpn_labels = jax.random.uniform(k2, (BATCH, FEAT, FEAT, ANCHOR_COUNT), dtype=jnp.float32)
    anchors = jnp.asarray(_generate_anchors())
    return {"rpn_bbox_deltas": rpn_bbox_deltas, "rpn_labels": rpn_labels, "anchors": anchors}


def _get_bboxes_from_deltas(anchors, deltas):
    anc_h = anchors[:, 2] - anchors[:, 0]
    anc_w = anchors[:, 3] - anchors[:, 1]
    anc_cy = anchors[:, 0] + 0.5 * anc_h
    anc_cx = anchors[:, 1] + 0.5 * anc_w
    dy = deltas[..., 0]
    dx = deltas[..., 1]
    dh = deltas[..., 2]
    dw = deltas[..., 3]
    bb_h = jnp.exp(dh) * anc_h
    bb_w = jnp.exp(dw) * anc_w
    bb_cy = dy * anc_h + anc_cy
    bb_cx = dx * anc_w + anc_cx
    return jnp.stack([bb_cy - 0.5 * bb_h, bb_cx - 0.5 * bb_w, bb_cy + 0.5 * bb_h, bb_cx + 0.5 * bb_w], axis=-1)


def _nms_single(boxes, scores):
    areas = (boxes[:, 2] - boxes[:, 0]) * (boxes[:, 3] - boxes[:, 1])

    def body(i, state):
        sw, out = state
        idx = jnp.argmax(sw)
        valid = sw[idx] > -1e9
        box = boxes[idx]
        out = out.at[i].set(jnp.where(valid, jnp.clip(box, 0.0, 1.0), jnp.zeros(4, dtype=boxes.dtype)))
        yy1 = jnp.maximum(box[0], boxes[:, 0])
        xx1 = jnp.maximum(box[1], boxes[:, 1])
        yy2 = jnp.minimum(box[2], boxes[:, 2])
        xx2 = jnp.minimum(box[3], boxes[:, 3])
        inter = jnp.maximum(yy2 - yy1, 0.0) * jnp.maximum(xx2 - xx1, 0.0)
        iou = inter / (areas[idx] + areas - inter + 1e-8)
        suppress = jnp.logical_and(valid, iou >= NMS_IOU_THRESHOLD)
        sw = jnp.where(suppress, -1e10, sw)
        sw = sw.at[idx].set(-1e10)
        return (sw, out)

    out0 = jnp.zeros((POST_NMS_TOPN, 4), dtype=boxes.dtype)
    _, out = jax.lax.fori_loop(0, POST_NMS_TOPN, body, (scores, out0))
    return out


def reference(rpn_bbox_deltas, rpn_labels, anchors):
    batch = rpn_bbox_deltas.shape[0]
    total = anchors.shape[0]
    deltas = rpn_bbox_deltas.reshape(batch, total, 4)
    labels = rpn_labels.reshape(batch, total)
    bboxes = _get_bboxes_from_deltas(anchors, deltas)
    scores, idx = jax.lax.top_k(labels, PRE_NMS_TOPN)
    pre_boxes = jnp.take_along_axis(bboxes, idx[:, :, None], axis=1)
    roi = jax.vmap(_nms_single)(pre_boxes, scores)
    return jax.lax.stop_gradient(roi)

if __name__ == "__main__":
    import jax
    _d = setup_inputs()
    print(jax.jit(kernel)(*tuple(_d.values())))

</pallas_src>

<mosaic_0001>
#map = affine_map<(d0, d1) -> (0, 0)>
#map1 = affine_map<(d0, d1) -> (0)>
module attributes {stable_mosaic.version = 14 : i64} {
  func.func @_sc_sort_body(%arg0: i32, %arg1: i32, %arg2: memref<8x22512xf32, #tpu.memory_space<hbm>>, %arg3: memref<720000xf32, #tpu.memory_space<hbm>>, %arg4: memref<90000xf32, #tpu.memory_space<hbm>>, %arg5: memref<442368xf32, #tpu.memory_space<hbm>>, %arg6: memref<22512xf32, #tpu.memory_space<vmem>>, %arg7: memref<22512xi32, #tpu.memory_space<vmem>>, %arg8: memref<22512xi32, #tpu.memory_space<vmem>>, %arg9: memref<22512xi32, #tpu.memory_space<vmem>>, %arg10: memref<16384xi32, #tpu.memory_space<vmem>>, %arg11: memref<!tpu.dma_semaphore, #tpu.memory_space<semaphore_mem>>, %arg12: memref<1200xi32, #tpu.memory_space<vmem>>, %arg13: memref<1200xi32, #tpu.memory_space<vmem>>, %arg14: memref<1200xi32, #tpu.memory_space<vmem>>, %arg15: memref<1200xi32, #tpu.memory_space<vmem>>, %arg16: memref<1200xi32, #tpu.memory_space<vmem>>, %arg17: memref<1200xi32, #tpu.memory_space<vmem>>, %arg18: memref<1200xi32, #tpu.memory_space<vmem>>, %arg19: memref<1200xi32, #tpu.memory_space<vmem>>, %arg20: memref<1200xf32, #tpu.memory_space<vmem>>, %arg21: memref<1200xf32, #tpu.memory_space<vmem>>, %arg22: memref<1200xf32, #tpu.memory_space<vmem>>, %arg23: memref<1200xf32, #tpu.memory_space<vmem>>, %arg24: memref<1200xf32, #tpu.memory_space<vmem>>, %arg25: memref<1200xf32, #tpu.memory_space<vmem>>, %arg26: memref<1200xf32, #tpu.memory_space<vmem>>, %arg27: memref<1200xf32, #tpu.memory_space<vmem>>, %arg28: memref<1200xf32, #tpu.memory_space<vmem>>) attributes {dimension_semantics = [#tpu.dimension_semantics<core_parallel>, #tpu.dimension_semantics<subcore_parallel>], iteration_bounds = array<i64: 2, 16>, scalar_prefetch = 0 : i64, scratch_operands = 23 : i64, tpu.core_type = #tpu.core_type<sc_vector_subcore>, window_params = [{transform_indices = #map}, {transform_indices = #map1}, {transform_indices = #map1}, {transform_indices = #map1}]} {
    %mul3A = arith.constant 2 : i32
    %mul3A_0 = arith.muli %arg1, %mul3A : i32
    %add3A = arith.addi %mul3A_0, %arg0 : i32
    %lt3A = arith.constant 8 : i32
    %lt3A_1 = arith.cmpi slt, %add3A, %lt3A : i32
    %convert_element_type3A = arith.extui %lt3A_1 : i1 to i32
    %cond3A = arith.constant 0 : i32
    %cond3A_2 = arith.cmpi ne, %convert_element_type3A, %cond3A : i32
    scf.if %cond3A_2 {
      %iota3A = tpu.iota {dimensions = array<i32: 0>} : vector<16xi32>
      "tpu.region"() ({
        %run_scoped3A = tpu.sem_alloc : memref<!tpu.dma_semaphore, #tpu.memory_space<semaphore_mem>>
        %dma_start3A_889 = arith.constant 0 : i32
        %dma_start3A_890 = tpu.memref_slice %arg2[%add3A, %dma_start3A_889] : memref<8x22512xf32, #tpu.memory_space<hbm>> -> memref<1x22512xf32, #tpu.memory_space<hbm>>
        %dma_start3A_891 = tpu.memref_squeeze %dma_start3A_890 : memref<1x22512xf32, #tpu.memory_space<hbm>> -> memref<22512xf32, #tpu.memory_space<hbm>>
        %dma_start3A_892 = arith.constant 0 : i32
        %dma_start3A_893 = tpu.memref_slice %arg2[%add3A, %dma_start3A_892] : memref<8x22512xf32, #tpu.memory_space<hbm>> -> memref<1x22512xf32, #tpu.memory_space<hbm>>
        %dma_start3A_894 = tpu.memref_squeeze %dma_start3A_893 : memref<1x22512xf32, #tpu.memory_space<hbm>> -> memref<22512xf32, #tpu.memory_space<hbm>>
        tpu.enqueue_dma source(%dma_start3A_894 : memref<22512xf32, #tpu.memory_space<hbm>>) target(%arg6 : memref<22512xf32, #tpu.memory_space<vmem>>) target_semaphore(%run_scoped3A : memref<!tpu.dma_semaphore, #tpu.memory_space<semaphore_mem>>)
        %dma_wait3A_895 = arith.constant 0 : i32
        %dma_wait3A_896 = tpu.memref_slice %arg2[%add3A, %dma_wait3A_895] : memref<8x22512xf32, #tpu.memory_space<hbm>> -> memref<1x22512xf32, #tpu.memory_space<hbm>>
        %dma_wait3A_897 = tpu.memref_squeeze %dma_wait3A_896 : memref<1x22512xf32, #tpu.memory_space<hbm>> -> memref<22512xf32, #tpu.memory_space<hbm>>
        %dma_wait3A_898 = arith.constant 0 : i32
        %dma_wait3A_899 = tpu.memref_slice %arg2[%add3A, %dma_wait3A_898] : memref<8x22512xf32, #tpu.memory_space<hbm>> -> memref<1x22512xf32, #tpu.memory_space<hbm>>
        %dma_wait3A_900 = tpu.memref_squeeze %dma_wait3A_899 : memref<1x22512xf32, #tpu.memory_space<hbm>> -> memref<22512xf32, #tpu.memory_space<hbm>>
        tpu.wait_dma2 semaphore(%run_scoped3A : memref<!tpu.dma_semaphore, #tpu.memory_space<semaphore_mem>>) src(%dma_wait3A_900 : memref<22512xf32, #tpu.memory_space<hbm>>) dst(%arg6 : memref<22512xf32, #tpu.memory_space<vmem>>)
        tpu.yield
      }) : () -> ()
      %scan3A = arith.constant 0 : i32
      %scan3A_3 = arith.constant 0 : i32
      %scan3A_4 = arith.constant 1024 : i32
      %scan3A_5 = arith.addi %scan3A_3, %scan3A_4 : i32
      %scan3A_6 = arith.constant 1 : i32
      %scan3A_7 = scf.for %scan3A_889 = %scan3A_3 to %scan3A_5 step %scan3A_6 iter_args(%scan3A_890 = %scan3A) -> (i32)  : i32 {
        %broadcast_in_dim3A_891 = arith.constant 0 : i32
        %broadcast_in_dim3A_892 = vector.broadcast %broadcast_in_dim3A_891 : i32 to vector<16xi32>
        %mul3A_893 = arith.constant 16 : i32
        %mul3A_894 = arith.muli %scan3A_889, %mul3A_893 : i32
        %swap3A_895 = arith.index_cast %mul3A_894 : i32 to index
        %swap3A_896 = tpu.vector_load %arg10[%swap3A_895] {strides = array<i32>} : memref<16384xi32, #tpu.memory_space<vmem>>, vector<16xi32>,
        tpu.vector_store %arg10[%swap3A_895], %broadcast_in_dim3A_892 {strides = array<i32>} : memref<16384xi32, #tpu.memory_space<vmem>>, vector<16xi32>,
        %scan3A_897 = arith.constant 0 : i32
        scf.yield %scan3A_897 : i32
      }
      %scan3A_8 = arith.constant 1024 : i32
      %scan3A_9 = arith.constant 0 : i32
      %scan3A_10 = arith.constant 0 : i32
      %scan3A_11 = arith.constant 1407 : i32
      %scan3A_12 = arith.addi %scan3A_10, %scan3A_11 : i32
      %scan3A_13 = arith.constant 1 : i32
      %scan3A_14 = scf.for %scan3A_889 = %scan3A_10 to %scan3A_12 step %scan3A_13 iter_args(%scan3A_890 = %scan3A_9) -> (i32)  : i32 {
        %mul3A_891 = arith.constant 1407 : i32
        %mul3A_892 = vector.broadcast %mul3A_891 : i32 to vector<16xi32>
        %mul3A_893 = arith.muli %iota3A, %mul3A_892 : vector<16xi32>
        %add3A_894 = vector.broadcast %scan3A_889 : i32 to vector<16xi32>
        %add3A_895 = arith.addi %mul3A_893, %add3A_894 : vector<16xi32>
        %gather3A = tpu.vector_load_idx %arg6[%add3A_895] : memref<22512xf32, #tpu.memory_space<vmem>>[vector<16xi32>], vector<16xf32>,
        %bitcast3A = vector.bitcast %gather3A : vector<16xf32> to vector<16xi32>
        %sub3A = arith.constant 1065353216 : i32
        %sub3A_896 = vector.broadcast %sub3A : i32 to vector<16xi32>
        %sub3A_897 = arith.subi %sub3A_896, %bitcast3A : vector<16xi32>
        %lt3A_898 = arith.constant 0 : i32
        %lt3A_899 = vector.broadcast %lt3A_898 : i32 to vector<16xi32>
        %lt3A_900 = arith.cmpi slt, %bitcast3A, %lt3A_899 : vector<16xi32>
        %jit3A = arith.constant 2147483647 : i32
        %broadcast_in_dim3A_901 = vector.broadcast %jit3A : i32 to vector<16xi32>
        %select_n3A = arith.select %lt3A_900, %broadcast_in_dim3A_901, %sub3A_897 : vector<16xi1>, vector<16xi32>
        %and3A = arith.constant 1023 : i32
        %and3A_902 = vector.broadcast %and3A : i32 to vector<16xi32>
        %and3A_903 = arith.andi %select_n3A, %and3A_902 : vector<16xi32>
        %mul3A_904 = arith.constant 16 : i32
        %mul3A_905 = vector.broadcast %mul3A_904 : i32 to vector<16xi32>
        %mul3A_906 = arith.muli %and3A_903, %mul3A_905 : vector<16xi32>
        %add3A_907 = arith.addi %mul3A_906, %iota3A : vector<16xi32>
        %gather3A_908 = tpu.vector_load_idx %arg10[%add3A_907] : memref<16384xi32, #tpu.memory_space<vmem>>[vector<16xi32>], vector<16xi32>,
        %add3A_909 = arith.constant 1 : i32
        %add3A_910 = vector.broadcast %add3A_909 : i32 to vector<16xi32>
        %add3A_911 = arith.addi %gather3A_908, %add3A_910 : vector<16xi32>
        tpu.vector_store_idx %arg10[%add3A_907], %add3A_911 : memref<16384xi32, #tpu.memory_space<vmem>>[vector<16xi32>], vector<16xi32>,
        %scan3A_912 = arith.constant 0 : i32
        scf.yield %scan3A_912 : i32
      }
      %scan3A_15 = arith.constant 1407 : i32
      %scan3A_16 = arith.constant 0 : i32
      %scan3A_17 = arith.constant 0 : i32
      %scan3A_18 = arith.constant 1024 : i32
      %scan3A_19 = arith.addi %scan3A_17, %scan3A_18 : i32
      %scan3A_20 = arith.constant 1 : i32
      %scan3A_21 = scf.for %scan3A_889 = %scan3A_17 to %scan3A_19 step %scan3A_20 iter_args(%scan3A_890 = %scan3A_16) -> (i32)  : i32 {
        %mul3A_891 = arith.constant 16 : i32
        %mul3A_892 = arith.muli %scan3A_889, %mul3A_891 : i32
        %get3A = arith.index_cast %mul3A_892 : i32 to index
        %get3A_893 = tpu.vector_load %arg10[%get3A] {strides = array<i32>} : memref<16384xi32, #tpu.memory_space<vmem>>, vector<16xi32>,
        %broadcast_in_dim3A_894 = arith.constant true
        %broadcast_in_dim3A_895 = vector.broadcast %broadcast_in_dim3A_894 : i1 to vector<16xi1>
        %masked_cumsum3A = tpu.scan <sum>, %get3A_893 masked %broadcast_in_dim3A_895 : vector<16xi32>, vector<16xi1> -> vector<16xi32>
        %sub3A = arith.subi %masked_cumsum3A, %get3A_893 : vector<16xi32>
        %add3A_896 = vector.broadcast %scan3A_890 : i32 to vector<16xi32>
        %add3A_897 = arith.addi %sub3A, %add3A_896 : vector<16xi32>
        %mul3A_898 = arith.constant 16 : i32
        %mul3A_899 = arith.muli %scan3A_889, %mul3A_898 : i32
        %swap3A_900 = arith.index_cast %mul3A_899 : i32 to index
        %swap3A_901 = tpu.vector_load %arg10[%swap3A_900] {strides = array<i32>} : memref<16384xi32, #tpu.memory_space<vmem>>, vector<16xi32>,
        tpu.vector_store %arg10[%swap3A_900], %add3A_897 {strides = array<i32>} : memref<16384xi32, #tpu.memory_space<vmem>>, vector<16xi32>,
        %reduce_sum3A = arith.constant true
        %reduce_sum3A_902 = vector.broadcast %reduce_sum3A : i1 to vector<16xi1>
        %reduce_sum3A_903 = tpu.scan <sum>, %get3A_893 masked %reduce_sum3A_902 : vector<16xi32>, vector<16xi1> -> vector<16xi32>
        %reduce_sum3A_904 = vector.extract %reduce_sum3A_903[15] : i32 from vector<16xi32>
        %add3A_905 = arith.addi %scan3A_890, %reduce_sum3A_904 : i32
        scf.yield %add3A_905 : i32
      }
      %scan3A_22 = arith.constant 1024 : i32
      %scan3A_23 = arith.constant 0 : i32
      %scan3A_24 = arith.constant 0 : i32
      %scan3A_25 = arith.constant 1407 : i32
      %scan3A_26 = arith.addi %scan3A_24, %scan3A_25 : i32
      %scan3A_27 = arith.constant 1 : i32
      %scan3A_28 = scf.for %scan3A_889 = %scan3A_24 to %scan3A_26 step %scan3A_27 iter_args(%scan3A_890 = %scan3A_23) -> (i32)  : i32 {
        %mul3A_891 = arith.constant 1407 : i32
        %mul3A_892 = vector.broadcast %mul3A_891 : i32 to vector<16xi32>
        %mul3A_893 = arith.muli %iota3A, %mul3A_892 : vector<16xi32>
        %add3A_894 = vector.broadcast %scan3A_889 : i32 to vector<16xi32>
        %add3A_895 = arith.addi %mul3A_893, %add3A_894 : vector<16xi32>
        %gather3A = tpu.vector_load_idx %arg6[%add3A_895] : memref<22512xf32, #tpu.memory_space<vmem>>[vector<16xi32>], vector<16xf32>,
        %bitcast3A = vector.bitcast %gather3A : vector<16xf32> to vector<16xi32>
        %sub3A = arith.constant 1065353216 : i32
        %sub3A_896 = vector.broadcast %sub3A : i32 to vector<16xi32>
        %sub3A_897 = arith.subi %sub3A_896, %bitcast3A : vector<16xi32>
        %lt3A_898 = arith.constant 0 : i32
        %lt3A_899 = vector.broadcast %lt3A_898 : i32 to vector<16xi32>
        %lt3A_900 = arith.cmpi slt, %bitcast3A, %lt3A_899 : vector<16xi32>
        %jit3A = arith.constant 2147483647 : i32
        %broadcast_in_dim3A_901 = vector.broadcast %jit3A : i32 to vector<16xi32>
        %select_n3A = arith.select %lt3A_900, %broadcast_in_dim3A_901, %sub3A_897 : vector<16xi1>, vector<16xi32>
        %and3A = arith.constant 1023 : i32
        %and3A_902 = vector.broadcast %and3A : i32 to vector<16xi32>
        %and3A_903 = arith.andi %select_n3A, %and3A_902 : vector<16xi32>
        %mul3A_904 = arith.constant 16 : i32
        %mul3A_905 = vector.broadcast %mul3A_904 : i32 to vector<16xi32>
        %mul3A_906 = arith.muli %and3A_903, %mul3A_905 : vector<16xi32>
        %add3A_907 = arith.addi %mul3A_906, %iota3A : vector<16xi32>
        %gather3A_908 = tpu.vector_load_idx %arg10[%add3A_907] : memref<16384xi32, #tpu.memory_space<vmem>>[vector<16xi32>], vector<16xi32>,
        %add3A_909 = arith.constant 1 : i32
        %add3A_910 = vector.broadcast %add3A_909 : i32 to vector<16xi32>
        %add3A_911 = arith.addi %gather3A_908, %add3A_910 : vector<16xi32>
        tpu.vector_store_idx %arg10[%add3A_907], %add3A_911 : memref<16384xi32, #tpu.memory_space<vmem>>[vector<16xi32>], vector<16xi32>,
        tpu.vector_store_idx %arg7[%gather3A_908], %select_n3A : memref<22512xi32, #tpu.memory_space<vmem>>[vector<16xi32>], vector<16xi32>,
        tpu.vector_store_idx %arg9[%gather3A_908], %add3A_895 : memref<22512xi32, #tpu.memory_space<vmem>>[vector<16xi32>], vector<16xi32>,
        %scan3A_912 = arith.constant 0 : i32
        scf.yield %scan3A_912 : i32
      }
      %scan3A_29 = arith.constant 1407 : i32
      %scan3A_30 = arith.constant 0 : i32
      %scan3A_31 = arith.constant 0 : i32
      %scan3A_32 = arith.constant 1024 : i32
      %scan3A_33 = arith.addi %scan3A_31, %scan3A_32 : i32
      %scan3A_34 = arith.constant 1 : i32
      %scan3A_35 = scf.for %scan3A_889 = %scan3A_31 to %scan3A_33 step %scan3A_34 iter_args(%scan3A_890 = %scan3A_30) -> (i32)  : i32 {
        %broadcast_in_dim3A_891 = arith.constant 0 : i32
        %broadcast_in_dim3A_892 = vector.broadcast %broadcast_in_dim3A_891 : i32 to vector<16xi32>
        %mul3A_893 = arith.constant 16 : i32
        %mul3A_894 = arith.muli %scan3A_889, %mul3A_893 : i32
        %swap3A_895 = arith.index_cast %mul3A_894 : i32 to index
        %swap3A_896 = tpu.vector_load %arg10[%swap3A_895] {strides = array<i32>} : memref<16384xi32, #tpu.memory_space<vmem>>, vector<16xi32>,
        tpu.vector_store %arg10[%swap3A_895], %broadcast_in_dim3A_892 {strides = array<i32>} : memref<16384xi32, #tpu.memory_space<vmem>>, vector<16xi32>,
        %scan3A_897 = arith.constant 0 : i32
        scf.yield %scan3A_897 : i32
      }
      %scan3A_36 = arith.constant 1024 : i32
      %scan3A_37 = arith.constant 0 : i32
      %scan3A_38 = arith.constant 0 : i32
      %scan3A_39 = arith.constant 1407 : i32
      %scan3A_40 = arith.addi %scan3A_38, %scan3A_39 : i32
      %scan3A_41 = arith.constant 1 : i32
      %scan3A_42 = scf.for %scan3A_889 = %scan3A_38 to %scan3A_40 step %scan3A_41 iter_args(%scan3A_890 = %scan3A_37) -> (i32)  : i32 {
        %mul3A_891 = arith.constant 1407 : i32
        %mul3A_892 = vector.broadcast %mul3A_891 : i32 to vector<16xi32>
        %mul3A_893 = arith.muli %iota3A, %mul3A_892 : vector<16xi32>
        %add3A_894 = vector.broadcast %scan3A_889 : i32 to vector<16xi32>
        %add3A_895 = arith.addi %mul3A_893, %add3A_894 : vector<16xi32>
        %gather3A = tpu.vector_load_idx %arg7[%add3A_895] : memref<22512xi32, #tpu.memory_space<vmem>>[vector<16xi32>], vector<16xi32>,
        %shift_right_arithmetic3A = arith.constant 10 : i32
        %shift_right_arithmetic3A_896 = vector.broadcast %shift_right_arithmetic3A : i32 to vector<16xi32>
        %shift_right_arithmetic3A_897 = arith.shrsi %gather3A, %shift_right_arithmetic3A_896 : vector<16xi32>
        %and3A = arith.constant 1023 : i32
        %and3A_898 = vector.broadcast %and3A : i32 to vector<16xi32>
        %and3A_899 = arith.andi %shift_right_arithmetic3A_897, %and3A_898 : vector<16xi32>
        %mul3A_900 = arith.constant 16 : i32
        %mul3A_901 = vector.broadcast %mul3A_900 : i32 to vector<16xi32>
        %mul3A_902 = arith.muli %and3A_899, %mul3A_901 : vector<16xi32>
        %add3A_903 = arith.addi %mul3A_902, %iota3A : vector<16xi32>
        %gather3A_904 = tpu.vector_load_idx %arg10[%add3A_903] : memref<16384xi32, #tpu.memory_space<vmem>>[vector<16xi32>], vector<16xi32>,
        %add3A_905 = arith.constant 1 : i32
        %add3A_906 = vector.broadcast %add3A_905 : i32 to vector<16xi32>
        %add3A_907 = arith.addi %gather3A_904, %add3A_906 : vector<16xi32>
        tpu.vector_store_idx %arg10[%add3A_903], %add3A_907 : memref<16384xi32, #tpu.memory_space<vmem>>[vector<16xi32>], vector<16xi32>,
        %scan3A_908 = arith.constant 0 : i32
        scf.yield %scan3A_908 : i32
      }
      %scan3A_43 = arith.constant 1407 : i32
      %scan3A_44 = arith.constant 0 : i32
      %scan3A_45 = arith.constant 0 : i32
      %scan3A_46 = arith.constant 1024 : i32
      %scan3A_47 = arith.addi %scan3A_45, %scan3A_46 : i32
      %scan3A_48 = arith.constant 1 : i32
      %scan3A_49 = scf.for %scan3A_889 = %scan3A_45 to %scan3A_47 step %scan3A_48 iter_args(%scan3A_890 = %scan3A_44) -> (i32)  : i32 {
        %mul3A_891 = arith.constant 16 : i32
        %mul3A_892 = arith.muli %scan3A_889, %mul3A_891 : i32
        %get3A = arith.index_cast %mul3A_892 : i32 to index
        %get3A_893 = tpu.vector_load %arg10[%get3A] {strides = array<i32>} : memref<16384xi32, #tpu.memory_space<vmem>>, vector<16xi32>,
        %broadcast_in_dim3A_894 = arith.constant true
        %broadcast_in_dim3A_895 = vector.broadcast %broadcast_in_dim3A_894 : i1 to vector<16xi1>
        %masked_cumsum3A = tpu.scan <sum>, %get3A_893 masked %broadcast_in_dim3A_895 : vector<16xi32>, vector<16xi1> -> vector<16xi32>
        %sub3A = arith.subi %masked_cumsum3A, %get3A_893 : vector<16xi32>
        %add3A_896 = vector.broadcast %scan3A_890 : i32 to vector<16xi32>
        %add3A_897 = arith.addi %sub3A, %add3A_896 : vector<16xi32>
        %mul3A_898 = arith.constant 16 : i32
        %mul3A_899 = arith.muli %scan3A_889, %mul3A_898 : i32
        %swap3A_900 = arith.index_cast %mul3A_899 : i32 to index
        %swap3A_901 = tpu.vector_load %arg10[%swap3A_900] {strides = array<i32>} : memref<16384xi32, #tpu.memory_space<vmem>>, vector<16xi32>,
        tpu.vector_store %arg10[%swap3A_900], %add3A_897 {strides = array<i32>} : memref<16384xi32, #tpu.memory_space<vmem>>, vector<16xi32>,
        %reduce_sum3A = arith.constant true
        %reduce_sum3A_902 = vector.broadcast %reduce_sum3A : i1 to vector<16xi1>
        %reduce_sum3A_903 = tpu.scan <sum>, %get3A_893 masked %reduce_sum3A_902 : vector<16xi32>, vector<16xi1> -> vector<16xi32>
        %reduce_sum3A_904 = vector.extract %reduce_sum3A_903[15] : i32 from vector<16xi32>
        %add3A_905 = arith.addi %scan3A_890, %reduce_sum3A_904 : i32
        scf.yield %add3A_905 : i32
      }
      %scan3A_50 = arith.constant 1024 : i32
      %scan3A_51 = arith.constant 0 : i32
      %scan3A_52 = arith.constant 0 : i32
      %scan3A_53 = arith.constant 1407 : i32
      %scan3A_54 = arith.addi %scan3A_52, %scan3A_53 : i32
      %scan3A_55 = arith.constant 1 : i32
      %scan3A_56 = scf.for %scan3A_889 = %scan3A_52 to %scan3A_54 step %scan3A_55 iter_args(%scan3A_890 = %scan3A_51) -> (i32)  : i32 {
        %mul3A_891 = arith.constant 1407 : i32
        %mul3A_892 = vector.broadcast %mul3A_891 : i32 to vector<16xi32>
        %mul3A_893 = arith.muli %iota3A, %mul3A_892 : vector<16xi32>
        %add3A_894 = vector.broadcast %scan3A_889 : i32 to vector<16xi32>
        %add3A_895 = arith.addi %mul3A_893, %add3A_894 : vector<16xi32>
        %gather3A = tpu.vector_load_idx %arg7[%add3A_895] : memref<22512xi32, #tpu.memory_space<vmem>>[vector<16xi32>], vector<16xi32>,
        %gather3A_896 = tpu.vector_load_idx %arg9[%add3A_895] : memref<22512xi32, #tpu.memory_space<vmem>>[vector<16xi32>], vector<16xi32>,
        %shift_right_arithmetic3A = arith.constant 10 : i32
        %shift_right_arithmetic3A_897 = vector.broadcast %shift_right_arithmetic3A : i32 to vector<16xi32>
        %shift_right_arithmetic3A_898 = arith.shrsi %gather3A, %shift_right_arithmetic3A_897 : vector<16xi32>
        %and3A = arith.constant 1023 : i32
        %and3A_899 = vector.broadcast %and3A : i32 to vector<16xi32>
        %and3A_900 = arith.andi %shift_right_arithmetic3A_898, %and3A_899 : vector<16xi32>
        %mul3A_901 = arith.constant 16 : i32
        %mul3A_902 = vector.broadcast %mul3A_901 : i32 to vector<16xi32>
        %mul3A_903 = arith.muli %and3A_900, %mul3A_902 : vector<16xi32>
        %add3A_904 = arith.addi %mul3A_903, %iota3A : vector<16xi32>
        %gather3A_905 = tpu.vector_load_idx %arg10[%add3A_904] : memref<16384xi32, #tpu.memory_space<vmem>>[vector<16xi32>], vector<16xi32>,
        %add3A_906 = arith.constant 1 : i32
        %add3A_907 = vector.broadcast %add3A_906 : i32 to vector<16xi32>
        %add3A_908 = arith.addi %gather3A_905, %add3A_907 : vector<16xi32>
        tpu.vector_store_idx %arg10[%add3A_904], %add3A_908 : memref<16384xi32, #tpu.memory_space<vmem>>[vector<16xi32>], vector<16xi32>,
        %bitcast3A = vector.bitcast %gather3A : vector<16xi32> to vector<16xf32>
        tpu.vector_store_idx %arg6[%gather3A_905], %bitcast3A : memref<22512xf32, #tpu.memory_space<vmem>>[vector<16xi32>], vector<16xf32>,
        tpu.vector_store_idx %arg8[%gather3A_905], %gather3A_896 : memref<22512xi32, #tpu.memory_space<vmem>>[vector<16xi32>], vector<16xi32>,
        %scan3A_909 = arith.constant 0 : i32
        scf.yield %scan3A_909 : i32
      }
      %scan3A_57 = arith.constant 1407 : i32
      %scan3A_58 = arith.constant 0 : i32
      %scan3A_59 = arith.constant 0 : i32
      %scan3A_60 = arith.constant 1024 : i32
      %scan3A_61 = arith.addi %scan3A_59, %scan3A_60 : i32
      %scan3A_62 = arith.constant 1 : i32
      %scan3A_63 = scf.for %scan3A_889 = %scan3A_59 to %scan3A_61 step %scan3A_62 iter_args(%scan3A_890 = %scan3A_58) -> (i32)  : i32 {
        %broadcast_in_dim3A_891 = arith.constant 0 : i32
        %broadcast_in_dim3A_892 = vector.broadcast %broadcast_in_dim3A_891 : i32 to vector<16xi32>
        %mul3A_893 = arith.constant 16 : i32
        %mul3A_894 = arith.muli %scan3A_889, %mul3A_893 : i32
        %swap3A_895 = arith.index_cast %mul3A_894 : i32 to index
        %swap3A_896 = tpu.vector_load %arg10[%swap3A_895] {strides = array<i32>} : memref<16384xi32, #tpu.memory_space<vmem>>, vector<16xi32>,
        tpu.vector_store %arg10[%swap3A_895], %broadcast_in_dim3A_892 {strides = array<i32>} : memref<16384xi32, #tpu.memory_space<vmem>>, vector<16xi32>,
        %scan3A_897 = arith.constant 0 : i32
        scf.yield %scan3A_897 : i32
      }
      %scan3A_64 = arith.constant 1024 : i32
      %scan3A_65 = arith.constant 0 : i32
      %scan3A_66 = arith.constant 0 : i32
      %scan3A_67 = arith.constant 1407 : i32
      %scan3A_68 = arith.addi %scan3A_66, %scan3A_67 : i32
      %scan3A_69 = arith.constant 1 : i32
      %scan3A_70 = scf.for %scan3A_889 = %scan3A_66 to %scan3A_68 step %scan3A_69 iter_args(%scan3A_890 = %scan3A_65) -> (i32)  : i32 {
        %mul3A_891 = arith.constant 1407 : i32
        %mul3A_892 = vector.broadcast %mul3A_891 : i32 to vector<16xi32>
        %mul3A_893 = arith.muli %iota3A, %mul3A_892 : vector<16xi32>
        %add3A_894 = vector.broadcast %scan3A_889 : i32 to vector<16xi32>
        %add3A_895 = arith.addi %mul3A_893, %add3A_894 : vector<16xi32>
        %gather3A = tpu.vector_load_idx %arg6[%add3A_895] : memref<22512xf32, #tpu.memory_space<vmem>>[vector<16xi32>], vector<16xf32>,
        %bitcast3A = vector.bitcast %gather3A : vector<16xf32> to vector<16xi32>
        %shift_right_arithmetic3A = arith.constant 20 : i32
        %shift_right_arithmetic3A_896 = vector.broadcast %shift_right_arithmetic3A : i32 to vector<16xi32>
        %shift_right_arithmetic3A_897 = arith.shrsi %bitcast3A, %shift_right_arithmetic3A_896 : vector<16xi32>
        %and3A = arith.constant 1023 : i32
        %and3A_898 = vector.broadcast %and3A : i32 to vector<16xi32>
        %and3A_899 = arith.andi %shift_right_arithmetic3A_897, %and3A_898 : vector<16xi32>
        %mul3A_900 = arith.constant 16 : i32
        %mul3A_901 = vector.broadcast %mul3A_900 : i32 to vector<16xi32>
        %mul3A_902 = arith.muli %and3A_899, %mul3A_901 : vector<16xi32>
        %add3A_903 = arith.addi %mul3A_902, %iota3A : vector<16xi32>
        %gather3A_904 = tpu.vector_load_idx %arg10[%add3A_903] : memref<16384xi32, #tpu.memory_space<vmem>>[vector<16xi32>], vector<16xi32>,
        %add3A_905 = arith.constant 1 : i32
        %add3A_906 = vector.broadcast %add3A_905 : i32 to vector<16xi32>
        %add3A_907 = arith.addi %gather3A_904, %add3A_906 : vector<16xi32>
        tpu.vector_store_idx %arg10[%add3A_903], %add3A_907 : memref<16384xi32, #tpu.memory_space<vmem>>[vector<16xi32>], vector<16xi32>,
        %scan3A_908 = arith.constant 0 : i32
        scf.yield %scan3A_908 : i32
      }
      %scan3A_71 = arith.constant 1407 : i32
      %scan3A_72 = arith.constant 0 : i32
      %scan3A_73 = arith.constant 0 : i32
      %scan3A_74 = arith.constant 1024 : i32
      %scan3A_75 = arith.addi %scan3A_73, %scan3A_74 : i32
      %scan3A_76 = arith.constant 1 : i32
      %scan3A_77 = scf.for %scan3A_889 = %scan3A_73 to %scan3A_75 step %scan3A_76 iter_args(%scan3A_890 = %scan3A_72) -> (i32)  : i32 {
        %mul3A_891 = arith.constant 16 : i32
        %mul3A_892 = arith.muli %scan3A_889, %mul3A_891 : i32
        %get3A = arith.index_cast %mul3A_892 : i32 to index
        %get3A_893 = tpu.vector_load %arg10[%get3A] {strides = array<i32>} : memref<16384xi32, #tpu.memory_space<vmem>>, vector<16xi32>,
        %broadcast_in_dim3A_894 = arith.constant true
        %broadcast_in_dim3A_895 = vector.broadcast %broadcast_in_dim3A_894 : i1 to vector<16xi1>
        %masked_cumsum3A = tpu.scan <sum>, %get3A_893 masked %broadcast_in_dim3A_895 : vector<16xi32>, vector<16xi1> -> vector<16xi32>
        %sub3A = arith.subi %masked_cumsum3A, %get3A_893 : vector<16xi32>
        %add3A_896 = vector.broadcast %scan3A_890 : i32 to vector<16xi32>
        %add3A_897 = arith.addi %sub3A, %add3A_896 : vector<16xi32>
        %mul3A_898 = arith.constant 16 : i32
        %mul3A_899 = arith.muli %scan3A_889, %mul3A_898 : i32
        %swap3A_900 = arith.index_cast %mul3A_899 : i32 to index
        %swap3A_901 = tpu.vector_load %arg10[%swap3A_900] {strides = array<i32>} : memref<16384xi32, #tpu.memory_space<vmem>>, vector<16xi32>,
        tpu.vector_store %arg10[%swap3A_900], %add3A_897 {strides = array<i32>} : memref<16384xi32, #tpu.memory_space<vmem>>, vector<16xi32>,
        %reduce_sum3A = arith.constant true
        %reduce_sum3A_902 = vector.broadcast %reduce_sum3A : i1 to vector<16xi1>
        %reduce_sum3A_903 = tpu.scan <sum>, %get3A_893 masked %reduce_sum3A_902 : vector<16xi32>, vector<16xi1> -> vector<16xi32>
        %reduce_sum3A_904 = vector.extract %reduce_sum3A_903[15] : i32 from vector<16xi32>
        %add3A_905 = arith.addi %scan3A_890, %reduce_sum3A_904 : i32
        scf.yield %add3A_905 : i32
      }
      %scan3A_78 = arith.constant 1024 : i32
      %scan3A_79 = arith.constant 0 : i32
      %scan3A_80 = arith.constant 0 : i32
      %scan3A_81 = arith.constant 1407 : i32
      %scan3A_82 = arith.addi %scan3A_80, %scan3A_81 : i32
      %scan3A_83 = arith.constant 1 : i32
      %scan3A_84 = scf.for %scan3A_889 = %scan3A_80 to %scan3A_82 step %scan3A_83 iter_args(%scan3A_890 = %scan3A_79) -> (i32)  : i32 {
        %mul3A_891 = arith.constant 1407 : i32
        %mul3A_892 = vector.broadcast %mul3A_891 : i32 to vector<16xi32>
        %mul3A_893 = arith.muli %iota3A, %mul3A_892 : vector<16xi32>
        %add3A_894 = vector.broadcast %scan3A_889 : i32 to vector<16xi32>
        %add3A_895 = arith.addi %mul3A_893, %add3A_894 : vector<16xi32>
        %gather3A = tpu.vector_load_idx %arg6[%add3A_895] : memref<22512xf32, #tpu.memory_space<vmem>>[vector<16xi32>], vector<16xf32>,
        %bitcast3A = vector.bitcast %gather3A : vector<16xf32> to vector<16xi32>
        %gather3A_896 = tpu.vector_load_idx %arg8[%add3A_895] : memref<22512xi32, #tpu.memory_space<vmem>>[vector<16xi32>], vector<16xi32>,
        %shift_right_arithmetic3A = arith.constant 20 : i32
        %shift_right_arithmetic3A_897 = vector.broadcast %shift_right_arithmetic3A : i32 to vector<16xi32>
        %shift_right_arithmetic3A_898 = arith.shrsi %bitcast3A, %shift_right_arithmetic3A_897 : vector<16xi32>
        %and3A = arith.constant 1023 : i32
        %and3A_899 = vector.broadcast %and3A : i32 to vector<16xi32>
        %and3A_900 = arith.andi %shift_right_arithmetic3A_898, %and3A_899 : vector<16xi32>
        %mul3A_901 = arith.constant 16 : i32
        %mul3A_902 = vector.broadcast %mul3A_901 : i32 to vector<16xi32>
        %mul3A_903 = arith.muli %and3A_900, %mul3A_902 : vector<16xi32>
        %add3A_904 = arith.addi %mul3A_903, %iota3A : vector<16xi32>
        %gather3A_905 = tpu.vector_load_idx %arg10[%add3A_904] : memref<16384xi32, #tpu.memory_space<vmem>>[vector<16xi32>], vector<16xi32>,
        %add3A_906 = arith.constant 1 : i32
        %add3A_907 = vector.broadcast %add3A_906 : i32 to vector<16xi32>
        %add3A_908 = arith.addi %gather3A_905, %add3A_907 : vector<16xi32>
        tpu.vector_store_idx %arg10[%add3A_904], %add3A_908 : memref<16384xi32, #tpu.memory_space<vmem>>[vector<16xi32>], vector<16xi32>,
        tpu.vector_store_idx %arg7[%gather3A_905], %bitcast3A : memref<22512xi32, #tpu.memory_space<vmem>>[vector<16xi32>], vector<16xi32>,
        tpu.vector_store_idx %arg9[%gather3A_905], %gather3A_896 : memref<22512xi32, #tpu.memory_space<vmem>>[vector<16xi32>], vector<16xi32>,
        %scan3A_909 = arith.constant 0 : i32
        scf.yield %scan3A_909 : i32
      }
      %scan3A_85 = arith.constant 1407 : i32
      %broadcast_in_dim3A = arith.constant -1.000000e+10 : f32
      %broadcast_in_dim3A_86 = vector.broadcast %broadcast_in_dim3A : f32 to vector<16xf32>
      %swap3A = arith.constant 0 : index
      %swap3A_87 = tpu.vector_load %arg20[%swap3A] {strides = array<i32>} : memref<1200xf32, #tpu.memory_space<vmem>>, vector<16xf32>,
      tpu.vector_store %arg20[%swap3A], %broadcast_in_dim3A_86 {strides = array<i32>} : memref<1200xf32, #tpu.memory_space<vmem>>, vector<16xf32>,
      %swap3A_88 = arith.constant 16 : index
      %swap3A_89 = tpu.vector_load %arg20[%swap3A_88] {strides = array<i32>} : memref<1200xf32, #tpu.memory_space<vmem>>, vector<16xf32>,
      tpu.vector_store %arg20[%swap3A_88], %broadcast_in_dim3A_86 {strides = array<i32>} : memref<1200xf32, #tpu.memory_space<vmem>>, vector<16xf32>,
      %swap3A_90 = arith.constant 32 : index
      %swap3A_91 = tpu.vector_load %arg20[%swap3A_90] {strides = array<i32>} : memref<1200xf32, #tpu.memory_space<vmem>>, vector<16xf32>,
      tpu.vector_store %arg20[%swap3A_90], %broadcast_in_dim3A_86 {strides = array<i32>} : memref<1200xf32, #tpu.memory_space<vmem>>, vector<16xf32>,
      %swap3A_92 = arith.constant 48 : index
      %swap3A_93 = tpu.vector_load %arg20[%swap3A_92] {strides = array<i32>} : memref<1200xf32, #tpu.memory_space<vmem>>, vector<16xf32>,
      tpu.vector_store %arg20[%swap3A_92], %broadcast_in_dim3A_86 {strides = array<i32>} : memref<1200xf32, #tpu.memory_space<vmem>>, vector<16xf32>,
      %swap3A_94 = arith.constant 64 : index
      %swap3A_95 = tpu.vector_load %arg20[%swap3A_94] {strides = array<i32>} : memref<1200xf32, #tpu.memory_space<vmem>>, vector<16xf32>,
      tpu.vector_store %arg20[%swap3A_94], %broadcast_in_dim3A_86 {strides = array<i32>} : memref<1200xf32, #tpu.memory_space<vmem>>, vector<16xf32>,
      %swap3A_96 = arith.constant 80 : index
      %swap3A_97 = tpu.vector_load %arg20[%swap3A_96] {strides = array<i32>} : memref<1200xf32, #tpu.memory_space<vmem>>, vector<16xf32>,
      tpu.vector_store %arg20[%swap3A_96], %broadcast_in_dim3A_86 {strides = array<i32>} : memref<1200xf32, #tpu.memory_space<vmem>>, vector<16xf32>,
      %swap3A_98 = arith.constant 96 : index
      %swap3A_99 = tpu.vector_load %arg20[%swap3A_98] {strides = array<i32>} : memref<1200xf32, #tpu.memory_space<vmem>>, vector<16xf32>,
      tpu.vector_store %arg20[%swap3A_98], %broadcast_in_dim3A_86 {strides = array<i32>} : memref<1200xf32, #tpu.memory_space<vmem>>, vector<16xf32>,
      %swap3A_100 = arith.constant 112 : index
      %swap3A_101 = tpu.vector_load %arg20[%swap3A_100] {strides = array<i32>} : memref<1200xf32, #tpu.memory_space<vmem>>, vector<16xf32>,
      tpu.vector_store %arg20[%swap3A_100], %broadcast_in_dim3A_86 {strides = array<i32>} : memref<1200xf32, #tpu.memory_space<vmem>>, vector<16xf32>,
      %swap3A_102 = arith.constant 128 : index
      %swap3A_103 = tpu.vector_load %arg20[%swap3A_102] {strides = array<i32>} : memref<1200xf32, #tpu.memory_space<vmem>>, vector<16xf32>,
      tpu.vector_store %arg20[%swap3A_102], %broadcast_in_dim3A_86 {strides = array<i32>} : memref<1200xf32, #tpu.memory_space<vmem>>, vector<16xf32>,
      %broadcast_in_dim3A_104 = arith.constant 0.000000e+00 : f32
      %broadcast_in_dim3A_105 = vector.broadcast %broadcast_in_dim3A_104 : f32 to vector<16xf32>
      %swap3A_106 = arith.constant 0 : index
      %swap3A_107 = tpu.vector_load %arg21[%swap3A_106] {strides = array<i32>} : memref<1200xf32, #tpu.memory_space<vmem>>, vector<16xf32>,
      tpu.vector_store %arg21[%swap3A_106], %broadcast_in_dim3A_105 {strides = array<i32>} : memref<1200xf32, #tpu.memory_space<vmem>>, vector<16xf32>,
      %swap3A_108 = arith.constant 16 : index
      %swap3A_109 = tpu.vector_load %arg21[%swap3A_108] {strides = array<i32>} : memref<1200xf32, #tpu.memory_space<vmem>>, vector<16xf32>,
      tpu.vector_store %arg21[%swap3A_108], %broadcast_in_dim3A_105 {strides = array<i32>} : memref<1200xf32, #tpu.memory_space<vmem>>, vector<16xf32>,
      %swap3A_110 = arith.constant 32 : index
      %swap3A_111 = tpu.vector_load %arg21[%swap3A_110] {strides = array<i32>} : memref<1200xf32, #tpu.memory_space<vmem>>, vector<16xf32>,
      tpu.vector_store %arg21[%swap3A_110], %broadcast_in_dim3A_105 {strides = array<i32>} : memref<1200xf32, #tpu.memory_space<vmem>>, vector<16xf32>,
      %swap3A_112 = arith.constant 48 : index
      %swap3A_113 = tpu.vector_load %arg21[%swap3A_112] {strides = array<i32>} : memref<1200xf32, #tpu.memory_space<vmem>>, vector<16xf32>,
      tpu.vector_store %arg21[%swap3A_112], %broadcast_in_dim3A_105 {strides = array<i32>} : memref<1200xf32, #tpu.memory_space<vmem>>, vector<16xf32>,
      %swap3A_114 = arith.constant 64 : index
      %swap3A_115 = tpu.vector_load %arg21[%swap3A_114] {strides = array<i32>} : memref<1200xf32, #tpu.memory_space<vmem>>, vector<16xf32>,
      tpu.vector_store %arg21[%swap3A_114], %broadcast_in_dim3A_105 {strides = array<i32>} : memref<1200xf32, #tpu.memory_space<vmem>>, vector<16xf32>,
      %swap3A_116 = arith.constant 80 : index
      %swap3A_117 = tpu.vector_load %arg21[%swap3A_116] {strides = array<i32>} : memref<1200xf32, #tpu.memory_space<vmem>>, vector<16xf32>,
      tpu.vector_store %arg21[%swap3A_116], %broadcast_in_dim3A_105 {strides = array<i32>} : memref<1200xf32, #tpu.memory_space<vmem>>, vector<16xf32>,
      %swap3A_118 = arith.constant 96 : index
      %swap3A_119 = tpu.vector_load %arg21[%swap3A_118] {strides = array<i32>} : memref<1200xf32, #tpu.memory_space<vmem>>, vector<16xf32>,
      tpu.vector_store %arg21[%swap3A_118], %broadcast_in_dim3A_105 {strides = array<i32>} : memref<1200xf32, #tpu.memory_space<vmem>>, vector<16xf32>,
      %swap3A_120 = arith.constant 112 : index
      %swap3A_121 = tpu.vector_load %arg21[%swap3A_120] {strides = array<i32>} : memref<1200xf32, #tpu.memory_space<vmem>>, vector<16xf32>,
      tpu.vector_store %arg21[%swap3A_120], %broadcast_in_dim3A_105 {strides = array<i32>} : memref<1200xf32, #tpu.memory_space<vmem>>, vector<16xf32>,
      %swap3A_122 = arith.constant 128 : index
      %swap3A_123 = tpu.vector_load %arg21[%swap3A_122] {strides = array<i32>} : memref<1200xf32, #tpu.memory_space<vmem>>, vector<16xf32>,
      tpu.vector_store %arg21[%swap3A_122], %broadcast_in_dim3A_105 {strides = array<i32>} : memref<1200xf32, #tpu.memory_space<vmem>>, vector<16xf32>,
      %broadcast_in_dim3A_124 = arith.constant 0.000000e+00 : f32
      %broadcast_in_dim3A_125 = vector.broadcast %broadcast_in_dim3A_124 : f32 to vector<16xf32>
      %swap3A_126 = arith.constant 0 : index
      %swap3A_127 = tpu.vector_load %arg22[%swap3A_126] {strides = array<i32>} : memref<1200xf32, #tpu.memory_space<vmem>>, vector<16xf32>,
      tpu.vector_store %arg22[%swap3A_126], %broadcast_in_dim3A_125 {strides = array<i32>} : memref<1200xf32, #tpu.memory_space<vmem>>, vector<16xf32>,
      %swap3A_128 = arith.constant 16 : index
      %swap3A_129 = tpu.vector_load %arg22[%swap3A_128] {strides = array<i32>} : memref<1200xf32, #tpu.memory_space<vmem>>, vector<16xf32>,
      tpu.vector_store %arg22[%swap3A_128], %broadcast_in_dim3A_125 {strides = array<i32>} : memref<1200xf32, #tpu.memory_space<vmem>>, vector<16xf32>,
      %swap3A_130 = arith.constant 32 : index
      %swap3A_131 = tpu.vector_load %arg22[%swap3A_130] {strides = array<i32>} : memref<1200xf32, #tpu.memory_space<vmem>>, vector<16xf32>,
      tpu.vector_store %arg22[%swap3A_130], %broadcast_in_dim3A_125 {strides = array<i32>} : memref<1200xf32, #tpu.memory_space<vmem>>, vector<16xf32>,
      %swap3A_132 = arith.constant 48 : index
      %swap3A_133 = tpu.vector_load %arg22[%swap3A_132] {strides = array<i32>} : memref<1200xf32, #tpu.memory_space<vmem>>, vector<16xf32>,
      tpu.vector_store %arg22[%swap3A_132], %broadcast_in_dim3A_125 {strides = array<i32>} : memref<1200xf32, #tpu.memory_space<vmem>>, vector<16xf32>,
      %swap3A_134 = arith.constant 64 : index
      %swap3A_135 = tpu.vector_load %arg22[%swap3A_134] {strides = array<i32>} : memref<1200xf32, #tpu.memory_space<vmem>>, vector<16xf32>,
      tpu.vector_store %arg22[%swap3A_134], %broadcast_in_dim3A_125 {strides = array<i32>} : memref<1200xf32, #tpu.memory_space<vmem>>, vector<16xf32>,
      %swap3A_136 = arith.constant 80 : index
      %swap3A_137 = tpu.vector_load %arg22[%swap3A_136] {strides = array<i32>} : memref<1200xf32, #tpu.memory_space<vmem>>, vector<16xf32>,
      tpu.vector_store %arg22[%swap3A_136], %broadcast_in_dim3A_125 {strides = array<i32>} : memref<1200xf32, #tpu.memory_space<vmem>>, vector<16xf32>,
      %swap3A_138 = arith.constant 96 : index
      %swap3A_139 = tpu.vector_load %arg22[%swap3A_138] {strides = array<i32>} : memref<1200xf32, #tpu.memory_space<vmem>>, vector<16xf32>,
      tpu.vector_store %arg22[%swap3A_138], %broadcast_in_dim3A_125 {strides = array<i32>} : memref<1200xf32, #tpu.memory_space<vmem>>, vector<16xf32>,
      %swap3A_140 = arith.constant 112 : index
      %swap3A_141 = tpu.vector_load %arg22[%swap3A_140] {strides = array<i32>} : memref<1200xf32, #tpu.memory_space<vmem>>, vector<16xf32>,
      tpu.vector_store %arg22[%swap3A_140], %broadcast_in_dim3A_125 {strides = array<i32>} : memref<1200xf32, #tpu.memory_space<vmem>>, vector<16xf32>,
      %swap3A_142 = arith.constant 128 : index
      %swap3A_143 = tpu.vector_load %arg22[%swap3A_142] {strides = array<i32>} : memref<1200xf32, #tpu.memory_space<vmem>>, vector<16xf32>,
      tpu.vector_store %arg22[%swap3A_142], %broadcast_in_dim3A_125 {strides = array<i32>} : memref<1200xf32, #tpu.memory_space<vmem>>, vector<16xf32>,
      %broadcast_in_dim3A_144 = arith.constant 0.000000e+00 : f32
      %broadcast_in_dim3A_145 = vector.broadcast %broadcast_in_dim3A_144 : f32 to vector<16xf32>
      %swap3A_146 = arith.constant 0 : index
      %swap3A_147 = tpu.vector_load %arg23[%swap3A_146] {strides = array<i32>} : memref<1200xf32, #tpu.memory_space<vmem>>, vector<16xf32>,
      tpu.vector_store %arg23[%swap3A_146], %broadcast_in_dim3A_145 {strides = array<i32>} : memref<1200xf32, #tpu.memory_space<vmem>>, vector<16xf32>,
      %swap3A_148 = arith.constant 16 : index
      %swap3A_149 = tpu.vector_load %arg23[%swap3A_148] {strides = array<i32>} : memref<1200xf32, #tpu.memory_space<vmem>>, vector<16xf32>,
      tpu.vector_store %arg23[%swap3A_148], %broadcast_in_dim3A_145 {strides = array<i32>} : memref<1200xf32, #tpu.memory_space<vmem>>, vector<16xf32>,
      %swap3A_150 = arith.constant 32 : index
      %swap3A_151 = tpu.vector_load %arg23[%swap3A_150] {strides = array<i32>} : memref<1200xf32, #tpu.memory_space<vmem>>, vector<16xf32>,
      tpu.vector_store %arg23[%swap3A_150], %broadcast_in_dim3A_145 {strides = array<i32>} : memref<1200xf32, #tpu.memory_space<vmem>>, vector<16xf32>,
      %swap3A_152 = arith.constant 48 : index
      %swap3A_153 = tpu.vector_load %arg23[%swap3A_152] {strides = array<i32>} : memref<1200xf32, #tpu.memory_space<vmem>>, vector<16xf32>,
      tpu.vector_store %arg23[%swap3A_152], %broadcast_in_dim3A_145 {strides = array<i32>} : memref<1200xf32, #tpu.memory_space<vmem>>, vector<16xf32>,
      %swap3A_154 = arith.constant 64 : index
      %swap3A_155 = tpu.vector_load %arg23[%swap3A_154] {strides = array<i32>} : memref<1200xf32, #tpu.memory_space<vmem>>, vector<16xf32>,
      tpu.vector_store %arg23[%swap3A_154], %broadcast_in_dim3A_145 {strides = array<i32>} : memref<1200xf32, #tpu.memory_space<vmem>>, vector<16xf32>,
      %swap3A_156 = arith.constant 80 : index
      %swap3A_157 = tpu.vector_load %arg23[%swap3A_156] {strides = array<i32>} : memref<1200xf32, #tpu.memory_space<vmem>>, vector<16xf32>,
      tpu.vector_store %arg23[%swap3A_156], %broadcast_in_dim3A_145 {strides = array<i32>} : memref<1200xf32, #tpu.memory_space<vmem>>, vector<16xf32>,
      %swap3A_158 = arith.constant 96 : index
      %swap3A_159 = tpu.vector_load %arg23[%swap3A_158] {strides = array<i32>} : memref<1200xf32, #tpu.memory_space<vmem>>, vector<16xf32>,
      tpu.vector_store %arg23[%swap3A_158], %broadcast_in_dim3A_145 {strides = array<i32>} : memref<1200xf32, #tpu.memory_space<vmem>>, vector<16xf32>,
      %swap3A_160 = arith.constant 112 : index
      %swap3A_161 = tpu.vector_load %arg23[%swap3A_160] {strides = array<i32>} : memref<1200xf32, #tpu.memory_space<vmem>>, vector<16xf32>,
      tpu.vector_store %arg23[%swap3A_160], %broadcast_in_dim3A_145 {strides = array<i32>} : memref<1200xf32, #tpu.memory_space<vmem>>, vector<16xf32>,
      %swap3A_162 = arith.constant 128 : index
      %swap3A_163 = tpu.vector_load %arg23[%swap3A_162] {strides = array<i32>} : memref<1200xf32, #tpu.memory_space<vmem>>, vector<16xf32>,
      tpu.vector_store %arg23[%swap3A_162], %broadcast_in_dim3A_145 {strides = array<i32>} : memref<1200xf32, #tpu.memory_space<vmem>>, vector<16xf32>,
      %broadcast_in_dim3A_164 = arith.constant 0.000000e+00 : f32
      %broadcast_in_dim3A_165 = vector.broadcast %broadcast_in_dim3A_164 : f32 to vector<16xf32>
      %swap3A_166 = arith.constant 0 : index
      %swap3A_167 = tpu.vector_load %arg24[%swap3A_166] {strides = array<i32>} : memref<1200xf32, #tpu.memory_space<vmem>>, vector<16xf32>,
      tpu.vector_store %arg24[%swap3A_166], %broadcast_in_dim3A_165 {strides = array<i32>} : memref<1200xf32, #tpu.memory_space<vmem>>, vector<16xf32>,
      %swap3A_168 = arith.constant 16 : index
      %swap3A_169 = tpu.vector_load %arg24[%swap3A_168] {strides = array<i32>} : memref<1200xf32, #tpu.memory_space<vmem>>, vector<16xf32>,
      tpu.vector_store %arg24[%swap3A_168], %broadcast_in_dim3A_165 {strides = array<i32>} : memref<1200xf32, #tpu.memory_space<vmem>>, vector<16xf32>,
      %swap3A_170 = arith.constant 32 : index
      %swap3A_171 = tpu.vector_load %arg24[%swap3A_170] {strides = array<i32>} : memref<1200xf32, #tpu.memory_space<vmem>>, vector<16xf32>,
      tpu.vector_store %arg24[%swap3A_170], %broadcast_in_dim3A_165 {strides = array<i32>} : memref<1200xf32, #tpu.memory_space<vmem>>, vector<16xf32>,
      %swap3A_172 = arith.constant 48 : index
      %swap3A_173 = tpu.vector_load %arg24[%swap3A_172] {strides = array<i32>} : memref<1200xf32, #tpu.memory_space<vmem>>, vector<16xf32>,
      tpu.vector_store %arg24[%swap3A_172], %broadcast_in_dim3A_165 {strides = array<i32>} : memref<1200xf32, #tpu.memory_space<vmem>>, vector<16xf32>,
      %swap3A_174 = arith.constant 64 : index
      %swap3A_175 = tpu.vector_load %arg24[%swap3A_174] {strides = array<i32>} : memref<1200xf32, #tpu.memory_space<vmem>>, vector<16xf32>,
      tpu.vector_store %arg24[%swap3A_174], %broadcast_in_dim3A_165 {strides = array<i32>} : memref<1200xf32, #tpu.memory_space<vmem>>, vector<16xf32>,
      %swap3A_176 = arith.constant 80 : index
      %swap3A_177 = tpu.vector_load %arg24[%swap3A_176] {strides = array<i32>} : memref<1200xf32, #tpu.memory_space<vmem>>, vector<16xf32>,
      tpu.vector_store %arg24[%swap3A_176], %broadcast_in_dim3A_165 {strides = array<i32>} : memref<1200xf32, #tpu.memory_space<vmem>>, vector<16xf32>,
      %swap3A_178 = arith.constant 96 : index
      %swap3A_179 = tpu.vector_load %arg24[%swap3A_178] {strides = array<i32>} : memref<1200xf32, #tpu.memory_space<vmem>>, vector<16xf32>,
      tpu.vector_store %arg24[%swap3A_178], %broadcast_in_dim3A_165 {strides = array<i32>} : memref<1200xf32, #tpu.memory_space<vmem>>, vector<16xf32>,
      %swap3A_180 = arith.constant 112 : index
      %swap3A_181 = tpu.vector_load %arg24[%swap3A_180] {strides = array<i32>} : memref<1200xf32, #tpu.memory_space<vmem>>, vector<16xf32>,
      tpu.vector_store %arg24[%swap3A_180], %broadcast_in_dim3A_165 {strides = array<i32>} : memref<1200xf32, #tpu.memory_space<vmem>>, vector<16xf32>,
      %swap3A_182 = arith.constant 128 : index
      %swap3A_183 = tpu.vector_load %arg24[%swap3A_182] {strides = array<i32>} : memref<1200xf32, #tpu.memory_space<vmem>>, vector<16xf32>,
      tpu.vector_store %arg24[%swap3A_182], %broadcast_in_dim3A_165 {strides = array<i32>} : memref<1200xf32, #tpu.memory_space<vmem>>, vector<16xf32>,
      %broadcast_in_dim3A_184 = arith.constant 0.000000e+00 : f32
      %broadcast_in_dim3A_185 = vector.broadcast %broadcast_in_dim3A_184 : f32 to vector<16xf32>
      %swap3A_186 = arith.constant 0 : index
      %swap3A_187 = tpu.vector_load %arg25[%swap3A_186] {strides = array<i32>} : memref<1200xf32, #tpu.memory_space<vmem>>, vector<16xf32>,
      tpu.vector_store %arg25[%swap3A_186], %broadcast_in_dim3A_185 {strides = array<i32>} : memref<1200xf32, #tpu.memory_space<vmem>>, vector<16xf32>,
      %swap3A_188 = arith.constant 16 : index
      %swap3A_189 = tpu.vector_load %arg25[%swap3A_188] {strides = array<i32>} : memref<1200xf32, #tpu.memory_space<vmem>>, vector<16xf32>,
      tpu.vector_store %arg25[%swap3A_188], %broadcast_in_dim3A_185 {strides = array<i32>} : memref<1200xf32, #tpu.memory_space<vmem>>, vector<16xf32>,
      %swap3A_190 = arith.constant 32 : index
      %swap3A_191 = tpu.vector_load %arg25[%swap3A_190] {strides = array<i32>} : memref<1200xf32, #tpu.memory_space<vmem>>, vector<16xf32>,
      tpu.vector_store %arg25[%swap3A_190], %broadcast_in_dim3A_185 {strides = array<i32>} : memref<1200xf32, #tpu.memory_space<vmem>>, vector<16xf32>,
      %swap3A_192 = arith.constant 48 : index
      %swap3A_193 = tpu.vector_load %arg25[%swap3A_192] {strides = array<i32>} : memref<1200xf32, #tpu.memory_space<vmem>>, vector<16xf32>,
      tpu.vector_store %arg25[%swap3A_192], %broadcast_in_dim3A_185 {strides = array<i32>} : memref<1200xf32, #tpu.memory_space<vmem>>, vector<16xf32>,
      %swap3A_194 = arith.constant 64 : index
      %swap3A_195 = tpu.vector_load %arg25[%swap3A_194] {strides = array<i32>} : memref<1200xf32, #tpu.memory_space<vmem>>, vector<16xf32>,
      tpu.vector_store %arg25[%swap3A_194], %broadcast_in_dim3A_185 {strides = array<i32>} : memref<1200xf32, #tpu.memory_space<vmem>>, vector<16xf32>,
      %swap3A_196 = arith.constant 80 : index
      %swap3A_197 = tpu.vector_load %arg25[%swap3A_196] {strides = array<i32>} : memref<1200xf32, #tpu.memory_space<vmem>>, vector<16xf32>,
      tpu.vector_store %arg25[%swap3A_196], %broadcast_in_dim3A_185 {strides = array<i32>} : memref<1200xf32, #tpu.memory_space<vmem>>, vector<16xf32>,
      %swap3A_198 = arith.constant 96 : index
      %swap3A_199 = tpu.vector_load %arg25[%swap3A_198] {strides = array<i32>} : memref<1200xf32, #tpu.memory_space<vmem>>, vector<16xf32>,
      tpu.vector_store %arg25[%swap3A_198], %broadcast_in_dim3A_185 {strides = array<i32>} : memref<1200xf32, #tpu.memory_space<vmem>>, vector<16xf32>,
      %swap3A_200 = arith.constant 112 : index
      %swap3A_201 = tpu.vector_load %arg25[%swap3A_200] {strides = array<i32>} : memref<1200xf32, #tpu.memory_space<vmem>>, vector<16xf32>,
      tpu.vector_store %arg25[%swap3A_200], %broadcast_in_dim3A_185 {strides = array<i32>} : memref<1200xf32, #tpu.memory_space<vmem>>, vector<16xf32>,
      %swap3A_202 = arith.constant 128 : index
      %swap3A_203 = tpu.vector_load %arg25[%swap3A_202] {strides = array<i32>} : memref<1200xf32, #tpu.memory_space<vmem>>, vector<16xf32>,
      tpu.vector_store %arg25[%swap3A_202], %broadcast_in_dim3A_185 {strides = array<i32>} : memref<1200xf32, #tpu.memory_space<vmem>>, vector<16xf32>,
      %broadcast_in_dim3A_204 = arith.constant 0.000000e+00 : f32
      %broadcast_in_dim3A_205 = vector.broadcast %broadcast_in_dim3A_204 : f32 to vector<16xf32>
      %swap3A_206 = arith.constant 0 : index
      %swap3A_207 = tpu.vector_load %arg26[%swap3A_206] {strides = array<i32>} : memref<1200xf32, #tpu.memory_space<vmem>>, vector<16xf32>,
      tpu.vector_store %arg26[%swap3A_206], %broadcast_in_dim3A_205 {strides = array<i32>} : memref<1200xf32, #tpu.memory_space<vmem>>, vector<16xf32>,
      %swap3A_208 = arith.constant 16 : index
      %swap3A_209 = tpu.vector_load %arg26[%swap3A_208] {strides = array<i32>} : memref<1200xf32, #tpu.memory_space<vmem>>, vector<16xf32>,
      tpu.vector_store %arg26[%swap3A_208], %broadcast_in_dim3A_205 {strides = array<i32>} : memref<1200xf32, #tpu.memory_space<vmem>>, vector<16xf32>,
      %swap3A_210 = arith.constant 32 : index
      %swap3A_211 = tpu.vector_load %arg26[%swap3A_210] {strides = array<i32>} : memref<1200xf32, #tpu.memory_space<vmem>>, vector<16xf32>,
      tpu.vector_store %arg26[%swap3A_210], %broadcast_in_dim3A_205 {strides = array<i32>} : memref<1200xf32, #tpu.memory_space<vmem>>, vector<16xf32>,
      %swap3A_212 = arith.constant 48 : index
      %swap3A_213 = tpu.vector_load %arg26[%swap3A_212] {strides = array<i32>} : memref<1200xf32, #tpu.memory_space<vmem>>, vector<16xf32>,
      tpu.vector_store %arg26[%swap3A_212], %broadcast_in_dim3A_205 {strides = array<i32>} : memref<1200xf32, #tpu.memory_space<vmem>>, vector<16xf32>,
      %swap3A_214 = arith.constant 64 : index
      %swap3A_215 = tpu.vector_load %arg26[%swap3A_214] {strides = array<i32>} : memref<1200xf32, #tpu.memory_space<vmem>>, vector<16xf32>,
      tpu.vector_store %arg26[%swap3A_214], %broadcast_in_dim3A_205 {strides = array<i32>} : memref<1200xf32, #tpu.memory_space<vmem>>, vector<16xf32>,
      %swap3A_216 = arith.constant 80 : index
      %swap3A_217 = tpu.vector_load %arg26[%swap3A_216] {strides = array<i32>} : memref<1200xf32, #tpu.memory_space<vmem>>, vector<16xf32>,
      tpu.vector_store %arg26[%swap3A_216], %broadcast_in_dim3A_205 {strides = array<i32>} : memref<1200xf32, #tpu.memory_space<vmem>>, vector<16xf32>,
      %swap3A_218 = arith.constant 96 : index
      %swap3A_219 = tpu.vector_load %arg26[%swap3A_218] {strides = array<i32>} : memref<1200xf32, #tpu.memory_space<vmem>>, vector<16xf32>,
      tpu.vector_store %arg26[%swap3A_218], %broadcast_in_dim3A_205 {strides = array<i32>} : memref<1200xf32, #tpu.memory_space<vmem>>, vector<16xf32>,
      %swap3A_220 = arith.constant 112 : index
      %swap3A_221 = tpu.vector_load %arg26[%swap3A_220] {strides = array<i32>} : memref<1200xf32, #tpu.memory_space<vmem>>, vector<16xf32>,
      tpu.vector_store %arg26[%swap3A_220], %broadcast_in_dim3A_205 {strides = array<i32>} : memref<1200xf32, #tpu.memory_space<vmem>>, vector<16xf32>,
      %swap3A_222 = arith.constant 128 : index
      %swap3A_223 = tpu.vector_load %arg26[%swap3A_222] {strides = array<i32>} : memref<1200xf32, #tpu.memory_space<vmem>>, vector<16xf32>,
      tpu.vector_store %arg26[%swap3A_222], %broadcast_in_dim3A_205 {strides = array<i32>} : memref<1200xf32, #tpu.memory_space<vmem>>, vector<16xf32>,
      %broadcast_in_dim3A_224 = arith.constant 0.000000e+00 : f32
      %broadcast_in_dim3A_225 = vector.broadcast %broadcast_in_dim3A_224 : f32 to vector<16xf32>
      %swap3A_226 = arith.constant 0 : index
      %swap3A_227 = tpu.vector_load %arg27[%swap3A_226] {strides = array<i32>} : memref<1200xf32, #tpu.memory_space<vmem>>, vector<16xf32>,
      tpu.vector_store %arg27[%swap3A_226], %broadcast_in_dim3A_225 {strides = array<i32>} : memref<1200xf32, #tpu.memory_space<vmem>>, vector<16xf32>,
      %swap3A_228 = arith.constant 16 : index
      %swap3A_229 = tpu.vector_load %arg27[%swap3A_228] {strides = array<i32>} : memref<1200xf32, #tpu.memory_space<vmem>>, vector<16xf32>,
      tpu.vector_store %arg27[%swap3A_228], %broadcast_in_dim3A_225 {strides = array<i32>} : memref<1200xf32, #tpu.memory_space<vmem>>, vector<16xf32>,
      %swap3A_230 = arith.constant 32 : index
      %swap3A_231 = tpu.vector_load %arg27[%swap3A_230] {strides = array<i32>} : memref<1200xf32, #tpu.memory_space<vmem>>, vector<16xf32>,
      tpu.vector_store %arg27[%swap3A_230], %broadcast_in_dim3A_225 {strides = array<i32>} : memref<1200xf32, #tpu.memory_space<vmem>>, vector<16xf32>,
      %swap3A_232 = arith.constant 48 : index
      %swap3A_233 = tpu.vector_load %arg27[%swap3A_232] {strides = array<i32>} : memref<1200xf32, #tpu.memory_space<vmem>>, vector<16xf32>,
      tpu.vector_store %arg27[%swap3A_232], %broadcast_in_dim3A_225 {strides = array<i32>} : memref<1200xf32, #tpu.memory_space<vmem>>, vector<16xf32>,
      %swap3A_234 = arith.constant 64 : index
      %swap3A_235 = tpu.vector_load %arg27[%swap3A_234] {strides = array<i32>} : memref<1200xf32, #tpu.memory_space<vmem>>, vector<16xf32>,
      tpu.vector_store %arg27[%swap3A_234], %broadcast_in_dim3A_225 {strides = array<i32>} : memref<1200xf32, #tpu.memory_space<vmem>>, vector<16xf32>,
      %swap3A_236 = arith.constant 80 : index
      %swap3A_237 = tpu.vector_load %arg27[%swap3A_236] {strides = array<i32>} : memref<1200xf32, #tpu.memory_space<vmem>>, vector<16xf32>,
      tpu.vector_store %arg27[%swap3A_236], %broadcast_in_dim3A_225 {strides = array<i32>} : memref<1200xf32, #tpu.memory_space<vmem>>, vector<16xf32>,
      %swap3A_238 = arith.constant 96 : index
      %swap3A_239 = tpu.vector_load %arg27[%swap3A_238] {strides = array<i32>} : memref<1200xf32, #tpu.memory_space<vmem>>, vector<16xf32>,
      tpu.vector_store %arg27[%swap3A_238], %broadcast_in_dim3A_225 {strides = array<i32>} : memref<1200xf32, #tpu.memory_space<vmem>>, vector<16xf32>,
      %swap3A_240 = arith.constant 112 : index
      %swap3A_241 = tpu.vector_load %arg27[%swap3A_240] {strides = array<i32>} : memref<1200xf32, #tpu.memory_space<vmem>>, vector<16xf32>,
      tpu.vector_store %arg27[%swap3A_240], %broadcast_in_dim3A_225 {strides = array<i32>} : memref<1200xf32, #tpu.memory_space<vmem>>, vector<16xf32>,
      %swap3A_242 = arith.constant 128 : index
      %swap3A_243 = tpu.vector_load %arg27[%swap3A_242] {strides = array<i32>} : memref<1200xf32, #tpu.memory_space<vmem>>, vector<16xf32>,
      tpu.vector_store %arg27[%swap3A_242], %broadcast_in_dim3A_225 {strides = array<i32>} : memref<1200xf32, #tpu.memory_space<vmem>>, vector<16xf32>,
      %broadcast_in_dim3A_244 = arith.constant 0.000000e+00 : f32
      %broadcast_in_dim3A_245 = vector.broadcast %broadcast_in_dim3A_244 : f32 to vector<16xf32>
      %swap3A_246 = arith.constant 0 : index
      %swap3A_247 = tpu.vector_load %arg28[%swap3A_246] {strides = array<i32>} : memref<1200xf32, #tpu.memory_space<vmem>>, vector<16xf32>,
      tpu.vector_store %arg28[%swap3A_246], %broadcast_in_dim3A_245 {strides = array<i32>} : memref<1200xf32, #tpu.memory_space<vmem>>, vector<16xf32>,
      %swap3A_248 = arith.constant 16 : index
      %swap3A_249 = tpu.vector_load %arg28[%swap3A_248] {strides = array<i32>} : memref<1200xf32, #tpu.memory_space<vmem>>, vector<16xf32>,
      tpu.vector_store %arg28[%swap3A_248], %broadcast_in_dim3A_245 {strides = array<i32>} : memref<1200xf32, #tpu.memory_space<vmem>>, vector<16xf32>,
      %swap3A_250 = arith.constant 32 : index
      %swap3A_251 = tpu.vector_load %arg28[%swap3A_250] {strides = array<i32>} : memref<1200xf32, #tpu.memory_space<vmem>>, vector<16xf32>,
      tpu.vector_store %arg28[%swap3A_250], %broadcast_in_dim3A_245 {strides = array<i32>} : memref<1200xf32, #tpu.memory_space<vmem>>, vector<16xf32>,
      %swap3A_252 = arith.constant 48 : index
      %swap3A_253 = tpu.vector_load %arg28[%swap3A_252] {strides = array<i32>} : memref<1200xf32, #tpu.memory_space<vmem>>, vector<16xf32>,
      tpu.vector_store %arg28[%swap3A_252], %broadcast_in_dim3A_245 {strides = array<i32>} : memref<1200xf32, #tpu.memory_space<vmem>>, vector<16xf32>,
      %swap3A_254 = arith.constant 64 : index
      %swap3A_255 = tpu.vector_load %arg28[%swap3A_254] {strides = array<i32>} : memref<1200xf32, #tpu.memory_space<vmem>>, vector<16xf32>,
      tpu.vector_store %arg28[%swap3A_254], %broadcast_in_dim3A_245 {strides = array<i32>} : memref<1200xf32, #tpu.memory_space<vmem>>, vector<16xf32>,
      %swap3A_256 = arith.constant 80 : index
      %swap3A_257 = tpu.vector_load %arg28[%swap3A_256] {strides = array<i32>} : memref<1200xf32, #tpu.memory_space<vmem>>, vector<16xf32>,
      tpu.vector_store %arg28[%swap3A_256], %broadcast_in_dim3A_245 {strides = array<i32>} : memref<1200xf32, #tpu.memory_space<vmem>>, vector<16xf32>,
      %swap3A_258 = arith.constant 96 : index
      %swap3A_259 = tpu.vector_load %arg28[%swap3A_258] {strides = array<i32>} : memref<1200xf32, #tpu.memory_space<vmem>>, vector<16xf32>,
      tpu.vector_store %arg28[%swap3A_258], %broadcast_in_dim3A_245 {strides = array<i32>} : memref<1200xf32, #tpu.memory_space<vmem>>, vector<16xf32>,
      %swap3A_260 = arith.constant 112 : index
      %swap3A_261 = tpu.vector_load %arg28[%swap3A_260] {strides = array<i32>} : memref<1200xf32, #tpu.memory_space<vmem>>, vector<16xf32>,
      tpu.vector_store %arg28[%swap3A_260], %broadcast_in_dim3A_245 {strides = array<i32>} : memref<1200xf32, #tpu.memory_space<vmem>>, vector<16xf32>,
      %swap3A_262 = arith.constant 128 : index
      %swap3A_263 = tpu.vector_load %arg28[%swap3A_262] {strides = array<i32>} : memref<1200xf32, #tpu.memory_space<vmem>>, vector<16xf32>,
      tpu.vector_store %arg28[%swap3A_262], %broadcast_in_dim3A_245 {strides = array<i32>} : memref<1200xf32, #tpu.memory_space<vmem>>, vector<16xf32>,
      %mul3A_264 = arith.constant 9 : i32
      %mul3A_265 = arith.muli %add3A, %mul3A_264 : i32
      %mul3A_266 = arith.constant 6144 : i32
      %mul3A_267 = arith.muli %mul3A_265, %mul3A_266 : i32
      %add3A_268 = arith.constant 0 : i32
      %add3A_269 = arith.addi %mul3A_267, %add3A_268 : i32
      %add3A_270 = arith.constant 6000 : i32
      %add3A_271 = arith.addi %add3A_269, %add3A_270 : i32
      "tpu.region"() ({
        %run_scoped3A = tpu.sem_alloc : memref<!tpu.dma_semaphore, #tpu.memory_space<semaphore_mem>>
        %dma_start3A_889 = arith.constant 0 : i32
        %dma_start3A_890 = tpu.memref_slice %arg20[%dma_start3A_889] : memref<1200xf32, #tpu.memory_space<vmem>> -> memref<144xf32, #tpu.memory_space<vmem>>
        %dma_start3A_891 = tpu.memref_slice %arg5[%add3A_271] : memref<442368xf32, #tpu.memory_space<hbm>> -> memref<144xf32, #tpu.memory_space<hbm>>
        %dma_start3A_892 = tpu.memref_slice %arg5[%add3A_271] : memref<442368xf32, #tpu.memory_space<hbm>> -> memref<144xf32, #tpu.memory_space<hbm>>
        %dma_start3A_893 = arith.constant 0 : i32
        %dma_start3A_894 = tpu.memref_slice %arg20[%dma_start3A_893] : memref<1200xf32, #tpu.memory_space<vmem>> -> memref<144xf32, #tpu.memory_space<vmem>>
        tpu.enqueue_dma source(%dma_start3A_894 : memref<144xf32, #tpu.memory_space<vmem>>) target(%dma_start3A_892 : memref<144xf32, #tpu.memory_space<hbm>>) target_semaphore(%run_scoped3A : memref<!tpu.dma_semaphore, #tpu.memory_space<semaphore_mem>>)
        %dma_wait3A_895 = arith.constant 0 : i32
        %dma_wait3A_896 = tpu.memref_slice %arg20[%dma_wait3A_895] : memref<1200xf32, #tpu.memory_space<vmem>> -> memref<144xf32, #tpu.memory_space<vmem>>
        %dma_wait3A_897 = tpu.memref_slice %arg5[%add3A_271] : memref<442368xf32, #tpu.memory_space<hbm>> -> memref<144xf32, #tpu.memory_space<hbm>>
        %dma_wait3A_898 = tpu.memref_slice %arg5[%add3A_271] : memref<442368xf32, #tpu.memory_space<hbm>> -> memref<144xf32, #tpu.memory_space<hbm>>
        %dma_wait3A_899 = arith.constant 0 : i32
        %dma_wait3A_900 = tpu.memref_slice %arg20[%dma_wait3A_899] : memref<1200xf32, #tpu.memory_space<vmem>> -> memref<144xf32, #tpu.memory_space<vmem>>
        tpu.wait_dma2 semaphore(%run_scoped3A : memref<!tpu.dma_semaphore, #tpu.memory_space<semaphore_mem>>) src(%dma_wait3A_900 : memref<144xf32, #tpu.memory_space<vmem>>) dst(%dma_wait3A_898 : memref<144xf32, #tpu.memory_space<hbm>>)
        tpu.yield
      }) : () -> ()
      %mul3A_272 = arith.constant 9 : i32
      %mul3A_273 = arith.muli %add3A, %mul3A_272 : i32
      %mul3A_274 = arith.constant 6144 : i32
      %mul3A_275 = arith.muli %mul3A_273, %mul3A_274 : i32
      %add3A_276 = arith.constant 6144 : i32
      %add3A_277 = arith.addi %mul3A_275, %add3A_276 : i32
      %add3A_278 = arith.constant 6000 : i32
      %add3A_279 = arith.addi %add3A_277, %add3A_278 : i32
      "tpu.region"() ({
        %run_scoped3A = tpu.sem_alloc : memref<!tpu.dma_semaphore, #tpu.memory_space<semaphore_mem>>
        %dma_start3A_889 = arith.constant 0 : i32
        %dma_start3A_890 = tpu.memref_slice %arg21[%dma_start3A_889] : memref<1200xf32, #tpu.memory_space<vmem>> -> memref<144xf32, #tpu.memory_space<vmem>>
        %dma_start3A_891 = tpu.memref_slice %arg5[%add3A_279] : memref<442368xf32, #tpu.memory_space<hbm>> -> memref<144xf32, #tpu.memory_space<hbm>>
        %dma_start3A_892 = tpu.memref_slice %arg5[%add3A_279] : memref<442368xf32, #tpu.memory_space<hbm>> -> memref<144xf32, #tpu.memory_space<hbm>>
        %dma_start3A_893 = arith.constant 0 : i32
        %dma_start3A_894 = tpu.memref_slice %arg21[%dma_start3A_893] : memref<1200xf32, #tpu.memory_space<vmem>> -> memref<144xf32, #tpu.memory_space<vmem>>
        tpu.enqueue_dma source(%dma_start3A_894 : memref<144xf32, #tpu.memory_space<vmem>>) target(%dma_start3A_892 : memref<144xf32, #tpu.memory_space<hbm>>) target_semaphore(%run_scoped3A : memref<!tpu.dma_semaphore, #tpu.memory_space<semaphore_mem>>)
        %dma_wait3A_895 = arith.constant 0 : i32
        %dma_wait3A_896 = tpu.memref_slice %arg21[%dma_wait3A_895] : memref<1200xf32, #tpu.memory_space<vmem>> -> memref<144xf32, #tpu.memory_space<vmem>>
        %dma_wait3A_897 = tpu.memref_slice %arg5[%add3A_279] : memref<442368xf32, #tpu.memory_space<hbm>> -> memref<144xf32, #tpu.memory_space<hbm>>
        %dma_wait3A_898 = tpu.memref_slice %arg5[%add3A_279] : memref<442368xf32, #tpu.memory_space<hbm>> -> memref<144xf32, #tpu.memory_space<hbm>>
        %dma_wait3A_899 = arith.constant 0 : i32
        %dma_wait3A_900 = tpu.memref_slice %arg21[%dma_wait3A_899] : memref<1200xf32, #tpu.memory_space<vmem>> -> memref<144xf32, #tpu.memory_space<vmem>>
        tpu.wait_dma2 semaphore(%run_scoped3A : memref<!tpu.dma_semaphore, #tpu.memory_space<semaphore_mem>>) src(%dma_wait3A_900 : memref<144xf32, #tpu.memory_space<vmem>>) dst(%dma_wait3A_898 : memref<144xf32, #tpu.memory_space<hbm>>)
        tpu.yield
      }) : () -> ()
      %mul3A_280 = arith.constant 9 : i32
      %mul3A_281 = arith.muli %add3A, %mul3A_280 : i32
      %mul3A_282 = arith.constant 6144 : i32
      %mul3A_283 = arith.muli %mul3A_281, %mul3A_282 : i32
      %add3A_284 = arith.constant 12288 : i32
      %add3A_285 = arith.addi %mul3A_283, %add3A_284 : i32
      %add3A_286 = arith.constant 6000 : i32
      %add3A_287 = arith.addi %add3A_285, %add3A_286 : i32
      "tpu.region"() ({
        %run_scoped3A = tpu.sem_alloc : memref<!tpu.dma_semaphore, #tpu.memory_space<semaphore_mem>>
        %dma_start3A_889 = arith.constant 0 : i32
        %dma_start3A_890 = tpu.memref_slice %arg22[%dma_start3A_889] : memref<1200xf32, #tpu.memory_space<vmem>> -> memref<144xf32, #tpu.memory_space<vmem>>
        %dma_start3A_891 = tpu.memref_slice %arg5[%add3A_287] : memref<442368xf32, #tpu.memory_space<hbm>> -> memref<144xf32, #tpu.memory_space<hbm>>
        %dma_start3A_892 = tpu.memref_slice %arg5[%add3A_287] : memref<442368xf32, #tpu.memory_space<hbm>> -> memref<144xf32, #tpu.memory_space<hbm>>
        %dma_start3A_893 = arith.constant 0 : i32
        %dma_start3A_894 = tpu.memref_slice %arg22[%dma_start3A_893] : memref<1200xf32, #tpu.memory_space<vmem>> -> memref<144xf32, #tpu.memory_space<vmem>>
        tpu.enqueue_dma source(%dma_start3A_894 : memref<144xf32, #tpu.memory_space<vmem>>) target(%dma_start3A_892 : memref<144xf32, #tpu.memory_space<hbm>>) target_semaphore(%run_scoped3A : memref<!tpu.dma_semaphore, #tpu.memory_space<semaphore_mem>>)
        %dma_wait3A_895 = arith.constant 0 : i32
        %dma_wait3A_896 = tpu.memref_slice %arg22[%dma_wait3A_895] : memref<1200xf32, #tpu.memory_space<vmem>> -> memref<144xf32, #tpu.memory_space<vmem>>
        %dma_wait3A_897 = tpu.memref_slice %arg5[%add3A_287] : memref<442368xf32, #tpu.memory_space<hbm>> -> memref<144xf32, #tpu.memory_space<hbm>>
        %dma_wait3A_898 = tpu.memref_slice %arg5[%add3A_287] : memref<442368xf32, #tpu.memory_space<hbm>> -> memref<144xf32, #tpu.memory_space<hbm>>
        %dma_wait3A_899 = arith.constant 0 : i32
        %dma_wait3A_900 = tpu.memref_slice %arg22[%dma_wait3A_899] : memref<1200xf32, #tpu.memory_space<vmem>> -> memref<144xf32, #tpu.memory_space<vmem>>
        tpu.wait_dma2 semaphore(%run_scoped3A : memref<!tpu.dma_semaphore, #tpu.memory_space<semaphore_mem>>) src(%dma_wait3A_900 : memref<144xf32, #tpu.memory_space<vmem>>) dst(%dma_wait3A_898 : memref<144xf32, #tpu.memory_space<hbm>>)
        tpu.yield
      }) : () -> ()
      %mul3A_288 = arith.constant 9 : i32
      %mul3A_289 = arith.muli %add3A, %mul3A_288 : i32
      %mul3A_290 = arith.constant 6144 : i32
      %mul3A_291 = arith.muli %mul3A_289, %mul3A_290 : i32
      %add3A_292 = arith.constant 18432 : i32
      %add3A_293 = arith.addi %mul3A_291, %add3A_292 : i32
      %add3A_294 = arith.constant 6000 : i32
      %add3A_295 = arith.addi %add3A_293, %add3A_294 : i32
      "tpu.region"() ({
        %run_scoped3A = tpu.sem_alloc : memref<!tpu.dma_semaphore, #tpu.memory_space<semaphore_mem>>
        %dma_start3A_889 = arith.constant 0 : i32
        %dma_start3A_890 = tpu.memref_slice %arg23[%dma_start3A_889] : memref<1200xf32, #tpu.memory_space<vmem>> -> memref<144xf32, #tpu.memory_space<vmem>>
        %dma_start3A_891 = tpu.memref_slice %arg5[%add3A_295] : memref<442368xf32, #tpu.memory_space<hbm>> -> memref<144xf32, #tpu.memory_space<hbm>>
        %dma_start3A_892 = tpu.memref_slice %arg5[%add3A_295] : memref<442368xf32, #tpu.memory_space<hbm>> -> memref<144xf32, #tpu.memory_space<hbm>>
        %dma_start3A_893 = arith.constant 0 : i32
        %dma_start3A_894 = tpu.memref_slice %arg23[%dma_start3A_893] : memref<1200xf32, #tpu.memory_space<vmem>> -> memref<144xf32, #tpu.memory_space<vmem>>
        tpu.enqueue_dma source(%dma_start3A_894 : memref<144xf32, #tpu.memory_space<vmem>>) target(%dma_start3A_892 : memref<144xf32, #tpu.memory_space<hbm>>) target_semaphore(%run_scoped3A : memref<!tpu.dma_semaphore, #tpu.memory_space<semaphore_mem>>)
        %dma_wait3A_895 = arith.constant 0 : i32
        %dma_wait3A_896 = tpu.memref_slice %arg23[%dma_wait3A_895] : memref<1200xf32, #tpu.memory_space<vmem>> -> memref<144xf32, #tpu.memory_space<vmem>>
        %dma_wait3A_897 = tpu.memref_slice %arg5[%add3A_295] : memref<442368xf32, #tpu.memory_space<hbm>> -> memref<144xf32, #tpu.memory_space<hbm>>
        %dma_wait3A_898 = tpu.memref_slice %arg5[%add3A_295] : memref<442368xf32, #tpu.memory_space<hbm>> -> memref<144xf32, #tpu.memory_space<hbm>>
        %dma_wait3A_899 = arith.constant 0 : i32
        %dma_wait3A_900 = tpu.memref_slice %arg23[%dma_wait3A_899] : memref<1200xf32, #tpu.memory_space<vmem>> -> memref<144xf32, #tpu.memory_space<vmem>>
        tpu.wait_dma2 semaphore(%run_scoped3A : memref<!tpu.dma_semaphore, #tpu.memory_space<semaphore_mem>>) src(%dma_wait3A_900 : memref<144xf32, #tpu.memory_space<vmem>>) dst(%dma_wait3A_898 : memref<144xf32, #tpu.memory_space<hbm>>)
        tpu.yield
      }) : () -> ()
      %mul3A_296 = arith.constant 9 : i32
      %mul3A_297 = arith.muli %add3A, %mul3A_296 : i32
      %mul3A_298 = arith.constant 6144 : i32
      %mul3A_299 = arith.muli %mul3A_297, %mul3A_298 : i32
      %add3A_300 = arith.constant 24576 : i32
      %add3A_301 = arith.addi %mul3A_299, %add3A_300 : i32
      %add3A_302 = arith.constant 6000 : i32
      %add3A_303 = arith.addi %add3A_301, %add3A_302 : i32
      "tpu.region"() ({
        %run_scoped3A = tpu.sem_alloc : memref<!tpu.dma_semaphore, #tpu.memory_space<semaphore_mem>>
        %dma_start3A_889 = arith.constant 0 : i32
        %dma_start3A_890 = tpu.memref_slice %arg24[%dma_start3A_889] : memref<1200xf32, #tpu.memory_space<vmem>> -> memref<144xf32, #tpu.memory_space<vmem>>
        %dma_start3A_891 = tpu.memref_slice %arg5[%add3A_303] : memref<442368xf32, #tpu.memory_space<hbm>> -> memref<144xf32, #tpu.memory_space<hbm>>
        %dma_start3A_892 = tpu.memref_slice %arg5[%add3A_303] : memref<442368xf32, #tpu.memory_space<hbm>> -> memref<144xf32, #tpu.memory_space<hbm>>
        %dma_start3A_893 = arith.constant 0 : i32
        %dma_start3A_894 = tpu.memref_slice %arg24[%dma_start3A_893] : memref<1200xf32, #tpu.memory_space<vmem>> -> memref<144xf32, #tpu.memory_space<vmem>>
        tpu.enqueue_dma source(%dma_start3A_894 : memref<144xf32, #tpu.memory_space<vmem>>) target(%dma_start3A_892 : memref<144xf32, #tpu.memory_space<hbm>>) target_semaphore(%run_scoped3A : memref<!tpu.dma_semaphore, #tpu.memory_space<semaphore_mem>>)
        %dma_wait3A_895 = arith.constant 0 : i32
        %dma_wait3A_896 = tpu.memref_slice %arg24[%dma_wait3A_895] : memref<1200xf32, #tpu.memory_space<vmem>> -> memref<144xf32, #tpu.memory_space<vmem>>
        %dma_wait3A_897 = tpu.memref_slice %arg5[%add3A_303] : memref<442368xf32, #tpu.memory_space<hbm>> -> memref<144xf32, #tpu.memory_space<hbm>>
        %dma_wait3A_898 = tpu.memref_slice %arg5[%add3A_303] : memref<442368xf32, #tpu.memory_space<hbm>> -> memref<144xf32, #tpu.memory_space<hbm>>
        %dma_wait3A_899 = arith.constant 0 : i32
        %dma_wait3A_900 = tpu.memref_slice %arg24[%dma_wait3A_899] : memref<1200xf32, #tpu.memory_space<vmem>> -> memref<144xf32, #tpu.memory_space<vmem>>
        tpu.wait_dma2 semaphore(%run_scoped3A : memref<!tpu.dma_semaphore, #tpu.memory_space<semaphore_mem>>) src(%dma_wait3A_900 : memref<144xf32, #tpu.memory_space<vmem>>) dst(%dma_wait3A_898 : memref<144xf32, #tpu.memory_space<hbm>>)
        tpu.yield
      }) : () -> ()
      %mul3A_304 = arith.constant 9 : i32
      %mul3A_305 = arith.muli %add3A, %mul3A_304 : i32
      %mul3A_306 = arith.constant 6144 : i32
      %mul3A_307 = arith.muli %mul3A_305, %mul3A_306 : i32
      %add3A_308 = arith.constant 30720 : i32
      %add3A_309 = arith.addi %mul3A_307, %add3A_308 : i32
      %add3A_310 = arith.constant 6000 : i32
      %add3A_311 = arith.addi %add3A_309, %add3A_310 : i32
      "tpu.region"() ({
        %run_scoped3A = tpu.sem_alloc : memref<!tpu.dma_semaphore, #tpu.memory_space<semaphore_mem>>
        %dma_start3A_889 = arith.constant 0 : i32
        %dma_start3A_890 = tpu.memref_slice %arg25[%dma_start3A_889] : memref<1200xf32, #tpu.memory_space<vmem>> -> memref<144xf32, #tpu.memory_space<vmem>>
        %dma_start3A_891 = tpu.memref_slice %arg5[%add3A_311] : memref<442368xf32, #tpu.memory_space<hbm>> -> memref<144xf32, #tpu.memory_space<hbm>>
        %dma_start3A_892 = tpu.memref_slice %arg5[%add3A_311] : memref<442368xf32, #tpu.memory_space<hbm>> -> memref<144xf32, #tpu.memory_space<hbm>>
        %dma_start3A_893 = arith.constant 0 : i32
        %dma_start3A_894 = tpu.memref_slice %arg25[%dma_start3A_893] : memref<1200xf32, #tpu.memory_space<vmem>> -> memref<144xf32, #tpu.memory_space<vmem>>
        tpu.enqueue_dma source(%dma_start3A_894 : memref<144xf32, #tpu.memory_space<vmem>>) target(%dma_start3A_892 : memref<144xf32, #tpu.memory_space<hbm>>) target_semaphore(%run_scoped3A : memref<!tpu.dma_semaphore, #tpu.memory_space<semaphore_mem>>)
        %dma_wait3A_895 = arith.constant 0 : i32
        %dma_wait3A_896 = tpu.memref_slice %arg25[%dma_wait3A_895] : memref<1200xf32, #tpu.memory_space<vmem>> -> memref<144xf32, #tpu.memory_space<vmem>>
        %dma_wait3A_897 = tpu.memref_slice %arg5[%add3A_311] : memref<442368xf32, #tpu.memory_space<hbm>> -> memref<144xf32, #tpu.memory_space<hbm>>
        %dma_wait3A_898 = tpu.memref_slice %arg5[%add3A_311] : memref<442368xf32, #tpu.memory_space<hbm>> -> memref<144xf32, #tpu.memory_space<hbm>>
        %dma_wait3A_899 = arith.constant 0 : i32
        %dma_wait3A_900 = tpu.memref_slice %arg25[%dma_wait3A_899] : memref<1200xf32, #tpu.memory_space<vmem>> -> memref<144xf32, #tpu.memory_space<vmem>>
        tpu.wait_dma2 semaphore(%run_scoped3A : memref<!tpu.dma_semaphore, #tpu.memory_space<semaphore_mem>>) src(%dma_wait3A_900 : memref<144xf32, #tpu.memory_space<vmem>>) dst(%dma_wait3A_898 : memref<144xf32, #tpu.memory_space<hbm>>)
        tpu.yield
      }) : () -> ()
      %mul3A_312 = arith.constant 9 : i32
      %mul3A_313 = arith.muli %add3A, %mul3A_312 : i32
      %mul3A_314 = arith.constant 6144 : i32
      %mul3A_315 = arith.muli %mul3A_313, %mul3A_314 : i32
      %add3A_316 = arith.constant 36864 : i32
      %add3A_317 = arith.addi %mul3A_315, %add3A_316 : i32
      %add3A_318 = arith.constant 6000 : i32
      %add3A_319 = arith.addi %add3A_317, %add3A_318 : i32
      "tpu.region"() ({
        %run_scoped3A = tpu.sem_alloc : memref<!tpu.dma_semaphore, #tpu.memory_space<semaphore_mem>>
        %dma_start3A_889 = arith.constant 0 : i32
        %dma_start3A_890 = tpu.memref_slice %arg26[%dma_start3A_889] : memref<1200xf32, #tpu.memory_space<vmem>> -> memref<144xf32, #tpu.memory_space<vmem>>
        %dma_start3A_891 = tpu.memref_slice %arg5[%add3A_319] : memref<442368xf32, #tpu.memory_space<hbm>> -> memref<144xf32, #tpu.memory_space<hbm>>
        %dma_start3A_892 = tpu.memref_slice %arg5[%add3A_319] : memref<442368xf32, #tpu.memory_space<hbm>> -> memref<144xf32, #tpu.memory_space<hbm>>
        %dma_start3A_893 = arith.constant 0 : i32
        %dma_start3A_894 = tpu.memref_slice %arg26[%dma_start3A_893] : memref<1200xf32, #tpu.memory_space<vmem>> -> memref<144xf32, #tpu.memory_space<vmem>>
        tpu.enqueue_dma source(%dma_start3A_894 : memref<144xf32, #tpu.memory_space<vmem>>) target(%dma_start3A_892 : memref<144xf32, #tpu.memory_space<hbm>>) target_semaphore(%run_scoped3A : memref<!tpu.dma_semaphore, #tpu.memory_space<semaphore_mem>>)
        %dma_wait3A_895 = arith.constant 0 : i32
        %dma_wait3A_896 = tpu.memref_slice %arg26[%dma_wait3A_895] : memref<1200xf32, #tpu.memory_space<vmem>> -> memref<144xf32, #tpu.memory_space<vmem>>
        %dma_wait3A_897 = tpu.memref_slice %arg5[%add3A_319] : memref<442368xf32, #tpu.memory_space<hbm>> -> memref<144xf32, #tpu.memory_space<hbm>>
        %dma_wait3A_898 = tpu.memref_slice %arg5[%add3A_319] : memref<442368xf32, #tpu.memory_space<hbm>> -> memref<144xf32, #tpu.memory_space<hbm>>
        %dma_wait3A_899 = arith.constant 0 : i32
        %dma_wait3A_900 = tpu.memref_slice %arg26[%dma_wait3A_899] : memref<1200xf32, #tpu.memory_space<vmem>> -> memref<144xf32, #tpu.memory_space<vmem>>
        tpu.wait_dma2 semaphore(%run_scoped3A : memref<!tpu.dma_semaphore, #tpu.memory_space<semaphore_mem>>) src(%dma_wait3A_900 : memref<144xf32, #tpu.memory_space<vmem>>) dst(%dma_wait3A_898 : memref<144xf32, #tpu.memory_space<hbm>>)
        tpu.yield
      }) : () -> ()
      %mul3A_320 = arith.constant 9 : i32
      %mul3A_321 = arith.muli %add3A, %mul3A_320 : i32
      %mul3A_322 = arith.constant 6144 : i32
      %mul3A_323 = arith.muli %mul3A_321, %mul3A_322 : i32
      %add3A_324 = arith.constant 43008 : i32
      %add3A_325 = arith.addi %mul3A_323, %add3A_324 : i32
      %add3A_326 = arith.constant 6000 : i32
      %add3A_327 = arith.addi %add3A_325, %add3A_326 : i32
      "tpu.region"() ({
        %run_scoped3A = tpu.sem_alloc : memref<!tpu.dma_semaphore, #tpu.memory_space<semaphore_mem>>
        %dma_start3A_889 = arith.constant 0 : i32
        %dma_start3A_890 = tpu.memref_slice %arg27[%dma_start3A_889] : memref<1200xf32, #tpu.memory_space<vmem>> -> memref<144xf32, #tpu.memory_space<vmem>>
        %dma_start3A_891 = tpu.memref_slice %arg5[%add3A_327] : memref<442368xf32, #tpu.memory_space<hbm>> -> memref<144xf32, #tpu.memory_space<hbm>>
        %dma_start3A_892 = tpu.memref_slice %arg5[%add3A_327] : memref<442368xf32, #tpu.memory_space<hbm>> -> memref<144xf32, #tpu.memory_space<hbm>>
        %dma_start3A_893 = arith.constant 0 : i32
        %dma_start3A_894 = tpu.memref_slice %arg27[%dma_start3A_893] : memref<1200xf32, #tpu.memory_space<vmem>> -> memref<144xf32, #tpu.memory_space<vmem>>
        tpu.enqueue_dma source(%dma_start3A_894 : memref<144xf32, #tpu.memory_space<vmem>>) target(%dma_start3A_892 : memref<144xf32, #tpu.memory_space<hbm>>) target_semaphore(%run_scoped3A : memref<!tpu.dma_semaphore, #tpu.memory_space<semaphore_mem>>)
        %dma_wait3A_895 = arith.constant 0 : i32
        %dma_wait3A_896 = tpu.memref_slice %arg27[%dma_wait3A_895] : memref<1200xf32, #tpu.memory_space<vmem>> -> memref<144xf32, #tpu.memory_space<vmem>>
        %dma_wait3A_897 = tpu.memref_slice %arg5[%add3A_327] : memref<442368xf32, #tpu.memory_space<hbm>> -> memref<144xf32, #tpu.memory_space<hbm>>
        %dma_wait3A_898 = tpu.memref_slice %arg5[%add3A_327] : memref<442368xf32, #tpu.memory_space<hbm>> -> memref<144xf32, #tpu.memory_space<hbm>>
        %dma_wait3A_899 = arith.constant 0 : i32
        %dma_wait3A_900 = tpu.memref_slice %arg27[%dma_wait3A_899] : memref<1200xf32, #tpu.memory_space<vmem>> -> memref<144xf32, #tpu.memory_space<vmem>>
        tpu.wait_dma2 semaphore(%run_scoped3A : memref<!tpu.dma_semaphore, #tpu.memory_space<semaphore_mem>>) src(%dma_wait3A_900 : memref<144xf32, #tpu.memory_space<vmem>>) dst(%dma_wait3A_898 : memref<144xf32, #tpu.memory_space<hbm>>)
        tpu.yield
      }) : () -> ()
      %mul3A_328 = arith.constant 9 : i32
      %mul3A_329 = arith.muli %add3A, %mul3A_328 : i32
      %mul3A_330 = arith.constant 6144 : i32
      %mul3A_331 = arith.muli %mul3A_329, %mul3A_330 : i32
      %add3A_332 = arith.constant 49152 : i32
      %add3A_333 = arith.addi %mul3A_331, %add3A_332 : i32
      %add3A_334 = arith.constant 6000 : i32
      %add3A_335 = arith.addi %add3A_333, %add3A_334 : i32
      "tpu.region"() ({
        %run_scoped3A = tpu.sem_alloc : memref<!tpu.dma_semaphore, #tpu.memory_space<semaphore_mem>>
        %dma_start3A_889 = arith.constant 0 : i32
        %dma_start3A_890 = tpu.memref_slice %arg28[%dma_start3A_889] : memref<1200xf32, #tpu.memory_space<vmem>> -> memref<144xf32, #tpu.memory_space<vmem>>
        %dma_start3A_891 = tpu.memref_slice %arg5[%add3A_335] : memref<442368xf32, #tpu.memory_space<hbm>> -> memref<144xf32, #tpu.memory_space<hbm>>
        %dma_start3A_892 = tpu.memref_slice %arg5[%add3A_335] : memref<442368xf32, #tpu.memory_space<hbm>> -> memref<144xf32, #tpu.memory_space<hbm>>
        %dma_start3A_893 = arith.constant 0 : i32
        %dma_start3A_894 = tpu.memref_slice %arg28[%dma_start3A_893] : memref<1200xf32, #tpu.memory_space<vmem>> -> memref<144xf32, #tpu.memory_space<vmem>>
        tpu.enqueue_dma source(%dma_start3A_894 : memref<144xf32, #tpu.memory_space<vmem>>) target(%dma_start3A_892 : memref<144xf32, #tpu.memory_space<hbm>>) target_semaphore(%run_scoped3A : memref<!tpu.dma_semaphore, #tpu.memory_space<semaphore_mem>>)
        %dma_wait3A_895 = arith.constant 0 : i32
        %dma_wait3A_896 = tpu.memref_slice %arg28[%dma_wait3A_895] : memref<1200xf32, #tpu.memory_space<vmem>> -> memref<144xf32, #tpu.memory_space<vmem>>
        %dma_wait3A_897 = tpu.memref_slice %arg5[%add3A_335] : memref<442368xf32, #tpu.memory_space<hbm>> -> memref<144xf32, #tpu.memory_space<hbm>>
        %dma_wait3A_898 = tpu.memref_slice %arg5[%add3A_335] : memref<442368xf32, #tpu.memory_space<hbm>> -> memref<144xf32, #tpu.memory_space<hbm>>
        %dma_wait3A_899 = arith.constant 0 : i32
        %dma_wait3A_900 = tpu.memref_slice %arg28[%dma_wait3A_899] : memref<1200xf32, #tpu.memory_space<vmem>> -> memref<144xf32, #tpu.memory_space<vmem>>
        tpu.wait_dma2 semaphore(%run_scoped3A : memref<!tpu.dma_semaphore, #tpu.memory_space<semaphore_mem>>) src(%dma_wait3A_900 : memref<144xf32, #tpu.memory_space<vmem>>) dst(%dma_wait3A_898 : memref<144xf32, #tpu.memory_space<hbm>>)
        tpu.yield
      }) : () -> ()
      %scan3A_336 = arith.constant 0 : i32
      %scan3A_337 = arith.constant 0 : i32
      %scan3A_338 = arith.constant 75 : i32
      %scan3A_339 = arith.addi %scan3A_337, %scan3A_338 : i32
      %scan3A_340 = arith.constant 1 : i32
      %scan3A_341 = scf.for %scan3A_889 = %scan3A_337 to %scan3A_339 step %scan3A_340 iter_args(%scan3A_890 = %scan3A_336) -> (i32)  : i32 {
        %mul3A_891 = arith.constant 16 : i32
        %mul3A_892 = arith.muli %scan3A_889, %mul3A_891 : i32
        %add3A_893 = arith.constant 0 : i32
        %add3A_894 = arith.addi %add3A_893, %mul3A_892 : i32
        %get3A = arith.index_cast %add3A_894 : i32 to index
        %get3A_895 = tpu.vector_load %arg9[%get3A] {strides = array<i32>} : memref<22512xi32, #tpu.memory_space<vmem>>, vector<16xi32>,
        %mul3A_896 = arith.constant 16 : i32
        %mul3A_897 = arith.muli %scan3A_889, %mul3A_896 : i32
        %mul3A_898 = arith.constant 22500 : i32
        %mul3A_899 = arith.muli %add3A, %mul3A_898 : i32
        %add3A_900 = vector.broadcast %mul3A_899 : i32 to vector<16xi32>
        %add3A_901 = arith.addi %get3A_895, %add3A_900 : vector<16xi32>
        %mul3A_902 = arith.constant 4 : i32
        %mul3A_903 = vector.broadcast %mul3A_902 : i32 to vector<16xi32>
        %mul3A_904 = arith.muli %add3A_901, %mul3A_903 : vector<16xi32>
        %mul3A_905 = arith.constant 4 : i32
        %mul3A_906 = vector.broadcast %mul3A_905 : i32 to vector<16xi32>
        %mul3A_907 = arith.muli %get3A_895, %mul3A_906 : vector<16xi32>
        %add3A_908 = arith.constant 0 : i32
        %add3A_909 = vector.broadcast %add3A_908 : i32 to vector<16xi32>
        %add3A_910 = arith.addi %mul3A_904, %add3A_909 : vector<16xi32>
        %swap3A_911 = arith.index_cast %mul3A_897 : i32 to index
        %swap3A_912 = tpu.vector_load %arg12[%swap3A_911] {strides = array<i32>} : memref<1200xi32, #tpu.memory_space<vmem>>, vector<16xi32>,
        tpu.vector_store %arg12[%swap3A_911], %add3A_910 {strides = array<i32>} : memref<1200xi32, #tpu.memory_space<vmem>>, vector<16xi32>,
        %add3A_913 = arith.constant 0 : i32
        %add3A_914 = vector.broadcast %add3A_913 : i32 to vector<16xi32>
        %add3A_915 = arith.addi %mul3A_907, %add3A_914 : vector<16xi32>
        %swap3A_916 = arith.index_cast %mul3A_897 : i32 to index
        %swap3A_917 = tpu.vector_load %arg16[%swap3A_916] {strides = array<i32>} : memref<1200xi32, #tpu.memory_space<vmem>>, vector<16xi32>,
        tpu.vector_store %arg16[%swap3A_916], %add3A_915 {strides = array<i32>} : memref<1200xi32, #tpu.memory_space<vmem>>, vector<16xi32>,
        %add3A_918 = arith.constant 1 : i32
        %add3A_919 = vector.broadcast %add3A_918 : i32 to vector<16xi32>
        %add3A_920 = arith.addi %mul3A_904, %add3A_919 : vector<16xi32>
        %swap3A_921 = arith.index_cast %mul3A_897 : i32 to index
        %swap3A_922 = tpu.vector_load %arg13[%swap3A_921] {strides = array<i32>} : memref<1200xi32, #tpu.memory_space<vmem>>, vector<16xi32>,
        tpu.vector_store %arg13[%swap3A_921], %add3A_920 {strides = array<i32>} : memref<1200xi32, #tpu.memory_space<vmem>>, vector<16xi32>,
        %add3A_923 = arith.constant 1 : i32
        %add3A_924 = vector.broadcast %add3A_923 : i32 to vector<16xi32>
        %add3A_925 = arith.addi %mul3A_907, %add3A_924 : vector<16xi32>
        %swap3A_926 = arith.index_cast %mul3A_897 : i32 to index
        %swap3A_927 = tpu.vector_load %arg17[%swap3A_926] {strides = array<i32>} : memref<1200xi32, #tpu.memory_space<vmem>>, vector<16xi32>,
        tpu.vector_store %arg17[%swap3A_926], %add3A_925 {strides = array<i32>} : memref<1200xi32, #tpu.memory_space<vmem>>, vector<16xi32>,
        %add3A_928 = arith.constant 2 : i32
        %add3A_929 = vector.broadcast %add3A_928 : i32 to vector<16xi32>
        %add3A_930 = arith.addi %mul3A_904, %add3A_929 : vector<16xi32>
        %swap3A_931 = arith.index_cast %mul3A_897 : i32 to index
        %swap3A_932 = tpu.vector_load %arg14[%swap3A_931] {strides = array<i32>} : memref<1200xi32, #tpu.memory_space<vmem>>, vector<16xi32>,
        tpu.vector_store %arg14[%swap3A_931], %add3A_930 {strides = array<i32>} : memref<1200xi32, #tpu.memory_space<vmem>>, vector<16xi32>,
        %add3A_933 = arith.constant 2 : i32
        %add3A_934 = vector.broadcast %add3A_933 : i32 to vector<16xi32>
        %add3A_935 = arith.addi %mul3A_907, %add3A_934 : vector<16xi32>
        %swap3A_936 = arith.index_cast %mul3A_897 : i32 to index
        %swap3A_937 = tpu.vector_load %arg18[%swap3A_936] {strides = array<i32>} : memref<1200xi32, #tpu.memory_space<vmem>>, vector<16xi32>,
        tpu.vector_store %arg18[%swap3A_936], %add3A_935 {strides = array<i32>} : memref<1200xi32, #tpu.memory_space<vmem>>, vector<16xi32>,
        %add3A_938 = arith.constant 3 : i32
        %add3A_939 = vector.broadcast %add3A_938 : i32 to vector<16xi32>
        %add3A_940 = arith.addi %mul3A_904, %add3A_939 : vector<16xi32>
        %swap3A_941 = arith.index_cast %mul3A_897 : i32 to index
        %swap3A_942 = tpu.vector_load %arg15[%swap3A_941] {strides = array<i32>} : memref<1200xi32, #tpu.memory_space<vmem>>, vector<16xi32>,
        tpu.vector_store %arg15[%swap3A_941], %add3A_940 {strides = array<i32>} : memref<1200xi32, #tpu.memory_space<vmem>>, vector<16xi32>,
        %add3A_943 = arith.constant 3 : i32
        %add3A_944 = vector.broadcast %add3A_943 : i32 to vector<16xi32>
        %add3A_945 = arith.addi %mul3A_907, %add3A_944 : vector<16xi32>
        %swap3A_946 = arith.index_cast %mul3A_897 : i32 to index
        %swap3A_947 = tpu.vector_load %arg19[%swap3A_946] {strides = array<i32>} : memref<1200xi32, #tpu.memory_space<vmem>>, vector<16xi32>,
        tpu.vector_store %arg19[%swap3A_946], %add3A_945 {strides = array<i32>} : memref<1200xi32, #tpu.memory_space<vmem>>, vector<16xi32>,
        %mul3A_948 = arith.constant 16 : i32
        %mul3A_949 = arith.muli %scan3A_889, %mul3A_948 : i32
        %add3A_950 = arith.constant 0 : i32
        %add3A_951 = arith.addi %add3A_950, %mul3A_949 : i32
        %get3A_952 = arith.index_cast %add3A_951 : i32 to index
        %get3A_953 = tpu.vector_load %arg7[%get3A_952] {strides = array<i32>} : memref<22512xi32, #tpu.memory_space<vmem>>, vector<16xi32>,
        %sub3A = arith.constant 1065353216 : i32
        %sub3A_954 = vector.broadcast %sub3A : i32 to vector<16xi32>
        %sub3A_955 = arith.subi %sub3A_954, %get3A_953 : vector<16xi32>
        %bitcast3A = vector.bitcast %sub3A_955 : vector<16xi32> to vector<16xf32>
        %swap3A_956 = arith.index_cast %mul3A_897 : i32 to index
        %swap3A_957 = tpu.vector_load %arg20[%swap3A_956] {strides = array<i32>} : memref<1200xf32, #tpu.memory_space<vmem>>, vector<16xf32>,
        tpu.vector_store %arg20[%swap3A_956], %bitcast3A {strides = array<i32>} : memref<1200xf32, #tpu.memory_space<vmem>>, vector<16xf32>,
        %scan3A_958 = arith.constant 0 : i32
        scf.yield %scan3A_958 : i32
      }
      %scan3A_342 = arith.constant 75 : i32
      %dma_start3A = arith.constant 0 : i32
      %dma_start3A_343 = tpu.memref_slice %arg3[%dma_start3A] : memref<720000xf32, #tpu.memory_space<hbm>> -> memref<720000xf32, #tpu.memory_space<hbm>>
      tpu.enqueue_indirect_dma source(%dma_start3A_343 : memref<720000xf32, #tpu.memory_space<hbm>>) target(%arg21 : memref<1200xf32, #tpu.memory_space<vmem>>) offsets(%arg12 : memref<1200xi32, #tpu.memory_space<vmem>>) semaphore(%arg11 : memref<!tpu.dma_semaphore, #tpu.memory_space<semaphore_mem>>)
      %dma_start3A_344 = arith.constant 0 : i32
      %dma_start3A_345 = tpu.memref_slice %arg3[%dma_start3A_344] : memref<720000xf32, #tpu.memory_space<hbm>> -> memref<720000xf32, #tpu.memory_space<hbm>>
      tpu.enqueue_indirect_dma source(%dma_start3A_345 : memref<720000xf32, #tpu.memory_space<hbm>>) target(%arg22 : memref<1200xf32, #tpu.memory_space<vmem>>) offsets(%arg13 : memref<1200xi32, #tpu.memory_space<vmem>>) semaphore(%arg11 : memref<!tpu.dma_semaphore, #tpu.memory_space<semaphore_mem>>)
      %dma_start3A_346 = arith.constant 0 : i32
      %dma_start3A_347 = tpu.memref_slice %arg3[%dma_start3A_346] : memref<720000xf32, #tpu.memory_space<hbm>> -> memref<720000xf32, #tpu.memory_space<hbm>>
      tpu.enqueue_indirect_dma source(%dma_start3A_347 : memref<720000xf32, #tpu.memory_space<hbm>>) target(%arg23 : memref<1200xf32, #tpu.memory_space<vmem>>) offsets(%arg14 : memref<1200xi32, #tpu.memory_space<vmem>>) semaphore(%arg11 : memref<!tpu.dma_semaphore, #tpu.memory_space<semaphore_mem>>)
      %dma_start3A_348 = arith.constant 0 : i32
      %dma_start3A_349 = tpu.memref_slice %arg3[%dma_start3A_348] : memref<720000xf32, #tpu.memory_space<hbm>> -> memref<720000xf32, #tpu.memory_space<hbm>>
      tpu.enqueue_indirect_dma source(%dma_start3A_349 : memref<720000xf32, #tpu.memory_space<hbm>>) target(%arg24 : memref<1200xf32, #tpu.memory_space<vmem>>) offsets(%arg15 : memref<1200xi32, #tpu.memory_space<vmem>>) semaphore(%arg11 : memref<!tpu.dma_semaphore, #tpu.memory_space<semaphore_mem>>)
      %dma_start3A_350 = arith.constant 0 : i32
      %dma_start3A_351 = tpu.memref_slice %arg4[%dma_start3A_350] : memref<90000xf32, #tpu.memory_space<hbm>> -> memref<90000xf32, #tpu.memory_space<hbm>>
      tpu.enqueue_indirect_dma source(%dma_start3A_351 : memref<90000xf32, #tpu.memory_space<hbm>>) target(%arg25 : memref<1200xf32, #tpu.memory_space<vmem>>) offsets(%arg16 : memref<1200xi32, #tpu.memory_space<vmem>>) semaphore(%arg11 : memref<!tpu.dma_semaphore, #tpu.memory_space<semaphore_mem>>)
      %dma_start3A_352 = arith.constant 0 : i32
      %dma_start3A_353 = tpu.memref_slice %arg4[%dma_start3A_352] : memref<90000xf32, #tpu.memory_space<hbm>> -> memref<90000xf32, #tpu.memory_space<hbm>>
      tpu.enqueue_indirect_dma source(%dma_start3A_353 : memref<90000xf32, #tpu.memory_space<hbm>>) target(%arg26 : memref<1200xf32, #tpu.memory_space<vmem>>) offsets(%arg17 : memref<1200xi32, #tpu.memory_space<vmem>>) semaphore(%arg11 : memref<!tpu.dma_semaphore, #tpu.memory_space<semaphore_mem>>)
      %dma_start3A_354 = arith.constant 0 : i32
      %dma_start3A_355 = tpu.memref_slice %arg4[%dma_start3A_354] : memref<90000xf32, #tpu.memory_space<hbm>> -> memref<90000xf32, #tpu.memory_space<hbm>>
      tpu.enqueue_indirect_dma source(%dma_start3A_355 : memref<90000xf32, #tpu.memory_space<hbm>>) target(%arg27 : memref<1200xf32, #tpu.memory_space<vmem>>) offsets(%arg18 : memref<1200xi32, #tpu.memory_space<vmem>>) semaphore(%arg11 : memref<!tpu.dma_semaphore, #tpu.memory_space<semaphore_mem>>)
      %dma_start3A_356 = arith.constant 0 : i32
      %dma_start3A_357 = tpu.memref_slice %arg4[%dma_start3A_356] : memref<90000xf32, #tpu.memory_space<hbm>> -> memref<90000xf32, #tpu.memory_space<hbm>>
      tpu.enqueue_indirect_dma source(%dma_start3A_357 : memref<90000xf32, #tpu.memory_space<hbm>>) target(%arg28 : memref<1200xf32, #tpu.memory_space<vmem>>) offsets(%arg19 : memref<1200xi32, #tpu.memory_space<vmem>>) semaphore(%arg11 : memref<!tpu.dma_semaphore, #tpu.memory_space<semaphore_mem>>)
      %dma_wait3A = arith.constant 0 : i32
      %dma_wait3A_358 = tpu.memref_slice %arg3[%dma_wait3A] : memref<720000xf32, #tpu.memory_space<hbm>> -> memref<720000xf32, #tpu.memory_space<hbm>>
      tpu.wait_indirect_dma semaphore(%arg11 : memref<!tpu.dma_semaphore, #tpu.memory_space<semaphore_mem>>) src(%dma_wait3A_358 : memref<720000xf32, #tpu.memory_space<hbm>>) dst(%arg21 : memref<1200xf32, #tpu.memory_space<vmem>>)
      %dma_wait3A_359 = arith.constant 0 : i32
      %dma_wait3A_360 = tpu.memref_slice %arg3[%dma_wait3A_359] : memref<720000xf32, #tpu.memory_space<hbm>> -> memref<720000xf32, #tpu.memory_space<hbm>>
      tpu.wait_indirect_dma semaphore(%arg11 : memref<!tpu.dma_semaphore, #tpu.memory_space<semaphore_mem>>) src(%dma_wait3A_360 : memref<720000xf32, #tpu.memory_space<hbm>>) dst(%arg22 : memref<1200xf32, #tpu.memory_space<vmem>>)
      %dma_wait3A_361 = arith.constant 0 : i32
      %dma_wait3A_362 = tpu.memref_slice %arg3[%dma_wait3A_361] : memref<720000xf32, #tpu.memory_space<hbm>> -> memref<720000xf32, #tpu.memory_space<hbm>>
      tpu.wait_indirect_dma semaphore(%arg11 : memref<!tpu.dma_semaphore, #tpu.memory_space<semaphore_mem>>) src(%dma_wait3A_362 : memref<720000xf32, #tpu.memory_space<hbm>>) dst(%arg23 : memref<1200xf32, #tpu.memory_space<vmem>>)
      %dma_wait3A_363 = arith.constant 0 : i32
      %dma_wait3A_364 = tpu.memref_slice %arg3[%dma_wait3A_363] : memref<720000xf32, #tpu.memory_space<hbm>> -> memref<720000xf32, #tpu.memory_space<hbm>>
      tpu.wait_indirect_dma semaphore(%arg11 : memref<!tpu.dma_semaphore, #tpu.memory_space<semaphore_mem>>) src(%dma_wait3A_364 : memref<720000xf32, #tpu.memory_space<hbm>>) dst(%arg24 : memref<1200xf32, #tpu.memory_space<vmem>>)
      %dma_wait3A_365 = arith.constant 0 : i32
      %dma_wait3A_366 = tpu.memref_slice %arg4[%dma_wait3A_365] : memref<90000xf32, #tpu.memory_space<hbm>> -> memref<90000xf32, #tpu.memory_space<hbm>>
      tpu.wait_indirect_dma semaphore(%arg11 : memref<!tpu.dma_semaphore, #tpu.memory_space<semaphore_mem>>) src(%dma_wait3A_366 : memref<90000xf32, #tpu.memory_space<hbm>>) dst(%arg25 : memref<1200xf32, #tpu.memory_space<vmem>>)
      %dma_wait3A_367 = arith.constant 0 : i32
      %dma_wait3A_368 = tpu.memref_slice %arg4[%dma_wait3A_367] : memref<90000xf32, #tpu.memory_space<hbm>> -> memref<90000xf32, #tpu.memory_space<hbm>>
      tpu.wait_indirect_dma semaphore(%arg11 : memref<!tpu.dma_semaphore, #tpu.memory_space<semaphore_mem>>) src(%dma_wait3A_368 : memref<90000xf32, #tpu.memory_space<hbm>>) dst(%arg26 : memref<1200xf32, #tpu.memory_space<vmem>>)
      %dma_wait3A_369 = arith.constant 0 : i32
      %dma_wait3A_370 = tpu.memref_slice %arg4[%dma_wait3A_369] : memref<90000xf32, #tpu.memory_space<hbm>> -> memref<90000xf32, #tpu.memory_space<hbm>>
      tpu.wait_indirect_dma semaphore(%arg11 : memref<!tpu.dma_semaphore, #tpu.memory_space<semaphore_mem>>) src(%dma_wait3A_370 : memref<90000xf32, #tpu.memory_space<hbm>>) dst(%arg27 : memref<1200xf32, #tpu.memory_space<vmem>>)
      %dma_wait3A_371 = arith.constant 0 : i32
      %dma_wait3A_372 = tpu.memref_slice %arg4[%dma_wait3A_371] : memref<90000xf32, #tpu.memory_space<hbm>> -> memref<90000xf32, #tpu.memory_space<hbm>>
      tpu.wait_indirect_dma semaphore(%arg11 : memref<!tpu.dma_semaphore, #tpu.memory_space<semaphore_mem>>) src(%dma_wait3A_372 : memref<90000xf32, #tpu.memory_space<hbm>>) dst(%arg28 : memref<1200xf32, #tpu.memory_space<vmem>>)
      %mul3A_373 = arith.constant 9 : i32
      %mul3A_374 = arith.muli %add3A, %mul3A_373 : i32
      %mul3A_375 = arith.constant 6144 : i32
      %mul3A_376 = arith.muli %mul3A_374, %mul3A_375 : i32
      %add3A_377 = arith.constant 0 : i32
      %add3A_378 = arith.addi %mul3A_376, %add3A_377 : i32
      %add3A_379 = arith.constant 0 : i32
      %add3A_380 = arith.addi %add3A_378, %add3A_379 : i32
      "tpu.region"() ({
        %run_scoped3A = tpu.sem_alloc : memref<!tpu.dma_semaphore, #tpu.memory_space<semaphore_mem>>
        %dma_start3A_889 = tpu.memref_slice %arg5[%add3A_380] : memref<442368xf32, #tpu.memory_space<hbm>> -> memref<1200xf32, #tpu.memory_space<hbm>>
        %dma_start3A_890 = tpu.memref_slice %arg5[%add3A_380] : memref<442368xf32, #tpu.memory_space<hbm>> -> memref<1200xf32, #tpu.memory_space<hbm>>
        tpu.enqueue_dma source(%arg20 : memref<1200xf32, #tpu.memory_space<vmem>>) target(%dma_start3A_890 : memref<1200xf32, #tpu.memory_space<hbm>>) target_semaphore(%run_scoped3A : memref<!tpu.dma_semaphore, #tpu.memory_space<semaphore_mem>>)
        %dma_wait3A_891 = tpu.memref_slice %arg5[%add3A_380] : memref<442368xf32, #tpu.memory_space<hbm>> -> memref<1200xf32, #tpu.memory_space<hbm>>
        %dma_wait3A_892 = tpu.memref_slice %arg5[%add3A_380] : memref<442368xf32, #tpu.memory_space<hbm>> -> memref<1200xf32, #tpu.memory_space<hbm>>
        tpu.wait_dma2 semaphore(%run_scoped3A : memref<!tpu.dma_semaphore, #tpu.memory_space<semaphore_mem>>) src(%arg20 : memref<1200xf32, #tpu.memory_space<vmem>>) dst(%dma_wait3A_892 : memref<1200xf32, #tpu.memory_space<hbm>>)
        tpu.yield
      }) : () -> ()
      %mul3A_381 = arith.constant 9 : i32
      %mul3A_382 = arith.muli %add3A, %mul3A_381 : i32
      %mul3A_383 = arith.constant 6144 : i32
      %mul3A_384 = arith.muli %mul3A_382, %mul3A_383 : i32
      %add3A_385 = arith.constant 6144 : i32
      %add3A_386 = arith.addi %mul3A_384, %add3A_385 : i32
      %add3A_387 = arith.constant 0 : i32
      %add3A_388 = arith.addi %add3A_386, %add3A_387 : i32
      "tpu.region"() ({
        %run_scoped3A = tpu.sem_alloc : memref<!tpu.dma_semaphore, #tpu.memory_space<semaphore_mem>>
        %dma_start3A_889 = tpu.memref_slice %arg5[%add3A_388] : memref<442368xf32, #tpu.memory_space<hbm>> -> memref<1200xf32, #tpu.memory_space<hbm>>
        %dma_start3A_890 = tpu.memref_slice %arg5[%add3A_388] : memref<442368xf32, #tpu.memory_space<hbm>> -> memref<1200xf32, #tpu.memory_space<hbm>>
        tpu.enqueue_dma source(%arg21 : memref<1200xf32, #tpu.memory_space<vmem>>) target(%dma_start3A_890 : memref<1200xf32, #tpu.memory_space<hbm>>) target_semaphore(%run_scoped3A : memref<!tpu.dma_semaphore, #tpu.memory_space<semaphore_mem>>)
        %dma_wait3A_891 = tpu.memref_slice %arg5[%add3A_388] : memref<442368xf32, #tpu.memory_space<hbm>> -> memref<1200xf32, #tpu.memory_space<hbm>>
        %dma_wait3A_892 = tpu.memref_slice %arg5[%add3A_388] : memref<442368xf32, #tpu.memory_space<hbm>> -> memref<1200xf32, #tpu.memory_space<hbm>>
        tpu.wait_dma2 semaphore(%run_scoped3A : memref<!tpu.dma_semaphore, #tpu.memory_space<semaphore_mem>>) src(%arg21 : memref<1200xf32, #tpu.memory_space<vmem>>) dst(%dma_wait3A_892 : memref<1200xf32, #tpu.memory_space<hbm>>)
        tpu.yield
      }) : () -> ()
      %mul3A_389 = arith.constant 9 : i32
      %mul3A_390 = arith.muli %add3A, %mul3A_389 : i32
      %mul3A_391 = arith.constant 6144 : i32
      %mul3A_392 = arith.muli %mul3A_390, %mul3A_391 : i32
      %add3A_393 = arith.constant 12288 : i32
      %add3A_394 = arith.addi %mul3A_392, %add3A_393 : i32
      %add3A_395 = arith.constant 0 : i32
      %add3A_396 = arith.addi %add3A_394, %add3A_395 : i32
      "tpu.region"() ({
        %run_scoped3A = tpu.sem_alloc : memref<!tpu.dma_semaphore, #tpu.memory_space<semaphore_mem>>
        %dma_start3A_889 = tpu.memref_slice %arg5[%add3A_396] : memref<442368xf32, #tpu.memory_space<hbm>> -> memref<1200xf32, #tpu.memory_space<hbm>>
        %dma_start3A_890 = tpu.memref_slice %arg5[%add3A_396] : memref<442368xf32, #tpu.memory_space<hbm>> -> memref<1200xf32, #tpu.memory_space<hbm>>
        tpu.enqueue_dma source(%arg22 : memref<1200xf32, #tpu.memory_space<vmem>>) target(%dma_start3A_890 : memref<1200xf32, #tpu.memory_space<hbm>>) target_semaphore(%run_scoped3A : memref<!tpu.dma_semaphore, #tpu.memory_space<semaphore_mem>>)
        %dma_wait3A_891 = tpu.memref_slice %arg5[%add3A_396] : memref<442368xf32, #tpu.memory_space<hbm>> -> memref<1200xf32, #tpu.memory_space<hbm>>
        %dma_wait3A_892 = tpu.memref_slice %arg5[%add3A_396] : memref<442368xf32, #tpu.memory_space<hbm>> -> memref<1200xf32, #tpu.memory_space<hbm>>
        tpu.wait_dma2 semaphore(%run_scoped3A : memref<!tpu.dma_semaphore, #tpu.memory_space<semaphore_mem>>) src(%arg22 : memref<1200xf32, #tpu.memory_space<vmem>>) dst(%dma_wait3A_892 : memref<1200xf32, #tpu.memory_space<hbm>>)
        tpu.yield
      }) : () -> ()
      %mul3A_397 = arith.constant 9 : i32
      %mul3A_398 = arith.muli %add3A, %mul3A_397 : i32
      %mul3A_399 = arith.constant 6144 : i32
      %mul3A_400 = arith.muli %mul3A_398, %mul3A_399 : i32
      %add3A_401 = arith.constant 18432 : i32
      %add3A_402 = arith.addi %mul3A_400, %add3A_401 : i32
      %add3A_403 = arith.constant 0 : i32
      %add3A_404 = arith.addi %add3A_402, %add3A_403 : i32
      "tpu.region"() ({
        %run_scoped3A = tpu.sem_alloc : memref<!tpu.dma_semaphore, #tpu.memory_space<semaphore_mem>>
        %dma_start3A_889 = tpu.memref_slice %arg5[%add3A_404] : memref<442368xf32, #tpu.memory_space<hbm>> -> memref<1200xf32, #tpu.memory_space<hbm>>
        %dma_start3A_890 = tpu.memref_slice %arg5[%add3A_404] : memref<442368xf32, #tpu.memory_space<hbm>> -> memref<1200xf32, #tpu.memory_space<hbm>>
        tpu.enqueue_dma source(%arg23 : memref<1200xf32, #tpu.memory_space<vmem>>) target(%dma_start3A_890 : memref<1200xf32, #tpu.memory_space<hbm>>) target_semaphore(%run_scoped3A : memref<!tpu.dma_semaphore, #tpu.memory_space<semaphore_mem>>)
        %dma_wait3A_891 = tpu.memref_slice %arg5[%add3A_404] : memref<442368xf32, #tpu.memory_space<hbm>> -> memref<1200xf32, #tpu.memory_space<hbm>>
        %dma_wait3A_892 = tpu.memref_slice %arg5[%add3A_404] : memref<442368xf32, #tpu.memory_space<hbm>> -> memref<1200xf32, #tpu.memory_space<hbm>>
        tpu.wait_dma2 semaphore(%run_scoped3A : memref<!tpu.dma_semaphore, #tpu.memory_space<semaphore_mem>>) src(%arg23 : memref<1200xf32, #tpu.memory_space<vmem>>) dst(%dma_wait3A_892 : memref<1200xf32, #tpu.memory_space<hbm>>)
        tpu.yield
      }) : () -> ()
      %mul3A_405 = arith.constant 9 : i32
      %mul3A_406 = arith.muli %add3A, %mul3A_405 : i32
      %mul3A_407 = arith.constant 6144 : i32
      %mul3A_408 = arith.muli %mul3A_406, %mul3A_407 : i32
      %add3A_409 = arith.constant 24576 : i32
      %add3A_410 = arith.addi %mul3A_408, %add3A_409 : i32
      %add3A_411 = arith.constant 0 : i32
      %add3A_412 = arith.addi %add3A_410, %add3A_411 : i32
      "tpu.region"() ({
        %run_scoped3A = tpu.sem_alloc : memref<!tpu.dma_semaphore, #tpu.memory_space<semaphore_mem>>
        %dma_start3A_889 = tpu.memref_slice %arg5[%add3A_412] : memref<442368xf32, #tpu.memory_space<hbm>> -> memref<1200xf32, #tpu.memory_space<hbm>>
        %dma_start3A_890 = tpu.memref_slice %arg5[%add3A_412] : memref<442368xf32, #tpu.memory_space<hbm>> -> memref<1200xf32, #tpu.memory_space<hbm>>
        tpu.enqueue_dma source(%arg24 : memref<1200xf32, #tpu.memory_space<vmem>>) target(%dma_start3A_890 : memref<1200xf32, #tpu.memory_space<hbm>>) target_semaphore(%run_scoped3A : memref<!tpu.dma_semaphore, #tpu.memory_space<semaphore_mem>>)
        %dma_wait3A_891 = tpu.memref_slice %arg5[%add3A_412] : memref<442368xf32, #tpu.memory_space<hbm>> -> memref<1200xf32, #tpu.memory_space<hbm>>
        %dma_wait3A_892 = tpu.memref_slice %arg5[%add3A_412] : memref<442368xf32, #tpu.memory_space<hbm>> -> memref<1200xf32, #tpu.memory_space<hbm>>
        tpu.wait_dma2 semaphore(%run_scoped3A : memref<!tpu.dma_semaphore, #tpu.memory_space<semaphore_mem>>) src(%arg24 : memref<1200xf32, #tpu.memory_space<vmem>>) dst(%dma_wait3A_892 : memref<1200xf32, #tpu.memory_space<hbm>>)
        tpu.yield
      }) : () -> ()
      %mul3A_413 = arith.constant 9 : i32
      %mul3A_414 = arith.muli %add3A, %mul3A_413 : i32
      %mul3A_415 = arith.constant 6144 : i32
      %mul3A_416 = arith.muli %mul3A_414, %mul3A_415 : i32
      %add3A_417 = arith.constant 30720 : i32
      %add3A_418 = arith.addi %mul3A_416, %add3A_417 : i32
      %add3A_419 = arith.constant 0 : i32
      %add3A_420 = arith.addi %add3A_418, %add3A_419 : i32
      "tpu.region"() ({
        %run_scoped3A = tpu.sem_alloc : memref<!tpu.dma_semaphore, #tpu.memory_space<semaphore_mem>>
        %dma_start3A_889 = tpu.memref_slice %arg5[%add3A_420] : memref<442368xf32, #tpu.memory_space<hbm>> -> memref<1200xf32, #tpu.memory_space<hbm>>
        %dma_start3A_890 = tpu.memref_slice %arg5[%add3A_420] : memref<442368xf32, #tpu.memory_space<hbm>> -> memref<1200xf32, #tpu.memory_space<hbm>>
        tpu.enqueue_dma source(%arg25 : memref<1200xf32, #tpu.memory_space<vmem>>) target(%dma_start3A_890 : memref<1200xf32, #tpu.memory_space<hbm>>) target_semaphore(%run_scoped3A : memref<!tpu.dma_semaphore, #tpu.memory_space<semaphore_mem>>)
        %dma_wait3A_891 = tpu.memref_slice %arg5[%add3A_420] : memref<442368xf32, #tpu.memory_space<hbm>> -> memref<1200xf32, #tpu.memory_space<hbm>>
        %dma_wait3A_892 = tpu.memref_slice %arg5[%add3A_420] : memref<442368xf32, #tpu.memory_space<hbm>> -> memref<1200xf32, #tpu.memory_space<hbm>>
        tpu.wait_dma2 semaphore(%run_scoped3A : memref<!tpu.dma_semaphore, #tpu.memory_space<semaphore_mem>>) src(%arg25 : memref<1200xf32, #tpu.memory_space<vmem>>) dst(%dma_wait3A_892 : memref<1200xf32, #tpu.memory_space<hbm>>)
        tpu.yield
      }) : () -> ()
      %mul3A_421 = arith.constant 9 : i32
      %mul3A_422 = arith.muli %add3A, %mul3A_421 : i32
      %mul3A_423 = arith.constant 6144 : i32
      %mul3A_424 = arith.muli %mul3A_422, %mul3A_423 : i32
      %add3A_425 = arith.constant 36864 : i32
      %add3A_426 = arith.addi %mul3A_424, %add3A_425 : i32
      %add3A_427 = arith.constant 0 : i32
      %add3A_428 = arith.addi %add3A_426, %add3A_427 : i32
      "tpu.region"() ({
        %run_scoped3A = tpu.sem_alloc : memref<!tpu.dma_semaphore, #tpu.memory_space<semaphore_mem>>
        %dma_start3A_889 = tpu.memref_slice %arg5[%add3A_428] : memref<442368xf32, #tpu.memory_space<hbm>> -> memref<1200xf32, #tpu.memory_space<hbm>>
        %dma_start3A_890 = tpu.memref_slice %arg5[%add3A_428] : memref<442368xf32, #tpu.memory_space<hbm>> -> memref<1200xf32, #tpu.memory_space<hbm>>
        tpu.enqueue_dma source(%arg26 : memref<1200xf32, #tpu.memory_space<vmem>>) target(%dma_start3A_890 : memref<1200xf32, #tpu.memory_space<hbm>>) target_semaphore(%run_scoped3A : memref<!tpu.dma_semaphore, #tpu.memory_space<semaphore_mem>>)
        %dma_wait3A_891 = tpu.memref_slice %arg5[%add3A_428] : memref<442368xf32, #tpu.memory_space<hbm>> -> memref<1200xf32, #tpu.memory_space<hbm>>
        %dma_wait3A_892 = tpu.memref_slice %arg5[%add3A_428] : memref<442368xf32, #tpu.memory_space<hbm>> -> memref<1200xf32, #tpu.memory_space<hbm>>
        tpu.wait_dma2 semaphore(%run_scoped3A : memref<!tpu.dma_semaphore, #tpu.memory_space<semaphore_mem>>) src(%arg26 : memref<1200xf32, #tpu.memory_space<vmem>>) dst(%dma_wait3A_892 : memref<1200xf32, #tpu.memory_space<hbm>>)
        tpu.yield
      }) : () -> ()
      %mul3A_429 = arith.constant 9 : i32
      %mul3A_430 = arith.muli %add3A, %mul3A_429 : i32
      %mul3A_431 = arith.constant 6144 : i32
      %mul3A_432 = arith.muli %mul3A_430, %mul3A_431 : i32
      %add3A_433 = arith.constant 43008 : i32
      %add3A_434 = arith.addi %mul3A_432, %add3A_433 : i32
      %add3A_435 = arith.constant 0 : i32
      %add3A_436 = arith.addi %add3A_434, %add3A_435 : i32
      "tpu.region"() ({
        %run_scoped3A = tpu.sem_alloc : memref<!tpu.dma_semaphore, #tpu.memory_space<semaphore_mem>>
        %dma_start3A_889 = tpu.memref_slice %arg5[%add3A_436] : memref<442368xf32, #tpu.memory_space<hbm>> -> memref<1200xf32, #tpu.memory_space<hbm>>
        %dma_start3A_890 = tpu.memref_slice %arg5[%add3A_436] : memref<442368xf32, #tpu.memory_space<hbm>> -> memref<1200xf32, #tpu.memory_space<hbm>>
        tpu.enqueue_dma source(%arg27 : memref<1200xf32, #tpu.memory_space<vmem>>) target(%dma_start3A_890 : memref<1200xf32, #tpu.memory_space<hbm>>) target_semaphore(%run_scoped3A : memref<!tpu.dma_semaphore, #tpu.memory_space<semaphore_mem>>)
        %dma_wait3A_891 = tpu.memref_slice %arg5[%add3A_436] : memref<442368xf32, #tpu.memory_space<hbm>> -> memref<1200xf32, #tpu.memory_space<hbm>>
        %dma_wait3A_892 = tpu.memref_slice %arg5[%add3A_436] : memref<442368xf32, #tpu.memory_space<hbm>> -> memref<1200xf32, #tpu.memory_space<hbm>>
        tpu.wait_dma2 semaphore(%run_scoped3A : memref<!tpu.dma_semaphore, #tpu.memory_space<semaphore_mem>>) src(%arg27 : memref<1200xf32, #tpu.memory_space<vmem>>) dst(%dma_wait3A_892 : memref<1200xf32, #tpu.memory_space<hbm>>)
        tpu.yield
      }) : () -> ()
      %mul3A_437 = arith.constant 9 : i32
      %mul3A_438 = arith.muli %add3A, %mul3A_437 : i32
      %mul3A_439 = arith.constant 6144 : i32
      %mul3A_440 = arith.muli %mul3A_438, %mul3A_439 : i32
      %add3A_441 = arith.constant 49152 : i32
      %add3A_442 = arith.addi %mul3A_440, %add3A_441 : i32
      %add3A_443 = arith.constant 0 : i32
      %add3A_444 = arith.addi %add3A_442, %add3A_443 : i32
      "tpu.region"() ({
        %run_scoped3A = tpu.sem_alloc : memref<!tpu.dma_semaphore, #tpu.memory_space<semaphore_mem>>
        %dma_start3A_889 = tpu.memref_slice %arg5[%add3A_444] : memref<442368xf32, #tpu.memory_space<hbm>> -> memref<1200xf32, #tpu.memory_space<hbm>>
        %dma_start3A_890 = tpu.memref_slice %arg5[%add3A_444] : memref<442368xf32, #tpu.memory_space<hbm>> -> memref<1200xf32, #tpu.memory_space<hbm>>
        tpu.enqueue_dma source(%arg28 : memref<1200xf32, #tpu.memory_space<vmem>>) target(%dma_start3A_890 : memref<1200xf32, #tpu.memory_space<hbm>>) target_semaphore(%run_scoped3A : memref<!tpu.dma_semaphore, #tpu.memory_space<semaphore_mem>>)
        %dma_wait3A_891 = tpu.memref_slice %arg5[%add3A_444] : memref<442368xf32, #tpu.memory_space<hbm>> -> memref<1200xf32, #tpu.memory_space<hbm>>
        %dma_wait3A_892 = tpu.memref_slice %arg5[%add3A_444] : memref<442368xf32, #tpu.memory_space<hbm>> -> memref<1200xf32, #tpu.memory_space<hbm>>
        tpu.wait_dma2 semaphore(%run_scoped3A : memref<!tpu.dma_semaphore, #tpu.memory_space<semaphore_mem>>) src(%arg28 : memref<1200xf32, #tpu.memory_space<vmem>>) dst(%dma_wait3A_892 : memref<1200xf32, #tpu.memory_space<hbm>>)
        tpu.yield
      }) : () -> ()
      %scan3A_445 = arith.constant 0 : i32
      %scan3A_446 = arith.constant 0 : i32
      %scan3A_447 = arith.constant 75 : i32
      %scan3A_448 = arith.addi %scan3A_446, %scan3A_447 : i32
      %scan3A_449 = arith.constant 1 : i32
      %scan3A_450 = scf.for %scan3A_889 = %scan3A_446 to %scan3A_448 step %scan3A_449 iter_args(%scan3A_890 = %scan3A_445) -> (i32)  : i32 {
        %mul3A_891 = arith.constant 16 : i32
        %mul3A_892 = arith.muli %scan3A_889, %mul3A_891 : i32
        %add3A_893 = arith.constant 1200 : i32
        %add3A_894 = arith.addi %add3A_893, %mul3A_892 : i32
        %get3A = arith.index_cast %add3A_894 : i32 to index
        %get3A_895 = tpu.vector_load %arg9[%get3A] {strides = array<i32>} : memref<22512xi32, #tpu.memory_space<vmem>>, vector<16xi32>,
        %mul3A_896 = arith.constant 16 : i32
        %mul3A_897 = arith.muli %scan3A_889, %mul3A_896 : i32
        %mul3A_898 = arith.constant 22500 : i32
        %mul3A_899 = arith.muli %add3A, %mul3A_898 : i32
        %add3A_900 = vector.broadcast %mul3A_899 : i32 to vector<16xi32>
        %add3A_901 = arith.addi %get3A_895, %add3A_900 : vector<16xi32>
        %mul3A_902 = arith.constant 4 : i32
        %mul3A_903 = vector.broadcast %mul3A_902 : i32 to vector<16xi32>
        %mul3A_904 = arith.muli %add3A_901, %mul3A_903 : vector<16xi32>
        %mul3A_905 = arith.constant 4 : i32
        %mul3A_906 = vector.broadcast %mul3A_905 : i32 to vector<16xi32>
        %mul3A_907 = arith.muli %get3A_895, %mul3A_906 : vector<16xi32>
        %add3A_908 = arith.constant 0 : i32
        %add3A_909 = vector.broadcast %add3A_908 : i32 to vector<16xi32>
        %add3A_910 = arith.addi %mul3A_904, %add3A_909 : vector<16xi32>
        %swap3A_911 = arith.index_cast %mul3A_897 : i32 to index
        %swap3A_912 = tpu.vector_load %arg12[%swap3A_911] {strides = array<i32>} : memref<1200xi32, #tpu.memory_space<vmem>>, vector<16xi32>,
        tpu.vector_store %arg12[%swap3A_911], %add3A_910 {strides = array<i32>} : memref<1200xi32, #tpu.memory_space<vmem>>, vector<16xi32>,
        %add3A_913 = arith.constant 0 : i32
        %add3A_914 = vector.broadcast %add3A_913 : i32 to vector<16xi32>
        %add3A_915 = arith.addi %mul3A_907, %add3A_914 : vector<16xi32>
        %swap3A_916 = arith.index_cast %mul3A_897 : i32 to index
        %swap3A_917 = tpu.vector_load %arg16[%swap3A_916] {strides = array<i32>} : memref<1200xi32, #tpu.memory_space<vmem>>, vector<16xi32>,
        tpu.vector_store %arg16[%swap3A_916], %add3A_915 {strides = array<i32>} : memref<1200xi32, #tpu.memory_space<vmem>>, vector<16xi32>,
        %add3A_918 = arith.constant 1 : i32
        %add3A_919 = vector.broadcast %add3A_918 : i32 to vector<16xi32>
        %add3A_920 = arith.addi %mul3A_904, %add3A_919 : vector<16xi32>
        %swap3A_921 = arith.index_cast %mul3A_897 : i32 to index
        %swap3A_922 = tpu.vector_load %arg13[%swap3A_921] {strides = array<i32>} : memref<1200xi32, #tpu.memory_space<vmem>>, vector<16xi32>,
        tpu.vector_store %arg13[%swap3A_921], %add3A_920 {strides = array<i32>} : memref<1200xi32, #tpu.memory_space<vmem>>, vector<16xi32>,
        %add3A_923 = arith.constant 1 : i32
        %add3A_924 = vector.broadcast %add3A_923 : i32 to vector<16xi32>
        %add3A_925 = arith.addi %mul3A_907, %add3A_924 : vector<16xi32>
        %swap3A_926 = arith.index_cast %mul3A_897 : i32 to index
        %swap3A_927 = tpu.vector_load %arg17[%swap3A_926] {strides = array<i32>} : memref<1200xi32, #tpu.memory_space<vmem>>, vector<16xi32>,
        tpu.vector_store %arg17[%swap3A_926], %add3A_925 {strides = array<i32>} : memref<1200xi32, #tpu.memory_space<vmem>>, vector<16xi32>,
        %add3A_928 = arith.constant 2 : i32
        %add3A_929 = vector.broadcast %add3A_928 : i32 to vector<16xi32>
        %add3A_930 = arith.addi %mul3A_904, %add3A_929 : vector<16xi32>
        %swap3A_931 = arith.index_cast %mul3A_897 : i32 to index
        %swap3A_932 = tpu.vector_load %arg14[%swap3A_931] {strides = array<i32>} : memref<1200xi32, #tpu.memory_space<vmem>>, vector<16xi32>,
        tpu.vector_store %arg14[%swap3A_931], %add3A_930 {strides = array<i32>} : memref<1200xi32, #tpu.memory_space<vmem>>, vector<16xi32>,
        %add3A_933 = arith.constant 2 : i32
        %add3A_934 = vector.broadcast %add3A_933 : i32 to vector<16xi32>
        %add3A_935 = arith.addi %mul3A_907, %add3A_934 : vector<16xi32>
        %swap3A_936 = arith.index_cast %mul3A_897 : i32 to index
        %swap3A_937 = tpu.vector_load %arg18[%swap3A_936] {strides = array<i32>} : memref<1200xi32, #tpu.memory_space<vmem>>, vector<16xi32>,
        tpu.vector_store %arg18[%swap3A_936], %add3A_935 {strides = array<i32>} : memref<1200xi32, #tpu.memory_space<vmem>>, vector<16xi32>,
        %add3A_938 = arith.constant 3 : i32
        %add3A_939 = vector.broadcast %add3A_938 : i32 to vector<16xi32>
        %add3A_940 = arith.addi %mul3A_904, %add3A_939 : vector<16xi32>
        %swap3A_941 = arith.index_cast %mul3A_897 : i32 to index
        %swap3A_942 = tpu.vector_load %arg15[%swap3A_941] {strides = array<i32>} : memref<1200xi32, #tpu.memory_space<vmem>>, vector<16xi32>,
        tpu.vector_store %arg15[%swap3A_941], %add3A_940 {strides = array<i32>} : memref<1200xi32, #tpu.memory_space<vmem>>, vector<16xi32>,
        %add3A_943 = arith.constant 3 : i32
        %add3A_944 = vector.broadcast %add3A_943 : i32 to vector<16xi32>
        %add3A_945 = arith.addi %mul3A_907, %add3A_944 : vector<16xi32>
        %swap3A_946 = arith.index_cast %mul3A_897 : i32 to index
        %swap3A_947 = tpu.vector_load %arg19[%swap3A_946] {strides = array<i32>} : memref<1200xi32, #tpu.memory_space<vmem>>, vector<16xi32>,
        tpu.vector_store %arg19[%swap3A_946], %add3A_945 {strides = array<i32>} : memref<1200xi32, #tpu.memory_space<vmem>>, vector<16xi32>,
        %mul3A_948 = arith.constant 16 : i32
        %mul3A_949 = arith.muli %scan3A_889, %mul3A_948 : i32
        %add3A_950 = arith.constant 1200 : i32
        %add3A_951 = arith.addi %add3A_950, %mul3A_949 : i32
        %get3A_952 = arith.index_cast %add3A_951 : i32 to index
        %get3A_953 = tpu.vector_load %arg7[%get3A_952] {strides = array<i32>} : memref<22512xi32, #tpu.memory_space<vmem>>, vector<16xi32>,
        %sub3A = arith.constant 1065353216 : i32
        %sub3A_954 = vector.broadcast %sub3A : i32 to vector<16xi32>
        %sub3A_955 = arith.subi %sub3A_954, %get3A_953 : vector<16xi32>
        %bitcast3A = vector.bitcast %sub3A_955 : vector<16xi32> to vector<16xf32>
        %swap3A_956 = arith.index_cast %mul3A_897 : i32 to index
        %swap3A_957 = tpu.vector_load %arg20[%swap3A_956] {strides = array<i32>} : memref<1200xf32, #tpu.memory_space<vmem>>, vector<16xf32>,
        tpu.vector_store %arg20[%swap3A_956], %bitcast3A {strides = array<i32>} : memref<1200xf32, #tpu.memory_space<vmem>>, vector<16xf32>,
        %scan3A_958 = arith.constant 0 : i32
        scf.yield %scan3A_958 : i32
      }
      %scan3A_451 = arith.constant 75 : i32
      %dma_start3A_452 = arith.constant 0 : i32
      %dma_start3A_453 = tpu.memref_slice %arg3[%dma_start3A_452] : memref<720000xf32, #tpu.memory_space<hbm>> -> memref<720000xf32, #tpu.memory_space<hbm>>
      tpu.enqueue_indirect_dma source(%dma_start3A_453 : memref<720000xf32, #tpu.memory_space<hbm>>) target(%arg21 : memref<1200xf32, #tpu.memory_space<vmem>>) offsets(%arg12 : memref<1200xi32, #tpu.memory_space<vmem>>) semaphore(%arg11 : memref<!tpu.dma_semaphore, #tpu.memory_space<semaphore_mem>>)
      %dma_start3A_454 = arith.constant 0 : i32
      %dma_start3A_455 = tpu.memref_slice %arg3[%dma_start3A_454] : memref<720000xf32, #tpu.memory_space<hbm>> -> memref<720000xf32, #tpu.memory_space<hbm>>
      tpu.enqueue_indirect_dma source(%dma_start3A_455 : memref<720000xf32, #tpu.memory_space<hbm>>) target(%arg22 : memref<1200xf32, #tpu.memory_space<vmem>>) offsets(%arg13 : memref<1200xi32, #tpu.memory_space<vmem>>) semaphore(%arg11 : memref<!tpu.dma_semaphore, #tpu.memory_space<semaphore_mem>>)
      %dma_start3A_456 = arith.constant 0 : i32
      %dma_start3A_457 = tpu.memref_slice %arg3[%dma_start3A_456] : memref<720000xf32, #tpu.memory_space<hbm>> -> memref<720000xf32, #tpu.memory_space<hbm>>
      tpu.enqueue_indirect_dma source(%dma_start3A_457 : memref<720000xf32, #tpu.memory_space<hbm>>) target(%arg23 : memref<1200xf32, #tpu.memory_space<vmem>>) offsets(%arg14 : memref<1200xi32, #tpu.memory_space<vmem>>) semaphore(%arg11 : memref<!tpu.dma_semaphore, #tpu.memory_space<semaphore_mem>>)
      %dma_start3A_458 = arith.constant 0 : i32
      %dma_start3A_459 = tpu.memref_slice %arg3[%dma_start3A_458] : memref<720000xf32, #tpu.memory_space<hbm>> -> memref<720000xf32, #tpu.memory_space<hbm>>
      tpu.enqueue_indirect_dma source(%dma_start3A_459 : memref<720000xf32, #tpu.memory_space<hbm>>) target(%arg24 : memref<1200xf32, #tpu.memory_space<vmem>>) offsets(%arg15 : memref<1200xi32, #tpu.memory_space<vmem>>) semaphore(%arg11 : memref<!tpu.dma_semaphore, #tpu.memory_space<semaphore_mem>>)
      %dma_start3A_460 = arith.constant 0 : i32
      %dma_start3A_461 = tpu.memref_slice %arg4[%dma_start3A_460] : memref<90000xf32, #tpu.memory_space<hbm>> -> memref<90000xf32, #tpu.memory_space<hbm>>
      tpu.enqueue_indirect_dma source(%dma_start3A_461 : memref<90000xf32, #tpu.memory_space<hbm>>) target(%arg25 : memref<1200xf32, #tpu.memory_space<vmem>>) offsets(%arg16 : memref<1200xi32, #tpu.memory_space<vmem>>) semaphore(%arg11 : memref<!tpu.dma_semaphore, #tpu.memory_space<semaphore_mem>>)
      %dma_start3A_462 = arith.constant 0 : i32
      %dma_start3A_463 = tpu.memref_slice %arg4[%dma_start3A_462] : memref<90000xf32, #tpu.memory_space<hbm>> -> memref<90000xf32, #tpu.memory_space<hbm>>
      tpu.enqueue_indirect_dma source(%dma_start3A_463 : memref<90000xf32, #tpu.memory_space<hbm>>) target(%arg26 : memref<1200xf32, #tpu.memory_space<vmem>>) offsets(%arg17 : memref<1200xi32, #tpu.memory_space<vmem>>) semaphore(%arg11 : memref<!tpu.dma_semaphore, #tpu.memory_space<semaphore_mem>>)
      %dma_start3A_464 = arith.constant 0 : i32
      %dma_start3A_465 = tpu.memref_slice %arg4[%dma_start3A_464] : memref<90000xf32, #tpu.memory_space<hbm>> -> memref<90000xf32, #tpu.memory_space<hbm>>
      tpu.enqueue_indirect_dma source(%dma_start3A_465 : memref<90000xf32, #tpu.memory_space<hbm>>) target(%arg27 : memref<1200xf32, #tpu.memory_space<vmem>>) offsets(%arg18 : memref<1200xi32, #tpu.memory_space<vmem>>) semaphore(%arg11 : memref<!tpu.dma_semaphore, #tpu.memory_space<semaphore_mem>>)
      %dma_start3A_466 = arith.constant 0 : i32
      %dma_start3A_467 = tpu.memref_slice %arg4[%dma_start3A_466] : memref<90000xf32, #tpu.memory_space<hbm>> -> memref<90000xf32, #tpu.memory_space<hbm>>
      tpu.enqueue_indirect_dma source(%dma_start3A_467 : memref<90000xf32, #tpu.memory_space<hbm>>) target(%arg28 : memref<1200xf32, #tpu.memory_space<vmem>>) offsets(%arg19 : memref<1200xi32, #tpu.memory_space<vmem>>) semaphore(%arg11 : memref<!tpu.dma_semaphore, #tpu.memory_space<semaphore_mem>>)
      %dma_wait3A_468 = arith.constant 0 : i32
      %dma_wait3A_469 = tpu.memref_slice %arg3[%dma_wait3A_468] : memref<720000xf32, #tpu.memory_space<hbm>> -> memref<720000xf32, #tpu.memory_space<hbm>>
      tpu.wait_indirect_dma semaphore(%arg11 : memref<!tpu.dma_semaphore, #tpu.memory_space<semaphore_mem>>) src(%dma_wait3A_469 : memref<720000xf32, #tpu.memory_space<hbm>>) dst(%arg21 : memref<1200xf32, #tpu.memory_space<vmem>>)
      %dma_wait3A_470 = arith.constant 0 : i32
      %dma_wait3A_471 = tpu.memref_slice %arg3[%dma_wait3A_470] : memref<720000xf32, #tpu.memory_space<hbm>> -> memref<720000xf32, #tpu.memory_space<hbm>>
      tpu.wait_indirect_dma semaphore(%arg11 : memref<!tpu.dma_semaphore, #tpu.memory_space<semaphore_mem>>) src(%dma_wait3A_471 : memref<720000xf32, #tpu.memory_space<hbm>>) dst(%arg22 : memref<1200xf32, #tpu.memory_space<vmem>>)
      %dma_wait3A_472 = arith.constant 0 : i32
      %dma_wait3A_473 = tpu.memref_slice %arg3[%dma_wait3A_472] : memref<720000xf32, #tpu.memory_space<hbm>> -> memref<720000xf32, #tpu.memory_space<hbm>>
      tpu.wait_indirect_dma semaphore(%arg11 : memref<!tpu.dma_semaphore, #tpu.memory_space<semaphore_mem>>) src(%dma_wait3A_473 : memref<720000xf32, #tpu.memory_space<hbm>>) dst(%arg23 : memref<1200xf32, #tpu.memory_space<vmem>>)
      %dma_wait3A_474 = arith.constant 0 : i32
      %dma_wait3A_475 = tpu.memref_slice %arg3[%dma_wait3A_474] : memref<720000xf32, #tpu.memory_space<hbm>> -> memref<720000xf32, #tpu.memory_space<hbm>>
      tpu.wait_indirect_dma semaphore(%arg11 : memref<!tpu.dma_semaphore, #tpu.memory_space<semaphore_mem>>) src(%dma_wait3A_475 : memref<720000xf32, #tpu.memory_space<hbm>>) dst(%arg24 : memref<1200xf32, #tpu.memory_space<vmem>>)
      %dma_wait3A_476 = arith.constant 0 : i32
      %dma_wait3A_477 = tpu.memref_slice %arg4[%dma_wait3A_476] : memref<90000xf32, #tpu.memory_space<hbm>> -> memref<90000xf32, #tpu.memory_space<hbm>>
      tpu.wait_indirect_dma semaphore(%arg11 : memref<!tpu.dma_semaphore, #tpu.memory_space<semaphore_mem>>) src(%dma_wait3A_477 : memref<90000xf32, #tpu.memory_space<hbm>>) dst(%arg25 : memref<1200xf32, #tpu.memory_space<vmem>>)
      %dma_wait3A_478 = arith.constant 0 : i32
      %dma_wait3A_479 = tpu.memref_slice %arg4[%dma_wait3A_478] : memref<90000xf32, #tpu.memory_space<hbm>> -> memref<90000xf32, #tpu.memory_space<hbm>>
      tpu.wait_indirect_dma semaphore(%arg11 : memref<!tpu.dma_semaphore, #tpu.memory_space<semaphore_mem>>) src(%dma_wait3A_479 : memref<90000xf32, #tpu.memory_space<hbm>>) dst(%arg26 : memref<1200xf32, #tpu.memory_space<vmem>>)
      %dma_wait3A_480 = arith.constant 0 : i32
      %dma_wait3A_481 = tpu.memref_slice %arg4[%dma_wait3A_480] : memref<90000xf32, #tpu.memory_space<hbm>> -> memref<90000xf32, #tpu.memory_space<hbm>>
      tpu.wait_indirect_dma semaphore(%arg11 : memref<!tpu.dma_semaphore, #tpu.memory_space<semaphore_mem>>) src(%dma_wait3A_481 : memref<90000xf32, #tpu.memory_space<hbm>>) dst(%arg27 : memref<1200xf32, #tpu.memory_space<vmem>>)
      %dma_wait3A_482 = arith.constant 0 : i32
      %dma_wait3A_483 = tpu.memref_slice %arg4[%dma_wait3A_482] : memref<90000xf32, #tpu.memory_space<hbm>> -> memref<90000xf32, #tpu.memory_space<hbm>>
      tpu.wait_indirect_dma semaphore(%arg11 : memref<!tpu.dma_semaphore, #tpu.memory_space<semaphore_mem>>) src(%dma_wait3A_483 : memref<90000xf32, #tpu.memory_space<hbm>>) dst(%arg28 : memref<1200xf32, #tpu.memory_space<vmem>>)
      %mul3A_484 = arith.constant 9 : i32
      %mul3A_485 = arith.muli %add3A, %mul3A_484 : i32
      %mul3A_486 = arith.constant 6144 : i32
      %mul3A_487 = arith.muli %mul3A_485, %mul3A_486 : i32
      %add3A_488 = arith.constant 0 : i32
      %add3A_489 = arith.addi %mul3A_487, %add3A_488 : i32
      %add3A_490 = arith.constant 1200 : i32
      %add3A_491 = arith.addi %add3A_489, %add3A_490 : i32
      "tpu.region"() ({
        %run_scoped3A = tpu.sem_alloc : memref<!tpu.dma_semaphore, #tpu.memory_space<semaphore_mem>>
        %dma_start3A_889 = tpu.memref_slice %arg5[%add3A_491] : memref<442368xf32, #tpu.memory_space<hbm>> -> memref<1200xf32, #tpu.memory_space<hbm>>
        %dma_start3A_890 = tpu.memref_slice %arg5[%add3A_491] : memref<442368xf32, #tpu.memory_space<hbm>> -> memref<1200xf32, #tpu.memory_space<hbm>>
        tpu.enqueue_dma source(%arg20 : memref<1200xf32, #tpu.memory_space<vmem>>) target(%dma_start3A_890 : memref<1200xf32, #tpu.memory_space<hbm>>) target_semaphore(%run_scoped3A : memref<!tpu.dma_semaphore, #tpu.memory_space<semaphore_mem>>)
        %dma_wait3A_891 = tpu.memref_slice %arg5[%add3A_491] : memref<442368xf32, #tpu.memory_space<hbm>> -> memref<1200xf32, #tpu.memory_space<hbm>>
        %dma_wait3A_892 = tpu.memref_slice %arg5[%add3A_491] : memref<442368xf32, #tpu.memory_space<hbm>> -> memref<1200xf32, #tpu.memory_space<hbm>>
        tpu.wait_dma2 semaphore(%run_scoped3A : memref<!tpu.dma_semaphore, #tpu.memory_space<semaphore_mem>>) src(%arg20 : memref<1200xf32, #tpu.memory_space<vmem>>) dst(%dma_wait3A_892 : memref<1200xf32, #tpu.memory_space<hbm>>)
        tpu.yield
      }) : () -> ()
      %mul3A_492 = arith.constant 9 : i32
      %mul3A_493 = arith.muli %add3A, %mul3A_492 : i32
      %mul3A_494 = arith.constant 6144 : i32
      %mul3A_495 = arith.muli %mul3A_493, %mul3A_494 : i32
      %add3A_496 = arith.constant 6144 : i32
      %add3A_497 = arith.addi %mul3A_495, %add3A_496 : i32
      %add3A_498 = arith.constant 1200 : i32
      %add3A_499 = arith.addi %add3A_497, %add3A_498 : i32
      "tpu.region"() ({
        %run_scoped3A = tpu.sem_alloc : memref<!tpu.dma_semaphore, #tpu.memory_space<semaphore_mem>>
        %dma_start3A_889 = tpu.memref_slice %arg5[%add3A_499] : memref<442368xf32, #tpu.memory_space<hbm>> -> memref<1200xf32, #tpu.memory_space<hbm>>
        %dma_start3A_890 = tpu.memref_slice %arg5[%add3A_499] : memref<442368xf32, #tpu.memory_space<hbm>> -> memref<1200xf32, #tpu.memory_space<hbm>>
        tpu.enqueue_dma source(%arg21 : memref<1200xf32, #tpu.memory_space<vmem>>) target(%dma_start3A_890 : memref<1200xf32, #tpu.memory_space<hbm>>) target_semaphore(%run_scoped3A : memref<!tpu.dma_semaphore, #tpu.memory_space<semaphore_mem>>)
        %dma_wait3A_891 = tpu.memref_slice %arg5[%add3A_499] : memref<442368xf32, #tpu.memory_space<hbm>> -> memref<1200xf32, #tpu.memory_space<hbm>>
        %dma_wait3A_892 = tpu.memref_slice %arg5[%add3A_499] : memref<442368xf32, #tpu.memory_space<hbm>> -> memref<1200xf32, #tpu.memory_space<hbm>>
        tpu.wait_dma2 semaphore(%run_scoped3A : memref<!tpu.dma_semaphore, #tpu.memory_space<semaphore_mem>>) src(%arg21 : memref<1200xf32, #tpu.memory_space<vmem>>) dst(%dma_wait3A_892 : memref<1200xf32, #tpu.memory_space<hbm>>)
        tpu.yield
      }) : () -> ()
      %mul3A_500 = arith.constant 9 : i32
      %mul3A_501 = arith.muli %add3A, %mul3A_500 : i32
      %mul3A_502 = arith.constant 6144 : i32
      %mul3A_503 = arith.muli %mul3A_501, %mul3A_502 : i32
      %add3A_504 = arith.constant 12288 : i32
      %add3A_505 = arith.addi %mul3A_503, %add3A_504 : i32
      %add3A_506 = arith.constant 1200 : i32
      %add3A_507 = arith.addi %add3A_505, %add3A_506 : i32
      "tpu.region"() ({
        %run_scoped3A = tpu.sem_alloc : memref<!tpu.dma_semaphore, #tpu.memory_space<semaphore_mem>>
        %dma_start3A_889 = tpu.memref_slice %arg5[%add3A_507] : memref<442368xf32, #tpu.memory_space<hbm>> -> memref<1200xf32, #tpu.memory_space<hbm>>
        %dma_start3A_890 = tpu.memref_slice %arg5[%add3A_507] : memref<442368xf32, #tpu.memory_space<hbm>> -> memref<1200xf32, #tpu.memory_space<hbm>>
        tpu.enqueue_dma source(%arg22 : memref<1200xf32, #tpu.memory_space<vmem>>) target(%dma_start3A_890 : memref<1200xf32, #tpu.memory_space<hbm>>) target_semaphore(%run_scoped3A : memref<!tpu.dma_semaphore, #tpu.memory_space<semaphore_mem>>)
        %dma_wait3A_891 = tpu.memref_slice %arg5[%add3A_507] : memref<442368xf32, #tpu.memory_space<hbm>> -> memref<1200xf32, #tpu.memory_space<hbm>>
        %dma_wait3A_892 = tpu.memref_slice %arg5[%add3A_507] : memref<442368xf32, #tpu.memory_space<hbm>> -> memref<1200xf32, #tpu.memory_space<hbm>>
        tpu.wait_dma2 semaphore(%run_scoped3A : memref<!tpu.dma_semaphore, #tpu.memory_space<semaphore_mem>>) src(%arg22 : memref<1200xf32, #tpu.memory_space<vmem>>) dst(%dma_wait3A_892 : memref<1200xf32, #tpu.memory_space<hbm>>)
        tpu.yield
      }) : () -> ()
      %mul3A_508 = arith.constant 9 : i32
      %mul3A_509 = arith.muli %add3A, %mul3A_508 : i32
      %mul3A_510 = arith.constant 6144 : i32
      %mul3A_511 = arith.muli %mul3A_509, %mul3A_510 : i32
      %add3A_512 = arith.constant 18432 : i32
      %add3A_513 = arith.addi %mul3A_511, %add3A_512 : i32
      %add3A_514 = arith.constant 1200 : i32
      %add3A_515 = arith.addi %add3A_513, %add3A_514 : i32
      "tpu.region"() ({
        %run_scoped3A = tpu.sem_alloc : memref<!tpu.dma_semaphore, #tpu.memory_space<semaphore_mem>>
        %dma_start3A_889 = tpu.memref_slice %arg5[%add3A_515] : memref<442368xf32, #tpu.memory_space<hbm>> -> memref<1200xf32, #tpu.memory_space<hbm>>
        %dma_start3A_890 = tpu.memref_slice %arg5[%add3A_515] : memref<442368xf32, #tpu.memory_space<hbm>> -> memref<1200xf32, #tpu.memory_space<hbm>>
        tpu.enqueue_dma source(%arg23 : memref<1200xf32, #tpu.memory_space<vmem>>) target(%dma_start3A_890 : memref<1200xf32, #tpu.memory_space<hbm>>) target_semaphore(%run_scoped3A : memref<!tpu.dma_semaphore, #tpu.memory_space<semaphore_mem>>)
        %dma_wait3A_891 = tpu.memref_slice %arg5[%add3A_515] : memref<442368xf32, #tpu.memory_space<hbm>> -> memref<1200xf32, #tpu.memory_space<hbm>>
        %dma_wait3A_892 = tpu.memref_slice %arg5[%add3A_515] : memref<442368xf32, #tpu.memory_space<hbm>> -> memref<1200xf32, #tpu.memory_space<hbm>>
        tpu.wait_dma2 semaphore(%run_scoped3A : memref<!tpu.dma_semaphore, #tpu.memory_space<semaphore_mem>>) src(%arg23 : memref<1200xf32, #tpu.memory_space<vmem>>) dst(%dma_wait3A_892 : memref<1200xf32, #tpu.memory_space<hbm>>)
        tpu.yield
      }) : () -> ()
      %mul3A_516 = arith.constant 9 : i32
      %mul3A_517 = arith.muli %add3A, %mul3A_516 : i32
      %mul3A_518 = arith.constant 6144 : i32
      %mul3A_519 = arith.muli %mul3A_517, %mul3A_518 : i32
      %add3A_520 = arith.constant 24576 : i32
      %add3A_521 = arith.addi %mul3A_519, %add3A_520 : i32
      %add3A_522 = arith.constant 1200 : i32
      %add3A_523 = arith.addi %add3A_521, %add3A_522 : i32
      "tpu.region"() ({
        %run_scoped3A = tpu.sem_alloc : memref<!tpu.dma_semaphore, #tpu.memory_space<semaphore_mem>>
        %dma_start3A_889 = tpu.memref_slice %arg5[%add3A_523] : memref<442368xf32, #tpu.memory_space<hbm>> -> memref<1200xf32, #tpu.memory_space<hbm>>
        %dma_start3A_890 = tpu.memref_slice %arg5[%add3A_523] : memref<442368xf32, #tpu.memory_space<hbm>> -> memref<1200xf32, #tpu.memory_space<hbm>>
        tpu.enqueue_dma source(%arg24 : memref<1200xf32, #tpu.memory_space<vmem>>) target(%dma_start3A_890 : memref<1200xf32, #tpu.memory_space<hbm>>) target_semaphore(%run_scoped3A : memref<!tpu.dma_semaphore, #tpu.memory_space<semaphore_mem>>)
        %dma_wait3A_891 = tpu.memref_slice %arg5[%add3A_523] : memref<442368xf32, #tpu.memory_space<hbm>> -> memref<1200xf32, #tpu.memory_space<hbm>>
        %dma_wait3A_892 = tpu.memref_slice %arg5[%add3A_523] : memref<442368xf32, #tpu.memory_space<hbm>> -> memref<1200xf32, #tpu.memory_space<hbm>>
        tpu.wait_dma2 semaphore(%run_scoped3A : memref<!tpu.dma_semaphore, #tpu.memory_space<semaphore_mem>>) src(%arg24 : memref<1200xf32, #tpu.memory_space<vmem>>) dst(%dma_wait3A_892 : memref<1200xf32, #tpu.memory_space<hbm>>)
        tpu.yield
      }) : () -> ()
      %mul3A_524 = arith.constant 9 : i32
      %mul3A_525 = arith.muli %add3A, %mul3A_524 : i32
      %mul3A_526 = arith.constant 6144 : i32
      %mul3A_527 = arith.muli %mul3A_525, %mul3A_526 : i32
      %add3A_528 = arith.constant 30720 : i32
      %add3A_529 = arith.addi %mul3A_527, %add3A_528 : i32
      %add3A_530 = arith.constant 1200 : i32
      %add3A_531 = arith.addi %add3A_529, %add3A_530 : i32
      "tpu.region"() ({
        %run_scoped3A = tpu.sem_alloc : memref<!tpu.dma_semaphore, #tpu.memory_space<semaphore_mem>>
        %dma_start3A_889 = tpu.memref_slice %arg5[%add3A_531] : memref<442368xf32, #tpu.memory_space<hbm>> -> memref<1200xf32, #tpu.memory_space<hbm>>
        %dma_start3A_890 = tpu.memref_slice %arg5[%add3A_531] : memref<442368xf32, #tpu.memory_space<hbm>> -> memref<1200xf32, #tpu.memory_space<hbm>>
        tpu.enqueue_dma source(%arg25 : memref<1200xf32, #tpu.memory_space<vmem>>) target(%dma_start3A_890 : memref<1200xf32, #tpu.memory_space<hbm>>) target_semaphore(%run_scoped3A : memref<!tpu.dma_semaphore, #tpu.memory_space<semaphore_mem>>)
        %dma_wait3A_891 = tpu.memref_slice %arg5[%add3A_531] : memref<442368xf32, #tpu.memory_space<hbm>> -> memref<1200xf32, #tpu.memory_space<hbm>>
        %dma_wait3A_892 = tpu.memref_slice %arg5[%add3A_531] : memref<442368xf32, #tpu.memory_space<hbm>> -> memref<1200xf32, #tpu.memory_space<hbm>>
        tpu.wait_dma2 semaphore(%run_scoped3A : memref<!tpu.dma_semaphore, #tpu.memory_space<semaphore_mem>>) src(%arg25 : memref<1200xf32, #tpu.memory_space<vmem>>) dst(%dma_wait3A_892 : memref<1200xf32, #tpu.memory_space<hbm>>)
        tpu.yield
      }) : () -> ()
      %mul3A_532 = arith.constant 9 : i32
      %mul3A_533 = arith.muli %add3A, %mul3A_532 : i32
      %mul3A_534 = arith.constant 6144 : i32
      %mul3A_535 = arith.muli %mul3A_533, %mul3A_534 : i32
      %add3A_536 = arith.constant 36864 : i32
      %add3A_537 = arith.addi %mul3A_535, %add3A_536 : i32
      %add3A_538 = arith.constant 1200 : i32
      %add3A_539 = arith.addi %add3A_537, %add3A_538 : i32
      "tpu.region"() ({
        %run_scoped3A = tpu.sem_alloc : memref<!tpu.dma_semaphore, #tpu.memory_space<semaphore_mem>>
        %dma_start3A_889 = tpu.memref_slice %arg5[%add3A_539] : memref<442368xf32, #tpu.memory_space<hbm>> -> memref<1200xf32, #tpu.memory_space<hbm>>
        %dma_start3A_890 = tpu.memref_slice %arg5[%add3A_539] : memref<442368xf32, #tpu.memory_space<hbm>> -> memref<1200xf32, #tpu.memory_space<hbm>>
        tpu.enqueue_dma source(%arg26 : memref<1200xf32, #tpu.memory_space<vmem>>) target(%dma_start3A_890 : memref<1200xf32, #tpu.memory_space<hbm>>) target_semaphore(%run_scoped3A : memref<!tpu.dma_semaphore, #tpu.memory_space<semaphore_mem>>)
        %dma_wait3A_891 = tpu.memref_slice %arg5[%add3A_539] : memref<442368xf32, #tpu.memory_space<hbm>> -> memref<1200xf32, #tpu.memory_space<hbm>>
        %dma_wait3A_892 = tpu.memref_slice %arg5[%add3A_539] : memref<442368xf32, #tpu.memory_space<hbm>> -> memref<1200xf32, #tpu.memory_space<hbm>>
        tpu.wait_dma2 semaphore(%run_scoped3A : memref<!tpu.dma_semaphore, #tpu.memory_space<semaphore_mem>>) src(%arg26 : memref<1200xf32, #tpu.memory_space<vmem>>) dst(%dma_wait3A_892 : memref<1200xf32, #tpu.memory_space<hbm>>)
        tpu.yield
      }) : () -> ()
      %mul3A_540 = arith.constant 9 : i32
      %mul3A_541 = arith.muli %add3A, %mul3A_540 : i32
      %mul3A_542 = arith.constant 6144 : i32
      %mul3A_543 = arith.muli %mul3A_541, %mul3A_542 : i32
      %add3A_544 = arith.constant 43008 : i32
      %add3A_545 = arith.addi %mul3A_543, %add3A_544 : i32
      %add3A_546 = arith.constant 1200 : i32
      %add3A_547 = arith.addi %add3A_545, %add3A_546 : i32
      "tpu.region"() ({
        %run_scoped3A = tpu.sem_alloc : memref<!tpu.dma_semaphore, #tpu.memory_space<semaphore_mem>>
        %dma_start3A_889 = tpu.memref_slice %arg5[%add3A_547] : memref<442368xf32, #tpu.memory_space<hbm>> -> memref<1200xf32, #tpu.memory_space<hbm>>
        %dma_start3A_890 = tpu.memref_slice %arg5[%add3A_547] : memref<442368xf32, #tpu.memory_space<hbm>> -> memref<1200xf32, #tpu.memory_space<hbm>>
        tpu.enqueue_dma source(%arg27 : memref<1200xf32, #tpu.memory_space<vmem>>) target(%dma_start3A_890 : memref<1200xf32, #tpu.memory_space<hbm>>) target_semaphore(%run_scoped3A : memref<!tpu.dma_semaphore, #tpu.memory_space<semaphore_mem>>)
        %dma_wait3A_891 = tpu.memref_slice %arg5[%add3A_547] : memref<442368xf32, #tpu.memory_space<hbm>> -> memref<1200xf32, #tpu.memory_space<hbm>>
        %dma_wait3A_892 = tpu.memref_slice %arg5[%add3A_547] : memref<442368xf32, #tpu.memory_space<hbm>> -> memref<1200xf32, #tpu.memory_space<hbm>>
        tpu.wait_dma2 semaphore(%run_scoped3A : memref<!tpu.dma_semaphore, #tpu.memory_space<semaphore_mem>>) src(%arg27 : memref<1200xf32, #tpu.memory_space<vmem>>) dst(%dma_wait3A_892 : memref<1200xf32, #tpu.memory_space<hbm>>)
        tpu.yield
      }) : () -> ()
      %mul3A_548 = arith.constant 9 : i32
      %mul3A_549 = arith.muli %add3A, %mul3A_548 : i32
      %mul3A_550 = arith.constant 6144 : i32
      %mul3A_551 = arith.muli %mul3A_549, %mul3A_550 : i32
      %add3A_552 = arith.constant 49152 : i32
      %add3A_553 = arith.addi %mul3A_551, %add3A_552 : i32
      %add3A_554 = arith.constant 1200 : i32
      %add3A_555 = arith.addi %add3A_553, %add3A_554 : i32
      "tpu.region"() ({
        %run_scoped3A = tpu.sem_alloc : memref<!tpu.dma_semaphore, #tpu.memory_space<semaphore_mem>>
        %dma_start3A_889 = tpu.memref_slice %arg5[%add3A_555] : memref<442368xf32, #tpu.memory_space<hbm>> -> memref<1200xf32, #tpu.memory_space<hbm>>
        %dma_start3A_890 = tpu.memref_slice %arg5[%add3A_555] : memref<442368xf32, #tpu.memory_space<hbm>> -> memref<1200xf32, #tpu.memory_space<hbm>>
        tpu.enqueue_dma source(%arg28 : memref<1200xf32, #tpu.memory_space<vmem>>) target(%dma_start3A_890 : memref<1200xf32, #tpu.memory_space<hbm>>) target_semaphore(%run_scoped3A : memref<!tpu.dma_semaphore, #tpu.memory_space<semaphore_mem>>)
        %dma_wait3A_891 = tpu.memref_slice %arg5[%add3A_555] : memref<442368xf32, #tpu.memory_space<hbm>> -> memref<1200xf32, #tpu.memory_space<hbm>>
        %dma_wait3A_892 = tpu.memref_slice %arg5[%add3A_555] : memref<442368xf32, #tpu.memory_space<hbm>> -> memref<1200xf32, #tpu.memory_space<hbm>>
        tpu.wait_dma2 semaphore(%run_scoped3A : memref<!tpu.dma_semaphore, #tpu.memory_space<semaphore_mem>>) src(%arg28 : memref<1200xf32, #tpu.memory_space<vmem>>) dst(%dma_wait3A_892 : memref<1200xf32, #tpu.memory_space<hbm>>)
        tpu.yield
      }) : () -> ()
      %scan3A_556 = arith.constant 0 : i32
      %scan3A_557 = arith.constant 0 : i32
      %scan3A_558 = arith.constant 75 : i32
      %scan3A_559 = arith.addi %scan3A_557, %scan3A_558 : i32
      %scan3A_560 = arith.constant 1 : i32
      %scan3A_561 = scf.for %scan3A_889 = %scan3A_557 to %scan3A_559 step %scan3A_560 iter_args(%scan3A_890 = %scan3A_556) -> (i32)  : i32 {
        %mul3A_891 = arith.constant 16 : i32
        %mul3A_892 = arith.muli %scan3A_889, %mul3A_891 : i32
        %add3A_893 = arith.constant 2400 : i32
        %add3A_894 = arith.addi %add3A_893, %mul3A_892 : i32
        %get3A = arith.index_cast %add3A_894 : i32 to index
        %get3A_895 = tpu.vector_load %arg9[%get3A] {strides = array<i32>} : memref<22512xi32, #tpu.memory_space<vmem>>, vector<16xi32>,
        %mul3A_896 = arith.constant 16 : i32
        %mul3A_897 = arith.muli %scan3A_889, %mul3A_896 : i32
        %mul3A_898 = arith.constant 22500 : i32
        %mul3A_899 = arith.muli %add3A, %mul3A_898 : i32
        %add3A_900 = vector.broadcast %mul3A_899 : i32 to vector<16xi32>
        %add3A_901 = arith.addi %get3A_895, %add3A_900 : vector<16xi32>
        %mul3A_902 = arith.constant 4 : i32
        %mul3A_903 = vector.broadcast %mul3A_902 : i32 to vector<16xi32>
        %mul3A_904 = arith.muli %add3A_901, %mul3A_903 : vector<16xi32>
        %mul3A_905 = arith.constant 4 : i32
        %mul3A_906 = vector.broadcast %mul3A_905 : i32 to vector<16xi32>
        %mul3A_907 = arith.muli %get3A_895, %mul3A_906 : vector<16xi32>
        %add3A_908 = arith.constant 0 : i32
        %add3A_909 = vector.broadcast %add3A_908 : i32 to vector<16xi32>
        %add3A_910 = arith.addi %mul3A_904, %add3A_909 : vector<16xi32>
        %swap3A_911 = arith.index_cast %mul3A_897 : i32 to index
        %swap3A_912 = tpu.vector_load %arg12[%swap3A_911] {strides = array<i32>} : memref<1200xi32, #tpu.memory_space<vmem>>, vector<16xi32>,
        tpu.vector_store %arg12[%swap3A_911], %add3A_910 {strides = array<i32>} : memref<1200xi32, #tpu.memory_space<vmem>>, vector<16xi32>,
        %add3A_913 = arith.constant 0 : i32
        %add3A_914 = vector.broadcast %add3A_913 : i32 to vector<16xi32>
        %add3A_915 = arith.addi %mul3A_907, %add3A_914 : vector<16xi32>
        %swap3A_916 = arith.index_cast %mul3A_897 : i32 to index
        %swap3A_917 = tpu.vector_load %arg16[%swap3A_916] {strides = array<i32>} : memref<1200xi32, #tpu.memory_space<vmem>>, vector<16xi32>,
        tpu.vector_store %arg16[%swap3A_916], %add3A_915 {strides = array<i32>} : memref<1200xi32, #tpu.memory_space<vmem>>, vector<16xi32>,
        %add3A_918 = arith.constant 1 : i32
        %add3A_919 = vector.broadcast %add3A_918 : i32 to vector<16xi32>
        %add3A_920 = arith.addi %mul3A_904, %add3A_919 : vector<16xi32>
        %swap3A_921 = arith.index_cast %mul3A_897 : i32 to index
        %swap3A_922 = tpu.vector_load %arg13[%swap3A_921] {strides = array<i32>} : memref<1200xi32, #tpu.memory_space<vmem>>, vector<16xi32>,
        tpu.vector_store %arg13[%swap3A_921], %add3A_920 {strides = array<i32>} : memref<1200xi32, #tpu.memory_space<vmem>>, vector<16xi32>,
        %add3A_923 = arith.constant 1 : i32
        %add3A_924 = vector.broadcast %add3A_923 : i32 to vector<16xi32>
        %add3A_925 = arith.addi %mul3A_907, %add3A_924 : vector<16xi32>
        %swap3A_926 = arith.index_cast %mul3A_897 : i32 to index
        %swap3A_927 = tpu.vector_load %arg17[%swap3A_926] {strides = array<i32>} : memref<1200xi32, #tpu.memory_space<vmem>>, vector<16xi32>,
        tpu.vector_store %arg17[%swap3A_926], %add3A_925 {strides = array<i32>} : memref<1200xi32, #tpu.memory_space<vmem>>, vector<16xi32>,
        %add3A_928 = arith.constant 2 : i32
        %add3A_929 = vector.broadcast %add3A_928 : i32 to vector<16xi32>
        %add3A_930 = arith.addi %mul3A_904, %add3A_929 : vector<16xi32>
        %swap3A_931 = arith.index_cast %mul3A_897 : i32 to index
        %swap3A_932 = tpu.vector_load %arg14[%swap3A_931] {strides = array<i32>} : memref<1200xi32, #tpu.memory_space<vmem>>, vector<16xi32>,
        tpu.vector_store %arg14[%swap3A_931], %add3A_930 {strides = array<i32>} : memref<1200xi32, #tpu.memory_space<vmem>>, vector<16xi32>,
        %add3A_933 = arith.constant 2 : i32
        %add3A_934 = vector.broadcast %add3A_933 : i32 to vector<16xi32>
        %add3A_935 = arith.addi %mul3A_907, %add3A_934 : vector<16xi32>
        %swap3A_936 = arith.index_cast %mul3A_897 : i32 to index
        %swap3A_937 = tpu.vector_load %arg18[%swap3A_936] {strides = array<i32>} : memref<1200xi32, #tpu.memory_space<vmem>>, vector<16xi32>,
        tpu.vector_store %arg18[%swap3A_936], %add3A_935 {strides = array<i32>} : memref<1200xi32, #tpu.memory_space<vmem>>, vector<16xi32>,
        %add3A_938 = arith.constant 3 : i32
        %add3A_939 = vector.broadcast %add3A_938 : i32 to vector<16xi32>
        %add3A_940 = arith.addi %mul3A_904, %add3A_939 : vector<16xi32>
        %swap3A_941 = arith.index_cast %mul3A_897 : i32 to index
        %swap3A_942 = tpu.vector_load %arg15[%swap3A_941] {strides = array<i32>} : memref<1200xi32, #tpu.memory_space<vmem>>, vector<16xi32>,
        tpu.vector_store %arg15[%swap3A_941], %add3A_940 {strides = array<i32>} : memref<1200xi32, #tpu.memory_space<vmem>>, vector<16xi32>,
        %add3A_943 = arith.constant 3 : i32
        %add3A_944 = vector.broadcast %add3A_943 : i32 to vector<16xi32>
        %add3A_945 = arith.addi %mul3A_907, %add3A_944 : vector<16xi32>
        %swap3A_946 = arith.index_cast %mul3A_897 : i32 to index
        %swap3A_947 = tpu.vector_load %arg19[%swap3A_946] {strides = array<i32>} : memref<1200xi32, #tpu.memory_space<vmem>>, vector<16xi32>,
        tpu.vector_store %arg19[%swap3A_946], %add3A_945 {strides = array<i32>} : memref<1200xi32, #tpu.memory_space<vmem>>, vector<16xi32>,
        %mul3A_948 = arith.constant 16 : i32
        %mul3A_949 = arith.muli %scan3A_889, %mul3A_948 : i32
        %add3A_950 = arith.constant 2400 : i32
        %add3A_951 = arith.addi %add3A_950, %mul3A_949 : i32
        %get3A_952 = arith.index_cast %add3A_951 : i32 to index
        %get3A_953 = tpu.vector_load %arg7[%get3A_952] {strides = array<i32>} : memref<22512xi32, #tpu.memory_space<vmem>>, vector<16xi32>,
        %sub3A = arith.constant 1065353216 : i32
        %sub3A_954 = vector.broadcast %sub3A : i32 to vector<16xi32>
        %sub3A_955 = arith.subi %sub3A_954, %get3A_953 : vector<16xi32>
        %bitcast3A = vector.bitcast %sub3A_955 : vector<16xi32> to vector<16xf32>
        %swap3A_956 = arith.index_cast %mul3A_897 : i32 to index
        %swap3A_957 = tpu.vector_load %arg20[%swap3A_956] {strides = array<i32>} : memref<1200xf32, #tpu.memory_space<vmem>>, vector<16xf32>,
        tpu.vector_store %arg20[%swap3A_956], %bitcast3A {strides = array<i32>} : memref<1200xf32, #tpu.memory_space<vmem>>, vector<16xf32>,
        %scan3A_958 = arith.constant 0 : i32
        scf.yield %scan3A_958 : i32
      }
      %scan3A_562 = arith.constant 75 : i32
      %dma_start3A_563 = arith.constant 0 : i32
      %dma_start3A_564 = tpu.memref_slice %arg3[%dma_start3A_563] : memref<720000xf32, #tpu.memory_space<hbm>> -> memref<720000xf32, #tpu.memory_space<hbm>>
      tpu.enqueue_indirect_dma source(%dma_start3A_564 : memref<720000xf32, #tpu.memory_space<hbm>>) target(%arg21 : memref<1200xf32, #tpu.memory_space<vmem>>) offsets(%arg12 : memref<1200xi32, #tpu.memory_space<vmem>>) semaphore(%arg11 : memref<!tpu.dma_semaphore, #tpu.memory_space<semaphore_mem>>)
      %dma_start3A_565 = arith.constant 0 : i32
      %dma_start3A_566 = tpu.memref_slice %arg3[%dma_start3A_565] : memref<720000xf32, #tpu.memory_space<hbm>> -> memref<720000xf32, #tpu.memory_space<hbm>>
      tpu.enqueue_indirect_dma source(%dma_start3A_566 : memref<720000xf32, #tpu.memory_space<hbm>>) target(%arg22 : memref<1200xf32, #tpu.memory_space<vmem>>) offsets(%arg13 : memref<1200xi32, #tpu.memory_space<vmem>>) semaphore(%arg11 : memref<!tpu.dma_semaphore, #tpu.memory_space<semaphore_mem>>)
      %dma_start3A_567 = arith.constant 0 : i32
      %dma_start3A_568 = tpu.memref_slice %arg3[%dma_start3A_567] : memref<720000xf32, #tpu.memory_space<hbm>> -> memref<720000xf32, #tpu.memory_space<hbm>>
      tpu.enqueue_indirect_dma source(%dma_start3A_568 : memref<720000xf32, #tpu.memory_space<hbm>>) target(%arg23 : memref<1200xf32, #tpu.memory_space<vmem>>) offsets(%arg14 : memref<1200xi32, #tpu.memory_space<vmem>>) semaphore(%arg11 : memref<!tpu.dma_semaphore, #tpu.memory_space<semaphore_mem>>)
      %dma_start3A_569 = arith.constant 0 : i32
      %dma_start3A_570 = tpu.memref_slice %arg3[%dma_start3A_569] : memref<720000xf32, #tpu.memory_space<hbm>> -> memref<720000xf32, #tpu.memory_space<hbm>>
      tpu.enqueue_indirect_dma source(%dma_start3A_570 : memref<720000xf32, #tpu.memory_space<hbm>>) target(%arg24 : memref<1200xf32, #tpu.memory_space<vmem>>) offsets(%arg15 : memref<1200xi32, #tpu.memory_space<vmem>>) semaphore(%arg11 : memref<!tpu.dma_semaphore, #tpu.memory_space<semaphore_mem>>)
      %dma_start3A_571 = arith.constant 0 : i32
      %dma_start3A_572 = tpu.memref_slice %arg4[%dma_start3A_571] : memref<90000xf32, #tpu.memory_space<hbm>> -> memref<90000xf32, #tpu.memory_space<hbm>>
      tpu.enqueue_indirect_dma source(%dma_start3A_572 : memref<90000xf32, #tpu.memory_space<hbm>>) target(%arg25 : memref<1200xf32, #tpu.memory_space<vmem>>) offsets(%arg16 : memref<1200xi32, #tpu.memory_space<vmem>>) semaphore(%arg11 : memref<!tpu.dma_semaphore, #tpu.memory_space<semaphore_mem>>)
      %dma_start3A_573 = arith.constant 0 : i32
      %dma_start3A_574 = tpu.memref_slice %arg4[%dma_start3A_573] : memref<90000xf32, #tpu.memory_space<hbm>> -> memref<90000xf32, #tpu.memory_space<hbm>>
      tpu.enqueue_indirect_dma source(%dma_start3A_574 : memref<90000xf32, #tpu.memory_space<hbm>>) target(%arg26 : memref<1200xf32, #tpu.memory_space<vmem>>) offsets(%arg17 : memref<1200xi32, #tpu.memory_space<vmem>>) semaphore(%arg11 : memref<!tpu.dma_semaphore, #tpu.memory_space<semaphore_mem>>)
      %dma_start3A_575 = arith.constant 0 : i32
      %dma_start3A_576 = tpu.memref_slice %arg4[%dma_start3A_575] : memref<90000xf32, #tpu.memory_space<hbm>> -> memref<90000xf32, #tpu.memory_space<hbm>>
      tpu.enqueue_indirect_dma source(%dma_start3A_576 : memref<90000xf32, #tpu.memory_space<hbm>>) target(%arg27 : memref<1200xf32, #tpu.memory_space<vmem>>) offsets(%arg18 : memref<1200xi32, #tpu.memory_space<vmem>>) semaphore(%arg11 : memref<!tpu.dma_semaphore, #tpu.memory_space<semaphore_mem>>)
      %dma_start3A_577 = arith.constant 0 : i32
      %dma_start3A_578 = tpu.memref_slice %arg4[%dma_start3A_577] : memref<90000xf32, #tpu.memory_space<hbm>> -> memref<90000xf32, #tpu.memory_space<hbm>>
      tpu.enqueue_indirect_dma source(%dma_start3A_578 : memref<90000xf32, #tpu.memory_space<hbm>>) target(%arg28 : memref<1200xf32, #tpu.memory_space<vmem>>) offsets(%arg19 : memref<1200xi32, #tpu.memory_space<vmem>>) semaphore(%arg11 : memref<!tpu.dma_semaphore, #tpu.memory_space<semaphore_mem>>)
      %dma_wait3A_579 = arith.constant 0 : i32
      %dma_wait3A_580 = tpu.memref_slice %arg3[%dma_wait3A_579] : memref<720000xf32, #tpu.memory_space<hbm>> -> memref<720000xf32, #tpu.memory_space<hbm>>
      tpu.wait_indirect_dma semaphore(%arg11 : memref<!tpu.dma_semaphore, #tpu.memory_space<semaphore_mem>>) src(%dma_wait3A_580 : memref<720000xf32, #tpu.memory_space<hbm>>) dst(%arg21 : memref<1200xf32, #tpu.memory_space<vmem>>)
      %dma_wait3A_581 = arith.constant 0 : i32
      %dma_wait3A_582 = tpu.memref_slice %arg3[%dma_wait3A_581] : memref<720000xf32, #tpu.memory_space<hbm>> -> memref<720000xf32, #tpu.memory_space<hbm>>
      tpu.wait_indirect_dma semaphore(%arg11 : memref<!tpu.dma_semaphore, #tpu.memory_space<semaphore_mem>>) src(%dma_wait3A_582 : memref<720000xf32, #tpu.memory_space<hbm>>) dst(%arg22 : memref<1200xf32, #tpu.memory_space<vmem>>)
      %dma_wait3A_583 = arith.constant 0 : i32
      %dma_wait3A_584 = tpu.memref_slice %arg3[%dma_wait3A_583] : memref<720000xf32, #tpu.memory_space<hbm>> -> memref<720000xf32, #tpu.memory_space<hbm>>
      tpu.wait_indirect_dma semaphore(%arg11 : memref<!tpu.dma_semaphore, #tpu.memory_space<semaphore_mem>>) src(%dma_wait3A_584 : memref<720000xf32, #tpu.memory_space<hbm>>) dst(%arg23 : memref<1200xf32, #tpu.memory_space<vmem>>)
      %dma_wait3A_585 = arith.constant 0 : i32
      %dma_wait3A_586 = tpu.memref_slice %arg3[%dma_wait3A_585] : memref<720000xf32, #tpu.memory_space<hbm>> -> memref<720000xf32, #tpu.memory_space<hbm>>
      tpu.wait_indirect_dma semaphore(%arg11 : memref<!tpu.dma_semaphore, #tpu.memory_space<semaphore_mem>>) src(%dma_wait3A_586 : memref<720000xf32, #tpu.memory_space<hbm>>) dst(%arg24 : memref<1200xf32, #tpu.memory_space<vmem>>)
      %dma_wait3A_587 = arith.constant 0 : i32
      %dma_wait3A_588 = tpu.memref_slice %arg4[%dma_wait3A_587] : memref<90000xf32, #tpu.memory_space<hbm>> -> memref<90000xf32, #tpu.memory_space<hbm>>
      tpu.wait_indirect_dma semaphore(%arg11 : memref<!tpu.dma_semaphore, #tpu.memory_space<semaphore_mem>>) src(%dma_wait3A_588 : memref<90000xf32, #tpu.memory_space<hbm>>) dst(%arg25 : memref<1200xf32, #tpu.memory_space<vmem>>)
      %dma_wait3A_589 = arith.constant 0 : i32
      %dma_wait3A_590 = tpu.memref_slice %arg4[%dma_wait3A_589] : memref<90000xf32, #tpu.memory_space<hbm>> -> memref<90000xf32, #tpu.memory_space<hbm>>
      tpu.wait_indirect_dma semaphore(%arg11 : memref<!tpu.dma_semaphore, #tpu.memory_space<semaphore_mem>>) src(%dma_wait3A_590 : memref<90000xf32, #tpu.memory_space<hbm>>) dst(%arg26 : memref<1200xf32, #tpu.memory_space<vmem>>)
      %dma_wait3A_591 = arith.constant 0 : i32
      %dma_wait3A_592 = tpu.memref_slice %arg4[%dma_wait3A_591] : memref<90000xf32, #tpu.memory_space<hbm>> -> memref<90000xf32, #tpu.memory_space<hbm>>
      tpu.wait_indirect_dma semaphore(%arg11 : memref<!tpu.dma_semaphore, #tpu.memory_space<semaphore_mem>>) src(%dma_wait3A_592 : memref<90000xf32, #tpu.memory_space<hbm>>) dst(%arg27 : memref<1200xf32, #tpu.memory_space<vmem>>)
      %dma_wait3A_593 = arith.constant 0 : i32
      %dma_wait3A_594 = tpu.memref_slice %arg4[%dma_wait3A_593] : memref<90000xf32, #tpu.memory_space<hbm>> -> memref<90000xf32, #tpu.memory_space<hbm>>
      tpu.wait_indirect_dma semaphore(%arg11 : memref<!tpu.dma_semaphore, #tpu.memory_space<semaphore_mem>>) src(%dma_wait3A_594 : memref<90000xf32, #tpu.memory_space<hbm>>) dst(%arg28 : memref<1200xf32, #tpu.memory_space<vmem>>)
      %mul3A_595 = arith.constant 9 : i32
      %mul3A_596 = arith.muli %add3A, %mul3A_595 : i32
      %mul3A_597 = arith.constant 6144 : i32
      %mul3A_598 = arith.muli %mul3A_596, %mul3A_597 : i32
      %add3A_599 = arith.constant 0 : i32
      %add3A_600 = arith.addi %mul3A_598, %add3A_599 : i32
      %add3A_601 = arith.constant 2400 : i32
      %add3A_602 = arith.addi %add3A_600, %add3A_601 : i32
      "tpu.region"() ({
        %run_scoped3A = tpu.sem_alloc : memref<!tpu.dma_semaphore, #tpu.memory_space<semaphore_mem>>
        %dma_start3A_889 = tpu.memref_slice %arg5[%add3A_602] : memref<442368xf32, #tpu.memory_space<hbm>> -> memref<1200xf32, #tpu.memory_space<hbm>>
        %dma_start3A_890 = tpu.memref_slice %arg5[%add3A_602] : memref<442368xf32, #tpu.memory_space<hbm>> -> memref<1200xf32, #tpu.memory_space<hbm>>
        tpu.enqueue_dma source(%arg20 : memref<1200xf32, #tpu.memory_space<vmem>>) target(%dma_start3A_890 : memref<1200xf32, #tpu.memory_space<hbm>>) target_semaphore(%run_scoped3A : memref<!tpu.dma_semaphore, #tpu.memory_space<semaphore_mem>>)
        %dma_wait3A_891 = tpu.memref_slice %arg5[%add3A_602] : memref<442368xf32, #tpu.memory_space<hbm>> -> memref<1200xf32, #tpu.memory_space<hbm>>
        %dma_wait3A_892 = tpu.memref_slice %arg5[%add3A_602] : memref<442368xf32, #tpu.memory_space<hbm>> -> memref<1200xf32, #tpu.memory_space<hbm>>
        tpu.wait_dma2 semaphore(%run_scoped3A : memref<!tpu.dma_semaphore, #tpu.memory_space<semaphore_mem>>) src(%arg20 : memref<1200xf32, #tpu.memory_space<vmem>>) dst(%dma_wait3A_892 : memref<1200xf32, #tpu.memory_space<hbm>>)
        tpu.yield
      }) : () -> ()
      %mul3A_603 = arith.constant 9 : i32
      %mul3A_604 = arith.muli %add3A, %mul3A_603 : i32
      %mul3A_605 = arith.constant 6144 : i32
      %mul3A_606 = arith.muli %mul3A_604, %mul3A_605 : i32
      %add3A_607 = arith.constant 6144 : i32
      %add3A_608 = arith.addi %mul3A_606, %add3A_607 : i32
      %add3A_609 = arith.constant 2400 : i32
      %add3A_610 = arith.addi %add3A_608, %add3A_609 : i32
      "tpu.region"() ({
        %run_scoped3A = tpu.sem_alloc : memref<!tpu.dma_semaphore, #tpu.memory_space<semaphore_mem>>
        %dma_start3A_889 = tpu.memref_slice %arg5[%add3A_610] : memref<442368xf32, #tpu.memory_space<hbm>> -> memref<1200xf32, #tpu.memory_space<hbm>>
        %dma_start3A_890 = tpu.memref_slice %arg5[%add3A_610] : memref<442368xf32, #tpu.memory_space<hbm>> -> memref<1200xf32, #tpu.memory_space<hbm>>
        tpu.enqueue_dma source(%arg21 : memref<1200xf32, #tpu.memory_space<vmem>>) target(%dma_start3A_890 : memref<1200xf32, #tpu.memory_space<hbm>>) target_semaphore(%run_scoped3A : memref<!tpu.dma_semaphore, #tpu.memory_space<semaphore_mem>>)
        %dma_wait3A_891 = tpu.memref_slice %arg5[%add3A_610] : memref<442368xf32, #tpu.memory_space<hbm>> -> memref<1200xf32, #tpu.memory_space<hbm>>
        %dma_wait3A_892 = tpu.memref_slice %arg5[%add3A_610] : memref<442368xf32, #tpu.memory_space<hbm>> -> memref<1200xf32, #tpu.memory_space<hbm>>
        tpu.wait_dma2 semaphore(%run_scoped3A : memref<!tpu.dma_semaphore, #tpu.memory_space<semaphore_mem>>) src(%arg21 : memref<1200xf32, #tpu.memory_space<vmem>>) dst(%dma_wait3A_892 : memref<1200xf32, #tpu.memory_space<hbm>>)
        tpu.yield
      }) : () -> ()
      %mul3A_611 = arith.constant 9 : i32
      %mul3A_612 = arith.muli %add3A, %mul3A_611 : i32
      %mul3A_613 = arith.constant 6144 : i32
      %mul3A_614 = arith.muli %mul3A_612, %mul3A_613 : i32
      %add3A_615 = arith.constant 12288 : i32
      %add3A_616 = arith.addi %mul3A_614, %add3A_615 : i32
      %add3A_617 = arith.constant 2400 : i32
      %add3A_618 = arith.addi %add3A_616, %add3A_617 : i32
      "tpu.region"() ({
        %run_scoped3A = tpu.sem_alloc : memref<!tpu.dma_semaphore, #tpu.memory_space<semaphore_mem>>
        %dma_start3A_889 = tpu.memref_slice %arg5[%add3A_618] : memref<442368xf32, #tpu.memory_space<hbm>> -> memref<1200xf32, #tpu.memory_space<hbm>>
        %dma_start3A_890 = tpu.memref_slice %arg5[%add3A_618] : memref<442368xf32, #tpu.memory_space<hbm>> -> memref<1200xf32, #tpu.memory_space<hbm>>
        tpu.enqueue_dma source(%arg22 : memref<1200xf32, #tpu.memory_space<vmem>>) target(%dma_start3A_890 : memref<1200xf32, #tpu.memory_space<hbm>>) target_semaphore(%run_scoped3A : memref<!tpu.dma_semaphore, #tpu.memory_space<semaphore_mem>>)
        %dma_wait3A_891 = tpu.memref_slice %arg5[%add3A_618] : memref<442368xf32, #tpu.memory_space<hbm>> -> memref<1200xf32, #tpu.memory_space<hbm>>
        %dma_wait3A_892 = tpu.memref_slice %arg5[%add3A_618] : memref<442368xf32, #tpu.memory_space<hbm>> -> memref<1200xf32, #tpu.memory_space<hbm>>
        tpu.wait_dma2 semaphore(%run_scoped3A : memref<!tpu.dma_semaphore, #tpu.memory_space<semaphore_mem>>) src(%arg22 : memref<1200xf32, #tpu.memory_space<vmem>>) dst(%dma_wait3A_892 : memref<1200xf32, #tpu.memory_space<hbm>>)
        tpu.yield
      }) : () -> ()
      %mul3A_619 = arith.constant 9 : i32
      %mul3A_620 = arith.muli %add3A, %mul3A_619 : i32
      %mul3A_621 = arith.constant 6144 : i32
      %mul3A_622 = arith.muli %mul3A_620, %mul3A_621 : i32
      %add3A_623 = arith.constant 18432 : i32
      %add3A_624 = arith.addi %mul3A_622, %add3A_623 : i32
      %add3A_625 = arith.constant 2400 : i32
      %add3A_626 = arith.addi %add3A_624, %add3A_625 : i32
      "tpu.region"() ({
        %run_scoped3A = tpu.sem_alloc : memref<!tpu.dma_semaphore, #tpu.memory_space<semaphore_mem>>
        %dma_start3A_889 = tpu.memref_slice %arg5[%add3A_626] : memref<442368xf32, #tpu.memory_space<hbm>> -> memref<1200xf32, #tpu.memory_space<hbm>>
        %dma_start3A_890 = tpu.memref_slice %arg5[%add3A_626] : memref<442368xf32, #tpu.memory_space<hbm>> -> memref<1200xf32, #tpu.memory_space<hbm>>
        tpu.enqueue_dma source(%arg23 : memref<1200xf32, #tpu.memory_space<vmem>>) target(%dma_start3A_890 : memref<1200xf32, #tpu.memory_space<hbm>>) target_semaphore(%run_scoped3A : memref<!tpu.dma_semaphore, #tpu.memory_space<semaphore_mem>>)
        %dma_wait3A_891 = tpu.memref_slice %arg5[%add3A_626] : memref<442368xf32, #tpu.memory_space<hbm>> -> memref<1200xf32, #tpu.memory_space<hbm>>
        %dma_wait3A_892 = tpu.memref_slice %arg5[%add3A_626] : memref<442368xf32, #tpu.memory_space<hbm>> -> memref<1200xf32, #tpu.memory_space<hbm>>
        tpu.wait_dma2 semaphore(%run_scoped3A : memref<!tpu.dma_semaphore, #tpu.memory_space<semaphore_mem>>) src(%arg23 : memref<1200xf32, #tpu.memory_space<vmem>>) dst(%dma_wait3A_892 : memref<1200xf32, #tpu.memory_space<hbm>>)
        tpu.yield
      }) : () -> ()
      %mul3A_627 = arith.constant 9 : i32
      %mul3A_628 = arith.muli %add3A, %mul3A_627 : i32
      %mul3A_629 = arith.constant 6144 : i32
      %mul3A_630 = arith.muli %mul3A_628, %mul3A_629 : i32
      %add3A_631 = arith.constant 24576 : i32
      %add3A_632 = arith.addi %mul3A_630, %add3A_631 : i32
      %add3A_633 = arith.constant 2400 : i32
      %add3A_634 = arith.addi %add3A_632, %add3A_633 : i32
      "tpu.region"() ({
        %run_scoped3A = tpu.sem_alloc : memref<!tpu.dma_semaphore, #tpu.memory_space<semaphore_mem>>
        %dma_start3A_889 = tpu.memref_slice %arg5[%add3A_634] : memref<442368xf32, #tpu.memory_space<hbm>> -> memref<1200xf32, #tpu.memory_space<hbm>>
        %dma_start3A_890 = tpu.memref_slice %arg5[%add3A_634] : memref<442368xf32, #tpu.memory_space<hbm>> -> memref<1200xf32, #tpu.memory_space<hbm>>
        tpu.enqueue_dma source(%arg24 : memref<1200xf32, #tpu.memory_space<vmem>>) target(%dma_start3A_890 : memref<1200xf32, #tpu.memory_space<hbm>>) target_semaphore(%run_scoped3A : memref<!tpu.dma_semaphore, #tpu.memory_space<semaphore_mem>>)
        %dma_wait3A_891 = tpu.memref_slice %arg5[%add3A_634] : memref<442368xf32, #tpu.memory_space<hbm>> -> memref<1200xf32, #tpu.memory_space<hbm>>
        %dma_wait3A_892 = tpu.memref_slice %arg5[%add3A_634] : memref<442368xf32, #tpu.memory_space<hbm>> -> memref<1200xf32, #tpu.memory_space<hbm>>
        tpu.wait_dma2 semaphore(%run_scoped3A : memref<!tpu.dma_semaphore, #tpu.memory_space<semaphore_mem>>) src(%arg24 : memref<1200xf32, #tpu.memory_space<vmem>>) dst(%dma_wait3A_892 : memref<1200xf32, #tpu.memory_space<hbm>>)
        tpu.yield
      }) : () -> ()
      %mul3A_635 = arith.constant 9 : i32
      %mul3A_636 = arith.muli %add3A, %mul3A_635 : i32
      %mul3A_637 = arith.constant 6144 : i32
      %mul3A_638 = arith.muli %mul3A_636, %mul3A_637 : i32
      %add3A_639 = arith.constant 30720 : i32
      %add3A_640 = arith.addi %mul3A_638, %add3A_639 : i32
      %add3A_641 = arith.constant 2400 : i32
      %add3A_642 = arith.addi %add3A_640, %add3A_641 : i32
      "tpu.region"() ({
        %run_scoped3A = tpu.sem_alloc : memref<!tpu.dma_semaphore, #tpu.memory_space<semaphore_mem>>
        %dma_start3A_889 = tpu.memref_slice %arg5[%add3A_642] : memref<442368xf32, #tpu.memory_space<hbm>> -> memref<1200xf32, #tpu.memory_space<hbm>>
        %dma_start3A_890 = tpu.memref_slice %arg5[%add3A_642] : memref<442368xf32, #tpu.memory_space<hbm>> -> memref<1200xf32, #tpu.memory_space<hbm>>
        tpu.enqueue_dma source(%arg25 : memref<1200xf32, #tpu.memory_space<vmem>>) target(%dma_start3A_890 : memref<1200xf32, #tpu.memory_space<hbm>>) target_semaphore(%run_scoped3A : memref<!tpu.dma_semaphore, #tpu.memory_space<semaphore_mem>>)
        %dma_wait3A_891 = tpu.memref_slice %arg5[%add3A_642] : memref<442368xf32, #tpu.memory_space<hbm>> -> memref<1200xf32, #tpu.memory_space<hbm>>
        %dma_wait3A_892 = tpu.memref_slice %arg5[%add3A_642] : memref<442368xf32, #tpu.memory_space<hbm>> -> memref<1200xf32, #tpu.memory_space<hbm>>
        tpu.wait_dma2 semaphore(%run_scoped3A : memref<!tpu.dma_semaphore, #tpu.memory_space<semaphore_mem>>) src(%arg25 : memref<1200xf32, #tpu.memory_space<vmem>>) dst(%dma_wait3A_892 : memref<1200xf32, #tpu.memory_space<hbm>>)
        tpu.yield
      }) : () -> ()
      %mul3A_643 = arith.constant 9 : i32
      %mul3A_644 = arith.muli %add3A, %mul3A_643 : i32
      %mul3A_645 = arith.constant 6144 : i32
      %mul3A_646 = arith.muli %mul3A_644, %mul3A_645 : i32
      %add3A_647 = arith.constant 36864 : i32
      %add3A_648 = arith.addi %mul3A_646, %add3A_647 : i32
      %add3A_649 = arith.constant 2400 : i32
      %add3A_650 = arith.addi %add3A_648, %add3A_649 : i32
      "tpu.region"() ({
        %run_scoped3A = tpu.sem_alloc : memref<!tpu.dma_semaphore, #tpu.memory_space<semaphore_mem>>
        %dma_start3A_889 = tpu.memref_slice %arg5[%add3A_650] : memref<442368xf32, #tpu.memory_space<hbm>> -> memref<1200xf32, #tpu.memory_space<hbm>>
        %dma_start3A_890 = tpu.memref_slice %arg5[%add3A_650] : memref<442368xf32, #tpu.memory_space<hbm>> -> memref<1200xf32, #tpu.memory_space<hbm>>
        tpu.enqueue_dma source(%arg26 : memref<1200xf32, #tpu.memory_space<vmem>>) target(%dma_start3A_890 : memref<1200xf32, #tpu.memory_space<hbm>>) target_semaphore(%run_scoped3A : memref<!tpu.dma_semaphore, #tpu.memory_space<semaphore_mem>>)
        %dma_wait3A_891 = tpu.memref_slice %arg5[%add3A_650] : memref<442368xf32, #tpu.memory_space<hbm>> -> memref<1200xf32, #tpu.memory_space<hbm>>
        %dma_wait3A_892 = tpu.memref_slice %arg5[%add3A_650] : memref<442368xf32, #tpu.memory_space<hbm>> -> memref<1200xf32, #tpu.memory_space<hbm>>
        tpu.wait_dma2 semaphore(%run_scoped3A : memref<!tpu.dma_semaphore, #tpu.memory_space<semaphore_mem>>) src(%arg26 : memref<1200xf32, #tpu.memory_space<vmem>>) dst(%dma_wait3A_892 : memref<1200xf32, #tpu.memory_space<hbm>>)
        tpu.yield
      }) : () -> ()
      %mul3A_651 = arith.constant 9 : i32
      %mul3A_652 = arith.muli %add3A, %mul3A_651 : i32
      %mul3A_653 = arith.constant 6144 : i32
      %mul3A_654 = arith.muli %mul3A_652, %mul3A_653 : i32
      %add3A_655 = arith.constant 43008 : i32
      %add3A_656 = arith.addi %mul3A_654, %add3A_655 : i32
      %add3A_657 = arith.constant 2400 : i32
      %add3A_658 = arith.addi %add3A_656, %add3A_657 : i32
      "tpu.region"() ({
        %run_scoped3A = tpu.sem_alloc : memref<!tpu.dma_semaphore, #tpu.memory_space<semaphore_mem>>
        %dma_start3A_889 = tpu.memref_slice %arg5[%add3A_658] : memref<442368xf32, #tpu.memory_space<hbm>> -> memref<1200xf32, #tpu.memory_space<hbm>>
        %dma_start3A_890 = tpu.memref_slice %arg5[%add3A_658] : memref<442368xf32, #tpu.memory_space<hbm>> -> memref<1200xf32, #tpu.memory_space<hbm>>
        tpu.enqueue_dma source(%arg27 : memref<1200xf32, #tpu.memory_space<vmem>>) target(%dma_start3A_890 : memref<1200xf32, #tpu.memory_space<hbm>>) target_semaphore(%run_scoped3A : memref<!tpu.dma_semaphore, #tpu.memory_space<semaphore_mem>>)
        %dma_wait3A_891 = tpu.memref_slice %arg5[%add3A_658] : memref<442368xf32, #tpu.memory_space<hbm>> -> memref<1200xf32, #tpu.memory_space<hbm>>
        %dma_wait3A_892 = tpu.memref_slice %arg5[%add3A_658] : memref<442368xf32, #tpu.memory_space<hbm>> -> memref<1200xf32, #tpu.memory_space<hbm>>
        tpu.wait_dma2 semaphore(%run_scoped3A : memref<!tpu.dma_semaphore, #tpu.memory_space<semaphore_mem>>) src(%arg27 : memref<1200xf32, #tpu.memory_space<vmem>>) dst(%dma_wait3A_892 : memref<1200xf32, #tpu.memory_space<hbm>>)
        tpu.yield
      }) : () -> ()
      %mul3A_659 = arith.constant 9 : i32
      %mul3A_660 = arith.muli %add3A, %mul3A_659 : i32
      %mul3A_661 = arith.constant 6144 : i32
      %mul3A_662 = arith.muli %mul3A_660, %mul3A_661 : i32
      %add3A_663 = arith.constant 49152 : i32
      %add3A_664 = arith.addi %mul3A_662, %add3A_663 : i32
      %add3A_665 = arith.constant 2400 : i32
      %add3A_666 = arith.addi %add3A_664, %add3A_665 : i32
      "tpu.region"() ({
        %run_scoped3A = tpu.sem_alloc : memref<!tpu.dma_semaphore, #tpu.memory_space<semaphore_mem>>
        %dma_start3A_889 = tpu.memref_slice %arg5[%add3A_666] : memref<442368xf32, #tpu.memory_space<hbm>> -> memref<1200xf32, #tpu.memory_space<hbm>>
        %dma_start3A_890 = tpu.memref_slice %arg5[%add3A_666] : memref<442368xf32, #tpu.memory_space<hbm>> -> memref<1200xf32, #tpu.memory_space<hbm>>
        tpu.enqueue_dma source(%arg28 : memref<1200xf32, #tpu.memory_space<vmem>>) target(%dma_start3A_890 : memref<1200xf32, #tpu.memory_space<hbm>>) target_semaphore(%run_scoped3A : memref<!tpu.dma_semaphore, #tpu.memory_space<semaphore_mem>>)
        %dma_wait3A_891 = tpu.memref_slice %arg5[%add3A_666] : memref<442368xf32, #tpu.memory_space<hbm>> -> memref<1200xf32, #tpu.memory_space<hbm>>
        %dma_wait3A_892 = tpu.memref_slice %arg5[%add3A_666] : memref<442368xf32, #tpu.memory_space<hbm>> -> memref<1200xf32, #tpu.memory_space<hbm>>
        tpu.wait_dma2 semaphore(%run_scoped3A : memref<!tpu.dma_semaphore, #tpu.memory_space<semaphore_mem>>) src(%arg28 : memref<1200xf32, #tpu.memory_space<vmem>>) dst(%dma_wait3A_892 : memref<1200xf32, #tpu.memory_space<hbm>>)
        tpu.yield
      }) : () -> ()
      %scan3A_667 = arith.constant 0 : i32
      %scan3A_668 = arith.constant 0 : i32
      %scan3A_669 = arith.constant 75 : i32
      %scan3A_670 = arith.addi %scan3A_668, %scan3A_669 : i32
      %scan3A_671 = arith.constant 1 : i32
      %scan3A_672 = scf.for %scan3A_889 = %scan3A_668 to %scan3A_670 step %scan3A_671 iter_args(%scan3A_890 = %scan3A_667) -> (i32)  : i32 {
        %mul3A_891 = arith.constant 16 : i32
        %mul3A_892 = arith.muli %scan3A_889, %mul3A_891 : i32
        %add3A_893 = arith.constant 3600 : i32
        %add3A_894 = arith.addi %add3A_893, %mul3A_892 : i32
        %get3A = arith.index_cast %add3A_894 : i32 to index
        %get3A_895 = tpu.vector_load %arg9[%get3A] {strides = array<i32>} : memref<22512xi32, #tpu.memory_space<vmem>>, vector<16xi32>,
        %mul3A_896 = arith.constant 16 : i32
        %mul3A_897 = arith.muli %scan3A_889, %mul3A_896 : i32
        %mul3A_898 = arith.constant 22500 : i32
        %mul3A_899 = arith.muli %add3A, %mul3A_898 : i32
        %add3A_900 = vector.broadcast %mul3A_899 : i32 to vector<16xi32>
        %add3A_901 = arith.addi %get3A_895, %add3A_900 : vector<16xi32>
        %mul3A_902 = arith.constant 4 : i32
        %mul3A_903 = vector.broadcast %mul3A_902 : i32 to vector<16xi32>
        %mul3A_904 = arith.muli %add3A_901, %mul3A_903 : vector<16xi32>
        %mul3A_905 = arith.constant 4 : i32
        %mul3A_906 = vector.broadcast %mul3A_905 : i32 to vector<16xi32>
        %mul3A_907 = arith.muli %get3A_895, %mul3A_906 : vector<16xi32>
        %add3A_908 = arith.constant 0 : i32
        %add3A_909 = vector.broadcast %add3A_908 : i32 to vector<16xi32>
        %add3A_910 = arith.addi %mul3A_904, %add3A_909 : vector<16xi32>
        %swap3A_911 = arith.index_cast %mul3A_897 : i32 to index
        %swap3A_912 = tpu.vector_load %arg12[%swap3A_911] {strides = array<i32>} : memref<1200xi32, #tpu.memory_space<vmem>>, vector<16xi32>,
        tpu.vector_store %arg12[%swap3A_911], %add3A_910 {strides = array<i32>} : memref<1200xi32, #tpu.memory_space<vmem>>, vector<16xi32>,
        %add3A_913 = arith.constant 0 : i32
        %add3A_914 = vector.broadcast %add3A_913 : i32 to vector<16xi32>
        %add3A_915 = arith.addi %mul3A_907, %add3A_914 : vector<16xi32>
        %swap3A_916 = arith.index_cast %mul3A_897 : i32 to index
        %swap3A_917 = tpu.vector_load %arg16[%swap3A_916] {strides = array<i32>} : memref<1200xi32, #tpu.memory_space<vmem>>, vector<16xi32>,
        tpu.vector_store %arg16[%swap3A_916], %add3A_915 {strides = array<i32>} : memref<1200xi32, #tpu.memory_space<vmem>>, vector<16xi32>,
        %add3A_918 = arith.constant 1 : i32
        %add3A_919 = vector.broadcast %add3A_918 : i32 to vector<16xi32>
        %add3A_920 = arith.addi %mul3A_904, %add3A_919 : vector<16xi32>
        %swap3A_921 = arith.index_cast %mul3A_897 : i32 to index
        %swap3A_922 = tpu.vector_load %arg13[%swap3A_921] {strides = array<i32>} : memref<1200xi32, #tpu.memory_space<vmem>>, vector<16xi32>,
        tpu.vector_store %arg13[%swap3A_921], %add3A_920 {strides = array<i32>} : memref<1200xi32, #tpu.memory_space<vmem>>, vector<16xi32>,
        %add3A_923 = arith.constant 1 : i32
        %add3A_924 = vector.broadcast %add3A_923 : i32 to vector<16xi32>
        %add3A_925 = arith.addi %mul3A_907, %add3A_924 : vector<16xi32>
        %swap3A_926 = arith.index_cast %mul3A_897 : i32 to index
        %swap3A_927 = tpu.vector_load %arg17[%swap3A_926] {strides = array<i32>} : memref<1200xi32, #tpu.memory_space<vmem>>, vector<16xi32>,
        tpu.vector_store %arg17[%swap3A_926], %add3A_925 {strides = array<i32>} : memref<1200xi32, #tpu.memory_space<vmem>>, vector<16xi32>,
        %add3A_928 = arith.constant 2 : i32
        %add3A_929 = vector.broadcast %add3A_928 : i32 to vector<16xi32>
        %add3A_930 = arith.addi %mul3A_904, %add3A_929 : vector<16xi32>
        %swap3A_931 = arith.index_cast %mul3A_897 : i32 to index
        %swap3A_932 = tpu.vector_load %arg14[%swap3A_931] {strides = array<i32>} : memref<1200xi32, #tpu.memory_space<vmem>>, vector<16xi32>,
        tpu.vector_store %arg14[%swap3A_931], %add3A_930 {strides = array<i32>} : memref<1200xi32, #tpu.memory_space<vmem>>, vector<16xi32>,
        %add3A_933 = arith.constant 2 : i32
        %add3A_934 = vector.broadcast %add3A_933 : i32 to vector<16xi32>
        %add3A_935 = arith.addi %mul3A_907, %add3A_934 : vector<16xi32>
        %swap3A_936 = arith.index_cast %mul3A_897 : i32 to index
        %swap3A_937 = tpu.vector_load %arg18[%swap3A_936] {strides = array<i32>} : memref<1200xi32, #tpu.memory_space<vmem>>, vector<16xi32>,
        tpu.vector_store %arg18[%swap3A_936], %add3A_935 {strides = array<i32>} : memref<1200xi32, #tpu.memory_space<vmem>>, vector<16xi32>,
        %add3A_938 = arith.constant 3 : i32
        %add3A_939 = vector.broadcast %add3A_938 : i32 to vector<16xi32>
        %add3A_940 = arith.addi %mul3A_904, %add3A_939 : vector<16xi32>
        %swap3A_941 = arith.index_cast %mul3A_897 : i32 to index
        %swap3A_942 = tpu.vector_load %arg15[%swap3A_941] {strides = array<i32>} : memref<1200xi32, #tpu.memory_space<vmem>>, vector<16xi32>,
        tpu.vector_store %arg15[%swap3A_941], %add3A_940 {strides = array<i32>} : memref<1200xi32, #tpu.memory_space<vmem>>, vector<16xi32>,
        %add3A_943 = arith.constant 3 : i32
        %add3A_944 = vector.broadcast %add3A_943 : i32 to vector<16xi32>
        %add3A_945 = arith.addi %mul3A_907, %add3A_944 : vector<16xi32>
        %swap3A_946 = arith.index_cast %mul3A_897 : i32 to index
        %swap3A_947 = tpu.vector_load %arg19[%swap3A_946] {strides = array<i32>} : memref<1200xi32, #tpu.memory_space<vmem>>, vector<16xi32>,
        tpu.vector_store %arg19[%swap3A_946], %add3A_945 {strides = array<i32>} : memref<1200xi32, #tpu.memory_space<vmem>>, vector<16xi32>,
        %mul3A_948 = arith.constant 16 : i32
        %mul3A_949 = arith.muli %scan3A_889, %mul3A_948 : i32
        %add3A_950 = arith.constant 3600 : i32
        %add3A_951 = arith.addi %add3A_950, %mul3A_949 : i32
        %get3A_952 = arith.index_cast %add3A_951 : i32 to index
        %get3A_953 = tpu.vector_load %arg7[%get3A_952] {strides = array<i32>} : memref<22512xi32, #tpu.memory_space<vmem>>, vector<16xi32>,
        %sub3A = arith.constant 1065353216 : i32
        %sub3A_954 = vector.broadcast %sub3A : i32 to vector<16xi32>
        %sub3A_955 = arith.subi %sub3A_954, %get3A_953 : vector<16xi32>
        %bitcast3A = vector.bitcast %sub3A_955 : vector<16xi32> to vector<16xf32>
        %swap3A_956 = arith.index_cast %mul3A_897 : i32 to index
        %swap3A_957 = tpu.vector_load %arg20[%swap3A_956] {strides = array<i32>} : memref<1200xf32, #tpu.memory_space<vmem>>, vector<16xf32>,
        tpu.vector_store %arg20[%swap3A_956], %bitcast3A {strides = array<i32>} : memref<1200xf32, #tpu.memory_space<vmem>>, vector<16xf32>,
        %scan3A_958 = arith.constant 0 : i32
        scf.yield %scan3A_958 : i32
      }
      %scan3A_673 = arith.constant 75 : i32
      %dma_start3A_674 = arith.constant 0 : i32
      %dma_start3A_675 = tpu.memref_slice %arg3[%dma_start3A_674] : memref<720000xf32, #tpu.memory_space<hbm>> -> memref<720000xf32, #tpu.memory_space<hbm>>
      tpu.enqueue_indirect_dma source(%dma_start3A_675 : memref<720000xf32, #tpu.memory_space<hbm>>) target(%arg21 : memref<1200xf32, #tpu.memory_space<vmem>>) offsets(%arg12 : memref<1200xi32, #tpu.memory_space<vmem>>) semaphore(%arg11 : memref<!tpu.dma_semaphore, #tpu.memory_space<semaphore_mem>>)
      %dma_start3A_676 = arith.constant 0 : i32
      %dma_start3A_677 = tpu.memref_slice %arg3[%dma_start3A_676] : memref<720000xf32, #tpu.memory_space<hbm>> -> memref<720000xf32, #tpu.memory_space<hbm>>
      tpu.enqueue_indirect_dma source(%dma_start3A_677 : memref<720000xf32, #tpu.memory_space<hbm>>) target(%arg22 : memref<1200xf32, #tpu.memory_space<vmem>>) offsets(%arg13 : memref<1200xi32, #tpu.memory_space<vmem>>) semaphore(%arg11 : memref<!tpu.dma_semaphore, #tpu.memory_space<semaphore_mem>>)
      %dma_start3A_678 = arith.constant 0 : i32
      %dma_start3A_679 = tpu.memref_slice %arg3[%dma_start3A_678] : memref<720000xf32, #tpu.memory_space<hbm>> -> memref<720000xf32, #tpu.memory_space<hbm>>
      tpu.enqueue_indirect_dma source(%dma_start3A_679 : memref<720000xf32, #tpu.memory_space<hbm>>) target(%arg23 : memref<1200xf32, #tpu.memory_space<vmem>>) offsets(%arg14 : memref<1200xi32, #tpu.memory_space<vmem>>) semaphore(%arg11 : memref<!tpu.dma_semaphore, #tpu.memory_space<semaphore_mem>>)
      %dma_start3A_680 = arith.constant 0 : i32
      %dma_start3A_681 = tpu.memref_slice %arg3[%dma_start3A_680] : memref<720000xf32, #tpu.memory_space<hbm>> -> memref<720000xf32, #tpu.memory_space<hbm>>
      tpu.enqueue_indirect_dma source(%dma_start3A_681 : memref<720000xf32, #tpu.memory_space<hbm>>) target(%arg24 : memref<1200xf32, #tpu.memory_space<vmem>>) offsets(%arg15 : memref<1200xi32, #tpu.memory_space<vmem>>) semaphore(%arg11 : memref<!tpu.dma_semaphore, #tpu.memory_space<semaphore_mem>>)
      %dma_start3A_682 = arith.constant 0 : i32
      %dma_start3A_683 = tpu.memref_slice %arg4[%dma_start3A_682] : memref<90000xf32, #tpu.memory_space<hbm>> -> memref<90000xf32, #tpu.memory_space<hbm>>
      tpu.enqueue_indirect_dma source(%dma_start3A_683 : memref<90000xf32, #tpu.memory_space<hbm>>) target(%arg25 : memref<1200xf32, #tpu.memory_space<vmem>>) offsets(%arg16 : memref<1200xi32, #tpu.memory_space<vmem>>) semaphore(%arg11 : memref<!tpu.dma_semaphore, #tpu.memory_space<semaphore_mem>>)
      %dma_start3A_684 = arith.constant 0 : i32
      %dma_start3A_685 = tpu.memref_slice %arg4[%dma_start3A_684] : memref<90000xf32, #tpu.memory_space<hbm>> -> memref<90000xf32, #tpu.memory_space<hbm>>
      tpu.enqueue_indirect_dma source(%dma_start3A_685 : memref<90000xf32, #tpu.memory_space<hbm>>) target(%arg26 : memref<1200xf32, #tpu.memory_space<vmem>>) offsets(%arg17 : memref<1200xi32, #tpu.memory_space<vmem>>) semaphore(%arg11 : memref<!tpu.dma_semaphore, #tpu.memory_space<semaphore_mem>>)
      %dma_start3A_686 = arith.constant 0 : i32
      %dma_start3A_687 = tpu.memref_slice %arg4[%dma_start3A_686] : memref<90000xf32, #tpu.memory_space<hbm>> -> memref<90000xf32, #tpu.memory_space<hbm>>
      tpu.enqueue_indirect_dma source(%dma_start3A_687 : memref<90000xf32, #tpu.memory_space<hbm>>) target(%arg27 : memref<1200xf32, #tpu.memory_space<vmem>>) offsets(%arg18 : memref<1200xi32, #tpu.memory_space<vmem>>) semaphore(%arg11 : memref<!tpu.dma_semaphore, #tpu.memory_space<semaphore_mem>>)
      %dma_start3A_688 = arith.constant 0 : i32
      %dma_start3A_689 = tpu.memref_slice %arg4[%dma_start3A_688] : memref<90000xf32, #tpu.memory_space<hbm>> -> memref<90000xf32, #tpu.memory_space<hbm>>
      tpu.enqueue_indirect_dma source(%dma_start3A_689 : memref<90000xf32, #tpu.memory_space<hbm>>) target(%arg28 : memref<1200xf32, #tpu.memory_space<vmem>>) offsets(%arg19 : memref<1200xi32, #tpu.memory_space<vmem>>) semaphore(%arg11 : memref<!tpu.dma_semaphore, #tpu.memory_space<semaphore_mem>>)
      %dma_wait3A_690 = arith.constant 0 : i32
      %dma_wait3A_691 = tpu.memref_slice %arg3[%dma_wait3A_690] : memref<720000xf32, #tpu.memory_space<hbm>> -> memref<720000xf32, #tpu.memory_space<hbm>>
      tpu.wait_indirect_dma semaphore(%arg11 : memref<!tpu.dma_semaphore, #tpu.memory_space<semaphore_mem>>) src(%dma_wait3A_691 : memref<720000xf32, #tpu.memory_space<hbm>>) dst(%arg21 : memref<1200xf32, #tpu.memory_space<vmem>>)
      %dma_wait3A_692 = arith.constant 0 : i32
      %dma_wait3A_693 = tpu.memref_slice %arg3[%dma_wait3A_692] : memref<720000xf32, #tpu.memory_space<hbm>> -> memref<720000xf32, #tpu.memory_space<hbm>>
      tpu.wait_indirect_dma semaphore(%arg11 : memref<!tpu.dma_semaphore, #tpu.memory_space<semaphore_mem>>) src(%dma_wait3A_693 : memref<720000xf32, #tpu.memory_space<hbm>>) dst(%arg22 : memref<1200xf32, #tpu.memory_space<vmem>>)
      %dma_wait3A_694 = arith.constant 0 : i32
      %dma_wait3A_695 = tpu.memref_slice %arg3[%dma_wait3A_694] : memref<720000xf32, #tpu.memory_space<hbm>> -> memref<720000xf32, #tpu.memory_space<hbm>>
      tpu.wait_indirect_dma semaphore(%arg11 : memref<!tpu.dma_semaphore, #tpu.memory_space<semaphore_mem>>) src(%dma_wait3A_695 : memref<720000xf32, #tpu.memory_space<hbm>>) dst(%arg23 : memref<1200xf32, #tpu.memory_space<vmem>>)
      %dma_wait3A_696 = arith.constant 0 : i32
      %dma_wait3A_697 = tpu.memref_slice %arg3[%dma_wait3A_696] : memref<720000xf32, #tpu.memory_space<hbm>> -> memref<720000xf32, #tpu.memory_space<hbm>>
      tpu.wait_indirect_dma semaphore(%arg11 : memref<!tpu.dma_semaphore, #tpu.memory_space<semaphore_mem>>) src(%dma_wait3A_697 : memref<720000xf32, #tpu.memory_space<hbm>>) dst(%arg24 : memref<1200xf32, #tpu.memory_space<vmem>>)
      %dma_wait3A_698 = arith.constant 0 : i32
      %dma_wait3A_699 = tpu.memref_slice %arg4[%dma_wait3A_698] : memref<90000xf32, #tpu.memory_space<hbm>> -> memref<90000xf32, #tpu.memory_space<hbm>>
      tpu.wait_indirect_dma semaphore(%arg11 : memref<!tpu.dma_semaphore, #tpu.memory_space<semaphore_mem>>) src(%dma_wait3A_699 : memref<90000xf32, #tpu.memory_space<hbm>>) dst(%arg25 : memref<1200xf32, #tpu.memory_space<vmem>>)
      %dma_wait3A_700 = arith.constant 0 : i32
      %dma_wait3A_701 = tpu.memref_slice %arg4[%dma_wait3A_700] : memref<90000xf32, #tpu.memory_space<hbm>> -> memref<90000xf32, #tpu.memory_space<hbm>>
      tpu.wait_indirect_dma semaphore(%arg11 : memref<!tpu.dma_semaphore, #tpu.memory_space<semaphore_mem>>) src(%dma_wait3A_701 : memref<90000xf32, #tpu.memory_space<hbm>>) dst(%arg26 : memref<1200xf32, #tpu.memory_space<vmem>>)
      %dma_wait3A_702 = arith.constant 0 : i32
      %dma_wait3A_703 = tpu.memref_slice %arg4[%dma_wait3A_702] : memref<90000xf32, #tpu.memory_space<hbm>> -> memref<90000xf32, #tpu.memory_space<hbm>>
      tpu.wait_indirect_dma semaphore(%arg11 : memref<!tpu.dma_semaphore, #tpu.memory_space<semaphore_mem>>) src(%dma_wait3A_703 : memref<90000xf32, #tpu.memory_space<hbm>>) dst(%arg27 : memref<1200xf32, #tpu.memory_space<vmem>>)
      %dma_wait3A_704 = arith.constant 0 : i32
      %dma_wait3A_705 = tpu.memref_slice %arg4[%dma_wait3A_704] : memref<90000xf32, #tpu.memory_space<hbm>> -> memref<90000xf32, #tpu.memory_space<hbm>>
      tpu.wait_indirect_dma semaphore(%arg11 : memref<!tpu.dma_semaphore, #tpu.memory_space<semaphore_mem>>) src(%dma_wait3A_705 : memref<90000xf32, #tpu.memory_space<hbm>>) dst(%arg28 : memref<1200xf32, #tpu.memory_space<vmem>>)
      %mul3A_706 = arith.constant 9 : i32
      %mul3A_707 = arith.muli %add3A, %mul3A_706 : i32
      %mul3A_708 = arith.constant 6144 : i32
      %mul3A_709 = arith.muli %mul3A_707, %mul3A_708 : i32
      %add3A_710 = arith.constant 0 : i32
      %add3A_711 = arith.addi %mul3A_709, %add3A_710 : i32
      %add3A_712 = arith.constant 3600 : i32
      %add3A_713 = arith.addi %add3A_711, %add3A_712 : i32
      "tpu.region"() ({
        %run_scoped3A = tpu.sem_alloc : memref<!tpu.dma_semaphore, #tpu.memory_space<semaphore_mem>>
        %dma_start3A_889 = tpu.memref_slice %arg5[%add3A_713] : memref<442368xf32, #tpu.memory_space<hbm>> -> memref<1200xf32, #tpu.memory_space<hbm>>
        %dma_start3A_890 = tpu.memref_slice %arg5[%add3A_713] : memref<442368xf32, #tpu.memory_space<hbm>> -> memref<1200xf32, #tpu.memory_space<hbm>>
        tpu.enqueue_dma source(%arg20 : memref<1200xf32, #tpu.memory_space<vmem>>) target(%dma_start3A_890 : memref<1200xf32, #tpu.memory_space<hbm>>) target_semaphore(%run_scoped3A : memref<!tpu.dma_semaphore, #tpu.memory_space<semaphore_mem>>)
        %dma_wait3A_891 = tpu.memref_slice %arg5[%add3A_713] : memref<442368xf32, #tpu.memory_space<hbm>> -> memref<1200xf32, #tpu.memory_space<hbm>>
        %dma_wait3A_892 = tpu.memref_slice %arg5[%add3A_713] : memref<442368xf32, #tpu.memory_space<hbm>> -> memref<1200xf32, #tpu.memory_space<hbm>>
        tpu.wait_dma2 semaphore(%run_scoped3A : memref<!tpu.dma_semaphore, #tpu.memory_space<semaphore_mem>>) src(%arg20 : memref<1200xf32, #tpu.memory_space<vmem>>) dst(%dma_wait3A_892 : memref<1200xf32, #tpu.memory_space<hbm>>)
        tpu.yield
      }) : () -> ()
      %mul3A_714 = arith.constant 9 : i32
      %mul3A_715 = arith.muli %add3A, %mul3A_714 : i32
      %mul3A_716 = arith.constant 6144 : i32
      %mul3A_717 = arith.muli %mul3A_715, %mul3A_716 : i32
      %add3A_718 = arith.constant 6144 : i32
      %add3A_719 = arith.addi %mul3A_717, %add3A_718 : i32
      %add3A_720 = arith.constant 3600 : i32
      %add3A_721 = arith.addi %add3A_719, %add3A_720 : i32
      "tpu.region"() ({
        %run_scoped3A = tpu.sem_alloc : memref<!tpu.dma_semaphore, #tpu.memory_space<semaphore_mem>>
        %dma_start3A_889 = tpu.memref_slice %arg5[%add3A_721] : memref<442368xf32, #tpu.memory_space<hbm>> -> memref<1200xf32, #tpu.memory_space<hbm>>
        %dma_start3A_890 = tpu.memref_slice %arg5[%add3A_721] : memref<442368xf32, #tpu.memory_space<hbm>> -> memref<1200xf32, #tpu.memory_space<hbm>>
        tpu.enqueue_dma source(%arg21 : memref<1200xf32, #tpu.memory_space<vmem>>) target(%dma_start3A_890 : memref<1200xf32, #tpu.memory_space<hbm>>) target_semaphore(%run_scoped3A : memref<!tpu.dma_semaphore, #tpu.memory_space<semaphore_mem>>)
        %dma_wait3A_891 = tpu.memref_slice %arg5[%add3A_721] : memref<442368xf32, #tpu.memory_space<hbm>> -> memref<1200xf32, #tpu.memory_space<hbm>>
        %dma_wait3A_892 = tpu.memref_slice %arg5[%add3A_721] : memref<442368xf32, #tpu.memory_space<hbm>> -> memref<1200xf32, #tpu.memory_space<hbm>>
        tpu.wait_dma2 semaphore(%run_scoped3A : memref<!tpu.dma_semaphore, #tpu.memory_space<semaphore_mem>>) src(%arg21 : memref<1200xf32, #tpu.memory_space<vmem>>) dst(%dma_wait3A_892 : memref<1200xf32, #tpu.memory_space<hbm>>)
        tpu.yield
      }) : () -> ()
      %mul3A_722 = arith.constant 9 : i32
      %mul3A_723 = arith.muli %add3A, %mul3A_722 : i32
      %mul3A_724 = arith.constant 6144 : i32
      %mul3A_725 = arith.muli %mul3A_723, %mul3A_724 : i32
      %add3A_726 = arith.constant 12288 : i32
      %add3A_727 = arith.addi %mul3A_725, %add3A_726 : i32
      %add3A_728 = arith.constant 3600 : i32
      %add3A_729 = arith.addi %add3A_727, %add3A_728 : i32
      "tpu.region"() ({
        %run_scoped3A = tpu.sem_alloc : memref<!tpu.dma_semaphore, #tpu.memory_space<semaphore_mem>>
        %dma_start3A_889 = tpu.memref_slice %arg5[%add3A_729] : memref<442368xf32, #tpu.memory_space<hbm>> -> memref<1200xf32, #tpu.memory_space<hbm>>
        %dma_start3A_890 = tpu.memref_slice %arg5[%add3A_729] : memref<442368xf32, #tpu.memory_space<hbm>> -> memref<1200xf32, #tpu.memory_space<hbm>>
        tpu.enqueue_dma source(%arg22 : memref<1200xf32, #tpu.memory_space<vmem>>) target(%dma_start3A_890 : memref<1200xf32, #tpu.memory_space<hbm>>) target_semaphore(%run_scoped3A : memref<!tpu.dma_semaphore, #tpu.memory_space<semaphore_mem>>)
        %dma_wait3A_891 = tpu.memref_slice %arg5[%add3A_729] : memref<442368xf32, #tpu.memory_space<hbm>> -> memref<1200xf32, #tpu.memory_space<hbm>>
        %dma_wait3A_892 = tpu.memref_slice %arg5[%add3A_729] : memref<442368xf32, #tpu.memory_space<hbm>> -> memref<1200xf32, #tpu.memory_space<hbm>>
        tpu.wait_dma2 semaphore(%run_scoped3A : memref<!tpu.dma_semaphore, #tpu.memory_space<semaphore_mem>>) src(%arg22 : memref<1200xf32, #tpu.memory_space<vmem>>) dst(%dma_wait3A_892 : memref<1200xf32, #tpu.memory_space<hbm>>)
        tpu.yield
      }) : () -> ()
      %mul3A_730 = arith.constant 9 : i32
      %mul3A_731 = arith.muli %add3A, %mul3A_730 : i32
      %mul3A_732 = arith.constant 6144 : i32
      %mul3A_733 = arith.muli %mul3A_731, %mul3A_732 : i32
      %add3A_734 = arith.constant 18432 : i32
      %add3A_735 = arith.addi %mul3A_733, %add3A_734 : i32
      %add3A_736 = arith.constant 3600 : i32
      %add3A_737 = arith.addi %add3A_735, %add3A_736 : i32
      "tpu.region"() ({
        %run_scoped3A = tpu.sem_alloc : memref<!tpu.dma_semaphore, #tpu.memory_space<semaphore_mem>>
        %dma_start3A_889 = tpu.memref_slice %arg5[%add3A_737] : memref<442368xf32, #tpu.memory_space<hbm>> -> memref<1200xf32, #tpu.memory_space<hbm>>
        %dma_start3A_890 = tpu.memref_slice %arg5[%add3A_737] : memref<442368xf32, #tpu.memory_space<hbm>> -> memref<1200xf32, #tpu.memory_space<hbm>>
        tpu.enqueue_dma source(%arg23 : memref<1200xf32, #tpu.memory_space<vmem>>) target(%dma_start3A_890 : memref<1200xf32, #tpu.memory_space<hbm>>) target_semaphore(%run_scoped3A : memref<!tpu.dma_semaphore, #tpu.memory_space<semaphore_mem>>)
        %dma_wait3A_891 = tpu.memref_slice %arg5[%add3A_737] : memref<442368xf32, #tpu.memory_space<hbm>> -> memref<1200xf32, #tpu.memory_space<hbm>>
        %dma_wait3A_892 = tpu.memref_slice %arg5[%add3A_737] : memref<442368xf32, #tpu.memory_space<hbm>> -> memref<1200xf32, #tpu.memory_space<hbm>>
        tpu.wait_dma2 semaphore(%run_scoped3A : memref<!tpu.dma_semaphore, #tpu.memory_space<semaphore_mem>>) src(%arg23 : memref<1200xf32, #tpu.memory_space<vmem>>) dst(%dma_wait3A_892 : memref<1200xf32, #tpu.memory_space<hbm>>)
        tpu.yield
      }) : () -> ()
      %mul3A_738 = arith.constant 9 : i32
      %mul3A_739 = arith.muli %add3A, %mul3A_738 : i32
      %mul3A_740 = arith.constant 6144 : i32
      %mul3A_741 = arith.muli %mul3A_739, %mul3A_740 : i32
      %add3A_742 = arith.constant 24576 : i32
      %add3A_743 = arith.addi %mul3A_741, %add3A_742 : i32
      %add3A_744 = arith.constant 3600 : i32
      %add3A_745 = arith.addi %add3A_743, %add3A_744 : i32
      "tpu.region"() ({
        %run_scoped3A = tpu.sem_alloc : memref<!tpu.dma_semaphore, #tpu.memory_space<semaphore_mem>>
        %dma_start3A_889 = tpu.memref_slice %arg5[%add3A_745] : memref<442368xf32, #tpu.memory_space<hbm>> -> memref<1200xf32, #tpu.memory_space<hbm>>
        %dma_start3A_890 = tpu.memref_slice %arg5[%add3A_745] : memref<442368xf32, #tpu.memory_space<hbm>> -> memref<1200xf32, #tpu.memory_space<hbm>>
        tpu.enqueue_dma source(%arg24 : memref<1200xf32, #tpu.memory_space<vmem>>) target(%dma_start3A_890 : memref<1200xf32, #tpu.memory_space<hbm>>) target_semaphore(%run_scoped3A : memref<!tpu.dma_semaphore, #tpu.memory_space<semaphore_mem>>)
        %dma_wait3A_891 = tpu.memref_slice %arg5[%add3A_745] : memref<442368xf32, #tpu.memory_space<hbm>> -> memref<1200xf32, #tpu.memory_space<hbm>>
        %dma_wait3A_892 = tpu.memref_slice %arg5[%add3A_745] : memref<442368xf32, #tpu.memory_space<hbm>> -> memref<1200xf32, #tpu.memory_space<hbm>>
        tpu.wait_dma2 semaphore(%run_scoped3A : memref<!tpu.dma_semaphore, #tpu.memory_space<semaphore_mem>>) src(%arg24 : memref<1200xf32, #tpu.memory_space<vmem>>) dst(%dma_wait3A_892 : memref<1200xf32, #tpu.memory_space<hbm>>)
        tpu.yield
      }) : () -> ()
      %mul3A_746 = arith.constant 9 : i32
      %mul3A_747 = arith.muli %add3A, %mul3A_746 : i32
      %mul3A_748 = arith.constant 6144 : i32
      %mul3A_749 = arith.muli %mul3A_747, %mul3A_748 : i32
      %add3A_750 = arith.constant 30720 : i32
      %add3A_751 = arith.addi %mul3A_749, %add3A_750 : i32
      %add3A_752 = arith.constant 3600 : i32
      %add3A_753 = arith.addi %add3A_751, %add3A_752 : i32
      "tpu.region"() ({
        %run_scoped3A = tpu.sem_alloc : memref<!tpu.dma_semaphore, #tpu.memory_space<semaphore_mem>>
        %dma_start3A_889 = tpu.memref_slice %arg5[%add3A_753] : memref<442368xf32, #tpu.memory_space<hbm>> -> memref<1200xf32, #tpu.memory_space<hbm>>
        %dma_start3A_890 = tpu.memref_slice %arg5[%add3A_753] : memref<442368xf32, #tpu.memory_space<hbm>> -> memref<1200xf32, #tpu.memory_space<hbm>>
        tpu.enqueue_dma source(%arg25 : memref<1200xf32, #tpu.memory_space<vmem>>) target(%dma_start3A_890 : memref<1200xf32, #tpu.memory_space<hbm>>) target_semaphore(%run_scoped3A : memref<!tpu.dma_semaphore, #tpu.memory_space<semaphore_mem>>)
        %dma_wait3A_891 = tpu.memref_slice %arg5[%add3A_753] : memref<442368xf32, #tpu.memory_space<hbm>> -> memref<1200xf32, #tpu.memory_space<hbm>>
        %dma_wait3A_892 = tpu.memref_slice %arg5[%add3A_753] : memref<442368xf32, #tpu.memory_space<hbm>> -> memref<1200xf32, #tpu.memory_space<hbm>>
        tpu.wait_dma2 semaphore(%run_scoped3A : memref<!tpu.dma_semaphore, #tpu.memory_space<semaphore_mem>>) src(%arg25 : memref<1200xf32, #tpu.memory_space<vmem>>) dst(%dma_wait3A_892 : memref<1200xf32, #tpu.memory_space<hbm>>)
        tpu.yield
      }) : () -> ()
      %mul3A_754 = arith.constant 9 : i32
      %mul3A_755 = arith.muli %add3A, %mul3A_754 : i32
      %mul3A_756 = arith.constant 6144 : i32
      %mul3A_757 = arith.muli %mul3A_755, %mul3A_756 : i32
      %add3A_758 = arith.constant 36864 : i32
      %add3A_759 = arith.addi %mul3A_757, %add3A_758 : i32
      %add3A_760 = arith.constant 3600 : i32
      %add3A_761 = arith.addi %add3A_759, %add3A_760 : i32
      "tpu.region"() ({
        %run_scoped3A = tpu.sem_alloc : memref<!tpu.dma_semaphore, #tpu.memory_space<semaphore_mem>>
        %dma_start3A_889 = tpu.memref_slice %arg5[%add3A_761] : memref<442368xf32, #tpu.memory_space<hbm>> -> memref<1200xf32, #tpu.memory_space<hbm>>
        %dma_start3A_890 = tpu.memref_slice %arg5[%add3A_761] : memref<442368xf32, #tpu.memory_space<hbm>> -> memref<1200xf32, #tpu.memory_space<hbm>>
        tpu.enqueue_dma source(%arg26 : memref<1200xf32, #tpu.memory_space<vmem>>) target(%dma_start3A_890 : memref<1200xf32, #tpu.memory_space<hbm>>) target_semaphore(%run_scoped3A : memref<!tpu.dma_semaphore, #tpu.memory_space<semaphore_mem>>)
        %dma_wait3A_891 = tpu.memref_slice %arg5[%add3A_761] : memref<442368xf32, #tpu.memory_space<hbm>> -> memref<1200xf32, #tpu.memory_space<hbm>>
        %dma_wait3A_892 = tpu.memref_slice %arg5[%add3A_761] : memref<442368xf32, #tpu.memory_space<hbm>> -> memref<1200xf32, #tpu.memory_space<hbm>>
        tpu.wait_dma2 semaphore(%run_scoped3A : memref<!tpu.dma_semaphore, #tpu.memory_space<semaphore_mem>>) src(%arg26 : memref<1200xf32, #tpu.memory_space<vmem>>) dst(%dma_wait3A_892 : memref<1200xf32, #tpu.memory_space<hbm>>)
        tpu.yield
      }) : () -> ()
      %mul3A_762 = arith.constant 9 : i32
      %mul3A_763 = arith.muli %add3A, %mul3A_762 : i32
      %mul3A_764 = arith.constant 6144 : i32
      %mul3A_765 = arith.muli %mul3A_763, %mul3A_764 : i32
      %add3A_766 = arith.constant 43008 : i32
      %add3A_767 = arith.addi %mul3A_765, %add3A_766 : i32
      %add3A_768 = arith.constant 3600 : i32
      %add3A_769 = arith.addi %add3A_767, %add3A_768 : i32
      "tpu.region"() ({
        %run_scoped3A = tpu.sem_alloc : memref<!tpu.dma_semaphore, #tpu.memory_space<semaphore_mem>>
        %dma_start3A_889 = tpu.memref_slice %arg5[%add3A_769] : memref<442368xf32, #tpu.memory_space<hbm>> -> memref<1200xf32, #tpu.memory_space<hbm>>
        %dma_start3A_890 = tpu.memref_slice %arg5[%add3A_769] : memref<442368xf32, #tpu.memory_space<hbm>> -> memref<1200xf32, #tpu.memory_space<hbm>>
        tpu.enqueue_dma source(%arg27 : memref<1200xf32, #tpu.memory_space<vmem>>) target(%dma_start3A_890 : memref<1200xf32, #tpu.memory_space<hbm>>) target_semaphore(%run_scoped3A : memref<!tpu.dma_semaphore, #tpu.memory_space<semaphore_mem>>)
        %dma_wait3A_891 = tpu.memref_slice %arg5[%add3A_769] : memref<442368xf32, #tpu.memory_space<hbm>> -> memref<1200xf32, #tpu.memory_space<hbm>>
        %dma_wait3A_892 = tpu.memref_slice %arg5[%add3A_769] : memref<442368xf32, #tpu.memory_space<hbm>> -> memref<1200xf32, #tpu.memory_space<hbm>>
        tpu.wait_dma2 semaphore(%run_scoped3A : memref<!tpu.dma_semaphore, #tpu.memory_space<semaphore_mem>>) src(%arg27 : memref<1200xf32, #tpu.memory_space<vmem>>) dst(%dma_wait3A_892 : memref<1200xf32, #tpu.memory_space<hbm>>)
        tpu.yield
      }) : () -> ()
      %mul3A_770 = arith.constant 9 : i32
      %mul3A_771 = arith.muli %add3A, %mul3A_770 : i32
      %mul3A_772 = arith.constant 6144 : i32
      %mul3A_773 = arith.muli %mul3A_771, %mul3A_772 : i32
      %add3A_774 = arith.constant 49152 : i32
      %add3A_775 = arith.addi %mul3A_773, %add3A_774 : i32
      %add3A_776 = arith.constant 3600 : i32
      %add3A_777 = arith.addi %add3A_775, %add3A_776 : i32
      "tpu.region"() ({
        %run_scoped3A = tpu.sem_alloc : memref<!tpu.dma_semaphore, #tpu.memory_space<semaphore_mem>>
        %dma_start3A_889 = tpu.memref_slice %arg5[%add3A_777] : memref<442368xf32, #tpu.memory_space<hbm>> -> memref<1200xf32, #tpu.memory_space<hbm>>
        %dma_start3A_890 = tpu.memref_slice %arg5[%add3A_777] : memref<442368xf32, #tpu.memory_space<hbm>> -> memref<1200xf32, #tpu.memory_space<hbm>>
        tpu.enqueue_dma source(%arg28 : memref<1200xf32, #tpu.memory_space<vmem>>) target(%dma_start3A_890 : memref<1200xf32, #tpu.memory_space<hbm>>) target_semaphore(%run_scoped3A : memref<!tpu.dma_semaphore, #tpu.memory_space<semaphore_mem>>)
        %dma_wait3A_891 = tpu.memref_slice %arg5[%add3A_777] : memref<442368xf32, #tpu.memory_space<hbm>> -> memref<1200xf32, #tpu.memory_space<hbm>>
        %dma_wait3A_892 = tpu.memref_slice %arg5[%add3A_777] : memref<442368xf32, #tpu.memory_space<hbm>> -> memref<1200xf32, #tpu.memory_space<hbm>>
        tpu.wait_dma2 semaphore(%run_scoped3A : memref<!tpu.dma_semaphore, #tpu.memory_space<semaphore_mem>>) src(%arg28 : memref<1200xf32, #tpu.memory_space<vmem>>) dst(%dma_wait3A_892 : memref<1200xf32, #tpu.memory_space<hbm>>)
        tpu.yield
      }) : () -> ()
      %scan3A_778 = arith.constant 0 : i32
      %scan3A_779 = arith.constant 0 : i32
      %scan3A_780 = arith.constant 75 : i32
      %scan3A_781 = arith.addi %scan3A_779, %scan3A_780 : i32
      %scan3A_782 = arith.constant 1 : i32
      %scan3A_783 = scf.for %scan3A_889 = %scan3A_779 to %scan3A_781 step %scan3A_782 iter_args(%scan3A_890 = %scan3A_778) -> (i32)  : i32 {
        %mul3A_891 = arith.constant 16 : i32
        %mul3A_892 = arith.muli %scan3A_889, %mul3A_891 : i32
        %add3A_893 = arith.constant 4800 : i32
        %add3A_894 = arith.addi %add3A_893, %mul3A_892 : i32
        %get3A = arith.index_cast %add3A_894 : i32 to index
        %get3A_895 = tpu.vector_load %arg9[%get3A] {strides = array<i32>} : memref<22512xi32, #tpu.memory_space<vmem>>, vector<16xi32>,
        %mul3A_896 = arith.constant 16 : i32
        %mul3A_897 = arith.muli %scan3A_889, %mul3A_896 : i32
        %mul3A_898 = arith.constant 22500 : i32
        %mul3A_899 = arith.muli %add3A, %mul3A_898 : i32
        %add3A_900 = vector.broadcast %mul3A_899 : i32 to vector<16xi32>
        %add3A_901 = arith.addi %get3A_895, %add3A_900 : vector<16xi32>
        %mul3A_902 = arith.constant 4 : i32
        %mul3A_903 = vector.broadcast %mul3A_902 : i32 to vector<16xi32>
        %mul3A_904 = arith.muli %add3A_901, %mul3A_903 : vector<16xi32>
        %mul3A_905 = arith.constant 4 : i32
        %mul3A_906 = vector.broadcast %mul3A_905 : i32 to vector<16xi32>
        %mul3A_907 = arith.muli %get3A_895, %mul3A_906 : vector<16xi32>
        %add3A_908 = arith.constant 0 : i32
        %add3A_909 = vector.broadcast %add3A_908 : i32 to vector<16xi32>
        %add3A_910 = arith.addi %mul3A_904, %add3A_909 : vector<16xi32>
        %swap3A_911 = arith.index_cast %mul3A_897 : i32 to index
        %swap3A_912 = tpu.vector_load %arg12[%swap3A_911] {strides = array<i32>} : memref<1200xi32, #tpu.memory_space<vmem>>, vector<16xi32>,
        tpu.vector_store %arg12[%swap3A_911], %add3A_910 {strides = array<i32>} : memref<1200xi32, #tpu.memory_space<vmem>>, vector<16xi32>,
        %add3A_913 = arith.constant 0 : i32
        %add3A_914 = vector.broadcast %add3A_913 : i32 to vector<16xi32>
        %add3A_915 = arith.addi %mul3A_907, %add3A_914 : vector<16xi32>
        %swap3A_916 = arith.index_cast %mul3A_897 : i32 to index
        %swap3A_917 = tpu.vector_load %arg16[%swap3A_916] {strides = array<i32>} : memref<1200xi32, #tpu.memory_space<vmem>>, vector<16xi32>,
        tpu.vector_store %arg16[%swap3A_916], %add3A_915 {strides = array<i32>} : memref<1200xi32, #tpu.memory_space<vmem>>, vector<16xi32>,
        %add3A_918 = arith.constant 1 : i32
        %add3A_919 = vector.broadcast %add3A_918 : i32 to vector<16xi32>
        %add3A_920 = arith.addi %mul3A_904, %add3A_919 : vector<16xi32>
        %swap3A_921 = arith.index_cast %mul3A_897 : i32 to index
        %swap3A_922 = tpu.vector_load %arg13[%swap3A_921] {strides = array<i32>} : memref<1200xi32, #tpu.memory_space<vmem>>, vector<16xi32>,
        tpu.vector_store %arg13[%swap3A_921], %add3A_920 {strides = array<i32>} : memref<1200xi32, #tpu.memory_space<vmem>>, vector<16xi32>,
        %add3A_923 = arith.constant 1 : i32
        %add3A_924 = vector.broadcast %add3A_923 : i32 to vector<16xi32>
        %add3A_925 = arith.addi %mul3A_907, %add3A_924 : vector<16xi32>
        %swap3A_926 = arith.index_cast %mul3A_897 : i32 to index
        %swap3A_927 = tpu.vector_load %arg17[%swap3A_926] {strides = array<i32>} : memref<1200xi32, #tpu.memory_space<vmem>>, vector<16xi32>,
        tpu.vector_store %arg17[%swap3A_926], %add3A_925 {strides = array<i32>} : memref<1200xi32, #tpu.memory_space<vmem>>, vector<16xi32>,
        %add3A_928 = arith.constant 2 : i32
        %add3A_929 = vector.broadcast %add3A_928 : i32 to vector<16xi32>
        %add3A_930 = arith.addi %mul3A_904, %add3A_929 : vector<16xi32>
        %swap3A_931 = arith.index_cast %mul3A_897 : i32 to index
        %swap3A_932 = tpu.vector_load %arg14[%swap3A_931] {strides = array<i32>} : memref<1200xi32, #tpu.memory_space<vmem>>, vector<16xi32>,
        tpu.vector_store %arg14[%swap3A_931], %add3A_930 {strides = array<i32>} : memref<1200xi32, #tpu.memory_space<vmem>>, vector<16xi32>,
        %add3A_933 = arith.constant 2 : i32
        %add3A_934 = vector.broadcast %add3A_933 : i32 to vector<16xi32>
        %add3A_935 = arith.addi %mul3A_907, %add3A_934 : vector<16xi32>
        %swap3A_936 = arith.index_cast %mul3A_897 : i32 to index
        %swap3A_937 = tpu.vector_load %arg18[%swap3A_936] {strides = array<i32>} : memref<1200xi32, #tpu.memory_space<vmem>>, vector<16xi32>,
        tpu.vector_store %arg18[%swap3A_936], %add3A_935 {strides = array<i32>} : memref<1200xi32, #tpu.memory_space<vmem>>, vector<16xi32>,
        %add3A_938 = arith.constant 3 : i32
        %add3A_939 = vector.broadcast %add3A_938 : i32 to vector<16xi32>
        %add3A_940 = arith.addi %mul3A_904, %add3A_939 : vector<16xi32>
        %swap3A_941 = arith.index_cast %mul3A_897 : i32 to index
        %swap3A_942 = tpu.vector_load %arg15[%swap3A_941] {strides = array<i32>} : memref<1200xi32, #tpu.memory_space<vmem>>, vector<16xi32>,
        tpu.vector_store %arg15[%swap3A_941], %add3A_940 {strides = array<i32>} : memref<1200xi32, #tpu.memory_space<vmem>>, vector<16xi32>,
        %add3A_943 = arith.constant 3 : i32
        %add3A_944 = vector.broadcast %add3A_943 : i32 to vector<16xi32>
        %add3A_945 = arith.addi %mul3A_907, %add3A_944 : vector<16xi32>
        %swap3A_946 = arith.index_cast %mul3A_897 : i32 to index
        %swap3A_947 = tpu.vector_load %arg19[%swap3A_946] {strides = array<i32>} : memref<1200xi32, #tpu.memory_space<vmem>>, vector<16xi32>,
        tpu.vector_store %arg19[%swap3A_946], %add3A_945 {strides = array<i32>} : memref<1200xi32, #tpu.memory_space<vmem>>, vector<16xi32>,
        %mul3A_948 = arith.constant 16 : i32
        %mul3A_949 = arith.muli %scan3A_889, %mul3A_948 : i32
        %add3A_950 = arith.constant 4800 : i32
        %add3A_951 = arith.addi %add3A_950, %mul3A_949 : i32
        %get3A_952 = arith.index_cast %add3A_951 : i32 to index
        %get3A_953 = tpu.vector_load %arg7[%get3A_952] {strides = array<i32>} : memref<22512xi32, #tpu.memory_space<vmem>>, vector<16xi32>,
        %sub3A = arith.constant 1065353216 : i32
        %sub3A_954 = vector.broadcast %sub3A : i32 to vector<16xi32>
        %sub3A_955 = arith.subi %sub3A_954, %get3A_953 : vector<16xi32>
        %bitcast3A = vector.bitcast %sub3A_955 : vector<16xi32> to vector<16xf32>
        %swap3A_956 = arith.index_cast %mul3A_897 : i32 to index
        %swap3A_957 = tpu.vector_load %arg20[%swap3A_956] {strides = array<i32>} : memref<1200xf32, #tpu.memory_space<vmem>>, vector<16xf32>,
        tpu.vector_store %arg20[%swap3A_956], %bitcast3A {strides = array<i32>} : memref<1200xf32, #tpu.memory_space<vmem>>, vector<16xf32>,
        %scan3A_958 = arith.constant 0 : i32
        scf.yield %scan3A_958 : i32
      }
      %scan3A_784 = arith.constant 75 : i32
      %dma_start3A_785 = arith.constant 0 : i32
      %dma_start3A_786 = tpu.memref_slice %arg3[%dma_start3A_785] : memref<720000xf32, #tpu.memory_space<hbm>> -> memref<720000xf32, #tpu.memory_space<hbm>>
      tpu.enqueue_indirect_dma source(%dma_start3A_786 : memref<720000xf32, #tpu.memory_space<hbm>>) target(%arg21 : memref<1200xf32, #tpu.memory_space<vmem>>) offsets(%arg12 : memref<1200xi32, #tpu.memory_space<vmem>>) semaphore(%arg11 : memref<!tpu.dma_semaphore, #tpu.memory_space<semaphore_mem>>)
      %dma_start3A_787 = arith.constant 0 : i32
      %dma_start3A_788 = tpu.memref_slice %arg3[%dma_start3A_787] : memref<720000xf32, #tpu.memory_space<hbm>> -> memref<720000xf32, #tpu.memory_space<hbm>>
      tpu.enqueue_indirect_dma source(%dma_start3A_788 : memref<720000xf32, #tpu.memory_space<hbm>>) target(%arg22 : memref<1200xf32, #tpu.memory_space<vmem>>) offsets(%arg13 : memref<1200xi32, #tpu.memory_space<vmem>>) semaphore(%arg11 : memref<!tpu.dma_semaphore, #tpu.memory_space<semaphore_mem>>)
      %dma_start3A_789 = arith.constant 0 : i32
      %dma_start3A_790 = tpu.memref_slice %arg3[%dma_start3A_789] : memref<720000xf32, #tpu.memory_space<hbm>> -> memref<720000xf32, #tpu.memory_space<hbm>>
      tpu.enqueue_indirect_dma source(%dma_start3A_790 : memref<720000xf32, #tpu.memory_space<hbm>>) target(%arg23 : memref<1200xf32, #tpu.memory_space<vmem>>) offsets(%arg14 : memref<1200xi32, #tpu.memory_space<vmem>>) semaphore(%arg11 : memref<!tpu.dma_semaphore, #tpu.memory_space<semaphore_mem>>)
      %dma_start3A_791 = arith.constant 0 : i32
      %dma_start3A_792 = tpu.memref_slice %arg3[%dma_start3A_791] : memref<720000xf32, #tpu.memory_space<hbm>> -> memref<720000xf32, #tpu.memory_space<hbm>>
      tpu.enqueue_indirect_dma source(%dma_start3A_792 : memref<720000xf32, #tpu.memory_space<hbm>>) target(%arg24 : memref<1200xf32, #tpu.memory_space<vmem>>) offsets(%arg15 : memref<1200xi32, #tpu.memory_space<vmem>>) semaphore(%arg11 : memref<!tpu.dma_semaphore, #tpu.memory_space<semaphore_mem>>)
      %dma_start3A_793 = arith.constant 0 : i32
      %dma_start3A_794 = tpu.memref_slice %arg4[%dma_start3A_793] : memref<90000xf32, #tpu.memory_space<hbm>> -> memref<90000xf32, #tpu.memory_space<hbm>>
      tpu.enqueue_indirect_dma source(%dma_start3A_794 : memref<90000xf32, #tpu.memory_space<hbm>>) target(%arg25 : memref<1200xf32, #tpu.memory_space<vmem>>) offsets(%arg16 : memref<1200xi32, #tpu.memory_space<vmem>>) semaphore(%arg11 : memref<!tpu.dma_semaphore, #tpu.memory_space<semaphore_mem>>)
      %dma_start3A_795 = arith.constant 0 : i32
      %dma_start3A_796 = tpu.memref_slice %arg4[%dma_start3A_795] : memref<90000xf32, #tpu.memory_space<hbm>> -> memref<90000xf32, #tpu.memory_space<hbm>>
      tpu.enqueue_indirect_dma source(%dma_start3A_796 : memref<90000xf32, #tpu.memory_space<hbm>>) target(%arg26 : memref<1200xf32, #tpu.memory_space<vmem>>) offsets(%arg17 : memref<1200xi32, #tpu.memory_space<vmem>>) semaphore(%arg11 : memref<!tpu.dma_semaphore, #tpu.memory_space<semaphore_mem>>)
      %dma_start3A_797 = arith.constant 0 : i32
      %dma_start3A_798 = tpu.memref_slice %arg4[%dma_start3A_797] : memref<90000xf32, #tpu.memory_space<hbm>> -> memref<90000xf32, #tpu.memory_space<hbm>>
      tpu.enqueue_indirect_dma source(%dma_start3A_798 : memref<90000xf32, #tpu.memory_space<hbm>>) target(%arg27 : memref<1200xf32, #tpu.memory_space<vmem>>) offsets(%arg18 : memref<1200xi32, #tpu.memory_space<vmem>>) semaphore(%arg11 : memref<!tpu.dma_semaphore, #tpu.memory_space<semaphore_mem>>)
      %dma_start3A_799 = arith.constant 0 : i32
      %dma_start3A_800 = tpu.memref_slice %arg4[%dma_start3A_799] : memref<90000xf32, #tpu.memory_space<hbm>> -> memref<90000xf32, #tpu.memory_space<hbm>>
      tpu.enqueue_indirect_dma source(%dma_start3A_800 : memref<90000xf32, #tpu.memory_space<hbm>>) target(%arg28 : memref<1200xf32, #tpu.memory_space<vmem>>) offsets(%arg19 : memref<1200xi32, #tpu.memory_space<vmem>>) semaphore(%arg11 : memref<!tpu.dma_semaphore, #tpu.memory_space<semaphore_mem>>)
      %dma_wait3A_801 = arith.constant 0 : i32
      %dma_wait3A_802 = tpu.memref_slice %arg3[%dma_wait3A_801] : memref<720000xf32, #tpu.memory_space<hbm>> -> memref<720000xf32, #tpu.memory_space<hbm>>
      tpu.wait_indirect_dma semaphore(%arg11 : memref<!tpu.dma_semaphore, #tpu.memory_space<semaphore_mem>>) src(%dma_wait3A_802 : memref<720000xf32, #tpu.memory_space<hbm>>) dst(%arg21 : memref<1200xf32, #tpu.memory_space<vmem>>)
      %dma_wait3A_803 = arith.constant 0 : i32
      %dma_wait3A_804 = tpu.memref_slice %arg3[%dma_wait3A_803] : memref<720000xf32, #tpu.memory_space<hbm>> -> memref<720000xf32, #tpu.memory_space<hbm>>
      tpu.wait_indirect_dma semaphore(%arg11 : memref<!tpu.dma_semaphore, #tpu.memory_space<semaphore_mem>>) src(%dma_wait3A_804 : memref<720000xf32, #tpu.memory_space<hbm>>) dst(%arg22 : memref<1200xf32, #tpu.memory_space<vmem>>)
      %dma_wait3A_805 = arith.constant 0 : i32
      %dma_wait3A_806 = tpu.memref_slice %arg3[%dma_wait3A_805] : memref<720000xf32, #tpu.memory_space<hbm>> -> memref<720000xf32, #tpu.memory_space<hbm>>
      tpu.wait_indirect_dma semaphore(%arg11 : memref<!tpu.dma_semaphore, #tpu.memory_space<semaphore_mem>>) src(%dma_wait3A_806 : memref<720000xf32, #tpu.memory_space<hbm>>) dst(%arg23 : memref<1200xf32, #tpu.memory_space<vmem>>)
      %dma_wait3A_807 = arith.constant 0 : i32
      %dma_wait3A_808 = tpu.memref_slice %arg3[%dma_wait3A_807] : memref<720000xf32, #tpu.memory_space<hbm>> -> memref<720000xf32, #tpu.memory_space<hbm>>
      tpu.wait_indirect_dma semaphore(%arg11 : memref<!tpu.dma_semaphore, #tpu.memory_space<semaphore_mem>>) src(%dma_wait3A_808 : memref<720000xf32, #tpu.memory_space<hbm>>) dst(%arg24 : memref<1200xf32, #tpu.memory_space<vmem>>)
      %dma_wait3A_809 = arith.constant 0 : i32
      %dma_wait3A_810 = tpu.memref_slice %arg4[%dma_wait3A_809] : memref<90000xf32, #tpu.memory_space<hbm>> -> memref<90000xf32, #tpu.memory_space<hbm>>
      tpu.wait_indirect_dma semaphore(%arg11 : memref<!tpu.dma_semaphore, #tpu.memory_space<semaphore_mem>>) src(%dma_wait3A_810 : memref<90000xf32, #tpu.memory_space<hbm>>) dst(%arg25 : memref<1200xf32, #tpu.memory_space<vmem>>)
      %dma_wait3A_811 = arith.constant 0 : i32
      %dma_wait3A_812 = tpu.memref_slice %arg4[%dma_wait3A_811] : memref<90000xf32, #tpu.memory_space<hbm>> -> memref<90000xf32, #tpu.memory_space<hbm>>
      tpu.wait_indirect_dma semaphore(%arg11 : memref<!tpu.dma_semaphore, #tpu.memory_space<semaphore_mem>>) src(%dma_wait3A_812 : memref<90000xf32, #tpu.memory_space<hbm>>) dst(%arg26 : memref<1200xf32, #tpu.memory_space<vmem>>)
      %dma_wait3A_813 = arith.constant 0 : i32
      %dma_wait3A_814 = tpu.memref_slice %arg4[%dma_wait3A_813] : memref<90000xf32, #tpu.memory_space<hbm>> -> memref<90000xf32, #tpu.memory_space<hbm>>
      tpu.wait_indirect_dma semaphore(%arg11 : memref<!tpu.dma_semaphore, #tpu.memory_space<semaphore_mem>>) src(%dma_wait3A_814 : memref<90000xf32, #tpu.memory_space<hbm>>) dst(%arg27 : memref<1200xf32, #tpu.memory_space<vmem>>)
      %dma_wait3A_815 = arith.constant 0 : i32
      %dma_wait3A_816 = tpu.memref_slice %arg4[%dma_wait3A_815] : memref<90000xf32, #tpu.memory_space<hbm>> -> memref<90000xf32, #tpu.memory_space<hbm>>
      tpu.wait_indirect_dma semaphore(%arg11 : memref<!tpu.dma_semaphore, #tpu.memory_space<semaphore_mem>>) src(%dma_wait3A_816 : memref<90000xf32, #tpu.memory_space<hbm>>) dst(%arg28 : memref<1200xf32, #tpu.memory_space<vmem>>)
      %mul3A_817 = arith.constant 9 : i32
      %mul3A_818 = arith.muli %add3A, %mul3A_817 : i32
      %mul3A_819 = arith.constant 6144 : i32
      %mul3A_820 = arith.muli %mul3A_818, %mul3A_819 : i32
      %add3A_821 = arith.constant 0 : i32
      %add3A_822 = arith.addi %mul3A_820, %add3A_821 : i32
      %add3A_823 = arith.constant 4800 : i32
      %add3A_824 = arith.addi %add3A_822, %add3A_823 : i32
      "tpu.region"() ({
        %run_scoped3A = tpu.sem_alloc : memref<!tpu.dma_semaphore, #tpu.memory_space<semaphore_mem>>
        %dma_start3A_889 = tpu.memref_slice %arg5[%add3A_824] : memref<442368xf32, #tpu.memory_space<hbm>> -> memref<1200xf32, #tpu.memory_space<hbm>>
        %dma_start3A_890 = tpu.memref_slice %arg5[%add3A_824] : memref<442368xf32, #tpu.memory_space<hbm>> -> memref<1200xf32, #tpu.memory_space<hbm>>
        tpu.enqueue_dma source(%arg20 : memref<1200xf32, #tpu.memory_space<vmem>>) target(%dma_start3A_890 : memref<1200xf32, #tpu.memory_space<hbm>>) target_semaphore(%run_scoped3A : memref<!tpu.dma_semaphore, #tpu.memory_space<semaphore_mem>>)
        %dma_wait3A_891 = tpu.memref_slice %arg5[%add3A_824] : memref<442368xf32, #tpu.memory_space<hbm>> -> memref<1200xf32, #tpu.memory_space<hbm>>
        %dma_wait3A_892 = tpu.memref_slice %arg5[%add3A_824] : memref<442368xf32, #tpu.memory_space<hbm>> -> memref<1200xf32, #tpu.memory_space<hbm>>
        tpu.wait_dma2 semaphore(%run_scoped3A : memref<!tpu.dma_semaphore, #tpu.memory_space<semaphore_mem>>) src(%arg20 : memref<1200xf32, #tpu.memory_space<vmem>>) dst(%dma_wait3A_892 : memref<1200xf32, #tpu.memory_space<hbm>>)
        tpu.yield
      }) : () -> ()
      %mul3A_825 = arith.constant 9 : i32
      %mul3A_826 = arith.muli %add3A, %mul3A_825 : i32
      %mul3A_827 = arith.constant 6144 : i32
      %mul3A_828 = arith.muli %mul3A_826, %mul3A_827 : i32
      %add3A_829 = arith.constant 6144 : i32
      %add3A_830 = arith.addi %mul3A_828, %add3A_829 : i32
      %add3A_831 = arith.constant 4800 : i32
      %add3A_832 = arith.addi %add3A_830, %add3A_831 : i32
      "tpu.region"() ({
        %run_scoped3A = tpu.sem_alloc : memref<!tpu.dma_semaphore, #tpu.memory_space<semaphore_mem>>
        %dma_start3A_889 = tpu.memref_slice %arg5[%add3A_832] : memref<442368xf32, #tpu.memory_space<hbm>> -> memref<1200xf32, #tpu.memory_space<hbm>>
        %dma_start3A_890 = tpu.memref_slice %arg5[%add3A_832] : memref<442368xf32, #tpu.memory_space<hbm>> -> memref<1200xf32, #tpu.memory_space<hbm>>
        tpu.enqueue_dma source(%arg21 : memref<1200xf32, #tpu.memory_space<vmem>>) target(%dma_start3A_890 : memref<1200xf32, #tpu.memory_space<hbm>>) target_semaphore(%run_scoped3A : memref<!tpu.dma_semaphore, #tpu.memory_space<semaphore_mem>>)
        %dma_wait3A_891 = tpu.memref_slice %arg5[%add3A_832] : memref<442368xf32, #tpu.memory_space<hbm>> -> memref<1200xf32, #tpu.memory_space<hbm>>
        %dma_wait3A_892 = tpu.memref_slice %arg5[%add3A_832] : memref<442368xf32, #tpu.memory_space<hbm>> -> memref<1200xf32, #tpu.memory_space<hbm>>
        tpu.wait_dma2 semaphore(%run_scoped3A : memref<!tpu.dma_semaphore, #tpu.memory_space<semaphore_mem>>) src(%arg21 : memref<1200xf32, #tpu.memory_space<vmem>>) dst(%dma_wait3A_892 : memref<1200xf32, #tpu.memory_space<hbm>>)
        tpu.yield
      }) : () -> ()
      %mul3A_833 = arith.constant 9 : i32
      %mul3A_834 = arith.muli %add3A, %mul3A_833 : i32
      %mul3A_835 = arith.constant 6144 : i32
      %mul3A_836 = arith.muli %mul3A_834, %mul3A_835 : i32
      %add3A_837 = arith.constant 12288 : i32
      %add3A_838 = arith.addi %mul3A_836, %add3A_837 : i32
      %add3A_839 = arith.constant 4800 : i32
      %add3A_840 = arith.addi %add3A_838, %add3A_839 : i32
      "tpu.region"() ({
        %run_scoped3A = tpu.sem_alloc : memref<!tpu.dma_semaphore, #tpu.memory_space<semaphore_mem>>
        %dma_start3A_889 = tpu.memref_slice %arg5[%add3A_840] : memref<442368xf32, #tpu.memory_space<hbm>> -> memref<1200xf32, #tpu.memory_space<hbm>>
        %dma_start3A_890 = tpu.memref_slice %arg5[%add3A_840] : memref<442368xf32, #tpu.memory_space<hbm>> -> memref<1200xf32, #tpu.memory_space<hbm>>
        tpu.enqueue_dma source(%arg22 : memref<1200xf32, #tpu.memory_space<vmem>>) target(%dma_start3A_890 : memref<1200xf32, #tpu.memory_space<hbm>>) target_semaphore(%run_scoped3A : memref<!tpu.dma_semaphore, #tpu.memory_space<semaphore_mem>>)
        %dma_wait3A_891 = tpu.memref_slice %arg5[%add3A_840] : memref<442368xf32, #tpu.memory_space<hbm>> -> memref<1200xf32, #tpu.memory_space<hbm>>
        %dma_wait3A_892 = tpu.memref_slice %arg5[%add3A_840] : memref<442368xf32, #tpu.memory_space<hbm>> -> memref<1200xf32, #tpu.memory_space<hbm>>
        tpu.wait_dma2 semaphore(%run_scoped3A : memref<!tpu.dma_semaphore, #tpu.memory_space<semaphore_mem>>) src(%arg22 : memref<1200xf32, #tpu.memory_space<vmem>>) dst(%dma_wait3A_892 : memref<1200xf32, #tpu.memory_space<hbm>>)
        tpu.yield
      }) : () -> ()
      %mul3A_841 = arith.constant 9 : i32
      %mul3A_842 = arith.muli %add3A, %mul3A_841 : i32
      %mul3A_843 = arith.constant 6144 : i32
      %mul3A_844 = arith.muli %mul3A_842, %mul3A_843 : i32
      %add3A_845 = arith.constant 18432 : i32
      %add3A_846 = arith.addi %mul3A_844, %add3A_845 : i32
      %add3A_847 = arith.constant 4800 : i32
      %add3A_848 = arith.addi %add3A_846, %add3A_847 : i32
      "tpu.region"() ({
        %run_scoped3A = tpu.sem_alloc : memref<!tpu.dma_semaphore, #tpu.memory_space<semaphore_mem>>
        %dma_start3A_889 = tpu.memref_slice %arg5[%add3A_848] : memref<442368xf32, #tpu.memory_space<hbm>> -> memref<1200xf32, #tpu.memory_space<hbm>>
        %dma_start3A_890 = tpu.memref_slice %arg5[%add3A_848] : memref<442368xf32, #tpu.memory_space<hbm>> -> memref<1200xf32, #tpu.memory_space<hbm>>
        tpu.enqueue_dma source(%arg23 : memref<1200xf32, #tpu.memory_space<vmem>>) target(%dma_start3A_890 : memref<1200xf32, #tpu.memory_space<hbm>>) target_semaphore(%run_scoped3A : memref<!tpu.dma_semaphore, #tpu.memory_space<semaphore_mem>>)
        %dma_wait3A_891 = tpu.memref_slice %arg5[%add3A_848] : memref<442368xf32, #tpu.memory_space<hbm>> -> memref<1200xf32, #tpu.memory_space<hbm>>
        %dma_wait3A_892 = tpu.memref_slice %arg5[%add3A_848] : memref<442368xf32, #tpu.memory_space<hbm>> -> memref<1200xf32, #tpu.memory_space<hbm>>
        tpu.wait_dma2 semaphore(%run_scoped3A : memref<!tpu.dma_semaphore, #tpu.memory_space<semaphore_mem>>) src(%arg23 : memref<1200xf32, #tpu.memory_space<vmem>>) dst(%dma_wait3A_892 : memref<1200xf32, #tpu.memory_space<hbm>>)
        tpu.yield
      }) : () -> ()
      %mul3A_849 = arith.constant 9 : i32
      %mul3A_850 = arith.muli %add3A, %mul3A_849 : i32
      %mul3A_851 = arith.constant 6144 : i32
      %mul3A_852 = arith.muli %mul3A_850, %mul3A_851 : i32
      %add3A_853 = arith.constant 24576 : i32
      %add3A_854 = arith.addi %mul3A_852, %add3A_853 : i32
      %add3A_855 = arith.constant 4800 : i32
      %add3A_856 = arith.addi %add3A_854, %add3A_855 : i32
      "tpu.region"() ({
        %run_scoped3A = tpu.sem_alloc : memref<!tpu.dma_semaphore, #tpu.memory_space<semaphore_mem>>
        %dma_start3A_889 = tpu.memref_slice %arg5[%add3A_856] : memref<442368xf32, #tpu.memory_space<hbm>> -> memref<1200xf32, #tpu.memory_space<hbm>>
        %dma_start3A_890 = tpu.memref_slice %arg5[%add3A_856] : memref<442368xf32, #tpu.memory_space<hbm>> -> memref<1200xf32, #tpu.memory_space<hbm>>
        tpu.enqueue_dma source(%arg24 : memref<1200xf32, #tpu.memory_space<vmem>>) target(%dma_start3A_890 : memref<1200xf32, #tpu.memory_space<hbm>>) target_semaphore(%run_scoped3A : memref<!tpu.dma_semaphore, #tpu.memory_space<semaphore_mem>>)
        %dma_wait3A_891 = tpu.memref_slice %arg5[%add3A_856] : memref<442368xf32, #tpu.memory_space<hbm>> -> memref<1200xf32, #tpu.memory_space<hbm>>
        %dma_wait3A_892 = tpu.memref_slice %arg5[%add3A_856] : memref<442368xf32, #tpu.memory_space<hbm>> -> memref<1200xf32, #tpu.memory_space<hbm>>
        tpu.wait_dma2 semaphore(%run_scoped3A : memref<!tpu.dma_semaphore, #tpu.memory_space<semaphore_mem>>) src(%arg24 : memref<1200xf32, #tpu.memory_space<vmem>>) dst(%dma_wait3A_892 : memref<1200xf32, #tpu.memory_space<hbm>>)
        tpu.yield
      }) : () -> ()
      %mul3A_857 = arith.constant 9 : i32
      %mul3A_858 = arith.muli %add3A, %mul3A_857 : i32
      %mul3A_859 = arith.constant 6144 : i32
      %mul3A_860 = arith.muli %mul3A_858, %mul3A_859 : i32
      %add3A_861 = arith.constant 30720 : i32
      %add3A_862 = arith.addi %mul3A_860, %add3A_861 : i32
      %add3A_863 = arith.constant 4800 : i32
      %add3A_864 = arith.addi %add3A_862, %add3A_863 : i32
      "tpu.region"() ({
        %run_scoped3A = tpu.sem_alloc : memref<!tpu.dma_semaphore, #tpu.memory_space<semaphore_mem>>
        %dma_start3A_889 = tpu.memref_slice %arg5[%add3A_864] : memref<442368xf32, #tpu.memory_space<hbm>> -> memref<1200xf32, #tpu.memory_space<hbm>>
        %dma_start3A_890 = tpu.memref_slice %arg5[%add3A_864] : memref<442368xf32, #tpu.memory_space<hbm>> -> memref<1200xf32, #tpu.memory_space<hbm>>
        tpu.enqueue_dma source(%arg25 : memref<1200xf32, #tpu.memory_space<vmem>>) target(%dma_start3A_890 : memref<1200xf32, #tpu.memory_space<hbm>>) target_semaphore(%run_scoped3A : memref<!tpu.dma_semaphore, #tpu.memory_space<semaphore_mem>>)
        %dma_wait3A_891 = tpu.memref_slice %arg5[%add3A_864] : memref<442368xf32, #tpu.memory_space<hbm>> -> memref<1200xf32, #tpu.memory_space<hbm>>
        %dma_wait3A_892 = tpu.memref_slice %arg5[%add3A_864] : memref<442368xf32, #tpu.memory_space<hbm>> -> memref<1200xf32, #tpu.memory_space<hbm>>
        tpu.wait_dma2 semaphore(%run_scoped3A : memref<!tpu.dma_semaphore, #tpu.memory_space<semaphore_mem>>) src(%arg25 : memref<1200xf32, #tpu.memory_space<vmem>>) dst(%dma_wait3A_892 : memref<1200xf32, #tpu.memory_space<hbm>>)
        tpu.yield
      }) : () -> ()
      %mul3A_865 = arith.constant 9 : i32
      %mul3A_866 = arith.muli %add3A, %mul3A_865 : i32
      %mul3A_867 = arith.constant 6144 : i32
      %mul3A_868 = arith.muli %mul3A_866, %mul3A_867 : i32
      %add3A_869 = arith.constant 36864 : i32
      %add3A_870 = arith.addi %mul3A_868, %add3A_869 : i32
      %add3A_871 = arith.constant 4800 : i32
      %add3A_872 = arith.addi %add3A_870, %add3A_871 : i32
      "tpu.region"() ({
        %run_scoped3A = tpu.sem_alloc : memref<!tpu.dma_semaphore, #tpu.memory_space<semaphore_mem>>
        %dma_start3A_889 = tpu.memref_slice %arg5[%add3A_872] : memref<442368xf32, #tpu.memory_space<hbm>> -> memref<1200xf32, #tpu.memory_space<hbm>>
        %dma_start3A_890 = tpu.memref_slice %arg5[%add3A_872] : memref<442368xf32, #tpu.memory_space<hbm>> -> memref<1200xf32, #tpu.memory_space<hbm>>
        tpu.enqueue_dma source(%arg26 : memref<1200xf32, #tpu.memory_space<vmem>>) target(%dma_start3A_890 : memref<1200xf32, #tpu.memory_space<hbm>>) target_semaphore(%run_scoped3A : memref<!tpu.dma_semaphore, #tpu.memory_space<semaphore_mem>>)
        %dma_wait3A_891 = tpu.memref_slice %arg5[%add3A_872] : memref<442368xf32, #tpu.memory_space<hbm>> -> memref<1200xf32, #tpu.memory_space<hbm>>
        %dma_wait3A_892 = tpu.memref_slice %arg5[%add3A_872] : memref<442368xf32, #tpu.memory_space<hbm>> -> memref<1200xf32, #tpu.memory_space<hbm>>
        tpu.wait_dma2 semaphore(%run_scoped3A : memref<!tpu.dma_semaphore, #tpu.memory_space<semaphore_mem>>) src(%arg26 : memref<1200xf32, #tpu.memory_space<vmem>>) dst(%dma_wait3A_892 : memref<1200xf32, #tpu.memory_space<hbm>>)
        tpu.yield
      }) : () -> ()
      %mul3A_873 = arith.constant 9 : i32
      %mul3A_874 = arith.muli %add3A, %mul3A_873 : i32
      %mul3A_875 = arith.constant 6144 : i32
      %mul3A_876 = arith.muli %mul3A_874, %mul3A_875 : i32
      %add3A_877 = arith.constant 43008 : i32
      %add3A_878 = arith.addi %mul3A_876, %add3A_877 : i32
      %add3A_879 = arith.constant 4800 : i32
      %add3A_880 = arith.addi %add3A_878, %add3A_879 : i32
      "tpu.region"() ({
        %run_scoped3A = tpu.sem_alloc : memref<!tpu.dma_semaphore, #tpu.memory_space<semaphore_mem>>
        %dma_start3A_889 = tpu.memref_slice %arg5[%add3A_880] : memref<442368xf32, #tpu.memory_space<hbm>> -> memref<1200xf32, #tpu.memory_space<hbm>>
        %dma_start3A_890 = tpu.memref_slice %arg5[%add3A_880] : memref<442368xf32, #tpu.memory_space<hbm>> -> memref<1200xf32, #tpu.memory_space<hbm>>
        tpu.enqueue_dma source(%arg27 : memref<1200xf32, #tpu.memory_space<vmem>>) target(%dma_start3A_890 : memref<1200xf32, #tpu.memory_space<hbm>>) target_semaphore(%run_scoped3A : memref<!tpu.dma_semaphore, #tpu.memory_space<semaphore_mem>>)
        %dma_wait3A_891 = tpu.memref_slice %arg5[%add3A_880] : memref<442368xf32, #tpu.memory_space<hbm>> -> memref<1200xf32, #tpu.memory_space<hbm>>
        %dma_wait3A_892 = tpu.memref_slice %arg5[%add3A_880] : memref<442368xf32, #tpu.memory_space<hbm>> -> memref<1200xf32, #tpu.memory_space<hbm>>
        tpu.wait_dma2 semaphore(%run_scoped3A : memref<!tpu.dma_semaphore, #tpu.memory_space<semaphore_mem>>) src(%arg27 : memref<1200xf32, #tpu.memory_space<vmem>>) dst(%dma_wait3A_892 : memref<1200xf32, #tpu.memory_space<hbm>>)
        tpu.yield
      }) : () -> ()
      %mul3A_881 = arith.constant 9 : i32
      %mul3A_882 = arith.muli %add3A, %mul3A_881 : i32
      %mul3A_883 = arith.constant 6144 : i32
      %mul3A_884 = arith.muli %mul3A_882, %mul3A_883 : i32
      %add3A_885 = arith.constant 49152 : i32
      %add3A_886 = arith.addi %mul3A_884, %add3A_885 : i32
      %add3A_887 = arith.constant 4800 : i32
      %add3A_888 = arith.addi %add3A_886, %add3A_887 : i32
      "tpu.region"() ({
        %run_scoped3A = tpu.sem_alloc : memref<!tpu.dma_semaphore, #tpu.memory_space<semaphore_mem>>
        %dma_start3A_889 = tpu.memref_slice %arg5[%add3A_888] : memref<442368xf32, #tpu.memory_space<hbm>> -> memref<1200xf32, #tpu.memory_space<hbm>>
        %dma_start3A_890 = tpu.memref_slice %arg5[%add3A_888] : memref<442368xf32, #tpu.memory_space<hbm>> -> memref<1200xf32, #tpu.memory_space<hbm>>
        tpu.enqueue_dma source(%arg28 : memref<1200xf32, #tpu.memory_space<vmem>>) target(%dma_start3A_890 : memref<1200xf32, #tpu.memory_space<hbm>>) target_semaphore(%run_scoped3A : memref<!tpu.dma_semaphore, #tpu.memory_space<semaphore_mem>>)
        %dma_wait3A_891 = tpu.memref_slice %arg5[%add3A_888] : memref<442368xf32, #tpu.memory_space<hbm>> -> memref<1200xf32, #tpu.memory_space<hbm>>
        %dma_wait3A_892 = tpu.memref_slice %arg5[%add3A_888] : memref<442368xf32, #tpu.memory_space<hbm>> -> memref<1200xf32, #tpu.memory_space<hbm>>
        tpu.wait_dma2 semaphore(%run_scoped3A : memref<!tpu.dma_semaphore, #tpu.memory_space<semaphore_mem>>) src(%arg28 : memref<1200xf32, #tpu.memory_space<vmem>>) dst(%dma_wait3A_892 : memref<1200xf32, #tpu.memory_space<hbm>>)
        tpu.yield
      }) : () -> ()
    } else {
    }
    return
  }
}

module attributes {stable_mosaic.version = 14 : i64} {
  func.func @_nms_body(%arg0: memref<8x55296xf32, #tpu.memory_space<vmem>>, %arg1: memref<8x300xf32, #tpu.memory_space<vmem>>, %arg2: memref<8x300xf32, #tpu.memory_space<vmem>>, %arg3: memref<8x300xf32, #tpu.memory_space<vmem>>, %arg4: memref<8x300xf32, #tpu.memory_space<vmem>>, %arg5: memref<8x6144xf32, #tpu.memory_space<vmem>>, %arg6: memref<8x6144xf32, #tpu.memory_space<vmem>>, %arg7: memref<8x6144xf32, #tpu.memory_space<vmem>>, %arg8: memref<8x6144xf32, #tpu.memory_space<vmem>>) attributes {dimension_semantics = [], scalar_prefetch = 0 : i64, scratch_operands = 4 : i64, tpu.core_type = #tpu.core_type<tc>} {
    %get3A = arith.constant 0 : index
    %get3A_0 = arith.constant 30720 : index
    %get3A_1 = vector.load %arg0[%get3A, %get3A_0] : memref<8x55296xf32, #tpu.memory_space<vmem>>, vector<8x6144xf32>
    %get3A_2 = arith.constant 0 : index
    %get3A_3 = arith.constant 36864 : index
    %get3A_4 = vector.load %arg0[%get3A_2, %get3A_3] : memref<8x55296xf32, #tpu.memory_space<vmem>>, vector<8x6144xf32>
    %get3A_5 = arith.constant 0 : index
    %get3A_6 = arith.constant 43008 : index
    %get3A_7 = vector.load %arg0[%get3A_5, %get3A_6] : memref<8x55296xf32, #tpu.memory_space<vmem>>, vector<8x6144xf32>
    %get3A_8 = arith.constant 0 : index
    %get3A_9 = arith.constant 49152 : index
    %get3A_10 = vector.load %arg0[%get3A_8, %get3A_9] : memref<8x55296xf32, #tpu.memory_space<vmem>>, vector<8x6144xf32>
    %sub3A = arith.subf %get3A_7, %get3A_1 : vector<8x6144xf32>
    %sub3A_11 = arith.subf %get3A_10, %get3A_4 : vector<8x6144xf32>
    %mul3A = arith.constant 5.000000e-01 : f32
    %mul3A_12 = vector.broadcast %mul3A : f32 to vector<8x6144xf32>
    %mul3A_13 = arith.mulf %mul3A_12, %sub3A : vector<8x6144xf32>
    %add3A = arith.addf %get3A_1, %mul3A_13 : vector<8x6144xf32>
    %mul3A_14 = arith.constant 5.000000e-01 : f32
    %mul3A_15 = vector.broadcast %mul3A_14 : f32 to vector<8x6144xf32>
    %mul3A_16 = arith.mulf %mul3A_15, %sub3A_11 : vector<8x6144xf32>
    %add3A_17 = arith.addf %get3A_4, %mul3A_16 : vector<8x6144xf32>
    %get3A_18 = arith.constant 0 : index
    %get3A_19 = arith.constant 18432 : index
    %get3A_20 = vector.load %arg0[%get3A_18, %get3A_19] : memref<8x55296xf32, #tpu.memory_space<vmem>>, vector<8x6144xf32>
    %exp3A = math.exp %get3A_20 : vector<8x6144xf32>
    %mul3A_21 = arith.mulf %exp3A, %sub3A : vector<8x6144xf32>
    %get3A_22 = arith.constant 0 : index
    %get3A_23 = arith.constant 24576 : index
    %get3A_24 = vector.load %arg0[%get3A_22, %get3A_23] : memref<8x55296xf32, #tpu.memory_space<vmem>>, vector<8x6144xf32>
    %exp3A_25 = math.exp %get3A_24 : vector<8x6144xf32>
    %mul3A_26 = arith.mulf %exp3A_25, %sub3A_11 : vector<8x6144xf32>
    %get3A_27 = arith.constant 0 : index
    %get3A_28 = arith.constant 6144 : index
    %get3A_29 = vector.load %arg0[%get3A_27, %get3A_28] : memref<8x55296xf32, #tpu.memory_space<vmem>>, vector<8x6144xf32>
    %mul3A_30 = arith.mulf %get3A_29, %sub3A : vector<8x6144xf32>
    %add3A_31 = arith.addf %mul3A_30, %add3A : vector<8x6144xf32>
    %get3A_32 = arith.constant 0 : index
    %get3A_33 = arith.constant 12288 : index
    %get3A_34 = vector.load %arg0[%get3A_32, %get3A_33] : memref<8x55296xf32, #tpu.memory_space<vmem>>, vector<8x6144xf32>
    %mul3A_35 = arith.mulf %get3A_34, %sub3A_11 : vector<8x6144xf32>
    %add3A_36 = arith.addf %mul3A_35, %add3A_17 : vector<8x6144xf32>
    %mul3A_37 = arith.constant 5.000000e-01 : f32
    %mul3A_38 = vector.broadcast %mul3A_37 : f32 to vector<8x6144xf32>
    %mul3A_39 = arith.mulf %mul3A_38, %mul3A_21 : vector<8x6144xf32>
    %sub3A_40 = arith.subf %add3A_31, %mul3A_39 : vector<8x6144xf32>
    %swap3A = arith.constant 0 : index
    %swap3A_41 = arith.constant 0 : index
    %swap3A_42 = vector.load %arg5[%swap3A, %swap3A_41] : memref<8x6144xf32, #tpu.memory_space<vmem>>, vector<8x6144xf32>
    tpu.vector_store %arg5[%swap3A, %swap3A_41], %sub3A_40 {strides = array<i32>} : memref<8x6144xf32, #tpu.memory_space<vmem>>, vector<8x6144xf32>,
    %mul3A_43 = arith.constant 5.000000e-01 : f32
    %mul3A_44 = vector.broadcast %mul3A_43 : f32 to vector<8x6144xf32>
    %mul3A_45 = arith.mulf %mul3A_44, %mul3A_26 : vector<8x6144xf32>
    %sub3A_46 = arith.subf %add3A_36, %mul3A_45 : vector<8x6144xf32>
    %swap3A_47 = arith.constant 0 : index
    %swap3A_48 = arith.constant 0 : index
    %swap3A_49 = vector.load %arg6[%swap3A_47, %swap3A_48] : memref<8x6144xf32, #tpu.memory_space<vmem>>, vector<8x6144xf32>
    tpu.vector_store %arg6[%swap3A_47, %swap3A_48], %sub3A_46 {strides = array<i32>} : memref<8x6144xf32, #tpu.memory_space<vmem>>, vector<8x6144xf32>,
    %mul3A_50 = arith.constant 5.000000e-01 : f32
    %mul3A_51 = vector.broadcast %mul3A_50 : f32 to vector<8x6144xf32>
    %mul3A_52 = arith.mulf %mul3A_51, %mul3A_21 : vector<8x6144xf32>
    %add3A_53 = arith.addf %add3A_31, %mul3A_52 : vector<8x6144xf32>
    %swap3A_54 = arith.constant 0 : index
    %swap3A_55 = arith.constant 0 : index
    %swap3A_56 = vector.load %arg7[%swap3A_54, %swap3A_55] : memref<8x6144xf32, #tpu.memory_space<vmem>>, vector<8x6144xf32>
    tpu.vector_store %arg7[%swap3A_54, %swap3A_55], %add3A_53 {strides = array<i32>} : memref<8x6144xf32, #tpu.memory_space<vmem>>, vector<8x6144xf32>,
    %mul3A_57 = arith.constant 5.000000e-01 : f32
    %mul3A_58 = vector.broadcast %mul3A_57 : f32 to vector<8x6144xf32>
    %mul3A_59 = arith.mulf %mul3A_58, %mul3A_26 : vector<8x6144xf32>
    %add3A_60 = arith.addf %add3A_36, %mul3A_59 : vector<8x6144xf32>
    %swap3A_61 = arith.constant 0 : index
    %swap3A_62 = arith.constant 0 : index
    %swap3A_63 = vector.load %arg8[%swap3A_61, %swap3A_62] : memref<8x6144xf32, #tpu.memory_space<vmem>>, vector<8x6144xf32>
    tpu.vector_store %arg8[%swap3A_61, %swap3A_62], %add3A_60 {strides = array<i32>} : memref<8x6144xf32, #tpu.memory_space<vmem>>, vector<8x6144xf32>,
    %iota3A = tpu.iota {dimensions = array<i32: 1>} : vector<8x512xi32>
    %iota3A_64 = tpu.iota {dimensions = array<i32: 1>} : vector<8x300xi32>
    %broadcast_in_dim3A = arith.constant 0.000000e+00 : f32
    %broadcast_in_dim3A_65 = vector.broadcast %broadcast_in_dim3A : f32 to vector<8x300xf32>
    %broadcast_in_dim3A_66 = arith.constant 0 : i32
    %broadcast_in_dim3A_67 = vector.broadcast %broadcast_in_dim3A_66 : i32 to vector<8x1xi32>
    %multiple_of3A = arith.constant 0 : i32
    %multiple_of3A_68 = tpu.assume_multiple %multiple_of3A, 512 : i32
    %get3A_69 = arith.constant 0 : index
    %get3A_70 = arith.index_cast %multiple_of3A_68 : i32 to index
    %get3A_71 = vector.load %arg5[%get3A_69, %get3A_70] : memref<8x6144xf32, #tpu.memory_space<vmem>>, vector<8x512xf32>
    %get3A_72 = arith.constant 0 : index
    %get3A_73 = arith.index_cast %multiple_of3A_68 : i32 to index
    %get3A_74 = vector.load %arg6[%get3A_72, %get3A_73] : memref<8x6144xf32, #tpu.memory_space<vmem>>, vector<8x512xf32>
    %get3A_75 = arith.constant 0 : index
    %get3A_76 = arith.index_cast %multiple_of3A_68 : i32 to index
    %get3A_77 = vector.load %arg7[%get3A_75, %get3A_76] : memref<8x6144xf32, #tpu.memory_space<vmem>>, vector<8x512xf32>
    %get3A_78 = arith.constant 0 : index
    %get3A_79 = arith.index_cast %multiple_of3A_68 : i32 to index
    %get3A_80 = vector.load %arg8[%get3A_78, %get3A_79] : memref<8x6144xf32, #tpu.memory_space<vmem>>, vector<8x512xf32>
    %get3A_81 = arith.constant 0 : index
    %get3A_82 = arith.index_cast %multiple_of3A_68 : i32 to index
    %get3A_83 = vector.load %arg0[%get3A_81, %get3A_82] : memref<8x55296xf32, #tpu.memory_space<vmem>>, vector<8x512xf32>
    %sub3A_84 = arith.subf %get3A_77, %get3A_71 : vector<8x512xf32>
    %sub3A_85 = arith.subf %get3A_80, %get3A_74 : vector<8x512xf32>
    %mul3A_86 = arith.mulf %sub3A_84, %sub3A_85 : vector<8x512xf32>
    %scan3A = arith.constant 0 : i32
    %scan3A_87 = arith.constant 300 : i32
    %scan3A_88 = arith.addi %scan3A, %scan3A_87 : i32
    %scan3A_89 = arith.constant 1 : i32
    %scan3A_90:6 = scf.for %scan3A_130 = %scan3A to %scan3A_88 step %scan3A_89 iter_args(%scan3A_131 = %get3A_83, %scan3A_132 = %broadcast_in_dim3A_67, %scan3A_133 = %broadcast_in_dim3A_65, %scan3A_134 = %broadcast_in_dim3A_65, %scan3A_135 = %broadcast_in_dim3A_65, %scan3A_136 = %broadcast_in_dim3A_65) -> (vector<8x512xf32>, vector<8x1xi32>, vector<8x300xf32>, vector<8x300xf32>, vector<8x300xf32>, vector<8x300xf32>)  : i32 {
      %gt3A = arith.constant -1.000000e+09 : f32
      %gt3A_137 = vector.broadcast %gt3A : f32 to vector<8x512xf32>
      %gt3A_138 = arith.cmpf ogt, %scan3A_131, %gt3A_137 : vector<8x512xf32>
      %jit3A_139 = arith.constant 512 : i32
      %broadcast_in_dim3A_140 = vector.broadcast %jit3A_139 : i32 to vector<8x512xi32>
      %select_n3A = arith.select %gt3A_138, %iota3A, %broadcast_in_dim3A_140 : vector<8x512xi1>, vector<8x512xi32>
      %reduce_min3A = arith.constant dense<2147483647> : vector<8xi32>
      %reduce_min3A_141 = vector.multi_reduction <minsi>, %select_n3A, %reduce_min3A [1] : vector<8x512xi32> to vector<8xi32>
      %broadcast_in_dim3A_142 = vector.shape_cast %reduce_min3A_141 : vector<8xi32> to vector<8x1xi32>
      %lt3A = arith.constant 512 : i32
      %lt3A_143 = vector.broadcast %lt3A : i32 to vector<8x1xi32>
      %lt3A_144 = arith.cmpi slt, %broadcast_in_dim3A_142, %lt3A_143 : vector<8x1xi32>
      %lt3A_145 = arith.constant 300 : i32
      %lt3A_146 = vector.broadcast %lt3A_145 : i32 to vector<8x1xi32>
      %lt3A_147 = arith.cmpi slt, %scan3A_132, %lt3A_146 : vector<8x1xi32>
      %and3A = arith.andi %lt3A_144, %lt3A_147 : vector<8x1xi1>
      %eq3A = vector.broadcast %broadcast_in_dim3A_142 : vector<8x1xi32> to vector<8x512xi32>
      %eq3A_148 = arith.cmpi eq, %iota3A, %eq3A : vector<8x512xi32>
      %and3A_149 = vector.broadcast %and3A : vector<8x1xi1> to vector<8x512xi1>
      %and3A_150 = arith.andi %eq3A_148, %and3A_149 : vector<8x512xi1>
      %jit3A_151 = arith.constant 0.000000e+00 : f32
      %broadcast_in_dim3A_152 = vector.broadcast %jit3A_151 : f32 to vector<8x512xf32>
      %select_n3A_153 = arith.select %and3A_150, %get3A_71, %broadcast_in_dim3A_152 : vector<8x512xi1>, vector<8x512xf32>
      %reduce_sum3A = arith.constant dense<0.000000e+00> : vector<8xf32>
      %reduce_sum3A_154 = vector.multi_reduction <add>, %select_n3A_153, %reduce_sum3A [1] : vector<8x512xf32> to vector<8xf32>
      %broadcast_in_dim3A_155 = vector.shape_cast %reduce_sum3A_154 : vector<8xf32> to vector<8x1xf32>
      %jit3A_156 = arith.constant 0.000000e+00 : f32
      %broadcast_in_dim3A_157 = vector.broadcast %jit3A_156 : f32 to vector<8x512xf32>
      %select_n3A_158 = arith.select %and3A_150, %get3A_74, %broadcast_in_dim3A_157 : vector<8x512xi1>, vector<8x512xf32>
      %reduce_sum3A_159 = arith.constant dense<0.000000e+00> : vector<8xf32>
      %reduce_sum3A_160 = vector.multi_reduction <add>, %select_n3A_158, %reduce_sum3A_159 [1] : vector<8x512xf32> to vector<8xf32>
      %broadcast_in_dim3A_161 = vector.shape_cast %reduce_sum3A_160 : vector<8xf32> to vector<8x1xf32>
      %jit3A_162 = arith.constant 0.000000e+00 : f32
      %broadcast_in_dim3A_163 = vector.broadcast %jit3A_162 : f32 to vector<8x512xf32>
      %select_n3A_164 = arith.select %and3A_150, %get3A_77, %broadcast_in_dim3A_163 : vector<8x512xi1>, vector<8x512xf32>
      %reduce_sum3A_165 = arith.constant dense<0.000000e+00> : vector<8xf32>
      %reduce_sum3A_166 = vector.multi_reduction <add>, %select_n3A_164, %reduce_sum3A_165 [1] : vector<8x512xf32> to vector<8xf32>
      %broadcast_in_dim3A_167 = vector.shape_cast %reduce_sum3A_166 : vector<8xf32> to vector<8x1xf32>
      %jit3A_168 = arith.constant 0.000000e+00 : f32
      %broadcast_in_dim3A_169 = vector.broadcast %jit3A_168 : f32 to vector<8x512xf32>
      %select_n3A_170 = arith.select %and3A_150, %get3A_80, %broadcast_in_dim3A_169 : vector<8x512xi1>, vector<8x512xf32>
      %reduce_sum3A_171 = arith.constant dense<0.000000e+00> : vector<8xf32>
      %reduce_sum3A_172 = vector.multi_reduction <add>, %select_n3A_170, %reduce_sum3A_171 [1] : vector<8x512xf32> to vector<8xf32>
      %broadcast_in_dim3A_173 = vector.shape_cast %reduce_sum3A_172 : vector<8xf32> to vector<8x1xf32>
      %sub3A_174 = arith.subf %broadcast_in_dim3A_167, %broadcast_in_dim3A_155 : vector<8x1xf32>
      %sub3A_175 = arith.subf %broadcast_in_dim3A_173, %broadcast_in_dim3A_161 : vector<8x1xf32>
      %mul3A_176 = arith.mulf %sub3A_174, %sub3A_175 : vector<8x1xf32>
      %max3A_177 = vector.broadcast %broadcast_in_dim3A_155 : vector<8x1xf32> to vector<8x512xf32>
      %max3A_178 = arith.maximumf %max3A_177, %get3A_71 : vector<8x512xf32>
      %max3A_179 = vector.broadcast %broadcast_in_dim3A_161 : vector<8x1xf32> to vector<8x512xf32>
      %max3A_180 = arith.maximumf %max3A_179, %get3A_74 : vector<8x512xf32>
      %min3A_181 = vector.broadcast %broadcast_in_dim3A_167 : vector<8x1xf32> to vector<8x512xf32>
      %min3A_182 = arith.minimumf %min3A_181, %get3A_77 : vector<8x512xf32>
      %min3A_183 = vector.broadcast %broadcast_in_dim3A_173 : vector<8x1xf32> to vector<8x512xf32>
      %min3A_184 = arith.minimumf %min3A_183, %get3A_80 : vector<8x512xf32>
      %sub3A_185 = arith.subf %min3A_182, %max3A_178 : vector<8x512xf32>
      %max3A_186 = arith.constant 0.000000e+00 : f32
      %max3A_187 = vector.broadcast %max3A_186 : f32 to vector<8x512xf32>
      %max3A_188 = arith.maximumf %sub3A_185, %max3A_187 : vector<8x512xf32>
      %sub3A_189 = arith.subf %min3A_184, %max3A_180 : vector<8x512xf32>
      %max3A_190 = arith.constant 0.000000e+00 : f32
      %max3A_191 = vector.broadcast %max3A_190 : f32 to vector<8x512xf32>
      %max3A_192 = arith.maximumf %sub3A_189, %max3A_191 : vector<8x512xf32>
      %mul3A_193 = arith.mulf %max3A_188, %max3A_192 : vector<8x512xf32>
      %add3A_194 = vector.broadcast %mul3A_176 : vector<8x1xf32> to vector<8x512xf32>
      %add3A_195 = arith.addf %add3A_194, %mul3A_86 : vector<8x512xf32>
      %sub3A_196 = arith.subf %add3A_195, %mul3A_193 : vector<8x512xf32>
      %add3A_197 = arith.constant 9.99999993E-9 : f32
      %add3A_198 = vector.broadcast %add3A_197 : f32 to vector<8x512xf32>
      %add3A_199 = arith.addf %sub3A_196, %add3A_198 : vector<8x512xf32>
      %div3A = arith.divf %mul3A_193, %add3A_199 : vector<8x512xf32>
      %ge3A = arith.constant 0.699999988 : f32
      %ge3A_200 = vector.broadcast %ge3A : f32 to vector<8x512xf32>
      %ge3A_201 = arith.cmpf oge, %div3A, %ge3A_200 : vector<8x512xf32>
      %and3A_202 = vector.broadcast %and3A : vector<8x1xi1> to vector<8x512xi1>
      %and3A_203 = arith.andi %and3A_202, %ge3A_201 : vector<8x512xi1>
      %or3A = arith.ori %and3A_203, %and3A_150 : vector<8x512xi1>
      %jit3A_204 = arith.constant -1.000000e+10 : f32
      %broadcast_in_dim3A_205 = vector.broadcast %jit3A_204 : f32 to vector<8x512xf32>
      %select_n3A_206 = arith.select %or3A, %broadcast_in_dim3A_205, %scan3A_131 : vector<8x512xi1>, vector<8x512xf32>
      %eq3A_207 = vector.broadcast %scan3A_132 : vector<8x1xi32> to vector<8x300xi32>
      %eq3A_208 = arith.cmpi eq, %iota3A_64, %eq3A_207 : vector<8x300xi32>
      %and3A_209 = vector.broadcast %and3A : vector<8x1xi1> to vector<8x300xi1>
      %and3A_210 = arith.andi %eq3A_208, %and3A_209 : vector<8x300xi1>
      %broadcast_in_dim3A_211 = vector.shape_cast %broadcast_in_dim3A_155 : vector<8x1xf32> to vector<8x1xf32>
      %broadcast_in_dim3A_212 = vector.broadcast %broadcast_in_dim3A_211 : vector<8x1xf32> to vector<8x300xf32>
      %select_n3A_213 = arith.select %and3A_210, %broadcast_in_dim3A_212, %scan3A_133 : vector<8x300xi1>, vector<8x300xf32>
      %broadcast_in_dim3A_214 = vector.shape_cast %broadcast_in_dim3A_161 : vector<8x1xf32> to vector<8x1xf32>
      %broadcast_in_dim3A_215 = vector.broadcast %broadcast_in_dim3A_214 : vector<8x1xf32> to vector<8x300xf32>
      %select_n3A_216 = arith.select %and3A_210, %broadcast_in_dim3A_215, %scan3A_134 : vector<8x300xi1>, vector<8x300xf32>
      %broadcast_in_dim3A_217 = vector.shape_cast %broadcast_in_dim3A_167 : vector<8x1xf32> to vector<8x1xf32>
      %broadcast_in_dim3A_218 = vector.broadcast %broadcast_in_dim3A_217 : vector<8x1xf32> to vector<8x300xf32>
      %select_n3A_219 = arith.select %and3A_210, %broadcast_in_dim3A_218, %scan3A_135 : vector<8x300xi1>, vector<8x300xf32>
      %broadcast_in_dim3A_220 = vector.shape_cast %broadcast_in_dim3A_173 : vector<8x1xf32> to vector<8x1xf32>
      %broadcast_in_dim3A_221 = vector.broadcast %broadcast_in_dim3A_220 : vector<8x1xf32> to vector<8x300xf32>
      %select_n3A_222 = arith.select %and3A_210, %broadcast_in_dim3A_221, %scan3A_136 : vector<8x300xi1>, vector<8x300xf32>
      %convert_element_type3A = arith.extui %and3A : vector<8x1xi1> to vector<8x1xi32>
      %add3A_223 = arith.addi %scan3A_132, %convert_element_type3A : vector<8x1xi32>
      scf.yield %select_n3A_206, %add3A_223, %select_n3A_213, %select_n3A_216, %select_n3A_219, %select_n3A_222 : vector<8x512xf32>, vector<8x1xi32>, vector<8x300xf32>, vector<8x300xf32>, vector<8x300xf32>, vector<8x300xf32>
    }
    %scan3A_91 = arith.constant 1 : i32
    %scan3A_92 = arith.constant 11 : i32
    %scan3A_93 = arith.addi %scan3A_91, %scan3A_92 : i32
    %scan3A_94 = arith.constant 1 : i32
    %scan3A_95:5 = scf.for %scan3A_130 = %scan3A_91 to %scan3A_93 step %scan3A_94 iter_args(%scan3A_131 = %scan3A_90#1, %scan3A_132 = %scan3A_90#2, %scan3A_133 = %scan3A_90#3, %scan3A_134 = %scan3A_90#4, %scan3A_135 = %scan3A_90#5) -> (vector<8x1xi32>, vector<8x300xf32>, vector<8x300xf32>, vector<8x300xf32>, vector<8x300xf32>)  : i32 {
      %lt3A = arith.constant 300 : i32
      %lt3A_136 = vector.broadcast %lt3A : i32 to vector<8x1xi32>
      %lt3A_137 = arith.cmpi slt, %scan3A_131, %lt3A_136 : vector<8x1xi32>
      %reduce_or3A = arith.constant 1.000000e+00 : f32
      %reduce_or3A_138 = arith.constant 0.000000e+00 : f32
      %reduce_or3A_139 = vector.broadcast %reduce_or3A : f32 to vector<8x1xf32>
      %reduce_or3A_140 = vector.broadcast %reduce_or3A_138 : f32 to vector<8x1xf32>
      %reduce_or3A_141 = arith.select %lt3A_137, %reduce_or3A_139, %reduce_or3A_140 : vector<8x1xi1>, vector<8x1xf32>
      %reduce_or3A_142 = vector.shape_cast %reduce_or3A_141 : vector<8x1xf32> to vector<1x8x1xf32>
      %reduce_or3A_143 = arith.constant dense<0xFF800000> : vector<1xf32>
      %reduce_or3A_144 = vector.multi_reduction <maximumf>, %reduce_or3A_142, %reduce_or3A_143 [1, 2] : vector<1x8x1xf32> to vector<1xf32>
      %reduce_or3A_145 = vector.shape_cast %reduce_or3A_144 : vector<1xf32> to vector<1x1x1xf32>
      %reduce_or3A_146 = vector.extract %reduce_or3A_145[0, 0, 0] : f32 from vector<1x1x1xf32>
      %reduce_or3A_147 = arith.constant 0.000000e+00 : f32
      %reduce_or3A_148 = arith.cmpf ogt, %reduce_or3A_146, %reduce_or3A_147 : f32
      %convert_element_type3A = arith.extui %reduce_or3A_148 : i1 to i32
      %cond3A = arith.constant 0 : i32
      %cond3A_149 = arith.cmpi ne, %convert_element_type3A, %cond3A : i32
      %cond3A_150:5 = scf.if %cond3A_149 -> (vector<8x1xi32>, vector<8x300xf32>, vector<8x300xf32>, vector<8x300xf32>, vector<8x300xf32>) {
        %mul3A_151 = arith.constant 512 : i32
        %mul3A_152 = arith.muli %scan3A_130, %mul3A_151 : i32
        %multiple_of3A_153 = tpu.assume_multiple %mul3A_152, 512 : i32
        %get3A_154 = arith.constant 0 : index
        %get3A_155 = arith.index_cast %multiple_of3A_153 : i32 to index
        %get3A_156 = vector.load %arg5[%get3A_154, %get3A_155] : memref<8x6144xf32, #tpu.memory_space<vmem>>, vector<8x512xf32>
        %get3A_157 = arith.constant 0 : index
        %get3A_158 = arith.index_cast %multiple_of3A_153 : i32 to index
        %get3A_159 = vector.load %arg6[%get3A_157, %get3A_158] : memref<8x6144xf32, #tpu.memory_space<vmem>>, vector<8x512xf32>
        %get3A_160 = arith.constant 0 : index
        %get3A_161 = arith.index_cast %multiple_of3A_153 : i32 to index
        %get3A_162 = vector.load %arg7[%get3A_160, %get3A_161] : memref<8x6144xf32, #tpu.memory_space<vmem>>, vector<8x512xf32>
        %get3A_163 = arith.constant 0 : index
        %get3A_164 = arith.index_cast %multiple_of3A_153 : i32 to index
        %get3A_165 = vector.load %arg8[%get3A_163, %get3A_164] : memref<8x6144xf32, #tpu.memory_space<vmem>>, vector<8x512xf32>
        %get3A_166 = arith.constant 0 : index
        %get3A_167 = arith.index_cast %multiple_of3A_153 : i32 to index
        %get3A_168 = vector.load %arg0[%get3A_166, %get3A_167] : memref<8x55296xf32, #tpu.memory_space<vmem>>, vector<8x512xf32>
        %sub3A_169 = arith.subf %get3A_162, %get3A_156 : vector<8x512xf32>
        %sub3A_170 = arith.subf %get3A_165, %get3A_159 : vector<8x512xf32>
        %mul3A_171 = arith.mulf %sub3A_169, %sub3A_170 : vector<8x512xf32>
        %gt3A = arith.constant 0 : i32
        %gt3A_172 = vector.broadcast %gt3A : i32 to vector<8x1xi32>
        %gt3A_173 = arith.cmpi sgt, %scan3A_131, %gt3A_172 : vector<8x1xi32>
        %reduce_or3A_174 = arith.constant 1.000000e+00 : f32
        %reduce_or3A_175 = arith.constant 0.000000e+00 : f32
        %reduce_or3A_176 = vector.broadcast %reduce_or3A_174 : f32 to vector<8x1xf32>
        %reduce_or3A_177 = vector.broadcast %reduce_or3A_175 : f32 to vector<8x1xf32>
        %reduce_or3A_178 = arith.select %gt3A_173, %reduce_or3A_176, %reduce_or3A_177 : vector<8x1xi1>, vector<8x1xf32>
        %reduce_or3A_179 = vector.shape_cast %reduce_or3A_178 : vector<8x1xf32> to vector<1x8x1xf32>
        %reduce_or3A_180 = arith.constant dense<0xFF800000> : vector<1xf32>
        %reduce_or3A_181 = vector.multi_reduction <maximumf>, %reduce_or3A_179, %reduce_or3A_180 [1, 2] : vector<1x8x1xf32> to vector<1xf32>
        %reduce_or3A_182 = vector.shape_cast %reduce_or3A_181 : vector<1xf32> to vector<1x1x1xf32>
        %reduce_or3A_183 = vector.extract %reduce_or3A_182[0, 0, 0] : f32 from vector<1x1x1xf32>
        %reduce_or3A_184 = arith.constant 0.000000e+00 : f32
        %reduce_or3A_185 = arith.cmpf ogt, %reduce_or3A_183, %reduce_or3A_184 : f32
        %convert_element_type3A_186 = arith.extui %reduce_or3A_185 : i1 to i32
        %cond3A_187 = arith.constant 0 : i32
        %cond3A_188 = arith.cmpi ne, %convert_element_type3A_186, %cond3A_187 : i32
        %cond3A_189 = scf.if %cond3A_188 -> (vector<8x512xf32>) {
          %scan3A_210 = arith.constant 0 : i32
          %scan3A_211 = arith.constant 300 : i32
          %scan3A_212 = arith.addi %scan3A_210, %scan3A_211 : i32
          %scan3A_213 = arith.constant 1 : i32
          %scan3A_214 = scf.for %scan3A_216 = %scan3A_210 to %scan3A_212 step %scan3A_213 iter_args(%scan3A_217 = %get3A_168) -> (vector<8x512xf32>)  : i32 {
            %eq3A = vector.broadcast %scan3A_216 : i32 to vector<8x300xi32>
            %eq3A_218 = arith.cmpi eq, %iota3A_64, %eq3A : vector<8x300xi32>
            %jit3A_219 = arith.constant 0.000000e+00 : f32
            %broadcast_in_dim3A_220 = vector.broadcast %jit3A_219 : f32 to vector<8x300xf32>
            %select_n3A = arith.select %eq3A_218, %scan3A_132, %broadcast_in_dim3A_220 : vector<8x300xi1>, vector<8x300xf32>
            %reduce_sum3A = arith.constant dense<0.000000e+00> : vector<8xf32>
            %reduce_sum3A_221 = vector.multi_reduction <add>, %select_n3A, %reduce_sum3A [1] : vector<8x300xf32> to vector<8xf32>
            %broadcast_in_dim3A_222 = vector.shape_cast %reduce_sum3A_221 : vector<8xf32> to vector<8x1xf32>
            %jit3A_223 = arith.constant 0.000000e+00 : f32
            %broadcast_in_dim3A_224 = vector.broadcast %jit3A_223 : f32 to vector<8x300xf32>
            %select_n3A_225 = arith.select %eq3A_218, %scan3A_133, %broadcast_in_dim3A_224 : vector<8x300xi1>, vector<8x300xf32>
            %reduce_sum3A_226 = arith.constant dense<0.000000e+00> : vector<8xf32>
            %reduce_sum3A_227 = vector.multi_reduction <add>, %select_n3A_225, %reduce_sum3A_226 [1] : vector<8x300xf32> to vector<8xf32>
            %broadcast_in_dim3A_228 = vector.shape_cast %reduce_sum3A_227 : vector<8xf32> to vector<8x1xf32>
            %jit3A_229 = arith.constant 0.000000e+00 : f32
            %broadcast_in_dim3A_230 = vector.broadcast %jit3A_229 : f32 to vector<8x300xf32>
            %select_n3A_231 = arith.select %eq3A_218, %scan3A_134, %broadcast_in_dim3A_230 : vector<8x300xi1>, vector<8x300xf32>
            %reduce_sum3A_232 = arith.constant dense<0.000000e+00> : vector<8xf32>
            %reduce_sum3A_233 = vector.multi_reduction <add>, %select_n3A_231, %reduce_sum3A_232 [1] : vector<8x300xf32> to vector<8xf32>
            %broadcast_in_dim3A_234 = vector.shape_cast %reduce_sum3A_233 : vector<8xf32> to vector<8x1xf32>
            %jit3A_235 = arith.constant 0.000000e+00 : f32
            %broadcast_in_dim3A_236 = vector.broadcast %jit3A_235 : f32 to vector<8x300xf32>
            %select_n3A_237 = arith.select %eq3A_218, %scan3A_135, %broadcast_in_dim3A_236 : vector<8x300xi1>, vector<8x300xf32>
            %reduce_sum3A_238 = arith.constant dense<0.000000e+00> : vector<8xf32>
            %reduce_sum3A_239 = vector.multi_reduction <add>, %select_n3A_237, %reduce_sum3A_238 [1] : vector<8x300xf32> to vector<8xf32>
            %broadcast_in_dim3A_240 = vector.shape_cast %reduce_sum3A_239 : vector<8xf32> to vector<8x1xf32>
            %sub3A_241 = arith.subf %broadcast_in_dim3A_234, %broadcast_in_dim3A_222 : vector<8x1xf32>
            %sub3A_242 = arith.subf %broadcast_in_dim3A_240, %broadcast_in_dim3A_228 : vector<8x1xf32>
            %mul3A_243 = arith.mulf %sub3A_241, %sub3A_242 : vector<8x1xf32>
            %lt3A_244 = vector.broadcast %scan3A_216 : i32 to vector<8x1xi32>
            %lt3A_245 = arith.cmpi slt, %lt3A_244, %scan3A_131 : vector<8x1xi32>
            %max3A_246 = vector.broadcast %broadcast_in_dim3A_222 : vector<8x1xf32> to vector<8x512xf32>
            %max3A_247 = arith.maximumf %max3A_246, %get3A_156 : vector<8x512xf32>
            %max3A_248 = vector.broadcast %broadcast_in_dim3A_228 : vector<8x1xf32> to vector<8x512xf32>
            %max3A_249 = arith.maximumf %max3A_248, %get3A_159 : vector<8x512xf32>
            %min3A_250 = vector.broadcast %broadcast_in_dim3A_234 : vector<8x1xf32> to vector<8x512xf32>
            %min3A_251 = arith.minimumf %min3A_250, %get3A_162 : vector<8x512xf32>
            %min3A_252 = vector.broadcast %broadcast_in_dim3A_240 : vector<8x1xf32> to vector<8x512xf32>
            %min3A_253 = arith.minimumf %min3A_252, %get3A_165 : vector<8x512xf32>
            %sub3A_254 = arith.subf %min3A_251, %max3A_247 : vector<8x512xf32>
            %max3A_255 = arith.constant 0.000000e+00 : f32
            %max3A_256 = vector.broadcast %max3A_255 : f32 to vector<8x512xf32>
            %max3A_257 = arith.maximumf %sub3A_254, %max3A_256 : vector<8x512xf32>
            %sub3A_258 = arith.subf %min3A_253, %max3A_249 : vector<8x512xf32>
            %max3A_259 = arith.constant 0.000000e+00 : f32
            %max3A_260 = vector.broadcast %max3A_259 : f32 to vector<8x512xf32>
            %max3A_261 = arith.maximumf %sub3A_258, %max3A_260 : vector<8x512xf32>
            %mul3A_262 = arith.mulf %max3A_257, %max3A_261 : vector<8x512xf32>
            %add3A_263 = vector.broadcast %mul3A_243 : vector<8x1xf32> to vector<8x512xf32>
            %add3A_264 = arith.addf %add3A_263, %mul3A_171 : vector<8x512xf32>
            %sub3A_265 = arith.subf %add3A_264, %mul3A_262 : vector<8x512xf32>
            %add3A_266 = arith.constant 9.99999993E-9 : f32
            %add3A_267 = vector.broadcast %add3A_266 : f32 to vector<8x512xf32>
            %add3A_268 = arith.addf %sub3A_265, %add3A_267 : vector<8x512xf32>
            %div3A = arith.divf %mul3A_262, %add3A_268 : vector<8x512xf32>
            %ge3A = arith.constant 0.699999988 : f32
            %ge3A_269 = vector.broadcast %ge3A : f32 to vector<8x512xf32>
            %ge3A_270 = arith.cmpf oge, %div3A, %ge3A_269 : vector<8x512xf32>
            %and3A_271 = vector.broadcast %lt3A_245 : vector<8x1xi1> to vector<8x512xi1>
            %and3A_272 = arith.andi %and3A_271, %ge3A_270 : vector<8x512xi1>
            %jit3A_273 = arith.constant -1.000000e+10 : f32
            %broadcast_in_dim3A_274 = vector.broadcast %jit3A_273 : f32 to vector<8x512xf32>
            %select_n3A_275 = arith.select %and3A_272, %broadcast_in_dim3A_274, %scan3A_217 : vector<8x512xi1>, vector<8x512xf32>
            scf.yield %select_n3A_275 : vector<8x512xf32>
          }
          %scan3A_215 = arith.constant 300 : i32
          scf.yield %scan3A_214 : vector<8x512xf32>
        } else {
          scf.yield %get3A_168 : vector<8x512xf32>
        }
        %reduce_max3A = arith.constant dense<0xFF800000> : vector<8xf32>
        %reduce_max3A_190 = vector.multi_reduction <maximumf>, %cond3A_189, %reduce_max3A [1] : vector<8x512xf32> to vector<8xf32>
        %broadcast_in_dim3A_191 = vector.shape_cast %reduce_max3A_190 : vector<8xf32> to vector<8x1xf32>
        %gt3A_192 = arith.constant -1.000000e+09 : f32
        %gt3A_193 = vector.broadcast %gt3A_192 : f32 to vector<8x1xf32>
        %gt3A_194 = arith.cmpf ogt, %broadcast_in_dim3A_191, %gt3A_193 : vector<8x1xf32>
        %lt3A_195 = arith.constant 300 : i32
        %lt3A_196 = vector.broadcast %lt3A_195 : i32 to vector<8x1xi32>
        %lt3A_197 = arith.cmpi slt, %scan3A_131, %lt3A_196 : vector<8x1xi32>
        %and3A = arith.andi %gt3A_194, %lt3A_197 : vector<8x1xi1>
        %reduce_or3A_198 = arith.constant 1.000000e+00 : f32
        %reduce_or3A_199 = arith.constant 0.000000e+00 : f32
        %reduce_or3A_200 = vector.broadcast %reduce_or3A_198 : f32 to vector<8x1xf32>
        %reduce_or3A_201 = vector.broadcast %reduce_or3A_199 : f32 to vector<8x1xf32>
        %reduce_or3A_202 = arith.select %and3A, %reduce_or3A_200, %reduce_or3A_201 : vector<8x1xi1>, vector<8x1xf32>
        %reduce_or3A_203 = vector.shape_cast %reduce_or3A_202 : vector<8x1xf32> to vector<1x8x1xf32>
        %reduce_or3A_204 = arith.constant dense<0xFF800000> : vector<1xf32>
        %reduce_or3A_205 = vector.multi_reduction <maximumf>, %reduce_or3A_203, %reduce_or3A_204 [1, 2] : vector<1x8x1xf32> to vector<1xf32>
        %reduce_or3A_206 = vector.shape_cast %reduce_or3A_205 : vector<1xf32> to vector<1x1x1xf32>
        %reduce_or3A_207 = vector.extract %reduce_or3A_206[0, 0, 0] : f32 from vector<1x1x1xf32>
        %reduce_or3A_208 = arith.constant 0.000000e+00 : f32
        %reduce_or3A_209 = arith.cmpf ogt, %reduce_or3A_207, %reduce_or3A_208 : f32
        %while3A:7 = scf.while (%while3A_210 = %reduce_or3A_209, %while3A_211 = %cond3A_189, %while3A_212 = %scan3A_131, %while3A_213 = %scan3A_132, %while3A_214 = %scan3A_133, %while3A_215 = %scan3A_134, %while3A_216 = %scan3A_135) : (i1, vector<8x512xf32>, vector<8x1xi32>, vector<8x300xf32>, vector<8x300xf32>, vector<8x300xf32>, vector<8x300xf32>) -> (i1, vector<8x512xf32>, vector<8x1xi32>, vector<8x300xf32>, vector<8x300xf32>, vector<8x300xf32>, vector<8x300xf32>) {
          scf.condition(%while3A_210) %while3A_210, %while3A_211, %while3A_212, %while3A_213, %while3A_214, %while3A_215, %while3A_216 : i1, vector<8x512xf32>, vector<8x1xi32>, vector<8x300xf32>, vector<8x300xf32>, vector<8x300xf32>, vector<8x300xf32>
        } do {
        ^bb0(%while3A_210: i1, %while3A_211: vector<8x512xf32>, %while3A_212: vector<8x1xi32>, %while3A_213: vector<8x300xf32>, %while3A_214: vector<8x300xf32>, %while3A_215: vector<8x300xf32>, %while3A_216: vector<8x300xf32>):
          %gt3A_217 = arith.constant -1.000000e+09 : f32
          %gt3A_218 = vector.broadcast %gt3A_217 : f32 to vector<8x512xf32>
          %gt3A_219 = arith.cmpf ogt, %while3A_211, %gt3A_218 : vector<8x512xf32>
          %jit3A_220 = arith.constant 512 : i32
          %broadcast_in_dim3A_221 = vector.broadcast %jit3A_220 : i32 to vector<8x512xi32>
          %select_n3A = arith.select %gt3A_219, %iota3A, %broadcast_in_dim3A_221 : vector<8x512xi1>, vector<8x512xi32>
          %reduce_min3A = arith.constant dense<2147483647> : vector<8xi32>
          %reduce_min3A_222 = vector.multi_reduction <minsi>, %select_n3A, %reduce_min3A [1] : vector<8x512xi32> to vector<8xi32>
          %broadcast_in_dim3A_223 = vector.shape_cast %reduce_min3A_222 : vector<8xi32> to vector<8x1xi32>
          %lt3A_224 = arith.constant 512 : i32
          %lt3A_225 = vector.broadcast %lt3A_224 : i32 to vector<8x1xi32>
          %lt3A_226 = arith.cmpi slt, %broadcast_in_dim3A_223, %lt3A_225 : vector<8x1xi32>
          %lt3A_227 = arith.constant 300 : i32
          %lt3A_228 = vector.broadcast %lt3A_227 : i32 to vector<8x1xi32>
          %lt3A_229 = arith.cmpi slt, %while3A_212, %lt3A_228 : vector<8x1xi32>
          %and3A_230 = arith.andi %lt3A_226, %lt3A_229 : vector<8x1xi1>
          %eq3A = vector.broadcast %broadcast_in_dim3A_223 : vector<8x1xi32> to vector<8x512xi32>
          %eq3A_231 = arith.cmpi eq, %iota3A, %eq3A : vector<8x512xi32>
          %and3A_232 = vector.broadcast %and3A_230 : vector<8x1xi1> to vector<8x512xi1>
          %and3A_233 = arith.andi %eq3A_231, %and3A_232 : vector<8x512xi1>
          %jit3A_234 = arith.constant 0.000000e+00 : f32
          %broadcast_in_dim3A_235 = vector.broadcast %jit3A_234 : f32 to vector<8x512xf32>
          %select_n3A_236 = arith.select %and3A_233, %get3A_156, %broadcast_in_dim3A_235 : vector<8x512xi1>, vector<8x512xf32>
          %reduce_sum3A = arith.constant dense<0.000000e+00> : vector<8xf32>
          %reduce_sum3A_237 = vector.multi_reduction <add>, %select_n3A_236, %reduce_sum3A [1] : vector<8x512xf32> to vector<8xf32>
          %broadcast_in_dim3A_238 = vector.shape_cast %reduce_sum3A_237 : vector<8xf32> to vector<8x1xf32>
          %jit3A_239 = arith.constant 0.000000e+00 : f32
          %broadcast_in_dim3A_240 = vector.broadcast %jit3A_239 : f32 to vector<8x512xf32>
          %select_n3A_241 = arith.select %and3A_233, %get3A_159, %broadcast_in_dim3A_240 : vector<8x512xi1>, vector<8x512xf32>
          %reduce_sum3A_242 = arith.constant dense<0.000000e+00> : vector<8xf32>
          %reduce_sum3A_243 = vector.multi_reduction <add>, %select_n3A_241, %reduce_sum3A_242 [1] : vector<8x512xf32> to vector<8xf32>
          %broadcast_in_dim3A_244 = vector.shape_cast %reduce_sum3A_243 : vector<8xf32> to vector<8x1xf32>
          %jit3A_245 = arith.constant 0.000000e+00 : f32
          %broadcast_in_dim3A_246 = vector.broadcast %jit3A_245 : f32 to vector<8x512xf32>
          %select_n3A_247 = arith.select %and3A_233, %get3A_162, %broadcast_in_dim3A_246 : vector<8x512xi1>, vector<8x512xf32>
          %reduce_sum3A_248 = arith.constant dense<0.000000e+00> : vector<8xf32>
          %reduce_sum3A_249 = vector.multi_reduction <add>, %select_n3A_247, %reduce_sum3A_248 [1] : vector<8x512xf32> to vector<8xf32>
          %broadcast_in_dim3A_250 = vector.shape_cast %reduce_sum3A_249 : vector<8xf32> to vector<8x1xf32>
          %jit3A_251 = arith.constant 0.000000e+00 : f32
          %broadcast_in_dim3A_252 = vector.broadcast %jit3A_251 : f32 to vector<8x512xf32>
          %select_n3A_253 = arith.select %and3A_233, %get3A_165, %broadcast_in_dim3A_252 : vector<8x512xi1>, vector<8x512xf32>
          %reduce_sum3A_254 = arith.constant dense<0.000000e+00> : vector<8xf32>
          %reduce_sum3A_255 = vector.multi_reduction <add>, %select_n3A_253, %reduce_sum3A_254 [1] : vector<8x512xf32> to vector<8xf32>
          %broadcast_in_dim3A_256 = vector.shape_cast %reduce_sum3A_255 : vector<8xf32> to vector<8x1xf32>
          %sub3A_257 = arith.subf %broadcast_in_dim3A_250, %broadcast_in_dim3A_238 : vector<8x1xf32>
          %sub3A_258 = arith.subf %broadcast_in_dim3A_256, %broadcast_in_dim3A_244 : vector<8x1xf32>
          %mul3A_259 = arith.mulf %sub3A_257, %sub3A_258 : vector<8x1xf32>
          %max3A_260 = vector.broadcast %broadcast_in_dim3A_238 : vector<8x1xf32> to vector<8x512xf32>
          %max3A_261 = arith.maximumf %max3A_260, %get3A_156 : vector<8x512xf32>
          %max3A_262 = vector.broadcast %broadcast_in_dim3A_244 : vector<8x1xf32> to vector<8x512xf32>
          %max3A_263 = arith.maximumf %max3A_262, %get3A_159 : vector<8x512xf32>
          %min3A_264 = vector.broadcast %broadcast_in_dim3A_250 : vector<8x1xf32> to vector<8x512xf32>
          %min3A_265 = arith.minimumf %min3A_264, %get3A_162 : vector<8x512xf32>
          %min3A_266 = vector.broadcast %broadcast_in_dim3A_256 : vector<8x1xf32> to vector<8x512xf32>
          %min3A_267 = arith.minimumf %min3A_266, %get3A_165 : vector<8x512xf32>
          %sub3A_268 = arith.subf %min3A_265, %max3A_261 : vector<8x512xf32>
          %max3A_269 = arith.constant 0.000000e+00 : f32
          %max3A_270 = vector.broadcast %max3A_269 : f32 to vector<8x512xf32>
          %max3A_271 = arith.maximumf %sub3A_268, %max3A_270 : vector<8x512xf32>
          %sub3A_272 = arith.subf %min3A_267, %max3A_263 : vector<8x512xf32>
          %max3A_273 = arith.constant 0.000000e+00 : f32
          %max3A_274 = vector.broadcast %max3A_273 : f32 to vector<8x512xf32>
          %max3A_275 = arith.maximumf %sub3A_272, %max3A_274 : vector<8x512xf32>
          %mul3A_276 = arith.mulf %max3A_271, %max3A_275 : vector<8x512xf32>
          %add3A_277 = vector.broadcast %mul3A_259 : vector<8x1xf32> to vector<8x512xf32>
          %add3A_278 = arith.addf %add3A_277, %mul3A_171 : vector<8x512xf32>
          %sub3A_279 = arith.subf %add3A_278, %mul3A_276 : vector<8x512xf32>
          %add3A_280 = arith.constant 9.99999993E-9 : f32
          %add3A_281 = vector.broadcast %add3A_280 : f32 to vector<8x512xf32>
          %add3A_282 = arith.addf %sub3A_279, %add3A_281 : vector<8x512xf32>
          %div3A = arith.divf %mul3A_276, %add3A_282 : vector<8x512xf32>
          %ge3A = arith.constant 0.699999988 : f32
          %ge3A_283 = vector.broadcast %ge3A : f32 to vector<8x512xf32>
          %ge3A_284 = arith.cmpf oge, %div3A, %ge3A_283 : vector<8x512xf32>
          %and3A_285 = vector.broadcast %and3A_230 : vector<8x1xi1> to vector<8x512xi1>
          %and3A_286 = arith.andi %and3A_285, %ge3A_284 : vector<8x512xi1>
          %or3A = arith.ori %and3A_286, %and3A_233 : vector<8x512xi1>
          %jit3A_287 = arith.constant -1.000000e+10 : f32
          %broadcast_in_dim3A_288 = vector.broadcast %jit3A_287 : f32 to vector<8x512xf32>
          %select_n3A_289 = arith.select %or3A, %broadcast_in_dim3A_288, %while3A_211 : vector<8x512xi1>, vector<8x512xf32>
          %eq3A_290 = vector.broadcast %while3A_212 : vector<8x1xi32> to vector<8x300xi32>
          %eq3A_291 = arith.cmpi eq, %iota3A_64, %eq3A_290 : vector<8x300xi32>
          %and3A_292 = vector.broadcast %and3A_230 : vector<8x1xi1> to vector<8x300xi1>
          %and3A_293 = arith.andi %eq3A_291, %and3A_292 : vector<8x300xi1>
          %broadcast_in_dim3A_294 = vector.shape_cast %broadcast_in_dim3A_238 : vector<8x1xf32> to vector<8x1xf32>
          %broadcast_in_dim3A_295 = vector.broadcast %broadcast_in_dim3A_294 : vector<8x1xf32> to vector<8x300xf32>
          %select_n3A_296 = arith.select %and3A_293, %broadcast_in_dim3A_295, %while3A_213 : vector<8x300xi1>, vector<8x300xf32>
          %broadcast_in_dim3A_297 = vector.shape_cast %broadcast_in_dim3A_244 : vector<8x1xf32> to vector<8x1xf32>
          %broadcast_in_dim3A_298 = vector.broadcast %broadcast_in_dim3A_297 : vector<8x1xf32> to vector<8x300xf32>
          %select_n3A_299 = arith.select %and3A_293, %broadcast_in_dim3A_298, %while3A_214 : vector<8x300xi1>, vector<8x300xf32>
          %broadcast_in_dim3A_300 = vector.shape_cast %broadcast_in_dim3A_250 : vector<8x1xf32> to vector<8x1xf32>
          %broadcast_in_dim3A_301 = vector.broadcast %broadcast_in_dim3A_300 : vector<8x1xf32> to vector<8x300xf32>
          %select_n3A_302 = arith.select %and3A_293, %broadcast_in_dim3A_301, %while3A_215 : vector<8x300xi1>, vector<8x300xf32>
          %broadcast_in_dim3A_303 = vector.shape_cast %broadcast_in_dim3A_256 : vector<8x1xf32> to vector<8x1xf32>
          %broadcast_in_dim3A_304 = vector.broadcast %broadcast_in_dim3A_303 : vector<8x1xf32> to vector<8x300xf32>
          %select_n3A_305 = arith.select %and3A_293, %broadcast_in_dim3A_304, %while3A_216 : vector<8x300xi1>, vector<8x300xf32>
          %convert_element_type3A_306 = arith.extui %and3A_230 : vector<8x1xi1> to vector<8x1xi32>
          %add3A_307 = arith.addi %while3A_212, %convert_element_type3A_306 : vector<8x1xi32>
          %reduce_max3A_308 = arith.constant dense<0xFF800000> : vector<8xf32>
          %reduce_max3A_309 = vector.multi_reduction <maximumf>, %select_n3A_289, %reduce_max3A_308 [1] : vector<8x512xf32> to vector<8xf32>
          %broadcast_in_dim3A_310 = vector.shape_cast %reduce_max3A_309 : vector<8xf32> to vector<8x1xf32>
          %gt3A_311 = arith.constant -1.000000e+09 : f32
          %gt3A_312 = vector.broadcast %gt3A_311 : f32 to vector<8x1xf32>
          %gt3A_313 = arith.cmpf ogt, %broadcast_in_dim3A_310, %gt3A_312 : vector<8x1xf32>
          %lt3A_314 = arith.constant 300 : i32
          %lt3A_315 = vector.broadcast %lt3A_314 : i32 to vector<8x1xi32>
          %lt3A_316 = arith.cmpi slt, %add3A_307, %lt3A_315 : vector<8x1xi32>
          %and3A_317 = arith.andi %gt3A_313, %lt3A_316 : vector<8x1xi1>
          %reduce_or3A_318 = arith.constant 1.000000e+00 : f32
          %reduce_or3A_319 = arith.constant 0.000000e+00 : f32
          %reduce_or3A_320 = vector.broadcast %reduce_or3A_318 : f32 to vector<8x1xf32>
          %reduce_or3A_321 = vector.broadcast %reduce_or3A_319 : f32 to vector<8x1xf32>
          %reduce_or3A_322 = arith.select %and3A_317, %reduce_or3A_320, %reduce_or3A_321 : vector<8x1xi1>, vector<8x1xf32>
          %reduce_or3A_323 = vector.shape_cast %reduce_or3A_322 : vector<8x1xf32> to vector<1x8x1xf32>
          %reduce_or3A_324 = arith.constant dense<0xFF800000> : vector<1xf32>
          %reduce_or3A_325 = vector.multi_reduction <maximumf>, %reduce_or3A_323, %reduce_or3A_324 [1, 2] : vector<1x8x1xf32> to vector<1xf32>
          %reduce_or3A_326 = vector.shape_cast %reduce_or3A_325 : vector<1xf32> to vector<1x1x1xf32>
          %reduce_or3A_327 = vector.extract %reduce_or3A_326[0, 0, 0] : f32 from vector<1x1x1xf32>
          %reduce_or3A_328 = arith.constant 0.000000e+00 : f32
          %reduce_or3A_329 = arith.cmpf ogt, %reduce_or3A_327, %reduce_or3A_328 : f32
          scf.yield %reduce_or3A_329, %select_n3A_289, %add3A_307, %select_n3A_296, %select_n3A_299, %select_n3A_302, %select_n3A_305 : i1, vector<8x512xf32>, vector<8x1xi32>, vector<8x300xf32>, vector<8x300xf32>, vector<8x300xf32>, vector<8x300xf32>
        }
        scf.yield %while3A#2, %while3A#3, %while3A#4, %while3A#5, %while3A#6 : vector<8x1xi32>, vector<8x300xf32>, vector<8x300xf32>, vector<8x300xf32>, vector<8x300xf32>
      } else {
        scf.yield %scan3A_131, %scan3A_132, %scan3A_133, %scan3A_134, %scan3A_135 : vector<8x1xi32>, vector<8x300xf32>, vector<8x300xf32>, vector<8x300xf32>, vector<8x300xf32>
      }
      scf.yield %cond3A_150#0, %cond3A_150#1, %cond3A_150#2, %cond3A_150#3, %cond3A_150#4 : vector<8x1xi32>, vector<8x300xf32>, vector<8x300xf32>, vector<8x300xf32>, vector<8x300xf32>
    }
    %scan3A_96 = arith.constant 11 : i32
    %jit3A = arith.constant 0.000000e+00 : f32
    %jit3A_97 = arith.constant 1.000000e+00 : f32
    %max3A = vector.broadcast %jit3A : f32 to vector<8x300xf32>
    %max3A_98 = arith.maximumf %max3A, %scan3A_95#1 : vector<8x300xf32>
    %min3A = vector.broadcast %jit3A_97 : f32 to vector<8x300xf32>
    %min3A_99 = arith.minimumf %min3A, %max3A_98 : vector<8x300xf32>
    %swap3A_100 = arith.constant 0 : index
    %swap3A_101 = arith.constant 0 : index
    %swap3A_102 = vector.load %arg1[%swap3A_100, %swap3A_101] : memref<8x300xf32, #tpu.memory_space<vmem>>, vector<8x300xf32>
    tpu.vector_store %arg1[%swap3A_100, %swap3A_101], %min3A_99 {strides = array<i32>} : memref<8x300xf32, #tpu.memory_space<vmem>>, vector<8x300xf32>,
    %jit3A_103 = arith.constant 0.000000e+00 : f32
    %jit3A_104 = arith.constant 1.000000e+00 : f32
    %max3A_105 = vector.broadcast %jit3A_103 : f32 to vector<8x300xf32>
    %max3A_106 = arith.maximumf %max3A_105, %scan3A_95#2 : vector<8x300xf32>
    %min3A_107 = vector.broadcast %jit3A_104 : f32 to vector<8x300xf32>
    %min3A_108 = arith.minimumf %min3A_107, %max3A_106 : vector<8x300xf32>
    %swap3A_109 = arith.constant 0 : index
    %swap3A_110 = arith.constant 0 : index
    %swap3A_111 = vector.load %arg2[%swap3A_109, %swap3A_110] : memref<8x300xf32, #tpu.memory_space<vmem>>, vector<8x300xf32>
    tpu.vector_store %arg2[%swap3A_109, %swap3A_110], %min3A_108 {strides = array<i32>} : memref<8x300xf32, #tpu.memory_space<vmem>>, vector<8x300xf32>,
    %jit3A_112 = arith.constant 0.000000e+00 : f32
    %jit3A_113 = arith.constant 1.000000e+00 : f32
    %max3A_114 = vector.broadcast %jit3A_112 : f32 to vector<8x300xf32>
    %max3A_115 = arith.maximumf %max3A_114, %scan3A_95#3 : vector<8x300xf32>
    %min3A_116 = vector.broadcast %jit3A_113 : f32 to vector<8x300xf32>
    %min3A_117 = arith.minimumf %min3A_116, %max3A_115 : vector<8x300xf32>
    %swap3A_118 = arith.constant 0 : index
    %swap3A_119 = arith.constant 0 : index
    %swap3A_120 = vector.load %arg3[%swap3A_118, %swap3A_119] : memref<8x300xf32, #tpu.memory_space<vmem>>, vector<8x300xf32>
    tpu.vector_store %arg3[%swap3A_118, %swap3A_119], %min3A_117 {strides = array<i32>} : memref<8x300xf32, #tpu.memory_space<vmem>>, vector<8x300xf32>,
    %jit3A_121 = arith.constant 0.000000e+00 : f32
    %jit3A_122 = arith.constant 1.000000e+00 : f32
    %max3A_123 = vector.broadcast %jit3A_121 : f32 to vector<8x300xf32>
    %max3A_124 = arith.maximumf %max3A_123, %scan3A_95#4 : vector<8x300xf32>
    %min3A_125 = vector.broadcast %jit3A_122 : f32 to vector<8x300xf32>
    %min3A_126 = arith.minimumf %min3A_125, %max3A_124 : vector<8x300xf32>
    %swap3A_127 = arith.constant 0 : index
    %swap3A_128 = arith.constant 0 : index
    %swap3A_129 = vector.load %arg4[%swap3A_127, %swap3A_128] : memref<8x300xf32, #tpu.memory_space<vmem>>, vector<8x300xf32>
    tpu.vector_store %arg4[%swap3A_127, %swap3A_128], %min3A_126 {strides = array<i32>} : memref<8x300xf32, #tpu.memory_space<vmem>>, vector<8x300xf32>,
    return
  }
}

</mosaic_0001>

<sc_bundles>
// kernel: kernel.4.cloned.1.call-start
scs
__scs_entry_jumppad:
0x0: {  	(pc) =	sbr.rel $0x88, $3  }
0x1: {  	(tag) =	ssettag $0x0;
	lr =	simm.s32 $0x1  }
0x2: {  	[smem:$0x3F9E] =	sst lr;
	_ =	strace $0xD0000000  }
0x3: {  	_ = 	snop  }
0x4: {  	_ = 	snop  }
0x5: {  	_ = 	snop  }
0x6: {  	_ = 	snop  }
0x7: {  	_ = 	snop  }
__scs_overlays_trampoline_lowered:
0x8: {  	[smem:$0x3FAD] =	sst s0  }
0x9: {  	[smem:$0x3FAE] =	sst s1  }
0xa: {  	[smem:$0x3FAF] =	sst s2  }
0xb: {  	[smem:$0x3FB0] =	sst s3  }
0xc: {  	[smem:$0x3FB1] =	sst s4  }
0xd: {  	[smem:$0x3FB2] =	sst s5  }
0xe: {  	[smem:$0x3FB3] =	sst s6  }
0xf: {  	[smem:$0x3FB4] =	sst s7  }
0x10: {  	[smem:$0x3FB5] =	sst s8  }
0x11: {  	[smem:$0x3FB6] =	sst s9;
	s0 =	simm.s32 @!p0 $0x0  }
0x12: {  	s1 =	sld [smem:$0x3F9C];
	s0 =	simm.s32 @p0 $0x1  }
0x13: {  	[smem:$0x3FB7] =	sst s0;
	s0 =	simm.s32 @!p1 $0x0  }
0x14: {  	s2 =	sld [smem:$0x3F9B];
	s0 =	simm.s32 @p1 $0x1  }
0x15: {  	[smem:$0x3FB8] =	sst s0;
	s0 =	simm.s32 @!p2 $0x0  }
0x16: {  	s3 =	sld [smem:$0x3FDB];
	s0 =	simm.s32 @p2 $0x1  }
0x17: {  	s4 =	simm.s32 $0x1BF5;
	[smem:$0x3FBA] =	sst s0  }
0x18: {  	s0 =	sld [smem:$0x3F9D];
	_ =	swait.ge [sflag:s4], $0x0  }
0x19: {  	s7 =	sld [smem:$0x3F9E]  }
0x1a: {  	s8 =	sadd.s32 $0xFFFFE003, lr  }
0x1b: {  	s9 =	sadd.s32 $0xFFFFFEF7, lr;
	s5 =	simm.s32 $0xFFFFFFFF;
	p2 =	slt.u32 s8, $0xFFFFF086  }
0x1c: {  	p1 =	slt.u32 s9, $0xF7A;
	s5 =	simm.s32 @!p2 $0x0  }
0x1d: {  	s5 =	simm.s32 @p1 $0x1;
	p0 =	seq.s32 s7, s2  }
0x1e: {  	s7 =	smul.u32 @!p0 $0xF7A, s2;
	p2 =	seq.s32 @!p0 s5, $0x0  }
0x1f: {  	s9 =	smul.u32 $0xF7A, s1;
	s8 =	simm.s32 @!p0 $0x1BF5;
	p2 =	por !p2, p0  }
0x20: {  	[sflag:s8] =	ssyncset.s32 @!p0 $0xFFFFF086;
	s6 =	sadd.s32 @!p0 s3, s7;
	s7 =	simm.s32 @!p0 $0x108  }
0x21: {  	s3 =	sadd.s32 s3, s9;
	s6 =	sadd.s32 @!p0 $0x88, s6;
	s7 =	simm.s32 @p2 $0x1082  }
0x22: {  	[simem:s7], [sflag:s8] =	dma.local @!p0 [hbm:s6], $0xF7A  }
0x23: {  	s9 =	sor.u32 $0xD0000000, s2;
	s6 =	simm.s32 $0x108;
	_ =	swait.ge @!p0 [sflag:s8], $0x0  }
0x24: {  	s3 =	sadd.s32 $0x88, s3;
	s6 =	simm.s32 @!p1 $0x1082;
	[sflag:s4] =	ssyncset.s32 $0xFFFFF086  }
0x25: {  	[simem:s6], [sflag:s4] =	dma.local [hbm:s3], $0xF7A  }
0x26: {  	[smem:$0x3F9E] =	sst s1;
	(tag) =	ssettag s2;
	_ =	strace s9  }
0x27: {  	s1 =	sld [smem:$0x3FAE]  }
0x28: {  	s2 =	sld [smem:$0x3FAF]  }
0x29: {  	s4 =	sld [smem:$0x3FB1]  }
0x2a: {  	p0 =	seq.s32 s5, $0x0;
	s5 =	sld [smem:$0x3FB2]  }
0x2b: {  	s6 =	sld [smem:$0x3FB3]  }
0x2c: {  	s7 =	sld [smem:$0x3FB4]  }
0x2d: {  	s3 =	simm.s32 $0x108;
	s8 =	sld [smem:$0x3FB5]  }
0x2e: {  	s3 =	simm.s32 @!p0 $0x1082;
	s9 =	sld [smem:$0x3FB6]  }
0x2f: {  	lr =	sadd.s32 s0, s3;
	s0 =	sld [smem:$0x3FAD]  }
0x30: {  	s3 =	sld [smem:$0x3FB0]  }
0x31: {  	[smem:$0x3FB9] =	sst s10  }
0x32: {  	s10 =	sld [smem:$0x3FB7];
	_ =	sdelay $0x3  }
0x33: {  	p0 =	seq.s32 s10, $0x1;
	s10 =	sld [smem:$0x3FB9];
	_ =	sdelay $0x3  }
0x34: {  	[smem:$0x3FB9] =	sst s10  }
0x35: {  	s10 =	sld [smem:$0x3FB8];
	_ =	sdelay $0x3  }
0x36: {  	p1 =	seq.s32 s10, $0x1;
	s10 =	sld [smem:$0x3FB9];
	_ =	sdelay $0x3  }
0x37: {  	[smem:$0x3FB9] =	sst s10  }
0x38: {  	s10 =	sld [smem:$0x3FBA]  }
0x39: {  	_ = 	snop;
	(pc) =	sbr.ind lr, $3  }
0x3a: {  	_ = 	snop  }
0x3b: {  	_ = 	snop  }
0x3c: {  	p2 =	seq.s32 s10, $0x1;
	s10 =	sld [smem:$0x3FB9]  }
0x3d: {  	_ =	shalt  }
0x3e: {  	_ =	shalt  }
0x3f: {  	_ =	shalt  }
0x40: {  	_ =	shalt  }
0x41: {  	_ =	shalt  }
0x42: {  	_ =	shalt  }
0x43: {  	_ =	shalt  }
0x44: {  	_ =	shalt  }
0x45: {  	_ =	shalt  }
0x46: {  	_ =	shalt  }
0x47: {  	_ =	shalt  }
0x48: {  	_ =	shalt  }
0x49: {  	_ =	shalt  }
0x4a: {  	_ =	shalt  }
0x4b: {  	_ =	shalt  }
0x4c: {  	_ =	shalt  }
0x4d: {  	_ =	shalt  }
0x4e: {  	_ =	shalt  }
0x4f: {  	_ =	shalt  }
0x50: {  	_ =	shalt  }
0x51: {  	_ =	shalt  }
0x52: {  	_ =	shalt  }
0x53: {  	_ =	shalt  }
0x54: {  	_ =	shalt  }
0x55: {  	_ =	shalt  }
0x56: {  	_ =	shalt  }
0x57: {  	_ =	shalt  }
0x58: {  	_ =	shalt  }
0x59: {  	_ =	shalt  }
0x5a: {  	_ =	shalt  }
0x5b: {  	_ =	shalt  }
0x5c: {  	_ =	shalt  }
0x5d: {  	_ =	shalt  }
0x5e: {  	_ =	shalt  }
0x5f: {  	_ =	shalt  }
0x60: {  	_ =	shalt  }
0x61: {  	_ =	shalt  }
0x62: {  	_ =	shalt  }
0x63: {  	_ =	shalt  }
0x64: {  	_ =	shalt  }
0x65: {  	_ =	shalt  }
0x66: {  	_ =	shalt  }
0x67: {  	_ =	shalt  }
0x68: {  	_ =	shalt  }
0x69: {  	_ =	shalt  }
0x6a: {  	_ =	shalt  }
0x6b: {  	_ =	shalt  }
0x6c: {  	_ =	shalt  }
0x6d: {  	_ =	shalt  }
0x6e: {  	_ =	shalt  }
0x6f: {  	_ =	shalt  }
0x70: {  	_ =	shalt  }
0x71: {  	_ =	shalt  }
0x72: {  	_ =	shalt  }
0x73: {  	_ =	shalt  }
0x74: {  	_ =	shalt  }
0x75: {  	_ =	shalt  }
0x76: {  	_ =	shalt  }
0x77: {  	_ =	shalt  }
0x78: {  	_ =	shalt  }
0x79: {  	_ =	shalt  }
0x7a: {  	_ =	shalt  }
0x7b: {  	_ =	shalt  }
0x7c: {  	_ =	shalt  }
0x7d: {  	_ =	shalt  }
0x7e: {  	_ =	shalt  }
0x7f: {  	_ =	shalt  }
0x80: {  	_ =	shalt  }
0x81: {  	_ =	shalt  }
0x82: {  	_ =	shalt  }
0x83: {  	_ =	shalt  }
0x84: {  	_ =	shalt  }
0x85: {  	_ =	shalt  }
0x86: {  	_ =	shalt  }
0x87: {  	_ =	shalt  }
.Lfunc_end0:
.L_simem_size_0:
called_computation_lowered:
.L_overlay_start_0:
0x88: {  	s2 =	sld [smem:$0x3FD9]  }
0x89: {  	s3 =	sld [smem:$0x3FFE];
	_ =	sdelay $0x1  }
0x8a: {  	s1 =	srdreg.scid  }
0x8b: {  	s0 =	sand.u32 $0x1, s1  }
0x8c: {  	s16 =	sshll.u32 s0, $0xA;
	s2 =	sadd.s32 s3, s2  }
0x8d: {  	s2 =	sadd.s32 s2, s16  }
0x8e: {  	[smem:$0x3FC5] =	sst s2  }
0x8f: {  	_ = 	snop  }
0x90: {  	(tm) =	ssettm $0x1  }
0x91: {  	s17 =	sld [smem:$0x3FFB];
	_ =	sdelay $0x3  }
0x92: {  	_ =	strace s17  }
0x93: {  	s2 =	sld [smem:$0x3FFC];
	_ =	sdelay $0x3  }
0x94: {  	_ =	strace s2  }
0x95: {  	s2 =	sld [smem:$0x3FFD];
	_ =	sdelay $0x3  }
0x96: {  	_ =	strace s2  }
0x97: {  	_ =	strace $0x8FFFFFFF  }
0x98: {  	s18 =	sld [smem:$0x3FDB];
	_ =	sdelay $0x1  }
0x99: {  	s19 =	simm.s32 $_scs_section_size  }
0x9a: {  	s4 =	simm.s32 $_size__tile_overlayer_lowered;
	s5 =	simm.s32 $_tile_overlayer_lowered  }
0x9b: {  	s22 =	simm.s32 $0x1BFF;
	s21 =	sshll.u32 s5, $0x1;
	s2 =	sadd.s32 s19, s18  }
0x9c: {  	s6 =	simm.s32 $0x0;
	s20 =	sshll.u32 s4, $0x1;
	s4 =	sadd.s32 s21, s2  }
0x9d: {  	[timem:s6], [sflag:s22] =	dma.local [hbm:s4], s20  }
0x9e: {  	_ =	swait.ge [sflag:s22], s20  }
0x9f: {  	s3 =	ssub.s32 $0x0, s20;
	[sflag:s22] =	ssyncset.done $0x0  }
0xa0: {  	[sflag:s22] =	ssyncadd.s32 s3;
	_ =	sdelay $0x1  }
0xa1: {  	s23 =	simm.s32 $0x1B8B  }
0xa2: {  	_ =	swait.ge [sflag:s23], $0x1  }
0xa3: {  	[sflag:s23] =	ssyncset.done $0x0  }
0xa4: {  	s25 =	simm.s32 $0x1B8E;
	s24 =	sld [smem:$0x3FFE];
	[sflag:s23] =	ssyncadd.s32 $0xFFFFFFFF  }
0xa5: {  	s26 =	simm.s32 $execute0_lowered;
	[smem:$0x3FD2] =	sst s25  }
0xa6: {  	s4 =	sshll.u32 s26, $0x1;
	_ =	strace $0x80000046;
	[dreg:$0x1] =	wrdreg $0xFFFFFFFF  }
0xa7: {  	s28 =	simm.s32 $_size_execute0_lowered;
	s2 =	sadd.s32 s2, s4;
	[dreg:$0x0] =	wrdreg $0x0  }
0xa8: {  	s4 =	sshll.u32 s28, $0x1;
	[dreg:$0x2] =	wrdreg s2  }
0xa9: {  	[dreg:$0x3] =	wrdreg s4  }
0xaa: {  	[dreg:$0x4] =	wrdreg $0xC0  }
0xab: {  	_ =	task [dreg:s6], $0x5FFFF  }
0xac: {  	[dreg:$0x1] =	wrdreg $0xFFFFFFFF  }
0xad: {  	[dreg:$0x0] =	wrdreg $0x60  }
0xae: {  	[dreg:$0x2] =	wrdreg s24  }
0xaf: {  	[dreg:$0x3] =	wrdreg $0x9  }
0xb0: {  	_ =	task.clear_ibuf [dreg:s6], $0x4FFFF;
	_ =	strace $0x90000046  }
0xb1: {  	s29 =	simm.s32 $0x9;
	_ =	strace $0x80000048  }
0xb2: {  	_ =	swait.ge [sflag:s29], $0x1  }
0xb3: {  	[sflag:s29] =	ssyncadd.s32 $0xFFFFFFFF  }
0xb4: {  	_ =	strace $0x90000048  }
0xb5: {  	_ =	sfence  }
0xb6: {  	s30 =	sld [smem:$0x0];
	_ =	sdelay $0x2  }
0xb7: {  	s31 =	sshll.u32 s1, $0xD;
	s1 =	sshrl.u32 s1, $0x2  }
0xb8: {  	s3 =	sand.u32 $0x4000, s31;
	s1 =	sadd.s32 s1, s30  }
0xb9: {  	s0 =	sor.u32 s3, s0;
	s1 =	sshll.u32 s1, $0x11  }
0xba: {  	s0 =	sor.u32 s1, s0  }
0xbb: {  	s0 =	sadd.s32 $0x8F2B, s0  }
0xbc: {  	[sflag:s0] =	ssyncadd.remote.s32 $0x1  }
0xbd: {  	_ =	sfence.sel $0xFFFF  }
0xbe: {  	[dreg:$0x0] =	wrdreg $0xFFFFFFFF;
	(pc) =	sbr.abs _section_cstart, $3  }
0xbf: {  	[dreg:$0x1] =	wrdreg $0xFFFFFFFF  }
0xc0: {  	_ =	task.clear_ibuf [dreg:s6], $0x2FFFF;
	_ =	strace $0x9FFFFFFF  }
0xc1: {  	(tm) =	ssettm $0x7FFFFFFF  }
tec
execute0_lowered:
.L_overlay_start_1:
0x0: {  	(tag) =	ssettag $0x1  }
0x1: {  	s1 =	stileid.u32  }
0x2: {  	p0 =	sgt.u32 s1, $0x3  }
.Ltmp0:
0x3: {  	_ = 	snop;
	(pc) =	sbr.rel @p0 .LBB2_53-.Ltmp0, $4  }
0x4: {  	_ = 	snop  }
0x5: {  	s2 =	simm.s32 $0x0  }
0x6: {  	[smem:$0x7FF] =	sst s2  }
0x7: {  	s0 =	rddreg [dreg:$0x0];
	_ =	strace $0x80000047  }
0x8: {  	s1 =	srdreg.scid;
	s3 =	stileid.u32  }
0x9: {  	s1 =	sand.u32 $0x1, s1;
	s3 =	sshll.u32 s3, $0x1  }
0xa: {  	s5 =	sor.u32 s1, s3  }
0xb: {  	s3 =	smul.u32 $0xD800, s5;
	_ =	sdelay $0x1  }
0xc: {  	s3 =	sshrl.u32 s3, $0x3  }
0xd: {  	s7 =	sadd.s32 s3, s0  }
0xe: {  	s10 =	sadd.s32 $0x1F0EE, s7  }
0xf: {  	s11 =	sadd.s32 $0x1F3EE, s7;
	[dreg:$0x2] =	wrdreg s10  }
0x10: {  	s12 =	sadd.s32 $0x1F6EE, s7;
	[dreg:$0x3] =	wrdreg s11  }
0x11: {  	s13 =	sadd.s32 $0x1F9EE, s7;
	[dreg:$0x4] =	wrdreg s12  }
0x12: {  	s14 =	sadd.s32 $0x1FCEE, s7;
	[dreg:$0x5] =	wrdreg s13  }
0x13: {  	s15 =	sadd.s32 $0x1FFEE, s7;
	[dreg:$0x6] =	wrdreg s14  }
0x14: {  	s16 =	sadd.s32 $0x202EE, s7;
	[dreg:$0x7] =	wrdreg s15  }
0x15: {  	s17 =	sadd.s32 $0x205EE, s7;
	[dreg:$0x8] =	wrdreg s16  }
0x16: {  	s18 =	sadd.s32 $0x208EE, s7;
	[dreg:$0x9] =	wrdreg s17  }
0x17: {  	s19 =	sadd.s32 $0x1EE00, s7;
	[dreg:$0xa] =	wrdreg s18  }
0x18: {  	s20 =	sadd.s32 $0x1F100, s7;
	[dreg:$0xb] =	wrdreg s19  }
0x19: {  	s21 =	sadd.s32 $0x1F400, s7;
	[dreg:$0xc] =	wrdreg s20  }
0x1a: {  	s22 =	sadd.s32 $0x1F700, s7;
	[dreg:$0xd] =	wrdreg s21  }
0x1b: {  	s23 =	sadd.s32 $0x1FA00, s7;
	[dreg:$0xe] =	wrdreg s22  }
0x1c: {  	s25 =	sadd.s32 $0x1FD00, s7;
	[dreg:$0xf] =	wrdreg s23  }
0x1d: {  	s26 =	sadd.s32 $0x20000, s7;
	[dreg:$0x10] =	wrdreg s25  }
0x1e: {  	s6 =	sadd.s32 $0x19600, s0;
	s31 =	sadd.s32 $0x20300, s7;
	[dreg:$0x11] =	wrdreg s26  }
0x1f: {  	s24 =	smul.u32 $0x57E4, s5;
	s9 =	sadd.s32 $0x20600, s7;
	[dreg:$0x12] =	wrdreg s31  }
0x20: {  	s5 =	sshll.u32 s5, $0x4;
	[dreg:$0x13] =	wrdreg s9;
	s11 =	sadd.s32 $0x1EE96, s7  }
0x21: {  	s12 =	sadd.s32 s6, s5;
	[dreg:$0x14] =	wrdreg s11  }
0x22: {  	s13 =	sadd.s32 $0x1F196, s7;
	[dreg:$0x15] =	wrdreg s12  }
0x23: {  	s14 =	sadd.s32 $0x1F496, s7;
	[dreg:$0x16] =	wrdreg s13  }
0x24: {  	s15 =	sadd.s32 $0x1F796, s7;
	[dreg:$0x17] =	wrdreg s14  }
0x25: {  	s16 =	sadd.s32 $0x1FA96, s7;
	[dreg:$0x18] =	wrdreg s15  }
0x26: {  	s17 =	sadd.s32 $0x1FD96, s7;
	[dreg:$0x19] =	wrdreg s16  }
0x27: {  	s18 =	sadd.s32 $0x20096, s7;
	[dreg:$0x1a] =	wrdreg s17  }
0x28: {  	s19 =	sadd.s32 $0x20396, s7;
	[dreg:$0x1b] =	wrdreg s18  }
0x29: {  	s20 =	sadd.s32 $0x20696, s7;
	[dreg:$0x1c] =	wrdreg s19  }
0x2a: {  	s21 =	sadd.s32 $0x1EF2C, s7;
	[dreg:$0x1d] =	wrdreg s20  }
0x2b: {  	s22 =	sadd.s32 $0x1F22C, s7;
	[dreg:$0x1e] =	wrdreg s21  }
0x2c: {  	s23 =	sadd.s32 $0x1F52C, s7;
	[dreg:$0x1f] =	wrdreg s22  }
0x2d: {  	s25 =	sadd.s32 $0x1F82C, s7;
	[smem:$0x7E4] =	sst s23  }
0x2e: {  	s26 =	sadd.s32 $0x1FB2C, s7;
	[smem:$0x7E5] =	sst s25  }
0x2f: {  	s4 =	sadd.s32 $0x16A00, s0;
	s31 =	sadd.s32 $0x1FE2C, s7;
	[smem:$0x7E6] =	sst s26  }
0x30: {  	s8 =	ssub.s32 $0x2, s1;
	s5 =	sadd.s32 $0x2012C, s7;
	[smem:$0x7E7] =	sst s31  }
0x31: {  	s3 =	sadd.s32 $0xA00, s0;
	s6 =	sadd.s32 $0x2042C, s7;
	[smem:$0x7E8] =	sst s5  }
0x32: {  	s10 =	sshrl.u32 s8, $0x1;
	s9 =	sadd.s32 $0x1EFC2, s7;
	[smem:$0x7E9] =	sst s6  }
0x33: {  	s0 =	ssub.s32 s8, s10;
	s8 =	sadd.s32 $0x2072C, s7;
	[smem:$0x7EB] =	sst s9  }
0x34: {  	s10 =	sadd.s32 $0x1F2C2, s7;
	[smem:$0x7EA] =	sst s8  }
0x35: {  	s11 =	sadd.s32 $0x1F5C2, s7;
	[smem:$0x7EC] =	sst s10  }
0x36: {  	s12 =	sadd.s32 $0x1F8C2, s7;
	[smem:$0x7ED] =	sst s11  }
0x37: {  	s13 =	sadd.s32 $0x1FBC2, s7;
	[smem:$0x7EE] =	sst s12  }
0x38: {  	s14 =	sadd.s32 $0x1FEC2, s7;
	[smem:$0x7EF] =	sst s13  }
0x39: {  	s15 =	sadd.s32 $0x201C2, s7;
	[smem:$0x7F0] =	sst s14  }
0x3a: {  	s16 =	sadd.s32 $0x204C2, s7;
	[smem:$0x7F1] =	sst s15  }
0x3b: {  	s17 =	sadd.s32 $0x207C2, s7;
	[smem:$0x7F2] =	sst s16  }
0x3c: {  	s18 =	sadd.s32 $0x1F058, s7;
	[smem:$0x7F3] =	sst s17  }
0x3d: {  	s28 =	simm.s32 $0x1C300;
	s19 =	sadd.s32 $0x1F358, s7;
	[smem:$0x7F4] =	sst s18  }
0x3e: {  	s29 =	simm.s32 $0x1;
	s20 =	sadd.s32 $0x1F658, s7;
	[smem:$0x7F5] =	sst s19  }
0x3f: {  	s30 =	simm.s32 $0x0;
	s21 =	sadd.s32 $0x1F958, s7;
	[smem:$0x7F6] =	sst s20  }
0x40: {  	v1 =	vmov s24;
	s24 =	simm.s32 $0x1B400;
	s22 =	sadd.s32 $0x1FC58, s7;
	[smem:$0x7F7] =	sst s21  }
0x41: {  	s23 =	sadd.s32 $0x1FF58, s7;
	s25 =	sadd.s32 $0x20258, s7;
	[smem:$0x7F8] =	sst s22  }
0x42: {  	s26 =	sadd.s32 $0x20558, s7;
	s31 =	sadd.s32 $0x20858, s7;
	[smem:$0x7F9] =	sst s23  }
0x43: {  	s5 =	simm.s32 $0x2;
	s6 =	simm.s32 $0x16000;
	[smem:$0x7FA] =	sst s25  }
0x44: {  	s7 =	simm.s32 $0x5800;
	s9 =	simm.s32 $0xB000;
	[smem:$0x7FB] =	sst s26  }
0x45: {  	[smem:$0x7FC] =	sst s31;
	s0 =	smax.u32 s0, $0x1;
	s8 =	simm.s32 $0x10800  }
0x46: {  	s10 =	simm.s32 $0x1C800;
	s11 =	simm.s32 $0x1CD00;
	s12 =	simm.s32 $0x1D200  }
0x47: {  	s13 =	simm.s32 $0x1D700;
	s14 =	simm.s32 $0x1DC00;
	s15 =	simm.s32 $0x1E100  }
0x48: {  	s16 =	simm.s32 $0x1E600;
	s17 =	simm.s32 $0x1EB00;
	s18 =	simm.s32 $0x1F000  }
0x49: {  	v0 =	vlaneseq.u32;
	v2 =	vimm.s32 $0x0;
	v5 =	vimm.f32 $-1.000000000e+10;
	s19 =	simm.s32 $0x4B0;
	s22 =	simm.s32 $0x1AA00;
	s23 =	simm.s32 $0x1AF00  }
0x4a: {  	v6 =	vimm.f32 $0.0e+00;
	v3 =	vmul.u32 $0x57F, v0;
	v4 =	vor.u32 $0x3FF0, v0;
	s25 =	simm.s32 $0x1B900;
	s26 =	simm.s32 $0x1BE00;
	[smem:$0x7FD] =	sst s0  }
.LBB2_2:
0x4b: {  	s0 =	simm.s32 $0x0  }
0x4c: {  	s1 =	rddreg [dreg:$0x15];
	s20 =	simm.s32 $0x80;
	s21 =	simm.s32 $0x400  }
0x4d: {  	[tilespmem:s0], [sflag:$0x2] =	stream.strided.gather [hbm4b:s1+s20], $0x5800, s21, s20, $0x38;
	[tilespmem:$0x1F500] =	vst v63  }
0x4e: {  	_ =	swait.ge [sflag:s5], $0x5800  }
0x4f: {  	[sflag:s5] =	ssyncset.done $0x0  }
0x50: {  	s1 =	simm.s32 $0x40;
	s20 =	simm.s32 $0x0;
	[sflag:s5] =	ssyncadd.s32 $0xFFFFA800  }
.LBB2_3:
0x51: {  	p0 =	sne.s32 s1, $0xFFC0;
	[tilespmem:s20+$0x16000] =	vst v2;
	s20 =	smov.u32 s1;
	s1 =	sadd.s32 $0x40, s1  }
.Ltmp1:
0x52: {  	(pc) =	sbr.rel @p0 .LBB2_3-.Ltmp1, $2  }
0x53: {  	_ =	sdelay $0x2  }
0x54: {  	s20 =	sshra.s32 s20, $0x2  }
0x55: {  	v7 =	vadd.s32 s0, v3;
	_ =	sdelay $0x3  }
0x56: {  	[tilespmem:s20+$0x16000] =	vst v2;
	s0 =	simm.s32 $0x0  }
0x57: {  	v7 =	vld.idx.msk [tilespmem:v7+s0+$0x0], $0xffff;
	_ =	sdelay $0x4  }
0x58: {  	v8 =	vmul.u32 $0x3FF0, v7;
	_ =	sdelay $0x1  }
0x59: {  	v8 =	vand.u32 $0x3FF0, v8  }
0x5a: {  	vm0 =	vlt.s32 v7, $0x0;
	v7 =	vor.u32 v0, v8  }
0x5b: {  	v7 =	vsel vm0, v4, v7;
	_ =	sdelay $0x4  }
0x5c: {  	v9 =	vld.idx.msk [tilespmem:v7+s6+$0x0], $0xffff  }
0x5d: {  	s1 =	simm.s32 $0x1  }
0x5e: {  	v8 =	vadd.s32 s1, v3;
	s1 =	simm.s32 $0x2  }
.LBB2_5:
0x5f: {  	p0 =	sne.s32 s1, $0x57E;
	_ =	sdelay $0x1  }
0x60: {  	v9 =	vadd.s32 $0x1, v9  }
0x61: {  	[tilespmem:v7+s6+$0x0] =	vst.idx.msk $0xffff, v9  }
0x62: {  	v7 =	vld.idx.msk [tilespmem:v8+s0+$0x0], $0xffff;
	_ =	sdelay $0x5  }
0x63: {  	v8 =	vmul.u32 $0x3FF0, v7;
	_ =	sdelay $0x1  }
0x64: {  	v8 =	vand.u32 $0x3FF0, v8  }
0x65: {  	vm0 =	vlt.s32 v7, $0x0;
	v7 =	vor.u32 v0, v8  }
0x66: {  	v7 =	vsel vm0, v4, v7;
	_ =	sdelay $0x3  }
.Ltmp2:
0x67: {  	(pc) =	sbr.rel @p0 .LBB2_5-.Ltmp2, $2  }
0x68: {  	v9 =	vld.idx.msk [tilespmem:v7+s6+$0x0], $0xffff;
	_ =	sdelay $0x2  }
0x69: {  	v8 =	vadd.s32 s1, v3;
	s1 =	sadd.s32 $0x1, s1  }
0x6a: {  	_ =	sdelay $0x2  }
0x6b: {  	v9 =	vadd.s32 $0x1, v9  }
0x6c: {  	s31 =	simm.s32 $0x0;
	[tilespmem:v7+s6+$0x0] =	vst.idx.msk $0xffff, v9  }
0x6d: {  	v7 =	vld.idx.msk [tilespmem:v8+s31+$0x0], $0xffff;
	_ =	sdelay $0x4  }
0x6e: {  	v8 =	vmul.u32 $0x3FF0, v7;
	_ =	sdelay $0x1  }
0x6f: {  	v8 =	vand.u32 $0x3FF0, v8  }
0x70: {  	vm0 =	vlt.s32 v7, $0x0;
	v7 =	vor.u32 v0, v8  }
0x71: {  	v7 =	vsel vm0, v4, v7;
	_ =	sdelay $0x4  }
0x72: {  	v8 =	vld.idx.msk [tilespmem:v7+s6+$0x0], $0xffff  }
0x73: {  	p1 =	por $0x1, $0x1  }
.Ltmp3:
0x74: {  	_ = 	snop;
	(pc) =	sbr.rel @!p1 .LBB2_7-.Ltmp3, $3  }
0x75: {  	_ =	sdelay $0x1  }
0x76: {  	v8 =	vadd.s32 $0x1, v8  }
0x77: {  	s21 =	simm.s32 $0x0;
	p0 =	por $0x0, $0x0;
	[tilespmem:v7+s6+$0x0] =	vst.idx.msk $0xffff, v8  }
0x78: {  	v7 =	vld [tilespmem:s21+$0x16000];
	_ =	sdelay $0x4  }
0x79: {  	(xrf0) =	vadd.scan.msk.s32 $0xffff, v7;
	_ =	sdelay $0x4  }
0x7a: {  	p2 =	por $0x1, $0x1  }
.Ltmp4:
0x7b: {  	v8, _, _ =	vpop (xrf0);
	(pc) =	sbr.rel @!p2 .LBB2_9-.Ltmp4, $4  }
0x7c: {  	(v2sf) =	vpush v8, $0xF  }
0x7d: {  	v7 =	vsub.s32 s31, v7  }
0x7e: {  	s1 =	simm.s32 $0x10;
	v7 =	vadd.s32 v8, v7  }
0x7f: {  	s20 =	simm.s32 $0x80;
	p1 =	por $0x1, $0x1;
	s0 =	simm.s32 $0x0;
	[tilespmem:s21+$0x16000] =	vst v7  }
.LBB2_10:
0x80: {  	p2 =	sne.s32 s20, $0xFFC0;
	v7 =	vld [tilespmem:s1+$0x16000];
	_ =	sdelay $0x4  }
0x81: {  	(xrf0) =	vadd.scan.msk.s32 $0xffff, v7;
	_ =	sdelay $0x5  }
.Ltmp5:
0x82: {  	v8, _, _ =	vpop (xrf0);
	s21 =	spop (v2sf);
	(pc) =	sbr.rel @p2 .LBB2_10-.Ltmp5, $4  }
0x83: {  	(v2sf) =	vpush v8, $0xF;
	s0 =	sadd.s32 s0, s21  }
0x84: {  	v7 =	vsub.s32 s0, v7  }
0x85: {  	v7 =	vadd.s32 v8, v7  }
0x86: {  	[tilespmem:s1+$0x16000] =	vst v7;
	s1 =	sshra.s32 s20, $0x2;
	s20 =	sadd.s32 $0x40, s20  }
0x87: {  	s21 =	smov.u32 s1  }
.LBB2_12:
0x88: {  	v8 =	vld [tilespmem:s21+$0x16000];
	_ =	sdelay $0x4  }
0x89: {  	(xrf0) =	vadd.scan.msk.s32 $0xffff, v8;
	_ =	sdelay $0x5  }
0x8a: {  	v9, _, _ =	vpop (xrf0)  }
0x8b: {  	(v2sf) =	vpush v9, $0xF;
	_ =	sdelay $0x7  }
0x8c: {  	s1 =	spop @p1 (v2sf)  }
0x8d: {  	s0 =	sadd.s32 @p1 s0, s1  }
0x8e: {  	v7 =	vadd.s32 s31, v3;
	s31 =	smov.u32 @p1 s0;
	p1 =	por $0x1, $0x1  }
.Ltmp6:
0x8f: {  	_ = 	snop;
	(pc) =	sbr.rel @!p1 .LBB2_13-.Ltmp6, $4  }
0x90: {  	_ = 	snop  }
0x91: {  	v8 =	vsub.s32 s31, v8  }
0x92: {  	v8 =	vadd.s32 v9, v8  }
0x93: {  	s0 =	simm.s32 $0x1;
	[tilespmem:s21+$0x16000] =	vst v8;
	s31 =	spop (v2sf)  }
0x94: {  	_ =	sdelay $0x2  }
0x95: {  	s31 =	simm.s32 $0x0  }
0x96: {  	v8 =	vld.idx.msk [tilespmem:v7+s31+$0x0], $0xffff;
	_ =	sdelay $0x4  }
0x97: {  	v9 =	vsub.s32 $0x3F800000, v8;
	vm0 =	vlt.s32 v8, $0x0  }
0x98: {  	v8 =	vsel vm0, $0x7FFFFFFF, v9  }
0x99: {  	v9 =	vshll.u32 v8, $0x4  }
0x9a: {  	v9 =	vor.u32 v0, v9  }
0x9b: {  	v9 =	vand.u32 $0x3FFF, v9;
	_ =	sdelay $0x4  }
0x9c: {  	v10 =	vld.idx.msk [tilespmem:v9+s6+$0x0], $0xffff  }
0x9d: {  	p1 =	por $0x1, $0x1  }
.Ltmp7:
0x9e: {  	_ = 	snop;
	(pc) =	sbr.rel @!p1 .LBB2_15-.Ltmp7, $2  }
0x9f: {  	_ =	sdelay $0x2  }
0xa0: {  	v11 =	vadd.s32 s0, v3;
	s0 =	simm.s32 $0x2;
	p0 =	por $0x1, $0x1;
	v12 =	vadd.s32 $0x1, v10  }
.LBB2_16:
0xa1: {  	p1 =	sne.s32 s0, $0x57E;
	[tilespmem:v9+s6+$0x0] =	vst.idx.msk $0xffff, v12  }
0xa2: {  	[tilespmem:v10+s7+$0x0] =	vst.idx.msk $0xffff, v8  }
0xa3: {  	[tilespmem:v10+s8+$0x0] =	vst.idx.msk $0xffff, v7;
	v7 =	vmov v11  }
0xa4: {  	v8 =	vld.idx.msk [tilespmem:v11+s31+$0x0], $0xffff;
	_ =	sdelay $0x5  }
0xa5: {  	v9 =	vsub.s32 $0x3F800000, v8;
	vm0 =	vlt.s32 v8, $0x0  }
0xa6: {  	v8 =	vsel vm0, $0x7FFFFFFF, v9  }
0xa7: {  	v9 =	vshll.u32 v8, $0x4  }
0xa8: {  	v9 =	vor.u32 v0, v9  }
0xa9: {  	v9 =	vand.u32 $0x3FFF, v9;
	_ =	sdelay $0x4  }
0xaa: {  	v10 =	vld.idx.msk [tilespmem:v9+s6+$0x0], $0xffff;
	_ =	sdelay $0x1  }
.Ltmp8:
0xab: {  	(pc) =	sbr.rel @p1 .LBB2_16-.Ltmp8, $3  }
0xac: {  	_ =	sdelay $0x1  }
0xad: {  	v11 =	vadd.s32 s0, v3  }
0xae: {  	s0 =	sadd.s32 $0x1, s0;
	v12 =	vadd.s32 $0x1, v10  }
0xaf: {  	v13 =	vmov v7;
	v7 =	vmov v11  }
.LBB2_18:
0xb0: {  	_ =	sdelay $0x3  }
0xb1: {  	[tilespmem:v9+s6+$0x0] =	vst.idx.msk @p0 $0xffff, v12  }
0xb2: {  	[tilespmem:v10+s7+$0x0] =	vst.idx.msk @p0 $0xffff, v8  }
0xb3: {  	s0 =	simm.s32 $0x0;
	[tilespmem:v10+s8+$0x0] =	vst.idx.msk @p0 $0xffff, v13  }
0xb4: {  	v8 =	vld.idx.msk [tilespmem:v7+s0+$0x0], $0xffff;
	_ =	sdelay $0x4  }
0xb5: {  	v63 =	vsub.s32 $0x3F800000, v8;
	vm0 =	vlt.s32 v8, $0x0  }
0xb6: {  	v8 =	vsel vm0, $0x7FFFFFFF, v63  }
0xb7: {  	v9 =	vshll.u32 v8, $0x4  }
0xb8: {  	v9 =	vor.u32 v0, v9  }
0xb9: {  	v9 =	vand.u32 $0x3FFF, v9;
	_ =	sdelay $0x4  }
0xba: {  	v10 =	vld.idx.msk [tilespmem:v9+s6+$0x0], $0xffff;
	_ =	sdelay $0x3  }
0xbb: {  	p0 =	por $0x1, $0x1  }
.Ltmp9:
0xbc: {  	_ = 	snop;
	(pc) =	sbr.rel @!p0 .LBB2_20-.Ltmp9, $4  }
0xbd: {  	v11 =	vadd.s32 $0x1, v10  }
0xbe: {  	[tilespmem:v9+s6+$0x0] =	vst.idx.msk $0xffff, v11  }
0xbf: {  	[tilespmem:v10+s7+$0x0] =	vst.idx.msk $0xffff, v8  }
0xc0: {  	s1 =	simm.s32 $0x40;
	s20 =	simm.s32 $0x0;
	[tilespmem:v10+s8+$0x0] =	vst.idx.msk $0xffff, v7  }
.LBB2_19:
0xc1: {  	p0 =	sne.s32 s1, $0xFFC0;
	[tilespmem:s20+$0x16000] =	vst v2;
	s20 =	smov.u32 s1;
	s1 =	sadd.s32 $0x40, s1  }
.Ltmp10:
0xc2: {  	(pc) =	sbr.rel @p0 .LBB2_19-.Ltmp10, $2  }
0xc3: {  	_ =	sdelay $0x2  }
0xc4: {  	s20 =	sshra.s32 s20, $0x2  }
.LBB2_20:
0xc5: {  	p1 =	por $0x1, $0x1  }
.Ltmp11:
0xc6: {  	_ = 	snop;
	(pc) =	sbr.rel @!p1 .LBB2_21-.Ltmp11, $2  }
0xc7: {  	_ =	sdelay $0x2  }
0xc8: {  	[tilespmem:s20+$0x16000] =	vst v2;
	v8 =	vadd.s32 s0, v3;
	s0 =	simm.s32 $0x1;
	p0 =	por $0x0, $0x0  }
0xc9: {  	_ =	sdelay $0x3  }
0xca: {  	v7 =	vld.idx.msk [tilespmem:v8+s7+$0x0], $0xffff;
	_ =	sdelay $0x4  }
0xcb: {  	v7 =	vshrl.u32 v7, $0x6  }
0xcc: {  	v7 =	vand.u32 $0x3FF0, v7  }
0xcd: {  	v7 =	vor.u32 v0, v7;
	_ =	sdelay $0x1  }
0xce: {  	p1 =	por $0x1, $0x1  }
.Ltmp12:
0xcf: {  	_ = 	snop;
	(pc) =	sbr.rel @!p1 .LBB2_24-.Ltmp12, $3  }
0xd0: {  	_ = 	snop  }
0xd1: {  	v9 =	vld.idx.msk [tilespmem:v7+s6+$0x0], $0xffff;
	_ =	sdelay $0x1  }
0xd2: {  	v8 =	vadd.s32 s0, v3;
	s0 =	simm.s32 $0x2;
	p0 =	por $0x1, $0x1  }
.LBB2_23:
0xd3: {  	p1 =	sne.s32 s0, $0x57E;
	_ =	sdelay $0x1  }
0xd4: {  	v9 =	vadd.s32 $0x1, v9  }
0xd5: {  	[tilespmem:v7+s6+$0x0] =	vst.idx.msk $0xffff, v9  }
0xd6: {  	v7 =	vld.idx.msk [tilespmem:v8+s7+$0x0], $0xffff;
	_ =	sdelay $0x5  }
0xd7: {  	v7 =	vshrl.u32 v7, $0x6  }
0xd8: {  	v7 =	vand.u32 $0x3FF0, v7  }
0xd9: {  	v7 =	vor.u32 v0, v7;
	_ =	sdelay $0x3  }
.Ltmp13:
0xda: {  	(pc) =	sbr.rel @p1 .LBB2_23-.Ltmp13, $2  }
0xdb: {  	v9 =	vld.idx.msk [tilespmem:v7+s6+$0x0], $0xffff;
	_ =	sdelay $0x2  }
0xdc: {  	v8 =	vadd.s32 s0, v3;
	s0 =	sadd.s32 $0x1, s0  }
.LBB2_24:
0xdd: {  	_ =	sdelay $0x2  }
0xde: {  	v9 =	vadd.s32 @p0 $0x1, v9  }
0xdf: {  	[tilespmem:v7+s6+$0x0] =	vst.idx.msk @p0 $0xffff, v9  }
0xe0: {  	v7 =	vld.idx.msk [tilespmem:v8+s7+$0x0], $0xffff;
	_ =	sdelay $0x4  }
0xe1: {  	v7 =	vshrl.u32 v7, $0x6  }
0xe2: {  	v7 =	vand.u32 $0x3FF0, v7  }
0xe3: {  	v7 =	vor.u32 v0, v7;
	_ =	sdelay $0x4  }
0xe4: {  	v8 =	vld.idx.msk [tilespmem:v7+s6+$0x0], $0xffff;
	_ =	sdelay $0x4  }
0xe5: {  	v8 =	vadd.s32 $0x1, v8  }
0xe6: {  	s1 =	simm.s32 $0x0;
	[tilespmem:v7+s6+$0x0] =	vst.idx.msk $0xffff, v8  }
0xe7: {  	v7 =	vld [tilespmem:s1+$0x16000];
	_ =	sdelay $0x4  }
0xe8: {  	(xrf0) =	vadd.scan.msk.s32 $0xffff, v7;
	_ =	sdelay $0x5  }
0xe9: {  	v8, _, _ =	vpop (xrf0)  }
0xea: {  	s0 =	simm.s32 $0x0;
	(v2sf) =	vpush v8, $0xF  }
0xeb: {  	v7 =	vsub.s32 s0, v7  }
0xec: {  	v7 =	vadd.s32 v8, v7  }
0xed: {  	s31 =	simm.s32 $0x10;
	s20 =	simm.s32 $0x80;
	[tilespmem:s1+$0x16000] =	vst v7;
	s1 =	simm.s32 $0x0  }
.LBB2_25:
0xee: {  	p0 =	sne.s32 s20, $0xFFC0;
	v7 =	vld [tilespmem:s31+$0x16000];
	_ =	sdelay $0x4  }
0xef: {  	(xrf0) =	vadd.scan.msk.s32 $0xffff, v7;
	_ =	sdelay $0x5  }
.Ltmp14:
0xf0: {  	v8, _, _ =	vpop (xrf0);
	s21 =	spop (v2sf);
	(pc) =	sbr.rel @p0 .LBB2_25-.Ltmp14, $4  }
0xf1: {  	(v2sf) =	vpush v8, $0xF;
	s1 =	sadd.s32 s1, s21  }
0xf2: {  	v7 =	vsub.s32 s1, v7  }
0xf3: {  	v7 =	vadd.s32 v8, v7  }
0xf4: {  	[tilespmem:s31+$0x16000] =	vst v7;
	s31 =	sshra.s32 s20, $0x2;
	s20 =	sadd.s32 $0x40, s20  }
0xf5: {  	_ =	sdelay $0x1  }
0xf6: {  	v7 =	vld [tilespmem:s31+$0x16000];
	_ =	sdelay $0x4  }
0xf7: {  	(xrf0) =	vadd.scan.msk.s32 $0xffff, v7;
	_ =	sdelay $0x3  }
0xf8: {  	v8 =	vadd.s32 s0, v3;
	s20 =	spop (v2sf)  }
0xf9: {  	s20 =	sadd.s32 s1, s20  }
0xfa: {  	v9, _, _ =	vpop (xrf0);
	v7 =	vsub.s32 s20, v7  }
0xfb: {  	v7 =	vadd.s32 v9, v7  }
0xfc: {  	[tilespmem:s31+$0x16000] =	vst v7  }
0xfd: {  	v7 =	vld.idx.msk [tilespmem:v8+s7+$0x0], $0xffff;
	_ =	sdelay $0x2  }
0xfe: {  	(v2sf) =	vpush v9, $0xF;
	_ =	sdelay $0x1  }
0xff: {  	v9 =	vshrl.u32 v7, $0x6  }
0x100: {  	v9 =	vand.u32 $0x3FF0, v9  }
0x101: {  	v9 =	vor.u32 v0, v9;
	_ =	sdelay $0x4  }
0x102: {  	v10 =	vld.idx.msk [tilespmem:v9+s6+$0x0], $0xffff;
	_ =	sdelay $0x3  }
0x103: {  	s21 =	simm.s32 $0x1;
	v8 =	vld.idx.msk [tilespmem:v8+s8+$0x0], $0xffff  }
0x104: {  	v11 =	vadd.s32 s21, v3  }
0x105: {  	s0 =	simm.s32 $0x2;
	s31 =	spop (v2sf);
	v12 =	vadd.s32 $0x1, v10  }
.LBB2_27:
0x106: {  	p0 =	sne.s32 s0, $0x57E;
	[tilespmem:v9+s6+$0x0] =	vst.idx.msk $0xffff, v12;
	s31 =	simm.s32 $0x0  }
0x107: {  	[tilespmem:v10+s31+$0x0] =	vst.idx.msk $0xffff, v7  }
0x108: {  	[tilespmem:v10+s9+$0x0] =	vst.idx.msk $0xffff, v8  }
0x109: {  	v7 =	vld.idx.msk [tilespmem:v11+s7+$0x0], $0xffff  }
0x10a: {  	v8 =	vld.idx.msk [tilespmem:v11+s8+$0x0], $0xffff;
	_ =	sdelay $0x4  }
0x10b: {  	v9 =	vshrl.u32 v7, $0x6  }
0x10c: {  	v9 =	vand.u32 $0x3FF0, v9  }
0x10d: {  	v9 =	vor.u32 v0, v9;
	_ =	sdelay $0x4  }
0x10e: {  	v10 =	vld.idx.msk [tilespmem:v9+s6+$0x0], $0xffff;
	_ =	sdelay $0x1  }
.Ltmp15:
0x10f: {  	(pc) =	sbr.rel @p0 .LBB2_27-.Ltmp15, $3  }
0x110: {  	_ =	sdelay $0x1  }
0x111: {  	v11 =	vadd.s32 s0, v3  }
0x112: {  	s0 =	sadd.s32 $0x1, s0;
	v12 =	vadd.s32 $0x1, v10  }
0x113: {  	_ =	sdelay $0x3  }
0x114: {  	[tilespmem:v9+s6+$0x0] =	vst.idx.msk $0xffff, v12  }
0x115: {  	[tilespmem:v10+s31+$0x0] =	vst.idx.msk $0xffff, v7  }
0x116: {  	[tilespmem:v10+s9+$0x0] =	vst.idx.msk $0xffff, v8  }
0x117: {  	v7 =	vld.idx.msk [tilespmem:v11+s7+$0x0], $0xffff;
	_ =	sdelay $0x4  }
0x118: {  	v8 =	vshrl.u32 v7, $0x6  }
0x119: {  	v8 =	vand.u32 $0x3FF0, v8  }
0x11a: {  	v8 =	vor.u32 v0, v8;
	_ =	sdelay $0x4  }
0x11b: {  	v9 =	vld.idx.msk [tilespmem:v8+s6+$0x0], $0xffff;
	_ =	sdelay $0x3  }
0x11c: {  	v10 =	vld.idx.msk [tilespmem:v11+s8+$0x0], $0xffff;
	_ =	sdelay $0x1  }
0x11d: {  	v63 =	vadd.s32 $0x1, v9  }
0x11e: {  	[tilespmem:v8+s6+$0x0] =	vst.idx.msk $0xffff, v63  }
0x11f: {  	[tilespmem:v9+s31+$0x0] =	vst.idx.msk $0xffff, v7  }
0x120: {  	s0 =	simm.s32 $0x40;
	s1 =	simm.s32 $0x0;
	[tilespmem:v9+s9+$0x0] =	vst.idx.msk $0xffff, v10  }
.LBB2_29:
0x121: {  	p0 =	sne.s32 s0, $0xFFC0;
	[tilespmem:s1+$0x16000] =	vst v2;
	s1 =	smov.u32 s0;
	s0 =	sadd.s32 $0x40, s0  }
.Ltmp16:
0x122: {  	(pc) =	sbr.rel @p0 .LBB2_29-.Ltmp16, $2  }
0x123: {  	_ =	sdelay $0x2  }
0x124: {  	s1 =	sshra.s32 s1, $0x2  }
0x125: {  	v7 =	vadd.s32 s31, v3;
	_ =	sdelay $0x3  }
0x126: {  	[tilespmem:s1+$0x16000] =	vst v2;
	s0 =	simm.s32 $0x0  }
0x127: {  	v7 =	vld.idx.msk [tilespmem:v7+s0+$0x0], $0xffff;
	_ =	sdelay $0x4  }
0x128: {  	v7 =	vshrl.u32 v7, $0x10  }
0x129: {  	v7 =	vand.u32 $0x3FF0, v7  }
0x12a: {  	v7 =	vor.u32 v0, v7;
	_ =	sdelay $0x4  }
0x12b: {  	v9 =	vld.idx.msk [tilespmem:v7+s6+$0x0], $0xffff  }
0x12c: {  	s31 =	simm.s32 $0x1  }
0x12d: {  	s1 =	simm.s32 $0x2;
	v8 =	vadd.s32 s31, v3  }
.LBB2_31:
0x12e: {  	p0 =	sne.s32 s1, $0x57E;
	_ =	sdelay $0x1  }
0x12f: {  	v9 =	vadd.s32 $0x1, v9  }
0x130: {  	[tilespmem:v7+s6+$0x0] =	vst.idx.msk $0xffff, v9  }
0x131: {  	v7 =	vld.idx.msk [tilespmem:v8+s0+$0x0], $0xffff;
	_ =	sdelay $0x5  }
0x132: {  	v7 =	vshrl.u32 v7, $0x10  }
0x133: {  	v7 =	vand.u32 $0x3FF0, v7  }
0x134: {  	v7 =	vor.u32 v0, v7;
	_ =	sdelay $0x3  }
.Ltmp17:
0x135: {  	(pc) =	sbr.rel @p0 .LBB2_31-.Ltmp17, $2  }
0x136: {  	v9 =	vld.idx.msk [tilespmem:v7+s6+$0x0], $0xffff;
	_ =	sdelay $0x2  }
0x137: {  	v8 =	vadd.s32 s1, v3;
	s1 =	sadd.s32 $0x1, s1  }
0x138: {  	_ =	sdelay $0x2  }
0x139: {  	v9 =	vadd.s32 $0x1, v9  }
0x13a: {  	s31 =	simm.s32 $0x0;
	[tilespmem:v7+s6+$0x0] =	vst.idx.msk $0xffff, v9  }
0x13b: {  	v7 =	vld.idx.msk [tilespmem:v8+s31+$0x0], $0xffff;
	_ =	sdelay $0x4  }
0x13c: {  	v7 =	vshrl.u32 v7, $0x10  }
0x13d: {  	v7 =	vand.u32 $0x3FF0, v7  }
0x13e: {  	v7 =	vor.u32 v0, v7;
	_ =	sdelay $0x4  }
0x13f: {  	v8 =	vld.idx.msk [tilespmem:v7+s6+$0x0], $0xffff  }
0x140: {  	p1 =	por $0x1, $0x1  }
.Ltmp18:
0x141: {  	_ = 	snop;
	(pc) =	sbr.rel @!p1 .LBB2_33-.Ltmp18, $3  }
0x142: {  	_ =	sdelay $0x1  }
0x143: {  	v8 =	vadd.s32 $0x1, v8  }
0x144: {  	s21 =	simm.s32 $0x0;
	p0 =	por $0x0, $0x0;
	[tilespmem:v7+s6+$0x0] =	vst.idx.msk $0xffff, v8  }
0x145: {  	v7 =	vld [tilespmem:s21+$0x16000];
	_ =	sdelay $0x4  }
0x146: {  	(xrf0) =	vadd.scan.msk.s32 $0xffff, v7;
	_ =	sdelay $0x4  }
0x147: {  	p2 =	por $0x1, $0x1  }
.Ltmp19:
0x148: {  	v8, _, _ =	vpop (xrf0);
	(pc) =	sbr.rel @!p2 .LBB2_35-.Ltmp19, $4  }
0x149: {  	(v2sf) =	vpush v8, $0xF  }
0x14a: {  	v7 =	vsub.s32 s31, v7  }
0x14b: {  	s1 =	simm.s32 $0x10;
	v7 =	vadd.s32 v8, v7  }
0x14c: {  	s20 =	simm.s32 $0x80;
	p1 =	por $0x1, $0x1;
	s0 =	simm.s32 $0x0;
	[tilespmem:s21+$0x16000] =	vst v7  }
.LBB2_36:
0x14d: {  	p2 =	sne.s32 s20, $0xFFC0;
	v7 =	vld [tilespmem:s1+$0x16000];
	_ =	sdelay $0x4  }
0x14e: {  	(xrf0) =	vadd.scan.msk.s32 $0xffff, v7;
	_ =	sdelay $0x5  }
.Ltmp20:
0x14f: {  	v8, _, _ =	vpop (xrf0);
	s21 =	spop (v2sf);
	(pc) =	sbr.rel @p2 .LBB2_36-.Ltmp20, $4  }
0x150: {  	(v2sf) =	vpush v8, $0xF;
	s0 =	sadd.s32 s0, s21  }
0x151: {  	v7 =	vsub.s32 s0, v7  }
0x152: {  	v7 =	vadd.s32 v8, v7  }
0x153: {  	[tilespmem:s1+$0x16000] =	vst v7;
	s1 =	sshra.s32 s20, $0x2;
	s20 =	sadd.s32 $0x40, s20  }
0x154: {  	s21 =	smov.u32 s1  }
.LBB2_38:
0x155: {  	v8 =	vld [tilespmem:s21+$0x16000];
	_ =	sdelay $0x4  }
0x156: {  	(xrf0) =	vadd.scan.msk.s32 $0xffff, v8;
	_ =	sdelay $0x5  }
0x157: {  	v9, _, _ =	vpop (xrf0)  }
0x158: {  	(v2sf) =	vpush v9, $0xF;
	_ =	sdelay $0x7  }
0x159: {  	s1 =	spop @p1 (v2sf)  }
0x15a: {  	s0 =	sadd.s32 @p1 s0, s1  }
0x15b: {  	v7 =	vadd.s32 s31, v3;
	s31 =	smov.u32 @p1 s0;
	p1 =	por $0x1, $0x1  }
.Ltmp21:
0x15c: {  	_ = 	snop;
	(pc) =	sbr.rel @!p1 .LBB2_39-.Ltmp21, $4  }
0x15d: {  	_ = 	snop  }
0x15e: {  	v8 =	vsub.s32 s31, v8  }
0x15f: {  	v8 =	vadd.s32 v9, v8  }
0x160: {  	s0 =	simm.s32 $0x1;
	[tilespmem:s21+$0x16000] =	vst v8;
	s31 =	spop (v2sf)  }
0x161: {  	_ =	sdelay $0x3  }
0x162: {  	v8 =	vld.idx.msk [tilespmem:v7+s2+$0x0], $0xffff;
	_ =	sdelay $0x4  }
0x163: {  	v9 =	vshrl.u32 v8, $0x10  }
0x164: {  	v9 =	vand.u32 $0x3FF0, v9  }
0x165: {  	v10 =	vor.u32 v0, v9;
	_ =	sdelay $0x4  }
0x166: {  	v11 =	vld.idx.msk [tilespmem:v10+s6+$0x0], $0xffff  }
0x167: {  	p1 =	por $0x1, $0x1  }
.Ltmp22:
0x168: {  	_ = 	snop;
	(pc) =	sbr.rel @!p1 .LBB2_42-.Ltmp22, $4  }
0x169: {  	_ = 	snop  }
0x16a: {  	v9 =	vld.idx.msk [tilespmem:v7+s9+$0x0], $0xffff  }
0x16b: {  	p0 =	por $0x1, $0x1;
	v7 =	vadd.s32 s0, v3  }
0x16c: {  	s20 =	simm.s32 $0x1A000;
	s21 =	simm.s32 $0x1A500;
	s0 =	simm.s32 $0x2;
	v12 =	vadd.s32 $0x1, v11  }
.LBB2_41:
0x16d: {  	p1 =	sne.s32 s0, $0x57E;
	[tilespmem:v10+s6+$0x0] =	vst.idx.msk $0xffff, v12  }
0x16e: {  	[tilespmem:v11+s7+$0x0] =	vst.idx.msk $0xffff, v8  }
0x16f: {  	[tilespmem:v11+s8+$0x0] =	vst.idx.msk $0xffff, v9  }
0x170: {  	v8 =	vld.idx.msk [tilespmem:v7+s2+$0x0], $0xffff  }
0x171: {  	v9 =	vld.idx.msk [tilespmem:v7+s9+$0x0], $0xffff;
	_ =	sdelay $0x4  }
0x172: {  	v7 =	vshrl.u32 v8, $0x10  }
0x173: {  	v7 =	vand.u32 $0x3FF0, v7  }
0x174: {  	v10 =	vor.u32 v0, v7;
	_ =	sdelay $0x4  }
0x175: {  	v11 =	vld.idx.msk [tilespmem:v10+s6+$0x0], $0xffff;
	_ =	sdelay $0x1  }
.Ltmp23:
0x176: {  	(pc) =	sbr.rel @p1 .LBB2_41-.Ltmp23, $3  }
0x177: {  	_ =	sdelay $0x1  }
0x178: {  	v7 =	vadd.s32 s0, v3  }
0x179: {  	s0 =	sadd.s32 $0x1, s0;
	v12 =	vadd.s32 $0x1, v11  }
.LBB2_42:
0x17a: {  	_ =	sdelay $0x3  }
0x17b: {  	[tilespmem:v10+s6+$0x0] =	vst.idx.msk @p0 $0xffff, v12  }
0x17c: {  	[tilespmem:v11+s7+$0x0] =	vst.idx.msk @p0 $0xffff, v8  }
0x17d: {  	[tilespmem:v11+s8+$0x0] =	vst.idx.msk @p0 $0xffff, v9  }
0x17e: {  	v8 =	vld.idx.msk [tilespmem:v7+s2+$0x0], $0xffff;
	_ =	sdelay $0x4  }
0x17f: {  	v9 =	vshrl.u32 v8, $0x10  }
0x180: {  	v9 =	vand.u32 $0x3FF0, v9  }
0x181: {  	v9 =	vor.u32 v0, v9;
	_ =	sdelay $0x4  }
0x182: {  	v10 =	vld.idx.msk [tilespmem:v9+s6+$0x0], $0xffff;
	_ =	sdelay $0x3  }
0x183: {  	v7 =	vld.idx.msk [tilespmem:v7+s9+$0x0], $0xffff;
	_ =	sdelay $0x1  }
0x184: {  	v11 =	vadd.s32 $0x1, v10  }
0x185: {  	[tilespmem:v9+s6+$0x0] =	vst.idx.msk $0xffff, v11  }
0x186: {  	[tilespmem:v10+s7+$0x0] =	vst.idx.msk $0xffff, v8  }
0x187: {  	[tilespmem:v10+s8+$0x0] =	vst.idx.msk $0xffff, v7  }
0x188: {  	[tilespmem:$0x1C800] =	vst v5  }
0x189: {  	[tilespmem:$0x1C810] =	vst v5  }
0x18a: {  	[tilespmem:$0x1C820] =	vst v5  }
0x18b: {  	[tilespmem:$0x1C830] =	vst v5  }
0x18c: {  	[tilespmem:$0x1C840] =	vst v5  }
0x18d: {  	[tilespmem:$0x1C850] =	vst v5  }
0x18e: {  	[tilespmem:$0x1C860] =	vst v5  }
0x18f: {  	[tilespmem:$0x1C870] =	vst v5  }
0x190: {  	[tilespmem:$0x1C880] =	vst v5  }
0x191: {  	[tilespmem:$0x1CD00] =	vst v6  }
0x192: {  	[tilespmem:$0x1CD10] =	vst v6  }
0x193: {  	[tilespmem:$0x1CD20] =	vst v6  }
0x194: {  	[tilespmem:$0x1CD30] =	vst v6  }
0x195: {  	[tilespmem:$0x1CD40] =	vst v6  }
0x196: {  	[tilespmem:$0x1CD50] =	vst v6  }
0x197: {  	[tilespmem:$0x1CD60] =	vst v6  }
0x198: {  	[tilespmem:$0x1CD70] =	vst v6  }
0x199: {  	[tilespmem:$0x1CD80] =	vst v6  }
0x19a: {  	[tilespmem:$0x1D200] =	vst v6  }
0x19b: {  	[tilespmem:$0x1D210] =	vst v6  }
0x19c: {  	[tilespmem:$0x1D220] =	vst v6  }
0x19d: {  	[tilespmem:$0x1D230] =	vst v6  }
0x19e: {  	[tilespmem:$0x1D240] =	vst v6  }
0x19f: {  	[tilespmem:$0x1D250] =	vst v6  }
0x1a0: {  	[tilespmem:$0x1D260] =	vst v6  }
0x1a1: {  	[tilespmem:$0x1D270] =	vst v6  }
0x1a2: {  	[tilespmem:$0x1D280] =	vst v6  }
0x1a3: {  	[tilespmem:$0x1D700] =	vst v6  }
0x1a4: {  	[tilespmem:$0x1D710] =	vst v6  }
0x1a5: {  	[tilespmem:$0x1D720] =	vst v6  }
0x1a6: {  	[tilespmem:$0x1D730] =	vst v6  }
0x1a7: {  	[tilespmem:$0x1D740] =	vst v6  }
0x1a8: {  	[tilespmem:$0x1D750] =	vst v6  }
0x1a9: {  	[tilespmem:$0x1D760] =	vst v6  }
0x1aa: {  	[tilespmem:$0x1D770] =	vst v6  }
0x1ab: {  	[tilespmem:$0x1D780] =	vst v6  }
0x1ac: {  	[tilespmem:$0x1DC00] =	vst v6  }
0x1ad: {  	[tilespmem:$0x1DC10] =	vst v6  }
0x1ae: {  	[tilespmem:$0x1DC20] =	vst v6  }
0x1af: {  	[tilespmem:$0x1DC30] =	vst v6  }
0x1b0: {  	[tilespmem:$0x1DC40] =	vst v6  }
0x1b1: {  	[tilespmem:$0x1DC50] =	vst v6  }
0x1b2: {  	[tilespmem:$0x1DC60] =	vst v6  }
0x1b3: {  	[tilespmem:$0x1DC70] =	vst v6  }
0x1b4: {  	[tilespmem:$0x1DC80] =	vst v6  }
0x1b5: {  	[tilespmem:$0x1E100] =	vst v6  }
0x1b6: {  	[tilespmem:$0x1E110] =	vst v6  }
0x1b7: {  	[tilespmem:$0x1E120] =	vst v6  }
0x1b8: {  	[tilespmem:$0x1E130] =	vst v6  }
0x1b9: {  	[tilespmem:$0x1E140] =	vst v6  }
0x1ba: {  	[tilespmem:$0x1E150] =	vst v6  }
0x1bb: {  	[tilespmem:$0x1E160] =	vst v6  }
0x1bc: {  	[tilespmem:$0x1E170] =	vst v6  }
0x1bd: {  	[tilespmem:$0x1E180] =	vst v6  }
0x1be: {  	[tilespmem:$0x1E600] =	vst v6  }
0x1bf: {  	[tilespmem:$0x1E610] =	vst v6  }
0x1c0: {  	[tilespmem:$0x1E620] =	vst v6  }
0x1c1: {  	[tilespmem:$0x1E630] =	vst v6  }
0x1c2: {  	[tilespmem:$0x1E640] =	vst v6  }
0x1c3: {  	[tilespmem:$0x1E650] =	vst v6  }
0x1c4: {  	[tilespmem:$0x1E660] =	vst v6  }
0x1c5: {  	[tilespmem:$0x1E670] =	vst v6  }
0x1c6: {  	[tilespmem:$0x1E680] =	vst v6  }
0x1c7: {  	[tilespmem:$0x1EB00] =	vst v6  }
0x1c8: {  	[tilespmem:$0x1EB10] =	vst v6  }
0x1c9: {  	[tilespmem:$0x1EB20] =	vst v6  }
0x1ca: {  	[tilespmem:$0x1EB30] =	vst v6  }
0x1cb: {  	[tilespmem:$0x1EB40] =	vst v6  }
0x1cc: {  	[tilespmem:$0x1EB50] =	vst v6  }
0x1cd: {  	[tilespmem:$0x1EB60] =	vst v6  }
0x1ce: {  	[tilespmem:$0x1EB70] =	vst v6  }
0x1cf: {  	[tilespmem:$0x1EB80] =	vst v6  }
0x1d0: {  	[tilespmem:$0x1F000] =	vst v6  }
0x1d1: {  	[tilespmem:$0x1F010] =	vst v6  }
0x1d2: {  	[tilespmem:$0x1F020] =	vst v6  }
0x1d3: {  	[tilespmem:$0x1F030] =	vst v6  }
0x1d4: {  	[tilespmem:$0x1F040] =	vst v6  }
0x1d5: {  	[tilespmem:$0x1F050] =	vst v6  }
0x1d6: {  	[tilespmem:$0x1F060] =	vst v6  }
0x1d7: {  	[tilespmem:$0x1F070] =	vst v6  }
0x1d8: {  	s0 =	simm.s32 $0x0;
	s1 =	rddreg [dreg:$0x2];
	[tilespmem:$0x1F080] =	vst v6  }
0x1d9: {  	[hbm4b:s1+s0] =	stream.linear.scatter [tilespmem:s10], [sflag:$0x2], $0x90, $0x38;
	[tilespmem:$0x1F500] =	vst v63  }
0x1da: {  	_ =	swait.ge [sflag:s5], $0x90  }
0x1db: {  	[sflag:s5] =	ssyncset.done $0x0  }
0x1dc: {  	s1 =	rddreg [dreg:$0x3];
	[sflag:s5] =	ssyncadd.s32 $0xFFFFFF70  }
0x1dd: {  	[hbm4b:s1+s0] =	stream.linear.scatter [tilespmem:s11], [sflag:$0x2], $0x90, $0x38;
	[tilespmem:$0x1F500] =	vst v63  }
0x1de: {  	_ =	swait.ge [sflag:s5], $0x90  }
0x1df: {  	[sflag:s5] =	ssyncset.done $0x0  }
0x1e0: {  	s1 =	rddreg [dreg:$0x4];
	[sflag:s5] =	ssyncadd.s32 $0xFFFFFF70  }
0x1e1: {  	[hbm4b:s1+s0] =	stream.linear.scatter [tilespmem:s12], [sflag:$0x2], $0x90, $0x38;
	[tilespmem:$0x1F500] =	vst v63  }
0x1e2: {  	_ =	swait.ge [sflag:s5], $0x90  }
0x1e3: {  	[sflag:s5] =	ssyncset.done $0x0  }
0x1e4: {  	s1 =	rddreg [dreg:$0x5];
	[sflag:s5] =	ssyncadd.s32 $0xFFFFFF70  }
0x1e5: {  	[hbm4b:s1+s0] =	stream.linear.scatter [tilespmem:s13], [sflag:$0x2], $0x90, $0x38;
	[tilespmem:$0x1F500] =	vst v63  }
0x1e6: {  	_ =	swait.ge [sflag:s5], $0x90  }
0x1e7: {  	[sflag:s5] =	ssyncset.done $0x0  }
0x1e8: {  	s1 =	rddreg [dreg:$0x6];
	[sflag:s5] =	ssyncadd.s32 $0xFFFFFF70  }
0x1e9: {  	[hbm4b:s1+s0] =	stream.linear.scatter [tilespmem:s14], [sflag:$0x2], $0x90, $0x38;
	[tilespmem:$0x1F500] =	vst v63  }
0x1ea: {  	_ =	swait.ge [sflag:s5], $0x90  }
0x1eb: {  	[sflag:s5] =	ssyncset.done $0x0  }
0x1ec: {  	s1 =	rddreg [dreg:$0x7];
	[sflag:s5] =	ssyncadd.s32 $0xFFFFFF70  }
0x1ed: {  	[hbm4b:s1+s0] =	stream.linear.scatter [tilespmem:s15], [sflag:$0x2], $0x90, $0x38;
	[tilespmem:$0x1F500] =	vst v63  }
0x1ee: {  	_ =	swait.ge [sflag:s5], $0x90  }
0x1ef: {  	[sflag:s5] =	ssyncset.done $0x0  }
0x1f0: {  	s1 =	rddreg [dreg:$0x8];
	[sflag:s5] =	ssyncadd.s32 $0xFFFFFF70  }
0x1f1: {  	[hbm4b:s1+s0] =	stream.linear.scatter [tilespmem:s16], [sflag:$0x2], $0x90, $0x38;
	[tilespmem:$0x1F500] =	vst v63  }
0x1f2: {  	_ =	swait.ge [sflag:s5], $0x90  }
0x1f3: {  	[sflag:s5] =	ssyncset.done $0x0  }
0x1f4: {  	s1 =	rddreg [dreg:$0x9];
	[sflag:s5] =	ssyncadd.s32 $0xFFFFFF70  }
0x1f5: {  	[hbm4b:s1+s0] =	stream.linear.scatter [tilespmem:s17], [sflag:$0x2], $0x90, $0x38;
	[tilespmem:$0x1F500] =	vst v63  }
0x1f6: {  	_ =	swait.ge [sflag:s5], $0x90  }
0x1f7: {  	[sflag:s5] =	ssyncset.done $0x0  }
0x1f8: {  	s1 =	rddreg [dreg:$0xa];
	[sflag:s5] =	ssyncadd.s32 $0xFFFFFF70  }
0x1f9: {  	[hbm4b:s1+s0] =	stream.linear.scatter [tilespmem:s18], [sflag:$0x2], $0x90, $0x38;
	[tilespmem:$0x1F500] =	vst v63  }
0x1fa: {  	_ =	swait.ge [sflag:s5], $0x90  }
0x1fb: {  	[sflag:s5] =	ssyncset.done $0x0  }
0x1fc: {  	s31 =	simm.s32 $0x0;
	[sflag:s5] =	ssyncadd.s32 $0xFFFFFF70  }
0x1fd: {  	v7 =	vld [tilespmem:s31+$0x10800]  }
0x1fe: {  	v9 =	vld [tilespmem:s31+$0x5800];
	_ =	sdelay $0x3  }
0x1ff: {  	v8 =	vadd.s32 v1, v7;
	v11 =	vshll.u32 v7, $0x2  }
0x200: {  	v9 =	vsub.s32 $0x3F800000, v9;
	v10 =	vshll.u32 v8, $0x2;
	[tilespmem:s31+$0x1B400] =	vst v11  }
0x201: {  	v8 =	vor.u32 $0x1, v11;
	v7 =	vor.u32 $0x2, v11;
	[tilespmem:s31+$0x1A000] =	vst v10;
	v13 =	vor.u32 $0x3, v10  }
0x202: {  	s0 =	simm.s32 $0x10;
	s1 =	simm.s32 $0x80;
	v11 =	vor.u32 $0x3, v11;
	v12 =	vor.u32 $0x1, v10;
	v10 =	vor.u32 $0x2, v10;
	[tilespmem:s31+$0x1AF00] =	vst v13  }
.LBB2_43:
0x203: {  	p0 =	sne.s32 s1, $0x1280;
	v13 =	vld [tilespmem:s0+$0x10800];
	[tilespmem:s31+$0x1A500] =	vst v12  }
0x204: {  	v14 =	vld [tilespmem:s0+$0x5800];
	[tilespmem:s31+$0x1AA00] =	vst v10  }
0x205: {  	[tilespmem:s31+$0x1B900] =	vst v8  }
0x206: {  	[tilespmem:s31+$0x1BE00] =	vst v7  }
.Ltmp24:
0x207: {  	[tilespmem:s31+$0x1C300] =	vst v11;
	(pc) =	sbr.rel @p0 .LBB2_43-.Ltmp24, $4  }
0x208: {  	v7 =	vadd.s32 v1, v13;
	v11 =	vshll.u32 v13, $0x2;
	[tilespmem:s31+$0x1C800] =	vst v9;
	s31 =	smov.u32 s0  }
0x209: {  	v9 =	vshll.u32 v7, $0x2;
	[tilespmem:s31+$0x1B400] =	vst v11;
	v8 =	vor.u32 $0x1, v11;
	v7 =	vor.u32 $0x2, v11  }
0x20a: {  	[tilespmem:s31+$0x1A000] =	vst v9;
	v12 =	vor.u32 $0x1, v9;
	v10 =	vor.u32 $0x2, v9;
	v9 =	vor.u32 $0x3, v9  }
0x20b: {  	s0 =	sshra.s32 s1, $0x2;
	s1 =	sadd.s32 $0x40, s1;
	v11 =	vor.u32 $0x3, v11;
	[tilespmem:s31+$0x1AF00] =	vst v9;
	v9 =	vsub.s32 $0x3F800000, v14  }
0x20c: {  	v13 =	vld [tilespmem:s0+$0x10800];
	[tilespmem:s31+$0x1A500] =	vst v12  }
0x20d: {  	v12 =	vld [tilespmem:s0+$0x5800];
	[tilespmem:s31+$0x1AA00] =	vst v10  }
0x20e: {  	[tilespmem:s31+$0x1B900] =	vst v8  }
0x20f: {  	[tilespmem:s31+$0x1BE00] =	vst v7  }
0x210: {  	[tilespmem:s31+$0x1C300] =	vst v11  }
0x211: {  	[tilespmem:s31+$0x1C800] =	vst v9;
	v7 =	vadd.s32 v1, v13;
	v8 =	vshll.u32 v13, $0x2  }
0x212: {  	v7 =	vshll.u32 v7, $0x2;
	[tilespmem:s0+$0x1B400] =	vst v8  }
0x213: {  	[tilespmem:s0+$0x1A000] =	vst v7;
	v9 =	vor.u32 $0x3, v7  }
0x214: {  	v10 =	vor.u32 $0x1, v7;
	[tilespmem:s0+$0x1AF00] =	vst v9  }
0x215: {  	v7 =	vor.u32 $0x2, v7;
	[tilespmem:s0+$0x1A500] =	vst v10  }
0x216: {  	v9 =	vor.u32 $0x1, v8;
	[tilespmem:s0+$0x1AA00] =	vst v7  }
0x217: {  	v7 =	vor.u32 $0x2, v8;
	[tilespmem:s0+$0x1B900] =	vst v9  }
0x218: {  	v8 =	vor.u32 $0x3, v8;
	[tilespmem:s0+$0x1BE00] =	vst v7  }
0x219: {  	v7 =	vsub.s32 $0x3F800000, v12;
	[tilespmem:s0+$0x1C300] =	vst v8  }
0x21a: {  	[tilespmem:s0+$0x1C800] =	vst v7  }
0x21b: {  	[tilespmem:s11], [sflag:$0x1] =	stream.indirect.gather [hbm4b:s3+s19], $0x1, s20, s19, $0xb8;
	[tilespmem:$0x1F500] =	vst v63  }
0x21c: {  	_ = 	snop  }
0x21d: {  	[tilespmem:s12], [sflag:$0x1] =	stream.indirect.gather [hbm4b:s3+s19], $0x1, s21, s19, $0xb8;
	[tilespmem:$0x1F500] =	vst v63  }
0x21e: {  	_ = 	snop  }
0x21f: {  	[tilespmem:s13], [sflag:$0x1] =	stream.indirect.gather [hbm4b:s3+s19], $0x1, s22, s19, $0xb8;
	[tilespmem:$0x1F500] =	vst v63  }
0x220: {  	_ = 	snop  }
0x221: {  	[tilespmem:s14], [sflag:$0x1] =	stream.indirect.gather [hbm4b:s3+s19], $0x1, s23, s19, $0xb8;
	[tilespmem:$0x1F500] =	vst v63  }
0x222: {  	_ = 	snop  }
0x223: {  	[tilespmem:s15], [sflag:$0x1] =	stream.indirect.gather [hbm4b:s4+s19], $0x1, s24, s19, $0xb8;
	[tilespmem:$0x1F500] =	vst v63  }
0x224: {  	_ = 	snop  }
0x225: {  	[tilespmem:s16], [sflag:$0x1] =	stream.indirect.gather [hbm4b:s4+s19], $0x1, s25, s19, $0xb8;
	[tilespmem:$0x1F500] =	vst v63  }
0x226: {  	_ = 	snop  }
0x227: {  	[tilespmem:s17], [sflag:$0x1] =	stream.indirect.gather [hbm4b:s4+s19], $0x1, s26, s19, $0xb8;
	[tilespmem:$0x1F500] =	vst v63  }
0x228: {  	_ = 	snop  }
0x229: {  	[tilespmem:s18], [sflag:$0x1] =	stream.indirect.gather [hbm4b:s4+s19], $0x1, s28, s19, $0xb8;
	[tilespmem:$0x1F500] =	vst v63  }
0x22a: {  	_ =	swait.ge [sflag:s29], $0x4B0  }
0x22b: {  	[sflag:s29] =	ssyncset.done $0x0  }
0x22c: {  	[sflag:s29] =	ssyncadd.s32 $0xFFFFFB50  }
0x22d: {  	_ =	swait.ge [sflag:s29], $0x4B0  }
0x22e: {  	[sflag:s29] =	ssyncset.done $0x0  }
0x22f: {  	[sflag:s29] =	ssyncadd.s32 $0xFFFFFB50  }
0x230: {  	_ =	swait.ge [sflag:s29], $0x4B0  }
0x231: {  	[sflag:s29] =	ssyncset.done $0x0  }
0x232: {  	[sflag:s29] =	ssyncadd.s32 $0xFFFFFB50  }
0x233: {  	_ =	swait.ge [sflag:s29], $0x4B0  }
0x234: {  	[sflag:s29] =	ssyncset.done $0x0  }
0x235: {  	[sflag:s29] =	ssyncadd.s32 $0xFFFFFB50  }
0x236: {  	_ =	swait.ge [sflag:s29], $0x4B0  }
0x237: {  	[sflag:s29] =	ssyncset.done $0x0  }
0x238: {  	[sflag:s29] =	ssyncadd.s32 $0xFFFFFB50  }
0x239: {  	_ =	swait.ge [sflag:s29], $0x4B0  }
0x23a: {  	[sflag:s29] =	ssyncset.done $0x0  }
0x23b: {  	[sflag:s29] =	ssyncadd.s32 $0xFFFFFB50  }
0x23c: {  	_ =	swait.ge [sflag:s29], $0x4B0  }
0x23d: {  	[sflag:s29] =	ssyncset.done $0x0  }
0x23e: {  	[sflag:s29] =	ssyncadd.s32 $0xFFFFFB50  }
0x23f: {  	_ =	swait.ge [sflag:s29], $0x4B0  }
0x240: {  	[sflag:s29] =	ssyncset.done $0x0  }
0x241: {  	s0 =	simm.s32 $0x0;
	s1 =	rddreg [dreg:$0xb];
	[sflag:s29] =	ssyncadd.s32 $0xFFFFFB50  }
0x242: {  	[hbm4b:s1+s0] =	stream.linear.scatter [tilespmem:s10], [sflag:$0x2], $0x4B0, $0x38;
	[tilespmem:$0x1F500] =	vst v63  }
0x243: {  	_ =	swait.ge [sflag:s5], $0x4B0  }
0x244: {  	[sflag:s5] =	ssyncset.done $0x0  }
0x245: {  	s1 =	rddreg [dreg:$0xc];
	[sflag:s5] =	ssyncadd.s32 $0xFFFFFB50  }
0x246: {  	[hbm4b:s1+s0] =	stream.linear.scatter [tilespmem:s11], [sflag:$0x2], $0x4B0, $0x38;
	[tilespmem:$0x1F500] =	vst v63  }
0x247: {  	_ =	swait.ge [sflag:s5], $0x4B0  }
0x248: {  	[sflag:s5] =	ssyncset.done $0x0  }
0x249: {  	s1 =	rddreg [dreg:$0xd];
	[sflag:s5] =	ssyncadd.s32 $0xFFFFFB50  }
0x24a: {  	[hbm4b:s1+s0] =	stream.linear.scatter [tilespmem:s12], [sflag:$0x2], $0x4B0, $0x38;
	[tilespmem:$0x1F500] =	vst v63  }
0x24b: {  	_ =	swait.ge [sflag:s5], $0x4B0  }
0x24c: {  	[sflag:s5] =	ssyncset.done $0x0  }
0x24d: {  	s1 =	rddreg [dreg:$0xe];
	[sflag:s5] =	ssyncadd.s32 $0xFFFFFB50  }
0x24e: {  	[hbm4b:s1+s0] =	stream.linear.scatter [tilespmem:s13], [sflag:$0x2], $0x4B0, $0x38;
	[tilespmem:$0x1F500] =	vst v63  }
0x24f: {  	_ =	swait.ge [sflag:s5], $0x4B0  }
0x250: {  	[sflag:s5] =	ssyncset.done $0x0  }
0x251: {  	s1 =	rddreg [dreg:$0xf];
	[sflag:s5] =	ssyncadd.s32 $0xFFFFFB50  }
0x252: {  	[hbm4b:s1+s0] =	stream.linear.scatter [tilespmem:s14], [sflag:$0x2], $0x4B0, $0x38;
	[tilespmem:$0x1F500] =	vst v63  }
0x253: {  	_ =	swait.ge [sflag:s5], $0x4B0  }
0x254: {  	[sflag:s5] =	ssyncset.done $0x0  }
0x255: {  	s1 =	rddreg [dreg:$0x10];
	[sflag:s5] =	ssyncadd.s32 $0xFFFFFB50  }
0x256: {  	[hbm4b:s1+s0] =	stream.linear.scatter [tilespmem:s15], [sflag:$0x2], $0x4B0, $0x38;
	[tilespmem:$0x1F500] =	vst v63  }
0x257: {  	_ =	swait.ge [sflag:s5], $0x4B0  }
0x258: {  	[sflag:s5] =	ssyncset.done $0x0  }
0x259: {  	s1 =	rddreg [dreg:$0x11];
	[sflag:s5] =	ssyncadd.s32 $0xFFFFFB50  }
0x25a: {  	[hbm4b:s1+s0] =	stream.linear.scatter [tilespmem:s16], [sflag:$0x2], $0x4B0, $0x38;
	[tilespmem:$0x1F500] =	vst v63  }
0x25b: {  	_ =	swait.ge [sflag:s5], $0x4B0  }
0x25c: {  	[sflag:s5] =	ssyncset.done $0x0  }
0x25d: {  	s1 =	rddreg [dreg:$0x12];
	[sflag:s5] =	ssyncadd.s32 $0xFFFFFB50  }
0x25e: {  	[hbm4b:s1+s0] =	stream.linear.scatter [tilespmem:s17], [sflag:$0x2], $0x4B0, $0x38;
	[tilespmem:$0x1F500] =	vst v63  }
0x25f: {  	_ =	swait.ge [sflag:s5], $0x4B0  }
0x260: {  	[sflag:s5] =	ssyncset.done $0x0  }
0x261: {  	s1 =	rddreg [dreg:$0x13];
	[sflag:s5] =	ssyncadd.s32 $0xFFFFFB50  }
0x262: {  	[hbm4b:s1+s0] =	stream.linear.scatter [tilespmem:s18], [sflag:$0x2], $0x4B0, $0x38;
	[tilespmem:$0x1F500] =	vst v63  }
0x263: {  	_ =	swait.ge [sflag:s5], $0x4B0  }
0x264: {  	[sflag:s5] =	ssyncset.done $0x0  }
0x265: {  	s31 =	simm.s32 $0x0;
	[sflag:s5] =	ssyncadd.s32 $0xFFFFFB50  }
0x266: {  	v7 =	vld [tilespmem:s31+$0x10CB0]  }
0x267: {  	v9 =	vld [tilespmem:s31+$0x5CB0];
	_ =	sdelay $0x3  }
0x268: {  	v8 =	vadd.s32 v1, v7;
	v11 =	vshll.u32 v7, $0x2  }
0x269: {  	v9 =	vsub.s32 $0x3F800000, v9;
	v10 =	vshll.u32 v8, $0x2;
	[tilespmem:s31+$0x1B400] =	vst v11  }
0x26a: {  	v8 =	vor.u32 $0x1, v11;
	v7 =	vor.u32 $0x2, v11;
	[tilespmem:s31+$0x1A000] =	vst v10;
	v13 =	vor.u32 $0x3, v10  }
0x26b: {  	s0 =	simm.s32 $0x10;
	s1 =	simm.s32 $0x80;
	v11 =	vor.u32 $0x3, v11;
	v12 =	vor.u32 $0x1, v10;
	v10 =	vor.u32 $0x2, v10;
	[tilespmem:s31+$0x1AF00] =	vst v13  }
.LBB2_45:
0x26c: {  	p0 =	sne.s32 s1, $0x1280;
	v13 =	vld [tilespmem:s0+$0x10CB0];
	[tilespmem:s31+$0x1A500] =	vst v12  }
0x26d: {  	v14 =	vld [tilespmem:s0+$0x5CB0];
	[tilespmem:s31+$0x1AA00] =	vst v10  }
0x26e: {  	[tilespmem:s31+$0x1B900] =	vst v8  }
0x26f: {  	[tilespmem:s31+$0x1BE00] =	vst v7  }
.Ltmp25:
0x270: {  	[tilespmem:s31+$0x1C300] =	vst v11;
	(pc) =	sbr.rel @p0 .LBB2_45-.Ltmp25, $4  }
0x271: {  	v7 =	vadd.s32 v1, v13;
	v11 =	vshll.u32 v13, $0x2;
	[tilespmem:s31+$0x1C800] =	vst v9;
	s31 =	smov.u32 s0  }
0x272: {  	v9 =	vshll.u32 v7, $0x2;
	[tilespmem:s31+$0x1B400] =	vst v11;
	v8 =	vor.u32 $0x1, v11;
	v7 =	vor.u32 $0x2, v11  }
0x273: {  	[tilespmem:s31+$0x1A000] =	vst v9;
	v12 =	vor.u32 $0x1, v9;
	v10 =	vor.u32 $0x2, v9;
	v9 =	vor.u32 $0x3, v9  }
0x274: {  	s0 =	sshra.s32 s1, $0x2;
	s1 =	sadd.s32 $0x40, s1;
	v11 =	vor.u32 $0x3, v11;
	[tilespmem:s31+$0x1AF00] =	vst v9;
	v9 =	vsub.s32 $0x3F800000, v14  }
0x275: {  	v13 =	vld [tilespmem:s0+$0x10CB0];
	[tilespmem:s31+$0x1A500] =	vst v12  }
0x276: {  	v12 =	vld [tilespmem:s0+$0x5CB0];
	[tilespmem:s31+$0x1AA00] =	vst v10  }
0x277: {  	[tilespmem:s31+$0x1B900] =	vst v8  }
0x278: {  	[tilespmem:s31+$0x1BE00] =	vst v7  }
0x279: {  	[tilespmem:s31+$0x1C300] =	vst v11  }
0x27a: {  	[tilespmem:s31+$0x1C800] =	vst v9;
	v7 =	vadd.s32 v1, v13;
	v8 =	vshll.u32 v13, $0x2  }
0x27b: {  	v7 =	vshll.u32 v7, $0x2;
	[tilespmem:s0+$0x1B400] =	vst v8  }
0x27c: {  	[tilespmem:s0+$0x1A000] =	vst v7;
	v9 =	vor.u32 $0x3, v7  }
0x27d: {  	v10 =	vor.u32 $0x1, v7;
	[tilespmem:s0+$0x1AF00] =	vst v9  }
0x27e: {  	v7 =	vor.u32 $0x2, v7;
	[tilespmem:s0+$0x1A500] =	vst v10  }
0x27f: {  	v9 =	vor.u32 $0x1, v8;
	[tilespmem:s0+$0x1AA00] =	vst v7  }
0x280: {  	v7 =	vor.u32 $0x2, v8;
	[tilespmem:s0+$0x1B900] =	vst v9  }
0x281: {  	v8 =	vor.u32 $0x3, v8;
	[tilespmem:s0+$0x1BE00] =	vst v7  }
0x282: {  	v7 =	vsub.s32 $0x3F800000, v12;
	[tilespmem:s0+$0x1C300] =	vst v8  }
0x283: {  	[tilespmem:s0+$0x1C800] =	vst v7  }
0x284: {  	[tilespmem:s11], [sflag:$0x1] =	stream.indirect.gather [hbm4b:s3+s19], $0x1, s20, s19, $0xb8;
	[tilespmem:$0x1F500] =	vst v63  }
0x285: {  	_ = 	snop  }
0x286: {  	[tilespmem:s12], [sflag:$0x1] =	stream.indirect.gather [hbm4b:s3+s19], $0x1, s21, s19, $0xb8;
	[tilespmem:$0x1F500] =	vst v63  }
0x287: {  	_ = 	snop  }
0x288: {  	[tilespmem:s13], [sflag:$0x1] =	stream.indirect.gather [hbm4b:s3+s19], $0x1, s22, s19, $0xb8;
	[tilespmem:$0x1F500] =	vst v63  }
0x289: {  	_ = 	snop  }
0x28a: {  	[tilespmem:s14], [sflag:$0x1] =	stream.indirect.gather [hbm4b:s3+s19], $0x1, s23, s19, $0xb8;
	[tilespmem:$0x1F500] =	vst v63  }
0x28b: {  	_ = 	snop  }
0x28c: {  	[tilespmem:s15], [sflag:$0x1] =	stream.indirect.gather [hbm4b:s4+s19], $0x1, s24, s19, $0xb8;
	[tilespmem:$0x1F500] =	vst v63  }
0x28d: {  	_ = 	snop  }
0x28e: {  	[tilespmem:s16], [sflag:$0x1] =	stream.indirect.gather [hbm4b:s4+s19], $0x1, s25, s19, $0xb8;
	[tilespmem:$0x1F500] =	vst v63  }
0x28f: {  	_ = 	snop  }
0x290: {  	[tilespmem:s17], [sflag:$0x1] =	stream.indirect.gather [hbm4b:s4+s19], $0x1, s26, s19, $0xb8;
	[tilespmem:$0x1F500] =	vst v63  }
0x291: {  	_ = 	snop  }
0x292: {  	[tilespmem:s18], [sflag:$0x1] =	stream.indirect.gather [hbm4b:s4+s19], $0x1, s28, s19, $0xb8;
	[tilespmem:$0x1F500] =	vst v63  }
0x293: {  	_ =	swait.ge [sflag:s29], $0x4B0  }
0x294: {  	[sflag:s29] =	ssyncset.done $0x0  }
0x295: {  	[sflag:s29] =	ssyncadd.s32 $0xFFFFFB50  }
0x296: {  	_ =	swait.ge [sflag:s29], $0x4B0  }
0x297: {  	[sflag:s29] =	ssyncset.done $0x0  }
0x298: {  	[sflag:s29] =	ssyncadd.s32 $0xFFFFFB50  }
0x299: {  	_ =	swait.ge [sflag:s29], $0x4B0  }
0x29a: {  	[sflag:s29] =	ssyncset.done $0x0  }
0x29b: {  	[sflag:s29] =	ssyncadd.s32 $0xFFFFFB50  }
0x29c: {  	_ =	swait.ge [sflag:s29], $0x4B0  }
0x29d: {  	[sflag:s29] =	ssyncset.done $0x0  }
0x29e: {  	[sflag:s29] =	ssyncadd.s32 $0xFFFFFB50  }
0x29f: {  	_ =	swait.ge [sflag:s29], $0x4B0  }
0x2a0: {  	[sflag:s29] =	ssyncset.done $0x0  }
0x2a1: {  	[sflag:s29] =	ssyncadd.s32 $0xFFFFFB50  }
0x2a2: {  	_ =	swait.ge [sflag:s29], $0x4B0  }
0x2a3: {  	[sflag:s29] =	ssyncset.done $0x0  }
0x2a4: {  	[sflag:s29] =	ssyncadd.s32 $0xFFFFFB50  }
0x2a5: {  	_ =	swait.ge [sflag:s29], $0x4B0  }
0x2a6: {  	[sflag:s29] =	ssyncset.done $0x0  }
0x2a7: {  	[sflag:s29] =	ssyncadd.s32 $0xFFFFFB50  }
0x2a8: {  	_ =	swait.ge [sflag:s29], $0x4B0  }
0x2a9: {  	[sflag:s29] =	ssyncset.done $0x0  }
0x2aa: {  	s0 =	simm.s32 $0x0;
	s1 =	rddreg [dreg:$0x14];
	[sflag:s29] =	ssyncadd.s32 $0xFFFFFB50  }
0x2ab: {  	[hbm4b:s1+s0] =	stream.linear.scatter [tilespmem:s10], [sflag:$0x2], $0x4B0, $0x38;
	[tilespmem:$0x1F500] =	vst v63  }
0x2ac: {  	_ =	swait.ge [sflag:s5], $0x4B0  }
0x2ad: {  	[sflag:s5] =	ssyncset.done $0x0  }
0x2ae: {  	s1 =	rddreg [dreg:$0x16];
	[sflag:s5] =	ssyncadd.s32 $0xFFFFFB50  }
0x2af: {  	[hbm4b:s1+s0] =	stream.linear.scatter [tilespmem:s11], [sflag:$0x2], $0x4B0, $0x38;
	[tilespmem:$0x1F500] =	vst v63  }
0x2b0: {  	_ =	swait.ge [sflag:s5], $0x4B0  }
0x2b1: {  	[sflag:s5] =	ssyncset.done $0x0  }
0x2b2: {  	s1 =	rddreg [dreg:$0x17];
	[sflag:s5] =	ssyncadd.s32 $0xFFFFFB50  }
0x2b3: {  	[hbm4b:s1+s0] =	stream.linear.scatter [tilespmem:s12], [sflag:$0x2], $0x4B0, $0x38;
	[tilespmem:$0x1F500] =	vst v63  }
0x2b4: {  	_ =	swait.ge [sflag:s5], $0x4B0  }
0x2b5: {  	[sflag:s5] =	ssyncset.done $0x0  }
0x2b6: {  	s1 =	rddreg [dreg:$0x18];
	[sflag:s5] =	ssyncadd.s32 $0xFFFFFB50  }
0x2b7: {  	[hbm4b:s1+s0] =	stream.linear.scatter [tilespmem:s13], [sflag:$0x2], $0x4B0, $0x38;
	[tilespmem:$0x1F500] =	vst v63  }
0x2b8: {  	_ =	swait.ge [sflag:s5], $0x4B0  }
0x2b9: {  	[sflag:s5] =	ssyncset.done $0x0  }
0x2ba: {  	s1 =	rddreg [dreg:$0x19];
	[sflag:s5] =	ssyncadd.s32 $0xFFFFFB50  }
0x2bb: {  	[hbm4b:s1+s0] =	stream.linear.scatter [tilespmem:s14], [sflag:$0x2], $0x4B0, $0x38;
	[tilespmem:$0x1F500] =	vst v63  }
0x2bc: {  	_ =	swait.ge [sflag:s5], $0x4B0  }
0x2bd: {  	[sflag:s5] =	ssyncset.done $0x0  }
0x2be: {  	s1 =	rddreg [dreg:$0x1a];
	[sflag:s5] =	ssyncadd.s32 $0xFFFFFB50  }
0x2bf: {  	[hbm4b:s1+s0] =	stream.linear.scatter [tilespmem:s15], [sflag:$0x2], $0x4B0, $0x38;
	[tilespmem:$0x1F500] =	vst v63  }
0x2c0: {  	_ =	swait.ge [sflag:s5], $0x4B0  }
0x2c1: {  	[sflag:s5] =	ssyncset.done $0x0  }
0x2c2: {  	s1 =	rddreg [dreg:$0x1b];
	[sflag:s5] =	ssyncadd.s32 $0xFFFFFB50  }
0x2c3: {  	[hbm4b:s1+s0] =	stream.linear.scatter [tilespmem:s16], [sflag:$0x2], $0x4B0, $0x38;
	[tilespmem:$0x1F500] =	vst v63  }
0x2c4: {  	_ =	swait.ge [sflag:s5], $0x4B0  }
0x2c5: {  	[sflag:s5] =	ssyncset.done $0x0  }
0x2c6: {  	s1 =	rddreg [dreg:$0x1c];
	[sflag:s5] =	ssyncadd.s32 $0xFFFFFB50  }
0x2c7: {  	[hbm4b:s1+s0] =	stream.linear.scatter [tilespmem:s17], [sflag:$0x2], $0x4B0, $0x38;
	[tilespmem:$0x1F500] =	vst v63  }
0x2c8: {  	_ =	swait.ge [sflag:s5], $0x4B0  }
0x2c9: {  	[sflag:s5] =	ssyncset.done $0x0  }
0x2ca: {  	s1 =	rddreg [dreg:$0x1d];
	[sflag:s5] =	ssyncadd.s32 $0xFFFFFB50  }
0x2cb: {  	[hbm4b:s1+s0] =	stream.linear.scatter [tilespmem:s18], [sflag:$0x2], $0x4B0, $0x38;
	[tilespmem:$0x1F500] =	vst v63  }
0x2cc: {  	_ =	swait.ge [sflag:s5], $0x4B0  }
0x2cd: {  	[sflag:s5] =	ssyncset.done $0x0  }
0x2ce: {  	s31 =	simm.s32 $0x0;
	[sflag:s5] =	ssyncadd.s32 $0xFFFFFB50  }
0x2cf: {  	v7 =	vld [tilespmem:s31+$0x11160]  }
0x2d0: {  	v9 =	vld [tilespmem:s31+$0x6160];
	_ =	sdelay $0x3  }
0x2d1: {  	v8 =	vadd.s32 v1, v7;
	v11 =	vshll.u32 v7, $0x2  }
0x2d2: {  	v9 =	vsub.s32 $0x3F800000, v9;
	v10 =	vshll.u32 v8, $0x2;
	[tilespmem:s31+$0x1B400] =	vst v11  }
0x2d3: {  	v8 =	vor.u32 $0x1, v11;
	v7 =	vor.u32 $0x2, v11;
	[tilespmem:s31+$0x1A000] =	vst v10;
	v13 =	vor.u32 $0x3, v10  }
0x2d4: {  	s0 =	simm.s32 $0x10;
	s1 =	simm.s32 $0x80;
	v11 =	vor.u32 $0x3, v11;
	v12 =	vor.u32 $0x1, v10;
	v10 =	vor.u32 $0x2, v10;
	[tilespmem:s31+$0x1AF00] =	vst v13  }
.LBB2_47:
0x2d5: {  	p0 =	sne.s32 s1, $0x1280;
	v13 =	vld [tilespmem:s0+$0x11160];
	[tilespmem:s31+$0x1A500] =	vst v12  }
0x2d6: {  	v14 =	vld [tilespmem:s0+$0x6160];
	[tilespmem:s31+$0x1AA00] =	vst v10  }
0x2d7: {  	[tilespmem:s31+$0x1B900] =	vst v8  }
0x2d8: {  	[tilespmem:s31+$0x1BE00] =	vst v7  }
.Ltmp26:
0x2d9: {  	[tilespmem:s31+$0x1C300] =	vst v11;
	(pc) =	sbr.rel @p0 .LBB2_47-.Ltmp26, $4  }
0x2da: {  	v7 =	vadd.s32 v1, v13;
	v11 =	vshll.u32 v13, $0x2;
	[tilespmem:s31+$0x1C800] =	vst v9;
	s31 =	smov.u32 s0  }
0x2db: {  	v9 =	vshll.u32 v7, $0x2;
	[tilespmem:s31+$0x1B400] =	vst v11;
	v8 =	vor.u32 $0x1, v11;
	v7 =	vor.u32 $0x2, v11  }
0x2dc: {  	[tilespmem:s31+$0x1A000] =	vst v9;
	v12 =	vor.u32 $0x1, v9;
	v10 =	vor.u32 $0x2, v9;
	v9 =	vor.u32 $0x3, v9  }
0x2dd: {  	s0 =	sshra.s32 s1, $0x2;
	s1 =	sadd.s32 $0x40, s1;
	v11 =	vor.u32 $0x3, v11;
	[tilespmem:s31+$0x1AF00] =	vst v9;
	v9 =	vsub.s32 $0x3F800000, v14  }
0x2de: {  	v13 =	vld [tilespmem:s0+$0x11160];
	[tilespmem:s31+$0x1A500] =	vst v12  }
0x2df: {  	v12 =	vld [tilespmem:s0+$0x6160];
	[tilespmem:s31+$0x1AA00] =	vst v10  }
0x2e0: {  	[tilespmem:s31+$0x1B900] =	vst v8  }
0x2e1: {  	[tilespmem:s31+$0x1BE00] =	vst v7  }
0x2e2: {  	[tilespmem:s31+$0x1C300] =	vst v11  }
0x2e3: {  	[tilespmem:s31+$0x1C800] =	vst v9;
	v7 =	vadd.s32 v1, v13;
	v8 =	vshll.u32 v13, $0x2  }
0x2e4: {  	v7 =	vshll.u32 v7, $0x2;
	[tilespmem:s0+$0x1B400] =	vst v8  }
0x2e5: {  	[tilespmem:s0+$0x1A000] =	vst v7;
	v9 =	vor.u32 $0x3, v7  }
0x2e6: {  	v10 =	vor.u32 $0x1, v7;
	[tilespmem:s0+$0x1AF00] =	vst v9  }
0x2e7: {  	v7 =	vor.u32 $0x2, v7;
	[tilespmem:s0+$0x1A500] =	vst v10  }
0x2e8: {  	v9 =	vor.u32 $0x1, v8;
	[tilespmem:s0+$0x1AA00] =	vst v7  }
0x2e9: {  	v7 =	vor.u32 $0x2, v8;
	[tilespmem:s0+$0x1B900] =	vst v9  }
0x2ea: {  	v8 =	vor.u32 $0x3, v8;
	[tilespmem:s0+$0x1BE00] =	vst v7  }
0x2eb: {  	v7 =	vsub.s32 $0x3F800000, v12;
	[tilespmem:s0+$0x1C300] =	vst v8  }
0x2ec: {  	[tilespmem:s0+$0x1C800] =	vst v7  }
0x2ed: {  	[tilespmem:s11], [sflag:$0x1] =	stream.indirect.gather [hbm4b:s3+s19], $0x1, s20, s19, $0xb8;
	[tilespmem:$0x1F500] =	vst v63  }
0x2ee: {  	_ = 	snop  }
0x2ef: {  	[tilespmem:s12], [sflag:$0x1] =	stream.indirect.gather [hbm4b:s3+s19], $0x1, s21, s19, $0xb8;
	[tilespmem:$0x1F500] =	vst v63  }
0x2f0: {  	_ = 	snop  }
0x2f1: {  	[tilespmem:s13], [sflag:$0x1] =	stream.indirect.gather [hbm4b:s3+s19], $0x1, s22, s19, $0xb8;
	[tilespmem:$0x1F500] =	vst v63  }
0x2f2: {  	_ = 	snop  }
0x2f3: {  	[tilespmem:s14], [sflag:$0x1] =	stream.indirect.gather [hbm4b:s3+s19], $0x1, s23, s19, $0xb8;
	[tilespmem:$0x1F500] =	vst v63  }
0x2f4: {  	_ = 	snop  }
0x2f5: {  	[tilespmem:s15], [sflag:$0x1] =	stream.indirect.gather [hbm4b:s4+s19], $0x1, s24, s19, $0xb8;
	[tilespmem:$0x1F500] =	vst v63  }
0x2f6: {  	_ = 	snop  }
0x2f7: {  	[tilespmem:s16], [sflag:$0x1] =	stream.indirect.gather [hbm4b:s4+s19], $0x1, s25, s19, $0xb8;
	[tilespmem:$0x1F500] =	vst v63  }
0x2f8: {  	_ = 	snop  }
0x2f9: {  	[tilespmem:s17], [sflag:$0x1] =	stream.indirect.gather [hbm4b:s4+s19], $0x1, s26, s19, $0xb8;
	[tilespmem:$0x1F500] =	vst v63  }
0x2fa: {  	_ = 	snop  }
0x2fb: {  	[tilespmem:s18], [sflag:$0x1] =	stream.indirect.gather [hbm4b:s4+s19], $0x1, s28, s19, $0xb8;
	[tilespmem:$0x1F500] =	vst v63  }
0x2fc: {  	_ =	swait.ge [sflag:s29], $0x4B0  }
0x2fd: {  	[sflag:s29] =	ssyncset.done $0x0  }
0x2fe: {  	[sflag:s29] =	ssyncadd.s32 $0xFFFFFB50  }
0x2ff: {  	_ =	swait.ge [sflag:s29], $0x4B0  }
0x300: {  	[sflag:s29] =	ssyncset.done $0x0  }
0x301: {  	[sflag:s29] =	ssyncadd.s32 $0xFFFFFB50  }
0x302: {  	_ =	swait.ge [sflag:s29], $0x4B0  }
0x303: {  	[sflag:s29] =	ssyncset.done $0x0  }
0x304: {  	[sflag:s29] =	ssyncadd.s32 $0xFFFFFB50  }
0x305: {  	_ =	swait.ge [sflag:s29], $0x4B0  }
0x306: {  	[sflag:s29] =	ssyncset.done $0x0  }
0x307: {  	[sflag:s29] =	ssyncadd.s32 $0xFFFFFB50  }
0x308: {  	_ =	swait.ge [sflag:s29], $0x4B0  }
0x309: {  	[sflag:s29] =	ssyncset.done $0x0  }
0x30a: {  	[sflag:s29] =	ssyncadd.s32 $0xFFFFFB50  }
0x30b: {  	_ =	swait.ge [sflag:s29], $0x4B0  }
0x30c: {  	[sflag:s29] =	ssyncset.done $0x0  }
0x30d: {  	[sflag:s29] =	ssyncadd.s32 $0xFFFFFB50  }
0x30e: {  	_ =	swait.ge [sflag:s29], $0x4B0  }
0x30f: {  	[sflag:s29] =	ssyncset.done $0x0  }
0x310: {  	[sflag:s29] =	ssyncadd.s32 $0xFFFFFB50  }
0x311: {  	_ =	swait.ge [sflag:s29], $0x4B0  }
0x312: {  	[sflag:s29] =	ssyncset.done $0x0  }
0x313: {  	s0 =	simm.s32 $0x0;
	s1 =	rddreg [dreg:$0x1e];
	[sflag:s29] =	ssyncadd.s32 $0xFFFFFB50  }
0x314: {  	[hbm4b:s1+s0] =	stream.linear.scatter [tilespmem:s10], [sflag:$0x2], $0x4B0, $0x38;
	[tilespmem:$0x1F500] =	vst v63  }
0x315: {  	_ =	swait.ge [sflag:s5], $0x4B0  }
0x316: {  	[sflag:s5] =	ssyncset.done $0x0  }
0x317: {  	s1 =	rddreg [dreg:$0x1f];
	[sflag:s5] =	ssyncadd.s32 $0xFFFFFB50  }
0x318: {  	[hbm4b:s1+s0] =	stream.linear.scatter [tilespmem:s11], [sflag:$0x2], $0x4B0, $0x38;
	[tilespmem:$0x1F500] =	vst v63  }
0x319: {  	_ =	swait.ge [sflag:s5], $0x4B0  }
0x31a: {  	s1 =	sld [smem:$0x7E4]  }
0x31b: {  	[sflag:s5] =	ssyncset.done $0x0  }
0x31c: {  	[sflag:s5] =	ssyncadd.s32 $0xFFFFFB50  }
0x31d: {  	[hbm4b:s1+s0] =	stream.linear.scatter [tilespmem:s12], [sflag:$0x2], $0x4B0, $0x38;
	[tilespmem:$0x1F500] =	vst v63  }
0x31e: {  	_ =	swait.ge [sflag:s5], $0x4B0  }
0x31f: {  	s1 =	sld [smem:$0x7E5]  }
0x320: {  	[sflag:s5] =	ssyncset.done $0x0  }
0x321: {  	[sflag:s5] =	ssyncadd.s32 $0xFFFFFB50  }
0x322: {  	[hbm4b:s1+s0] =	stream.linear.scatter [tilespmem:s13], [sflag:$0x2], $0x4B0, $0x38;
	[tilespmem:$0x1F500] =	vst v63  }
0x323: {  	_ =	swait.ge [sflag:s5], $0x4B0  }
0x324: {  	s1 =	sld [smem:$0x7E6]  }
0x325: {  	[sflag:s5] =	ssyncset.done $0x0  }
0x326: {  	[sflag:s5] =	ssyncadd.s32 $0xFFFFFB50  }
0x327: {  	[hbm4b:s1+s0] =	stream.linear.scatter [tilespmem:s14], [sflag:$0x2], $0x4B0, $0x38;
	[tilespmem:$0x1F500] =	vst v63  }
0x328: {  	_ =	swait.ge [sflag:s5], $0x4B0  }
0x329: {  	s1 =	sld [smem:$0x7E7]  }
0x32a: {  	[sflag:s5] =	ssyncset.done $0x0  }
0x32b: {  	[sflag:s5] =	ssyncadd.s32 $0xFFFFFB50  }
0x32c: {  	[hbm4b:s1+s0] =	stream.linear.scatter [tilespmem:s15], [sflag:$0x2], $0x4B0, $0x38;
	[tilespmem:$0x1F500] =	vst v63  }
0x32d: {  	_ =	swait.ge [sflag:s5], $0x4B0  }
0x32e: {  	s1 =	sld [smem:$0x7E8]  }
0x32f: {  	[sflag:s5] =	ssyncset.done $0x0  }
0x330: {  	[sflag:s5] =	ssyncadd.s32 $0xFFFFFB50  }
0x331: {  	[hbm4b:s1+s0] =	stream.linear.scatter [tilespmem:s16], [sflag:$0x2], $0x4B0, $0x38;
	[tilespmem:$0x1F500] =	vst v63  }
0x332: {  	_ =	swait.ge [sflag:s5], $0x4B0  }
0x333: {  	s1 =	sld [smem:$0x7E9]  }
0x334: {  	[sflag:s5] =	ssyncset.done $0x0  }
0x335: {  	[sflag:s5] =	ssyncadd.s32 $0xFFFFFB50  }
0x336: {  	[hbm4b:s1+s0] =	stream.linear.scatter [tilespmem:s17], [sflag:$0x2], $0x4B0, $0x38;
	[tilespmem:$0x1F500] =	vst v63  }
0x337: {  	_ =	swait.ge [sflag:s5], $0x4B0  }
0x338: {  	s1 =	sld [smem:$0x7EA]  }
0x339: {  	[sflag:s5] =	ssyncset.done $0x0  }
0x33a: {  	[sflag:s5] =	ssyncadd.s32 $0xFFFFFB50  }
0x33b: {  	[hbm4b:s1+s0] =	stream.linear.scatter [tilespmem:s18], [sflag:$0x2], $0x4B0, $0x38;
	[tilespmem:$0x1F500] =	vst v63  }
0x33c: {  	_ =	swait.ge [sflag:s5], $0x4B0  }
0x33d: {  	[sflag:s5] =	ssyncset.done $0x0  }
0x33e: {  	s31 =	simm.s32 $0x0;
	[sflag:s5] =	ssyncadd.s32 $0xFFFFFB50  }
0x33f: {  	v7 =	vld [tilespmem:s31+$0x11610]  }
0x340: {  	v9 =	vld [tilespmem:s31+$0x6610];
	_ =	sdelay $0x3  }
0x341: {  	v8 =	vadd.s32 v1, v7;
	v11 =	vshll.u32 v7, $0x2  }
0x342: {  	v9 =	vsub.s32 $0x3F800000, v9;
	v10 =	vshll.u32 v8, $0x2;
	[tilespmem:s31+$0x1B400] =	vst v11  }
0x343: {  	v8 =	vor.u32 $0x1, v11;
	v7 =	vor.u32 $0x2, v11;
	[tilespmem:s31+$0x1A000] =	vst v10;
	v13 =	vor.u32 $0x3, v10  }
0x344: {  	s0 =	simm.s32 $0x10;
	s1 =	simm.s32 $0x80;
	v11 =	vor.u32 $0x3, v11;
	v12 =	vor.u32 $0x1, v10;
	v10 =	vor.u32 $0x2, v10;
	[tilespmem:s31+$0x1AF00] =	vst v13  }
.LBB2_49:
0x345: {  	p0 =	sne.s32 s1, $0x1280;
	v13 =	vld [tilespmem:s0+$0x11610];
	[tilespmem:s31+$0x1A500] =	vst v12  }
0x346: {  	v14 =	vld [tilespmem:s0+$0x6610];
	[tilespmem:s31+$0x1AA00] =	vst v10  }
0x347: {  	[tilespmem:s31+$0x1B900] =	vst v8  }
0x348: {  	[tilespmem:s31+$0x1BE00] =	vst v7  }
.Ltmp27:
0x349: {  	[tilespmem:s31+$0x1C300] =	vst v11;
	(pc) =	sbr.rel @p0 .LBB2_49-.Ltmp27, $4  }
0x34a: {  	v7 =	vadd.s32 v1, v13;
	v11 =	vshll.u32 v13, $0x2;
	[tilespmem:s31+$0x1C800] =	vst v9;
	s31 =	smov.u32 s0  }
0x34b: {  	v9 =	vshll.u32 v7, $0x2;
	[tilespmem:s31+$0x1B400] =	vst v11;
	v8 =	vor.u32 $0x1, v11;
	v7 =	vor.u32 $0x2, v11  }
0x34c: {  	[tilespmem:s31+$0x1A000] =	vst v9;
	v12 =	vor.u32 $0x1, v9;
	v10 =	vor.u32 $0x2, v9;
	v9 =	vor.u32 $0x3, v9  }
0x34d: {  	s0 =	sshra.s32 s1, $0x2;
	s1 =	sadd.s32 $0x40, s1;
	v11 =	vor.u32 $0x3, v11;
	[tilespmem:s31+$0x1AF00] =	vst v9;
	v9 =	vsub.s32 $0x3F800000, v14  }
0x34e: {  	v13 =	vld [tilespmem:s0+$0x11610];
	[tilespmem:s31+$0x1A500] =	vst v12  }
0x34f: {  	v12 =	vld [tilespmem:s0+$0x6610];
	[tilespmem:s31+$0x1AA00] =	vst v10  }
0x350: {  	[tilespmem:s31+$0x1B900] =	vst v8  }
0x351: {  	[tilespmem:s31+$0x1BE00] =	vst v7  }
0x352: {  	[tilespmem:s31+$0x1C300] =	vst v11  }
0x353: {  	[tilespmem:s31+$0x1C800] =	vst v9;
	v7 =	vadd.s32 v1, v13;
	v8 =	vshll.u32 v13, $0x2  }
0x354: {  	v7 =	vshll.u32 v7, $0x2;
	[tilespmem:s0+$0x1B400] =	vst v8  }
0x355: {  	[tilespmem:s0+$0x1A000] =	vst v7;
	v9 =	vor.u32 $0x3, v7  }
0x356: {  	v10 =	vor.u32 $0x1, v7;
	[tilespmem:s0+$0x1AF00] =	vst v9  }
0x357: {  	v7 =	vor.u32 $0x2, v7;
	[tilespmem:s0+$0x1A500] =	vst v10  }
0x358: {  	v9 =	vor.u32 $0x1, v8;
	[tilespmem:s0+$0x1AA00] =	vst v7  }
0x359: {  	v7 =	vor.u32 $0x2, v8;
	[tilespmem:s0+$0x1B900] =	vst v9  }
0x35a: {  	v8 =	vor.u32 $0x3, v8;
	[tilespmem:s0+$0x1BE00] =	vst v7  }
0x35b: {  	v7 =	vsub.s32 $0x3F800000, v12;
	[tilespmem:s0+$0x1C300] =	vst v8  }
0x35c: {  	[tilespmem:s0+$0x1C800] =	vst v7  }
0x35d: {  	[tilespmem:s11], [sflag:$0x1] =	stream.indirect.gather [hbm4b:s3+s19], $0x1, s20, s19, $0xb8;
	[tilespmem:$0x1F500] =	vst v63  }
0x35e: {  	_ = 	snop  }
0x35f: {  	[tilespmem:s12], [sflag:$0x1] =	stream.indirect.gather [hbm4b:s3+s19], $0x1, s21, s19, $0xb8;
	[tilespmem:$0x1F500] =	vst v63  }
0x360: {  	_ = 	snop  }
0x361: {  	[tilespmem:s13], [sflag:$0x1] =	stream.indirect.gather [hbm4b:s3+s19], $0x1, s22, s19, $0xb8;
	[tilespmem:$0x1F500] =	vst v63  }
0x362: {  	_ = 	snop  }
0x363: {  	[tilespmem:s14], [sflag:$0x1] =	stream.indirect.gather [hbm4b:s3+s19], $0x1, s23, s19, $0xb8;
	[tilespmem:$0x1F500] =	vst v63  }
0x364: {  	_ = 	snop  }
0x365: {  	[tilespmem:s15], [sflag:$0x1] =	stream.indirect.gather [hbm4b:s4+s19], $0x1, s24, s19, $0xb8;
	[tilespmem:$0x1F500] =	vst v63  }
0x366: {  	_ = 	snop  }
0x367: {  	[tilespmem:s16], [sflag:$0x1] =	stream.indirect.gather [hbm4b:s4+s19], $0x1, s25, s19, $0xb8;
	[tilespmem:$0x1F500] =	vst v63  }
0x368: {  	_ = 	snop  }
0x369: {  	[tilespmem:s17], [sflag:$0x1] =	stream.indirect.gather [hbm4b:s4+s19], $0x1, s26, s19, $0xb8;
	[tilespmem:$0x1F500] =	vst v63  }
0x36a: {  	_ = 	snop  }
0x36b: {  	[tilespmem:s18], [sflag:$0x1] =	stream.indirect.gather [hbm4b:s4+s19], $0x1, s28, s19, $0xb8;
	[tilespmem:$0x1F500] =	vst v63  }
0x36c: {  	_ =	swait.ge [sflag:s29], $0x4B0  }
0x36d: {  	[sflag:s29] =	ssyncset.done $0x0  }
0x36e: {  	[sflag:s29] =	ssyncadd.s32 $0xFFFFFB50  }
0x36f: {  	_ =	swait.ge [sflag:s29], $0x4B0  }
0x370: {  	[sflag:s29] =	ssyncset.done $0x0  }
0x371: {  	[sflag:s29] =	ssyncadd.s32 $0xFFFFFB50  }
0x372: {  	_ =	swait.ge [sflag:s29], $0x4B0  }
0x373: {  	[sflag:s29] =	ssyncset.done $0x0  }
0x374: {  	[sflag:s29] =	ssyncadd.s32 $0xFFFFFB50  }
0x375: {  	_ =	swait.ge [sflag:s29], $0x4B0  }
0x376: {  	[sflag:s29] =	ssyncset.done $0x0  }
0x377: {  	[sflag:s29] =	ssyncadd.s32 $0xFFFFFB50  }
0x378: {  	_ =	swait.ge [sflag:s29], $0x4B0  }
0x379: {  	[sflag:s29] =	ssyncset.done $0x0  }
0x37a: {  	[sflag:s29] =	ssyncadd.s32 $0xFFFFFB50  }
0x37b: {  	_ =	swait.ge [sflag:s29], $0x4B0  }
0x37c: {  	[sflag:s29] =	ssyncset.done $0x0  }
0x37d: {  	[sflag:s29] =	ssyncadd.s32 $0xFFFFFB50  }
0x37e: {  	_ =	swait.ge [sflag:s29], $0x4B0  }
0x37f: {  	[sflag:s29] =	ssyncset.done $0x0  }
0x380: {  	[sflag:s29] =	ssyncadd.s32 $0xFFFFFB50  }
0x381: {  	_ =	swait.ge [sflag:s29], $0x4B0  }
0x382: {  	s1 =	sld [smem:$0x7EB]  }
0x383: {  	[sflag:s29] =	ssyncset.done $0x0  }
0x384: {  	s0 =	simm.s32 $0x0;
	[sflag:s29] =	ssyncadd.s32 $0xFFFFFB50  }
0x385: {  	[hbm4b:s1+s0] =	stream.linear.scatter [tilespmem:s10], [sflag:$0x2], $0x4B0, $0x38;
	[tilespmem:$0x1F500] =	vst v63  }
0x386: {  	_ =	swait.ge [sflag:s5], $0x4B0  }
0x387: {  	s1 =	sld [smem:$0x7EC]  }
0x388: {  	[sflag:s5] =	ssyncset.done $0x0  }
0x389: {  	[sflag:s5] =	ssyncadd.s32 $0xFFFFFB50  }
0x38a: {  	[hbm4b:s1+s0] =	stream.linear.scatter [tilespmem:s11], [sflag:$0x2], $0x4B0, $0x38;
	[tilespmem:$0x1F500] =	vst v63  }
0x38b: {  	_ =	swait.ge [sflag:s5], $0x4B0  }
0x38c: {  	s1 =	sld [smem:$0x7ED]  }
0x38d: {  	[sflag:s5] =	ssyncset.done $0x0  }
0x38e: {  	[sflag:s5] =	ssyncadd.s32 $0xFFFFFB50  }
0x38f: {  	[hbm4b:s1+s0] =	stream.linear.scatter [tilespmem:s12], [sflag:$0x2], $0x4B0, $0x38;
	[tilespmem:$0x1F500] =	vst v63  }
0x390: {  	_ =	swait.ge [sflag:s5], $0x4B0  }
0x391: {  	s1 =	sld [smem:$0x7EE]  }
0x392: {  	[sflag:s5] =	ssyncset.done $0x0  }
0x393: {  	[sflag:s5] =	ssyncadd.s32 $0xFFFFFB50  }
0x394: {  	[hbm4b:s1+s0] =	stream.linear.scatter [tilespmem:s13], [sflag:$0x2], $0x4B0, $0x38;
	[tilespmem:$0x1F500] =	vst v63  }
0x395: {  	_ =	swait.ge [sflag:s5], $0x4B0  }
0x396: {  	s1 =	sld [smem:$0x7EF]  }
0x397: {  	[sflag:s5] =	ssyncset.done $0x0  }
0x398: {  	[sflag:s5] =	ssyncadd.s32 $0xFFFFFB50  }
0x399: {  	[hbm4b:s1+s0] =	stream.linear.scatter [tilespmem:s14], [sflag:$0x2], $0x4B0, $0x38;
	[tilespmem:$0x1F500] =	vst v63  }
0x39a: {  	_ =	swait.ge [sflag:s5], $0x4B0  }
0x39b: {  	s1 =	sld [smem:$0x7F0]  }
0x39c: {  	[sflag:s5] =	ssyncset.done $0x0  }
0x39d: {  	[sflag:s5] =	ssyncadd.s32 $0xFFFFFB50  }
0x39e: {  	[hbm4b:s1+s0] =	stream.linear.scatter [tilespmem:s15], [sflag:$0x2], $0x4B0, $0x38;
	[tilespmem:$0x1F500] =	vst v63  }
0x39f: {  	_ =	swait.ge [sflag:s5], $0x4B0  }
0x3a0: {  	s1 =	sld [smem:$0x7F1]  }
0x3a1: {  	[sflag:s5] =	ssyncset.done $0x0  }
0x3a2: {  	[sflag:s5] =	ssyncadd.s32 $0xFFFFFB50  }
0x3a3: {  	[hbm4b:s1+s0] =	stream.linear.scatter [tilespmem:s16], [sflag:$0x2], $0x4B0, $0x38;
	[tilespmem:$0x1F500] =	vst v63  }
0x3a4: {  	_ =	swait.ge [sflag:s5], $0x4B0  }
0x3a5: {  	s1 =	sld [smem:$0x7F2]  }
0x3a6: {  	[sflag:s5] =	ssyncset.done $0x0  }
0x3a7: {  	[sflag:s5] =	ssyncadd.s32 $0xFFFFFB50  }
0x3a8: {  	[hbm4b:s1+s0] =	stream.linear.scatter [tilespmem:s17], [sflag:$0x2], $0x4B0, $0x38;
	[tilespmem:$0x1F500] =	vst v63  }
0x3a9: {  	_ =	swait.ge [sflag:s5], $0x4B0  }
0x3aa: {  	s1 =	sld [smem:$0x7F3]  }
0x3ab: {  	[sflag:s5] =	ssyncset.done $0x0  }
0x3ac: {  	[sflag:s5] =	ssyncadd.s32 $0xFFFFFB50  }
0x3ad: {  	[hbm4b:s1+s0] =	stream.linear.scatter [tilespmem:s18], [sflag:$0x2], $0x4B0, $0x38;
	[tilespmem:$0x1F500] =	vst v63  }
0x3ae: {  	_ =	swait.ge [sflag:s5], $0x4B0  }
0x3af: {  	[sflag:s5] =	ssyncset.done $0x0  }
0x3b0: {  	s31 =	simm.s32 $0x0;
	[sflag:s5] =	ssyncadd.s32 $0xFFFFFB50  }
0x3b1: {  	v7 =	vld [tilespmem:s31+$0x11AC0]  }
0x3b2: {  	v9 =	vld [tilespmem:s31+$0x6AC0];
	_ =	sdelay $0x3  }
0x3b3: {  	v8 =	vadd.s32 v1, v7;
	v11 =	vshll.u32 v7, $0x2  }
0x3b4: {  	v9 =	vsub.s32 $0x3F800000, v9;
	v10 =	vshll.u32 v8, $0x2;
	[tilespmem:s31+$0x1B400] =	vst v11  }
0x3b5: {  	v8 =	vor.u32 $0x1, v11;
	v7 =	vor.u32 $0x2, v11;
	[tilespmem:s31+$0x1A000] =	vst v10;
	v13 =	vor.u32 $0x3, v10  }
0x3b6: {  	s0 =	simm.s32 $0x10;
	s1 =	simm.s32 $0x80;
	v11 =	vor.u32 $0x3, v11;
	v12 =	vor.u32 $0x1, v10;
	v10 =	vor.u32 $0x2, v10;
	[tilespmem:s31+$0x1AF00] =	vst v13  }
.LBB2_51:
0x3b7: {  	p0 =	sne.s32 s1, $0x1280;
	v13 =	vld [tilespmem:s0+$0x11AC0];
	[tilespmem:s31+$0x1A500] =	vst v12  }
0x3b8: {  	v14 =	vld [tilespmem:s0+$0x6AC0];
	[tilespmem:s31+$0x1AA00] =	vst v10  }
0x3b9: {  	[tilespmem:s31+$0x1B900] =	vst v8  }
0x3ba: {  	[tilespmem:s31+$0x1BE00] =	vst v7  }
.Ltmp28:
0x3bb: {  	[tilespmem:s31+$0x1C300] =	vst v11;
	(pc) =	sbr.rel @p0 .LBB2_51-.Ltmp28, $4  }
0x3bc: {  	v7 =	vadd.s32 v1, v13;
	v11 =	vshll.u32 v13, $0x2;
	[tilespmem:s31+$0x1C800] =	vst v9;
	s31 =	smov.u32 s0  }
0x3bd: {  	v9 =	vshll.u32 v7, $0x2;
	[tilespmem:s31+$0x1B400] =	vst v11;
	v8 =	vor.u32 $0x1, v11;
	v7 =	vor.u32 $0x2, v11  }
0x3be: {  	[tilespmem:s31+$0x1A000] =	vst v9;
	v12 =	vor.u32 $0x1, v9;
	v10 =	vor.u32 $0x2, v9;
	v9 =	vor.u32 $0x3, v9  }
0x3bf: {  	s0 =	sshra.s32 s1, $0x2;
	s1 =	sadd.s32 $0x40, s1;
	v11 =	vor.u32 $0x3, v11;
	[tilespmem:s31+$0x1AF00] =	vst v9;
	v9 =	vsub.s32 $0x3F800000, v14  }
0x3c0: {  	v13 =	vld [tilespmem:s0+$0x11AC0];
	[tilespmem:s31+$0x1A500] =	vst v12  }
0x3c1: {  	v12 =	vld [tilespmem:s0+$0x6AC0];
	[tilespmem:s31+$0x1AA00] =	vst v10  }
0x3c2: {  	[tilespmem:s31+$0x1B900] =	vst v8  }
0x3c3: {  	[tilespmem:s31+$0x1BE00] =	vst v7  }
0x3c4: {  	[tilespmem:s31+$0x1C300] =	vst v11  }
0x3c5: {  	[tilespmem:s31+$0x1C800] =	vst v9;
	v7 =	vadd.s32 v1, v13;
	v8 =	vshll.u32 v13, $0x2  }
0x3c6: {  	v7 =	vshll.u32 v7, $0x2;
	[tilespmem:s0+$0x1B400] =	vst v8  }
0x3c7: {  	v63 =	vor.u32 $0x1, v8;
	[tilespmem:s0+$0x1A000] =	vst v7  }
0x3c8: {  	v61 =	vor.u32 $0x3, v7;
	[tilespmem:s0+$0x1B900] =	vst v63  }
0x3c9: {  	v62 =	vor.u32 $0x1, v7;
	[tilespmem:s0+$0x1AF00] =	vst v61  }
0x3ca: {  	v7 =	vor.u32 $0x2, v7;
	[tilespmem:s0+$0x1A500] =	vst v62  }
0x3cb: {  	[tilespmem:s0+$0x1AA00] =	vst v7;
	v7 =	vor.u32 $0x2, v8  }
0x3cc: {  	v8 =	vor.u32 $0x3, v8;
	[tilespmem:s0+$0x1BE00] =	vst v7  }
0x3cd: {  	v7 =	vsub.s32 $0x3F800000, v12;
	[tilespmem:s0+$0x1C300] =	vst v8  }
0x3ce: {  	[tilespmem:s0+$0x1C800] =	vst v7  }
0x3cf: {  	[tilespmem:s11], [sflag:$0x1] =	stream.indirect.gather [hbm4b:s3+s19], $0x1, s20, s19, $0xb8;
	[tilespmem:$0x1F500] =	vst v63  }
0x3d0: {  	_ = 	snop  }
0x3d1: {  	[tilespmem:s12], [sflag:$0x1] =	stream.indirect.gather [hbm4b:s3+s19], $0x1, s21, s19, $0xb8;
	[tilespmem:$0x1F500] =	vst v63  }
0x3d2: {  	_ = 	snop  }
0x3d3: {  	[tilespmem:s13], [sflag:$0x1] =	stream.indirect.gather [hbm4b:s3+s19], $0x1, s22, s19, $0xb8;
	[tilespmem:$0x1F500] =	vst v63  }
0x3d4: {  	_ = 	snop  }
0x3d5: {  	[tilespmem:s14], [sflag:$0x1] =	stream.indirect.gather [hbm4b:s3+s19], $0x1, s23, s19, $0xb8;
	[tilespmem:$0x1F500] =	vst v63  }
0x3d6: {  	_ = 	snop  }
0x3d7: {  	[tilespmem:s15], [sflag:$0x1] =	stream.indirect.gather [hbm4b:s4+s19], $0x1, s24, s19, $0xb8;
	[tilespmem:$0x1F500] =	vst v63  }
0x3d8: {  	_ = 	snop  }
0x3d9: {  	[tilespmem:s16], [sflag:$0x1] =	stream.indirect.gather [hbm4b:s4+s19], $0x1, s25, s19, $0xb8;
	[tilespmem:$0x1F500] =	vst v63  }
0x3da: {  	_ = 	snop  }
0x3db: {  	[tilespmem:s17], [sflag:$0x1] =	stream.indirect.gather [hbm4b:s4+s19], $0x1, s26, s19, $0xb8;
	[tilespmem:$0x1F500] =	vst v63  }
0x3dc: {  	_ = 	snop  }
0x3dd: {  	[tilespmem:s18], [sflag:$0x1] =	stream.indirect.gather [hbm4b:s4+s19], $0x1, s28, s19, $0xb8;
	[tilespmem:$0x1F500] =	vst v63  }
0x3de: {  	_ =	swait.ge [sflag:s29], $0x4B0  }
0x3df: {  	[sflag:s29] =	ssyncset.done $0x0  }
0x3e0: {  	[sflag:s29] =	ssyncadd.s32 $0xFFFFFB50  }
0x3e1: {  	_ =	swait.ge [sflag:s29], $0x4B0  }
0x3e2: {  	[sflag:s29] =	ssyncset.done $0x0  }
0x3e3: {  	[sflag:s29] =	ssyncadd.s32 $0xFFFFFB50  }
0x3e4: {  	_ =	swait.ge [sflag:s29], $0x4B0  }
0x3e5: {  	[sflag:s29] =	ssyncset.done $0x0  }
0x3e6: {  	[sflag:s29] =	ssyncadd.s32 $0xFFFFFB50  }
0x3e7: {  	_ =	swait.ge [sflag:s29], $0x4B0  }
0x3e8: {  	[sflag:s29] =	ssyncset.done $0x0  }
0x3e9: {  	[sflag:s29] =	ssyncadd.s32 $0xFFFFFB50  }
0x3ea: {  	_ =	swait.ge [sflag:s29], $0x4B0  }
0x3eb: {  	[sflag:s29] =	ssyncset.done $0x0  }
0x3ec: {  	[sflag:s29] =	ssyncadd.s32 $0xFFFFFB50  }
0x3ed: {  	_ =	swait.ge [sflag:s29], $0x4B0  }
0x3ee: {  	[sflag:s29] =	ssyncset.done $0x0  }
0x3ef: {  	[sflag:s29] =	ssyncadd.s32 $0xFFFFFB50  }
0x3f0: {  	_ =	swait.ge [sflag:s29], $0x4B0  }
0x3f1: {  	[sflag:s29] =	ssyncset.done $0x0  }
0x3f2: {  	[sflag:s29] =	ssyncadd.s32 $0xFFFFFB50  }
0x3f3: {  	_ =	swait.ge [sflag:s29], $0x4B0  }
0x3f4: {  	s21 =	sld [smem:$0x7F4]  }
0x3f5: {  	[sflag:s29] =	ssyncset.done $0x0  }
0x3f6: {  	[sflag:s29] =	ssyncadd.s32 $0xFFFFFB50  }
0x3f7: {  	[hbm4b:s21+s2] =	stream.linear.scatter [tilespmem:s10], [sflag:$0x2], $0x4B0, $0x38;
	[tilespmem:$0x1F500] =	vst v63  }
0x3f8: {  	_ =	swait.ge [sflag:s5], $0x4B0  }
0x3f9: {  	s31 =	sld [smem:$0x7F5]  }
0x3fa: {  	[sflag:s5] =	ssyncset.done $0x0  }
0x3fb: {  	[sflag:s5] =	ssyncadd.s32 $0xFFFFFB50  }
0x3fc: {  	[hbm4b:s31+s2] =	stream.linear.scatter [tilespmem:s11], [sflag:$0x2], $0x4B0, $0x38;
	[tilespmem:$0x1F500] =	vst v63  }
0x3fd: {  	_ =	swait.ge [sflag:s5], $0x4B0  }
0x3fe: {  	s1 =	sld [smem:$0x7F6]  }
0x3ff: {  	[sflag:s5] =	ssyncset.done $0x0  }
0x400: {  	[sflag:s5] =	ssyncadd.s32 $0xFFFFFB50  }
0x401: {  	[hbm4b:s1+s2] =	stream.linear.scatter [tilespmem:s12], [sflag:$0x2], $0x4B0, $0x38;
	[tilespmem:$0x1F500] =	vst v63  }
0x402: {  	_ =	swait.ge [sflag:s5], $0x4B0  }
0x403: {  	s20 =	sld [smem:$0x7F7]  }
0x404: {  	[sflag:s5] =	ssyncset.done $0x0  }
0x405: {  	[sflag:s5] =	ssyncadd.s32 $0xFFFFFB50  }
0x406: {  	[hbm4b:s20+s2] =	stream.linear.scatter [tilespmem:s13], [sflag:$0x2], $0x4B0, $0x38;
	[tilespmem:$0x1F500] =	vst v63  }
0x407: {  	_ =	swait.ge [sflag:s5], $0x4B0  }
0x408: {  	s21 =	sld [smem:$0x7F8]  }
0x409: {  	[sflag:s5] =	ssyncset.done $0x0  }
0x40a: {  	[sflag:s5] =	ssyncadd.s32 $0xFFFFFB50  }
0x40b: {  	[hbm4b:s21+s2] =	stream.linear.scatter [tilespmem:s14], [sflag:$0x2], $0x4B0, $0x38;
	[tilespmem:$0x1F500] =	vst v63  }
0x40c: {  	_ =	swait.ge [sflag:s5], $0x4B0  }
0x40d: {  	s31 =	sld [smem:$0x7F9]  }
0x40e: {  	[sflag:s5] =	ssyncset.done $0x0  }
0x40f: {  	[sflag:s5] =	ssyncadd.s32 $0xFFFFFB50  }
0x410: {  	[hbm4b:s31+s2] =	stream.linear.scatter [tilespmem:s15], [sflag:$0x2], $0x4B0, $0x38;
	[tilespmem:$0x1F500] =	vst v63  }
0x411: {  	_ =	swait.ge [sflag:s5], $0x4B0  }
0x412: {  	s1 =	sld [smem:$0x7FA]  }
0x413: {  	[sflag:s5] =	ssyncset.done $0x0  }
0x414: {  	[sflag:s5] =	ssyncadd.s32 $0xFFFFFB50  }
0x415: {  	[hbm4b:s1+s2] =	stream.linear.scatter [tilespmem:s16], [sflag:$0x2], $0x4B0, $0x38;
	[tilespmem:$0x1F500] =	vst v63  }
0x416: {  	_ =	swait.ge [sflag:s5], $0x4B0  }
0x417: {  	s20 =	sld [smem:$0x7FB]  }
0x418: {  	[sflag:s5] =	ssyncset.done $0x0  }
0x419: {  	[sflag:s5] =	ssyncadd.s32 $0xFFFFFB50  }
0x41a: {  	[hbm4b:s20+s2] =	stream.linear.scatter [tilespmem:s17], [sflag:$0x2], $0x4B0, $0x38;
	[tilespmem:$0x1F500] =	vst v63  }
0x41b: {  	_ =	swait.ge [sflag:s5], $0x4B0  }
0x41c: {  	s21 =	sld [smem:$0x7FC]  }
0x41d: {  	[sflag:s5] =	ssyncset.done $0x0  }
0x41e: {  	[sflag:s5] =	ssyncadd.s32 $0xFFFFFB50  }
0x41f: {  	[hbm4b:s21+s2] =	stream.linear.scatter [tilespmem:s18], [sflag:$0x2], $0x4B0, $0x38;
	[tilespmem:$0x1F500] =	vst v63  }
0x420: {  	_ =	swait.ge [sflag:s5], $0x4B0  }
0x421: {  	s31 =	sld [smem:$0x7FD];
	_ =	sdelay $0x1  }
0x422: {  	s30 =	sadd.s32 $0x1, s30  }
0x423: {  	p0 =	sne.s32 s30, s31  }
.Ltmp29:
0x424: {  	_ = 	snop;
	(pc) =	sbr.rel @p0 .LBB2_2-.Ltmp29, $4  }
.Ltmp30:
0x425: {  	_ = 	snop;
	(pc) =	sbr.rel @!p0 .LBB2_53-.Ltmp30, $4  }
0x426: {  	_ = 	snop  }
0x427: {  	[sflag:s5] =	ssyncset.done $0x0  }
0x428: {  	[sflag:s5] =	ssyncadd.s32 $0xFFFFFB50  }
0x429: {  	_ = 	snop  }
.LBB2_7:
.Ltmp31:
0x42a: {  	(pc) =	sbr.rel .LBB2_12-.Ltmp31, $2  }
0x42b: {  	_ =	sdelay $0x2  }
0x42c: {  	s0 =	simm.s32 $0x0;
	p1 =	por $0x0, $0x0  }
.LBB2_13:
.Ltmp32:
0x42d: {  	(pc) =	sbr.rel .LBB2_18-.Ltmp32, $2  }
0x42e: {  	_ =	sdelay $0x2  }
0x42f: {  	_ = 	snop  }
.LBB2_21:
.Ltmp33:
0x430: {  	(pc) =	sbr.rel .LBB2_24-.Ltmp33, $2  }
0x431: {  	_ =	sdelay $0x2  }
0x432: {  	_ = 	snop  }
.LBB2_33:
.Ltmp34:
0x433: {  	(pc) =	sbr.rel .LBB2_38-.Ltmp34, $2  }
0x434: {  	_ =	sdelay $0x2  }
0x435: {  	s0 =	simm.s32 $0x0;
	p1 =	por $0x0, $0x0  }
.LBB2_39:
.Ltmp35:
0x436: {  	(pc) =	sbr.rel .LBB2_42-.Ltmp35, $2  }
0x437: {  	_ =	sdelay $0x2  }
0x438: {  	s20 =	simm.s32 $0x1A000;
	s21 =	simm.s32 $0x1A500  }
.LBB2_9:
.Ltmp36:
0x439: {  	(pc) =	sbr.rel .LBB2_12-.Ltmp36, $2  }
0x43a: {  	_ =	sdelay $0x2  }
0x43b: {  	s21 =	simm.s32 $0x10;
	s0 =	simm.s32 $0x0  }
.LBB2_15:
.Ltmp37:
0x43c: {  	(pc) =	sbr.rel .LBB2_18-.Ltmp37, $2  }
0x43d: {  	_ =	sdelay $0x2  }
0x43e: {  	v13 =	vmov v7;
	v7 =	vmov v11  }
.LBB2_35:
.Ltmp38:
0x43f: {  	(pc) =	sbr.rel .LBB2_38-.Ltmp38, $2  }
0x440: {  	_ =	sdelay $0x2  }
0x441: {  	s21 =	simm.s32 $0x10;
	s0 =	simm.s32 $0x0  }
.LBB2_53:
0x442: {  	_ =	sfence.sel $0x180000  }
0x443: {  	[bflag:$0x0] =	sbarrier.arrive $0xFFFF  }
0x444: {  	_ =	strace $0x90000047  }
0x445: {  	s0 =	stileid.u32;
	[bflag:$0x2] =	sbarrier.arrive $0xFFFF  }
0x446: {  	p0 =	sne.s32 s0, $0x0;
	s0 =	rddreg [dreg:$0x1]  }
0x447: {  	s0 =	sadd.s32 @!p0 $0x100000, s0  }
0x448: {  	[sflag:s0] =	ssyncadd.tile.s32 @!p0 $0x1;
	_ =	shalt  }
.Lfunc_end2:
_tile_overlayer_lowered:
.L_overlay_start_2:
0x449: {  	(tag) =	ssettag $0x2  }
0x44a: {  	s0 =	rddreg [dreg:$0x0];
	s2 =	stileid.u32  }
0x44b: {  	s1 =	rddreg [dreg:$0x1];
	p0 =	sne.s32 s2, $0x0  }
0x44c: {  	s3 =	rddreg [dreg:$0x2];
	[bflag:$0x3] =	sbarrier.arrive $0xFFFF;
	s2 =	simm.s32 @!p0 $0x1C02  }
0x44d: {  	[timem:s3], [sflag:s2] =	dma.local @!p0 [hbm:s0], s1  }
0x44e: {  	s0 =	simm.s32 @!p0 $0x2  }
0x44f: {  	_ =	swait.ge @!p0 [sflag:s0], s1  }
0x450: {  	s1 =	ssub.s32 @!p0 $0x0, s1;
	[sflag:s0] =	ssyncset.done @!p0 $0x0  }
0x451: {  	[sflag:s0] =	ssyncadd.s32 @!p0 s1  }
0x452: {  	[bflag:$0x3] =	sbarrier.arrive $0xFFFF  }
0x453: {  	_ =	shalt  }

</sc_bundles>
